<compile_context>
chip_gen: v7x
topology: tpu7x:2x2x1
jax: 0.10.2.dev20260603
libtpu: 0.0.44.dev20260713+nightly
codegen_flags: <defaults>
</compile_context>

<pallas_src>
import functools

import jax
import jax.numpy as jnp
from jax import lax
from jax.experimental import pallas as pl
from jax.experimental.pallas import tpu as pltpu
from jax.experimental.pallas import tpu_sc as plsc

B = 32
D = 768
N = 32768
K = 256
BLK = 2048
NB = N // BLK

_MASK31 = 0x7FFFFFFF
_INT_MAX = 2147483647

_NC = 2
_NS = 16
_L = 16


def _to_key(v):
    b = lax.bitcast_convert_type(v, jnp.int32)
    return b ^ ((b >> 31) & _MASK31)



def _encode_body(x_ref, we_ref, be_ref, pre_ref):
    pre_ref[...] = lax.dot_general(x_ref[...], we_ref[...],
                                   (((1,), (1,)), ((), ())),
                                   preferred_element_type=jnp.float32
                                   ) + be_ref[...]


def _tc_encode(x, W_enc, b2):
    return pl.pallas_call(
        _encode_body,
        grid=(NB,),
        in_specs=[
            pl.BlockSpec((B, D), lambda i: (0, 0)),
            pl.BlockSpec((BLK, D), lambda i: (i, 0)),
            pl.BlockSpec((1, BLK), lambda i: (0, i)),
        ],
        out_specs=pl.BlockSpec((B, BLK), lambda i: (0, i)),
        out_shape=jax.ShapeDtypeStruct((B, N), jnp.float32),
    )(x, W_enc, b2)



def _iota16():
    return lax.broadcasted_iota(jnp.int32, (_L,), 0)


def _zero_hist(hist_ref, nvec):
    @plsc.parallel_loop(0, nvec, unroll=4)
    def _z(j):
        hist_ref[pl.ds(j * _L, _L)] = jnp.zeros((_L,), jnp.int32)


def _scan_hist(hist_ref, nvec, target):
    zero16 = jnp.zeros((_L,), jnp.int32)

    @plsc.parallel_loop(0, nvec, unroll=4,
                        carry=(jnp.full((_L,), -1, jnp.int32), zero16))
    def _sb(t, carry):
        best_v, vacc = carry
        jj = nvec - 1 - t
        h = hist_ref[pl.ds(jj * _L, _L)]
        run = jnp.sum(vacc)
        suf = lax.rev(plsc.cumsum(lax.rev(h, (0,))), (0,)) + run
        cand = jnp.where(suf >= target, jj * _L + _iota16(), -1)
        return jnp.maximum(best_v, cand), vacc + h

    best_v, _ = _sb
    best = jnp.max(best_v)

    @plsc.parallel_loop(0, nvec, unroll=4, carry=zero16)
    def _ab(j, acc):
        h = hist_ref[pl.ds(j * _L, _L)]
        ids = j * _L + _iota16()
        return acc + jnp.where(ids > best, h, 0)

    above = jnp.sum(_ab)
    return best, above


def _refine_level(bufk_v, bufi_v, hist_v, shift, nbits, cntv, rem):
    lane = _iota16()
    ones = jnp.ones((_L,), jnp.int32)
    msk = (1 << nbits) - 1
    cnt_s = jnp.max(cntv)
    nit = (cnt_s + _L - 1) // _L
    _zero_hist(hist_v, (1 << nbits) // _L)

    def ph(t, _):
        kv = bufk_v[pl.ds(t * _L, _L)]
        valid = (t * _L + lane) < cntv
        plsc.addupdate_scatter(hist_v, [(kv >> shift) & msk], ones,
                               mask=valid)
        return 0
    lax.fori_loop(0, nit, ph, 0)

    b, above = _scan_hist(hist_v, (1 << nbits) // _L, rem)

    def pc(t, cnt):
        kv = bufk_v[pl.ds(t * _L, _L)]
        iv = bufi_v[pl.ds(t * _L, _L)]
        valid = (t * _L + lane) < cntv
        m = valid & (((kv >> shift) & msk) == b)
        mi = m.astype(jnp.int32)
        pos = cnt + plsc.cumsum(mi) - mi
        plsc.store_scatter(bufk_v, [jnp.where(m, pos, 0)], kv, mask=m)
        plsc.store_scatter(bufi_v, [jnp.where(m, pos, 0)], iv, mask=m)
        return cnt + plsc.all_reduce_population_count(m)
    cntv2 = lax.fori_loop(0, nit, pc, jnp.zeros((_L,), jnp.int32))
    return b, rem - above, cntv2


def _sc_select_body(pre_hbm, out_hbm, row_v, bufk_v, bufi_v, hist_v,
                    st_v, sem):
    c = lax.axis_index("c")
    s = lax.axis_index("s")
    w = s * _NC + c
    ones = jnp.ones((_L,), jnp.int32)
    lane = _iota16()

    _zero_hist(hist_v, 2048 // _L)

    nck = 8
    ch = N // nck

    def _issue(c):
        return pltpu.async_copy(pre_hbm.at[w, pl.ds(c * ch, ch)],
                                row_v.at[pl.ds(c * ch, ch)],
                                sem.at[c % 2])

    cps = {0: _issue(0), 1: _issue(1)}
    for c in range(nck):
        cps[c].wait()
        if c + 2 < nck:
            cps[c + 2] = _issue(c + 2)

        @plsc.parallel_loop(c * (ch // _L), (c + 1) * (ch // _L),
                            unroll=16)
        def _p1(j):
            kv = _to_key(row_v[pl.ds(j * _L, _L)])
            plsc.addupdate_scatter(hist_v, [(kv >> 21) + 1024], ones)

    b1, above1 = _scan_hist(hist_v, 2048 // _L, K)
    rem1 = K - above1

    @plsc.parallel_loop(0, N // _L, unroll=8,
                        carry=jnp.zeros((_L,), jnp.int32))
    def _p2(j, cnt):
        kv = _to_key(row_v[pl.ds(j * _L, _L)])
        m = ((kv >> 21) + 1024) == b1
        mi = m.astype(jnp.int32)
        pos = cnt + plsc.cumsum(mi) - mi
        plsc.store_scatter(bufk_v, [jnp.where(m, pos, 0)], kv, mask=m)
        plsc.store_scatter(bufi_v, [jnp.where(m, pos, 0)], j * _L + lane,
                           mask=m)
        return cnt + plsc.all_reduce_population_count(m)
    cnt1v = _p2

    b2, rem2, cnt2v = _refine_level(bufk_v, bufi_v, hist_v, 13, 8, cnt1v,
                                    rem1)
    b3, rem3, cnt3v = _refine_level(bufk_v, bufi_v, hist_v, 5, 8, cnt2v,
                                    rem2)

    cnt3 = jnp.max(cnt3v)
    _zero_hist(hist_v, 32 // _L)

    def p5(t, _):
        kv = bufk_v[pl.ds(t * _L, _L)]
        valid = (t * _L + lane) < cnt3v
        plsc.addupdate_scatter(hist_v, [kv & 0x1F], ones, mask=valid)
        return 0
    lax.fori_loop(0, (cnt3 + _L - 1) // _L, p5, 0)

    b4, above4 = _scan_hist(hist_v, 32 // _L, rem3)
    needed = rem3 - above4
    thr = ((b1 - 1024) << 21) + (b2 << 13) + (b3 << 5) + b4

    def p6(t, carry):
        run, best = carry
        kv = bufk_v[pl.ds(t * _L, _L)]
        iv = bufi_v[pl.ds(t * _L, _L)]
        valid = (t * _L + lane) < cnt3v
        m = valid & (kv == thr)
        mi = m.astype(jnp.int32)
        rank = run + plsc.cumsum(mi)
        sel = m & (rank == needed)
        return (run + jnp.sum(mi),
                jnp.minimum(best, jnp.min(jnp.where(sel, iv, _INT_MAX))))
    _, midx = lax.fori_loop(0, (cnt3 + _L - 1) // _L, p6,
                            (jnp.int32(0), jnp.int32(_INT_MAX)))

    st_v[...] = jnp.where(lane == 0, thr,
                          jnp.where(lane == 1, midx, 0))
    pltpu.sync_copy(st_v, out_hbm.at[w])


@functools.partial(
    pl.kernel,
    out_type=jax.ShapeDtypeStruct((B, _L), jnp.int32),
    mesh=plsc.VectorSubcoreMesh(core_axis_name="c", subcore_axis_name="s"),
    compiler_params=pltpu.CompilerParams(needs_layout_passes=False),
    scratch_types=[
        pltpu.VMEM((N,), jnp.float32),
        pltpu.VMEM((N,), jnp.int32),
        pltpu.VMEM((N,), jnp.int32),
        pltpu.VMEM((2048,), jnp.int32),
        pltpu.VMEM((_L,), jnp.int32),
        pltpu.SemaphoreType.DMA((2,)),
    ],
)
def _sc_select(pre_hbm, out_hbm, row_v, bufk_v, bufi_v, hist_v, st_v, sem):
    _sc_select_body(pre_hbm, out_hbm, row_v, bufk_v, bufi_v, hist_v,
                    st_v, sem)



def _decode_body(pre_ref, sel_ref, wd_ref, recon_ref, sp_ref):
    j = pl.program_id(0)
    kblk = _to_key(pre_ref[...])
    thr = sel_ref[:, 0:1]
    midx = sel_ref[:, 1:2]
    cols = lax.broadcasted_iota(jnp.int32, (B, BLK), 1) + j * BLK
    sel = (kblk > thr) | ((kblk == thr) & (cols <= midx))
    sp = jnp.where(sel & (kblk > 0), pre_ref[...], 0.0)
    sp_ref[...] = sp
    part = lax.dot_general(sp, wd_ref[...], (((1,), (1,)), ((), ())),
                           preferred_element_type=jnp.float32)

    @pl.when(j == 0)
    def _():
        recon_ref[...] = part

    @pl.when(j > 0)
    def _():
        recon_ref[...] = recon_ref[...] + part


def _tc_decode(pre, sel, W_dec):
    return pl.pallas_call(
        _decode_body,
        grid=(NB,),
        in_specs=[
            pl.BlockSpec((B, BLK), lambda i: (0, i)),
            pl.BlockSpec((B, _L), lambda i: (0, 0)),
            pl.BlockSpec((D, BLK), lambda i: (0, i)),
        ],
        out_specs=[
            pl.BlockSpec((B, D), lambda i: (0, 0)),
            pl.BlockSpec((B, BLK), lambda i: (0, i)),
        ],
        out_shape=[
            jax.ShapeDtypeStruct((B, D), jnp.float32),
            jax.ShapeDtypeStruct((B, N), jnp.float32),
        ],
    )(pre, sel, W_dec)


@jax.jit
def kernel(x, W_enc, b_enc, W_dec):
    pre = _tc_encode(x, W_enc, b_enc.reshape(1, N))
    sel = _sc_select(pre)
    return _tc_decode(pre, sel, W_dec)

# --- scband reference (transcript-rebuilt; emitter-appended) ---
"""Pipeline reference for scband-top-ksae-57896159150392 (READ-ONLY COPY).

The authoritative reference and input builder live on the scoring server;
editing this copy changes nothing except your own understanding.
"""

import jax, jax.numpy as jnp
import numpy as np

D_MODEL = 768
DICT_SIZE = 32768
TOP_K = 256
BATCH = 32

def setup_inputs(seed: int = 0) -> dict:
    key = jax.random.key(seed)
    k1, k2, k3, k4 = jax.random.split(key, 4)
    x = jax.random.normal(k1, (BATCH, D_MODEL), dtype=jnp.float32)
    # nn.Linear(d_model, dict_size): weight [dict_size, d_model], bias [dict_size]
    W_enc = jax.random.normal(k2, (DICT_SIZE, D_MODEL), dtype=jnp.float32) * (1.0 / np.sqrt(D_MODEL))
    b_enc = jax.random.normal(k3, (DICT_SIZE,), dtype=jnp.float32) * 0.01
    # nn.Linear(dict_size, d_model, bias=False): weight [d_model, dict_size]
    W_dec = jax.random.normal(k4, (D_MODEL, DICT_SIZE), dtype=jnp.float32) * (1.0 / np.sqrt(DICT_SIZE))
    return {"x": x, "W_enc": W_enc, "b_enc": b_enc, "W_dec": W_dec}

def reference(x, W_enc, b_enc, W_dec):
    # encode
    pre_acts = x @ W_enc.T + b_enc
    topk_values, topk_indices = jax.lax.top_k(pre_acts, TOP_K)
    topk_values = jax.nn.relu(topk_values)
    rows = jnp.arange(pre_acts.shape[0])[:, None]
    sparse_acts = jnp.zeros_like(pre_acts).at[rows, topk_indices].set(topk_values)
    # decode
    recon = sparse_acts @ W_dec.T
    return (recon, sparse_acts)

if __name__ == "__main__":
    import jax
    _d = setup_inputs()
    print(jax.jit(kernel)(*tuple(_d.values())))

</pallas_src>

<mosaic_0001>
#map = affine_map<(d0, d1) -> (0, 0)>
module attributes {stable_mosaic.version = 14 : i64} {
  func.func @_sc_select(%arg0: i32, %arg1: i32, %arg2: memref<32x32768xf32, #tpu.memory_space<hbm>>, %arg3: memref<32x16xi32, #tpu.memory_space<hbm>>, %arg4: memref<32768xf32, #tpu.memory_space<vmem>>, %arg5: memref<32768xi32, #tpu.memory_space<vmem>>, %arg6: memref<32768xi32, #tpu.memory_space<vmem>>, %arg7: memref<2048xi32, #tpu.memory_space<vmem>>, %arg8: memref<16xi32, #tpu.memory_space<vmem>>, %arg9: memref<2x!tpu.dma_semaphore, #tpu.memory_space<semaphore_mem>>) attributes {dimension_semantics = [#tpu.dimension_semantics<core_parallel>, #tpu.dimension_semantics<subcore_parallel>], iteration_bounds = array<i64: 2, 16>, scalar_prefetch = 0 : i64, scratch_operands = 6 : i64, tpu.core_type = #tpu.core_type<sc_vector_subcore>, window_params = [{transform_indices = #map}, {transform_indices = #map}]} {
    %mul3A = arith.constant 2 : i32
    %mul3A_0 = arith.muli %arg1, %mul3A : i32
    %add3A = arith.addi %mul3A_0, %arg0 : i32
    %broadcast_in_dim3A = arith.constant 1 : i32
    %broadcast_in_dim3A_1 = vector.broadcast %broadcast_in_dim3A : i32 to vector<16xi32>
    %iota3A = tpu.iota {dimensions = array<i32: 0>} : vector<16xi32>
    %parallel_loop3A = arith.constant 0 : i32
    %parallel_loop3A_2 = arith.constant 128 : i32
    %parallel_loop3A_3 = arith.constant 1 : i32
    scf.for %parallel_loop3A_578 = %parallel_loop3A to %parallel_loop3A_2 step %parallel_loop3A_3  : i32 {
      %parallel_loop3A_579 = arith.constant 0 : i32
      %parallel_loop3A_580 = vector.broadcast %parallel_loop3A_579 : i32 to vector<16xi32>
      %parallel_loop3A_581 = arith.constant 16 : i32
      %parallel_loop3A_582 = arith.muli %parallel_loop3A_578, %parallel_loop3A_581 : i32
      %parallel_loop3A_583 = arith.index_cast %parallel_loop3A_582 : i32 to index
      %parallel_loop3A_584 = tpu.vector_load %arg7[%parallel_loop3A_583] {strides = array<i32>} : memref<2048xi32, #tpu.memory_space<vmem>>, vector<16xi32>,
      tpu.vector_store %arg7[%parallel_loop3A_583], %parallel_loop3A_580 {strides = array<i32>} : memref<2048xi32, #tpu.memory_space<vmem>>, vector<16xi32>,
    } {sc.loop_unroll_factor = 4 : i64, sc.parallel_access}
    %dma_start3A = arith.constant 0 : i32
    %dma_start3A_4 = arith.constant 0 : i32
    %dma_start3A_5 = tpu.memref_slice %arg4[%dma_start3A_4] : memref<32768xf32, #tpu.memory_space<vmem>> -> memref<4096xf32, #tpu.memory_space<vmem>>
    %dma_start3A_6 = arith.constant 0 : i32
    %dma_start3A_7 = tpu.memref_slice %arg2[%add3A, %dma_start3A_6] : memref<32x32768xf32, #tpu.memory_space<hbm>> -> memref<1x4096xf32, #tpu.memory_space<hbm>>
    %dma_start3A_8 = tpu.memref_squeeze %dma_start3A_7 : memref<1x4096xf32, #tpu.memory_space<hbm>> -> memref<4096xf32, #tpu.memory_space<hbm>>
    %dma_start3A_9 = tpu.memref_slice %arg9[%dma_start3A] : memref<2x!tpu.dma_semaphore, #tpu.memory_space<semaphore_mem>> -> memref<1x!tpu.dma_semaphore, #tpu.memory_space<semaphore_mem>>
    %dma_start3A_10 = tpu.memref_squeeze %dma_start3A_9 : memref<1x!tpu.dma_semaphore, #tpu.memory_space<semaphore_mem>> -> memref<!tpu.dma_semaphore, #tpu.memory_space<semaphore_mem>>
    %dma_start3A_11 = arith.constant 0 : i32
    %dma_start3A_12 = tpu.memref_slice %arg4[%dma_start3A_11] : memref<32768xf32, #tpu.memory_space<vmem>> -> memref<4096xf32, #tpu.memory_space<vmem>>
    %dma_start3A_13 = arith.constant 0 : i32
    %dma_start3A_14 = tpu.memref_slice %arg2[%add3A, %dma_start3A_13] : memref<32x32768xf32, #tpu.memory_space<hbm>> -> memref<1x4096xf32, #tpu.memory_space<hbm>>
    %dma_start3A_15 = tpu.memref_squeeze %dma_start3A_14 : memref<1x4096xf32, #tpu.memory_space<hbm>> -> memref<4096xf32, #tpu.memory_space<hbm>>
    tpu.enqueue_dma source(%dma_start3A_15 : memref<4096xf32, #tpu.memory_space<hbm>>) target(%dma_start3A_12 : memref<4096xf32, #tpu.memory_space<vmem>>) target_semaphore(%dma_start3A_10 : memref<!tpu.dma_semaphore, #tpu.memory_space<semaphore_mem>>)
    %dma_start3A_16 = arith.constant 1 : i32
    %dma_start3A_17 = arith.constant 4096 : i32
    %dma_start3A_18 = tpu.memref_slice %arg4[%dma_start3A_17] : memref<32768xf32, #tpu.memory_space<vmem>> -> memref<4096xf32, #tpu.memory_space<vmem>>
    %dma_start3A_19 = arith.constant 4096 : i32
    %dma_start3A_20 = tpu.memref_slice %arg2[%add3A, %dma_start3A_19] : memref<32x32768xf32, #tpu.memory_space<hbm>> -> memref<1x4096xf32, #tpu.memory_space<hbm>>
    %dma_start3A_21 = tpu.memref_squeeze %dma_start3A_20 : memref<1x4096xf32, #tpu.memory_space<hbm>> -> memref<4096xf32, #tpu.memory_space<hbm>>
    %dma_start3A_22 = tpu.memref_slice %arg9[%dma_start3A_16] : memref<2x!tpu.dma_semaphore, #tpu.memory_space<semaphore_mem>> -> memref<1x!tpu.dma_semaphore, #tpu.memory_space<semaphore_mem>>
    %dma_start3A_23 = tpu.memref_squeeze %dma_start3A_22 : memref<1x!tpu.dma_semaphore, #tpu.memory_space<semaphore_mem>> -> memref<!tpu.dma_semaphore, #tpu.memory_space<semaphore_mem>>
    %dma_start3A_24 = arith.constant 4096 : i32
    %dma_start3A_25 = tpu.memref_slice %arg4[%dma_start3A_24] : memref<32768xf32, #tpu.memory_space<vmem>> -> memref<4096xf32, #tpu.memory_space<vmem>>
    %dma_start3A_26 = arith.constant 4096 : i32
    %dma_start3A_27 = tpu.memref_slice %arg2[%add3A, %dma_start3A_26] : memref<32x32768xf32, #tpu.memory_space<hbm>> -> memref<1x4096xf32, #tpu.memory_space<hbm>>
    %dma_start3A_28 = tpu.memref_squeeze %dma_start3A_27 : memref<1x4096xf32, #tpu.memory_space<hbm>> -> memref<4096xf32, #tpu.memory_space<hbm>>
    tpu.enqueue_dma source(%dma_start3A_28 : memref<4096xf32, #tpu.memory_space<hbm>>) target(%dma_start3A_25 : memref<4096xf32, #tpu.memory_space<vmem>>) target_semaphore(%dma_start3A_23 : memref<!tpu.dma_semaphore, #tpu.memory_space<semaphore_mem>>)
    %dma_wait3A = arith.constant 0 : i32
    %dma_wait3A_29 = arith.constant 0 : i32
    %dma_wait3A_30 = tpu.memref_slice %arg4[%dma_wait3A_29] : memref<32768xf32, #tpu.memory_space<vmem>> -> memref<4096xf32, #tpu.memory_space<vmem>>
    %dma_wait3A_31 = arith.constant 0 : i32
    %dma_wait3A_32 = tpu.memref_slice %arg2[%add3A, %dma_wait3A_31] : memref<32x32768xf32, #tpu.memory_space<hbm>> -> memref<1x4096xf32, #tpu.memory_space<hbm>>
    %dma_wait3A_33 = tpu.memref_squeeze %dma_wait3A_32 : memref<1x4096xf32, #tpu.memory_space<hbm>> -> memref<4096xf32, #tpu.memory_space<hbm>>
    %dma_wait3A_34 = tpu.memref_slice %arg9[%dma_wait3A] : memref<2x!tpu.dma_semaphore, #tpu.memory_space<semaphore_mem>> -> memref<1x!tpu.dma_semaphore, #tpu.memory_space<semaphore_mem>>
    %dma_wait3A_35 = tpu.memref_squeeze %dma_wait3A_34 : memref<1x!tpu.dma_semaphore, #tpu.memory_space<semaphore_mem>> -> memref<!tpu.dma_semaphore, #tpu.memory_space<semaphore_mem>>
    %dma_wait3A_36 = arith.constant 0 : i32
    %dma_wait3A_37 = tpu.memref_slice %arg4[%dma_wait3A_36] : memref<32768xf32, #tpu.memory_space<vmem>> -> memref<4096xf32, #tpu.memory_space<vmem>>
    %dma_wait3A_38 = arith.constant 0 : i32
    %dma_wait3A_39 = tpu.memref_slice %arg2[%add3A, %dma_wait3A_38] : memref<32x32768xf32, #tpu.memory_space<hbm>> -> memref<1x4096xf32, #tpu.memory_space<hbm>>
    %dma_wait3A_40 = tpu.memref_squeeze %dma_wait3A_39 : memref<1x4096xf32, #tpu.memory_space<hbm>> -> memref<4096xf32, #tpu.memory_space<hbm>>
    tpu.wait_dma2 semaphore(%dma_wait3A_35 : memref<!tpu.dma_semaphore, #tpu.memory_space<semaphore_mem>>) src(%dma_wait3A_40 : memref<4096xf32, #tpu.memory_space<hbm>>) dst(%dma_wait3A_37 : memref<4096xf32, #tpu.memory_space<vmem>>)
    %dma_start3A_41 = arith.constant 0 : i32
    %dma_start3A_42 = arith.constant 8192 : i32
    %dma_start3A_43 = tpu.memref_slice %arg4[%dma_start3A_42] : memref<32768xf32, #tpu.memory_space<vmem>> -> memref<4096xf32, #tpu.memory_space<vmem>>
    %dma_start3A_44 = arith.constant 8192 : i32
    %dma_start3A_45 = tpu.memref_slice %arg2[%add3A, %dma_start3A_44] : memref<32x32768xf32, #tpu.memory_space<hbm>> -> memref<1x4096xf32, #tpu.memory_space<hbm>>
    %dma_start3A_46 = tpu.memref_squeeze %dma_start3A_45 : memref<1x4096xf32, #tpu.memory_space<hbm>> -> memref<4096xf32, #tpu.memory_space<hbm>>
    %dma_start3A_47 = tpu.memref_slice %arg9[%dma_start3A_41] : memref<2x!tpu.dma_semaphore, #tpu.memory_space<semaphore_mem>> -> memref<1x!tpu.dma_semaphore, #tpu.memory_space<semaphore_mem>>
    %dma_start3A_48 = tpu.memref_squeeze %dma_start3A_47 : memref<1x!tpu.dma_semaphore, #tpu.memory_space<semaphore_mem>> -> memref<!tpu.dma_semaphore, #tpu.memory_space<semaphore_mem>>
    %dma_start3A_49 = arith.constant 8192 : i32
    %dma_start3A_50 = tpu.memref_slice %arg4[%dma_start3A_49] : memref<32768xf32, #tpu.memory_space<vmem>> -> memref<4096xf32, #tpu.memory_space<vmem>>
    %dma_start3A_51 = arith.constant 8192 : i32
    %dma_start3A_52 = tpu.memref_slice %arg2[%add3A, %dma_start3A_51] : memref<32x32768xf32, #tpu.memory_space<hbm>> -> memref<1x4096xf32, #tpu.memory_space<hbm>>
    %dma_start3A_53 = tpu.memref_squeeze %dma_start3A_52 : memref<1x4096xf32, #tpu.memory_space<hbm>> -> memref<4096xf32, #tpu.memory_space<hbm>>
    tpu.enqueue_dma source(%dma_start3A_53 : memref<4096xf32, #tpu.memory_space<hbm>>) target(%dma_start3A_50 : memref<4096xf32, #tpu.memory_space<vmem>>) target_semaphore(%dma_start3A_48 : memref<!tpu.dma_semaphore, #tpu.memory_space<semaphore_mem>>)
    %parallel_loop3A_54 = arith.constant 0 : i32
    %parallel_loop3A_55 = arith.constant 256 : i32
    %parallel_loop3A_56 = arith.constant 1 : i32
    scf.for %parallel_loop3A_578 = %parallel_loop3A_54 to %parallel_loop3A_55 step %parallel_loop3A_56  : i32 {
      %parallel_loop3A_579 = arith.constant 16 : i32
      %parallel_loop3A_580 = arith.muli %parallel_loop3A_578, %parallel_loop3A_579 : i32
      %parallel_loop3A_581 = arith.index_cast %parallel_loop3A_580 : i32 to index
      %parallel_loop3A_582 = tpu.vector_load %arg4[%parallel_loop3A_581] {strides = array<i32>} : memref<32768xf32, #tpu.memory_space<vmem>>, vector<16xf32>,
      %parallel_loop3A_583 = tpu.bitcast %parallel_loop3A_582 : vector<16xf32> -> vector<16xi32>
      %parallel_loop3A_584 = arith.constant 31 : i32
      %parallel_loop3A_585 = vector.broadcast %parallel_loop3A_584 : i32 to vector<16xi32>
      %parallel_loop3A_586 = arith.shrsi %parallel_loop3A_583, %parallel_loop3A_585 : vector<16xi32>
      %parallel_loop3A_587 = arith.constant 2147483647 : i32
      %parallel_loop3A_588 = vector.broadcast %parallel_loop3A_587 : i32 to vector<16xi32>
      %parallel_loop3A_589 = arith.andi %parallel_loop3A_586, %parallel_loop3A_588 : vector<16xi32>
      %parallel_loop3A_590 = arith.xori %parallel_loop3A_583, %parallel_loop3A_589 : vector<16xi32>
      %parallel_loop3A_591 = arith.constant 21 : i32
      %parallel_loop3A_592 = vector.broadcast %parallel_loop3A_591 : i32 to vector<16xi32>
      %parallel_loop3A_593 = arith.shrsi %parallel_loop3A_590, %parallel_loop3A_592 : vector<16xi32>
      %parallel_loop3A_594 = arith.constant 1024 : i32
      %parallel_loop3A_595 = vector.broadcast %parallel_loop3A_594 : i32 to vector<16xi32>
      %parallel_loop3A_596 = arith.addi %parallel_loop3A_593, %parallel_loop3A_595 : vector<16xi32>
      tpu.vector_store_idx %arg7[%parallel_loop3A_596], %broadcast_in_dim3A_1 {add = true} : memref<2048xi32, #tpu.memory_space<vmem>>[vector<16xi32>], vector<16xi32>,
    } {sc.loop_unroll_factor = 16 : i64, sc.parallel_access}
    %dma_wait3A_57 = arith.constant 1 : i32
    %dma_wait3A_58 = arith.constant 4096 : i32
    %dma_wait3A_59 = tpu.memref_slice %arg4[%dma_wait3A_58] : memref<32768xf32, #tpu.memory_space<vmem>> -> memref<4096xf32, #tpu.memory_space<vmem>>
    %dma_wait3A_60 = arith.constant 4096 : i32
    %dma_wait3A_61 = tpu.memref_slice %arg2[%add3A, %dma_wait3A_60] : memref<32x32768xf32, #tpu.memory_space<hbm>> -> memref<1x4096xf32, #tpu.memory_space<hbm>>
    %dma_wait3A_62 = tpu.memref_squeeze %dma_wait3A_61 : memref<1x4096xf32, #tpu.memory_space<hbm>> -> memref<4096xf32, #tpu.memory_space<hbm>>
    %dma_wait3A_63 = tpu.memref_slice %arg9[%dma_wait3A_57] : memref<2x!tpu.dma_semaphore, #tpu.memory_space<semaphore_mem>> -> memref<1x!tpu.dma_semaphore, #tpu.memory_space<semaphore_mem>>
    %dma_wait3A_64 = tpu.memref_squeeze %dma_wait3A_63 : memref<1x!tpu.dma_semaphore, #tpu.memory_space<semaphore_mem>> -> memref<!tpu.dma_semaphore, #tpu.memory_space<semaphore_mem>>
    %dma_wait3A_65 = arith.constant 4096 : i32
    %dma_wait3A_66 = tpu.memref_slice %arg4[%dma_wait3A_65] : memref<32768xf32, #tpu.memory_space<vmem>> -> memref<4096xf32, #tpu.memory_space<vmem>>
    %dma_wait3A_67 = arith.constant 4096 : i32
    %dma_wait3A_68 = tpu.memref_slice %arg2[%add3A, %dma_wait3A_67] : memref<32x32768xf32, #tpu.memory_space<hbm>> -> memref<1x4096xf32, #tpu.memory_space<hbm>>
    %dma_wait3A_69 = tpu.memref_squeeze %dma_wait3A_68 : memref<1x4096xf32, #tpu.memory_space<hbm>> -> memref<4096xf32, #tpu.memory_space<hbm>>
    tpu.wait_dma2 semaphore(%dma_wait3A_64 : memref<!tpu.dma_semaphore, #tpu.memory_space<semaphore_mem>>) src(%dma_wait3A_69 : memref<4096xf32, #tpu.memory_space<hbm>>) dst(%dma_wait3A_66 : memref<4096xf32, #tpu.memory_space<vmem>>)
    %dma_start3A_70 = arith.constant 1 : i32
    %dma_start3A_71 = arith.constant 12288 : i32
    %dma_start3A_72 = tpu.memref_slice %arg4[%dma_start3A_71] : memref<32768xf32, #tpu.memory_space<vmem>> -> memref<4096xf32, #tpu.memory_space<vmem>>
    %dma_start3A_73 = arith.constant 12288 : i32
    %dma_start3A_74 = tpu.memref_slice %arg2[%add3A, %dma_start3A_73] : memref<32x32768xf32, #tpu.memory_space<hbm>> -> memref<1x4096xf32, #tpu.memory_space<hbm>>
    %dma_start3A_75 = tpu.memref_squeeze %dma_start3A_74 : memref<1x4096xf32, #tpu.memory_space<hbm>> -> memref<4096xf32, #tpu.memory_space<hbm>>
    %dma_start3A_76 = tpu.memref_slice %arg9[%dma_start3A_70] : memref<2x!tpu.dma_semaphore, #tpu.memory_space<semaphore_mem>> -> memref<1x!tpu.dma_semaphore, #tpu.memory_space<semaphore_mem>>
    %dma_start3A_77 = tpu.memref_squeeze %dma_start3A_76 : memref<1x!tpu.dma_semaphore, #tpu.memory_space<semaphore_mem>> -> memref<!tpu.dma_semaphore, #tpu.memory_space<semaphore_mem>>
    %dma_start3A_78 = arith.constant 12288 : i32
    %dma_start3A_79 = tpu.memref_slice %arg4[%dma_start3A_78] : memref<32768xf32, #tpu.memory_space<vmem>> -> memref<4096xf32, #tpu.memory_space<vmem>>
    %dma_start3A_80 = arith.constant 12288 : i32
    %dma_start3A_81 = tpu.memref_slice %arg2[%add3A, %dma_start3A_80] : memref<32x32768xf32, #tpu.memory_space<hbm>> -> memref<1x4096xf32, #tpu.memory_space<hbm>>
    %dma_start3A_82 = tpu.memref_squeeze %dma_start3A_81 : memref<1x4096xf32, #tpu.memory_space<hbm>> -> memref<4096xf32, #tpu.memory_space<hbm>>
    tpu.enqueue_dma source(%dma_start3A_82 : memref<4096xf32, #tpu.memory_space<hbm>>) target(%dma_start3A_79 : memref<4096xf32, #tpu.memory_space<vmem>>) target_semaphore(%dma_start3A_77 : memref<!tpu.dma_semaphore, #tpu.memory_space<semaphore_mem>>)
    %parallel_loop3A_83 = arith.constant 256 : i32
    %parallel_loop3A_84 = arith.constant 512 : i32
    %parallel_loop3A_85 = arith.constant 1 : i32
    scf.for %parallel_loop3A_578 = %parallel_loop3A_83 to %parallel_loop3A_84 step %parallel_loop3A_85  : i32 {
      %parallel_loop3A_579 = arith.constant 16 : i32
      %parallel_loop3A_580 = arith.muli %parallel_loop3A_578, %parallel_loop3A_579 : i32
      %parallel_loop3A_581 = arith.index_cast %parallel_loop3A_580 : i32 to index
      %parallel_loop3A_582 = tpu.vector_load %arg4[%parallel_loop3A_581] {strides = array<i32>} : memref<32768xf32, #tpu.memory_space<vmem>>, vector<16xf32>,
      %parallel_loop3A_583 = tpu.bitcast %parallel_loop3A_582 : vector<16xf32> -> vector<16xi32>
      %parallel_loop3A_584 = arith.constant 31 : i32
      %parallel_loop3A_585 = vector.broadcast %parallel_loop3A_584 : i32 to vector<16xi32>
      %parallel_loop3A_586 = arith.shrsi %parallel_loop3A_583, %parallel_loop3A_585 : vector<16xi32>
      %parallel_loop3A_587 = arith.constant 2147483647 : i32
      %parallel_loop3A_588 = vector.broadcast %parallel_loop3A_587 : i32 to vector<16xi32>
      %parallel_loop3A_589 = arith.andi %parallel_loop3A_586, %parallel_loop3A_588 : vector<16xi32>
      %parallel_loop3A_590 = arith.xori %parallel_loop3A_583, %parallel_loop3A_589 : vector<16xi32>
      %parallel_loop3A_591 = arith.constant 21 : i32
      %parallel_loop3A_592 = vector.broadcast %parallel_loop3A_591 : i32 to vector<16xi32>
      %parallel_loop3A_593 = arith.shrsi %parallel_loop3A_590, %parallel_loop3A_592 : vector<16xi32>
      %parallel_loop3A_594 = arith.constant 1024 : i32
      %parallel_loop3A_595 = vector.broadcast %parallel_loop3A_594 : i32 to vector<16xi32>
      %parallel_loop3A_596 = arith.addi %parallel_loop3A_593, %parallel_loop3A_595 : vector<16xi32>
      tpu.vector_store_idx %arg7[%parallel_loop3A_596], %broadcast_in_dim3A_1 {add = true} : memref<2048xi32, #tpu.memory_space<vmem>>[vector<16xi32>], vector<16xi32>,
    } {sc.loop_unroll_factor = 16 : i64, sc.parallel_access}
    %dma_wait3A_86 = arith.constant 0 : i32
    %dma_wait3A_87 = arith.constant 8192 : i32
    %dma_wait3A_88 = tpu.memref_slice %arg4[%dma_wait3A_87] : memref<32768xf32, #tpu.memory_space<vmem>> -> memref<4096xf32, #tpu.memory_space<vmem>>
    %dma_wait3A_89 = arith.constant 8192 : i32
    %dma_wait3A_90 = tpu.memref_slice %arg2[%add3A, %dma_wait3A_89] : memref<32x32768xf32, #tpu.memory_space<hbm>> -> memref<1x4096xf32, #tpu.memory_space<hbm>>
    %dma_wait3A_91 = tpu.memref_squeeze %dma_wait3A_90 : memref<1x4096xf32, #tpu.memory_space<hbm>> -> memref<4096xf32, #tpu.memory_space<hbm>>
    %dma_wait3A_92 = tpu.memref_slice %arg9[%dma_wait3A_86] : memref<2x!tpu.dma_semaphore, #tpu.memory_space<semaphore_mem>> -> memref<1x!tpu.dma_semaphore, #tpu.memory_space<semaphore_mem>>
    %dma_wait3A_93 = tpu.memref_squeeze %dma_wait3A_92 : memref<1x!tpu.dma_semaphore, #tpu.memory_space<semaphore_mem>> -> memref<!tpu.dma_semaphore, #tpu.memory_space<semaphore_mem>>
    %dma_wait3A_94 = arith.constant 8192 : i32
    %dma_wait3A_95 = tpu.memref_slice %arg4[%dma_wait3A_94] : memref<32768xf32, #tpu.memory_space<vmem>> -> memref<4096xf32, #tpu.memory_space<vmem>>
    %dma_wait3A_96 = arith.constant 8192 : i32
    %dma_wait3A_97 = tpu.memref_slice %arg2[%add3A, %dma_wait3A_96] : memref<32x32768xf32, #tpu.memory_space<hbm>> -> memref<1x4096xf32, #tpu.memory_space<hbm>>
    %dma_wait3A_98 = tpu.memref_squeeze %dma_wait3A_97 : memref<1x4096xf32, #tpu.memory_space<hbm>> -> memref<4096xf32, #tpu.memory_space<hbm>>
    tpu.wait_dma2 semaphore(%dma_wait3A_93 : memref<!tpu.dma_semaphore, #tpu.memory_space<semaphore_mem>>) src(%dma_wait3A_98 : memref<4096xf32, #tpu.memory_space<hbm>>) dst(%dma_wait3A_95 : memref<4096xf32, #tpu.memory_space<vmem>>)
    %dma_start3A_99 = arith.constant 0 : i32
    %dma_start3A_100 = arith.constant 16384 : i32
    %dma_start3A_101 = tpu.memref_slice %arg4[%dma_start3A_100] : memref<32768xf32, #tpu.memory_space<vmem>> -> memref<4096xf32, #tpu.memory_space<vmem>>
    %dma_start3A_102 = arith.constant 16384 : i32
    %dma_start3A_103 = tpu.memref_slice %arg2[%add3A, %dma_start3A_102] : memref<32x32768xf32, #tpu.memory_space<hbm>> -> memref<1x4096xf32, #tpu.memory_space<hbm>>
    %dma_start3A_104 = tpu.memref_squeeze %dma_start3A_103 : memref<1x4096xf32, #tpu.memory_space<hbm>> -> memref<4096xf32, #tpu.memory_space<hbm>>
    %dma_start3A_105 = tpu.memref_slice %arg9[%dma_start3A_99] : memref<2x!tpu.dma_semaphore, #tpu.memory_space<semaphore_mem>> -> memref<1x!tpu.dma_semaphore, #tpu.memory_space<semaphore_mem>>
    %dma_start3A_106 = tpu.memref_squeeze %dma_start3A_105 : memref<1x!tpu.dma_semaphore, #tpu.memory_space<semaphore_mem>> -> memref<!tpu.dma_semaphore, #tpu.memory_space<semaphore_mem>>
    %dma_start3A_107 = arith.constant 16384 : i32
    %dma_start3A_108 = tpu.memref_slice %arg4[%dma_start3A_107] : memref<32768xf32, #tpu.memory_space<vmem>> -> memref<4096xf32, #tpu.memory_space<vmem>>
    %dma_start3A_109 = arith.constant 16384 : i32
    %dma_start3A_110 = tpu.memref_slice %arg2[%add3A, %dma_start3A_109] : memref<32x32768xf32, #tpu.memory_space<hbm>> -> memref<1x4096xf32, #tpu.memory_space<hbm>>
    %dma_start3A_111 = tpu.memref_squeeze %dma_start3A_110 : memref<1x4096xf32, #tpu.memory_space<hbm>> -> memref<4096xf32, #tpu.memory_space<hbm>>
    tpu.enqueue_dma source(%dma_start3A_111 : memref<4096xf32, #tpu.memory_space<hbm>>) target(%dma_start3A_108 : memref<4096xf32, #tpu.memory_space<vmem>>) target_semaphore(%dma_start3A_106 : memref<!tpu.dma_semaphore, #tpu.memory_space<semaphore_mem>>)
    %parallel_loop3A_112 = arith.constant 512 : i32
    %parallel_loop3A_113 = arith.constant 768 : i32
    %parallel_loop3A_114 = arith.constant 1 : i32
    scf.for %parallel_loop3A_578 = %parallel_loop3A_112 to %parallel_loop3A_113 step %parallel_loop3A_114  : i32 {
      %parallel_loop3A_579 = arith.constant 16 : i32
      %parallel_loop3A_580 = arith.muli %parallel_loop3A_578, %parallel_loop3A_579 : i32
      %parallel_loop3A_581 = arith.index_cast %parallel_loop3A_580 : i32 to index
      %parallel_loop3A_582 = tpu.vector_load %arg4[%parallel_loop3A_581] {strides = array<i32>} : memref<32768xf32, #tpu.memory_space<vmem>>, vector<16xf32>,
      %parallel_loop3A_583 = tpu.bitcast %parallel_loop3A_582 : vector<16xf32> -> vector<16xi32>
      %parallel_loop3A_584 = arith.constant 31 : i32
      %parallel_loop3A_585 = vector.broadcast %parallel_loop3A_584 : i32 to vector<16xi32>
      %parallel_loop3A_586 = arith.shrsi %parallel_loop3A_583, %parallel_loop3A_585 : vector<16xi32>
      %parallel_loop3A_587 = arith.constant 2147483647 : i32
      %parallel_loop3A_588 = vector.broadcast %parallel_loop3A_587 : i32 to vector<16xi32>
      %parallel_loop3A_589 = arith.andi %parallel_loop3A_586, %parallel_loop3A_588 : vector<16xi32>
      %parallel_loop3A_590 = arith.xori %parallel_loop3A_583, %parallel_loop3A_589 : vector<16xi32>
      %parallel_loop3A_591 = arith.constant 21 : i32
      %parallel_loop3A_592 = vector.broadcast %parallel_loop3A_591 : i32 to vector<16xi32>
      %parallel_loop3A_593 = arith.shrsi %parallel_loop3A_590, %parallel_loop3A_592 : vector<16xi32>
      %parallel_loop3A_594 = arith.constant 1024 : i32
      %parallel_loop3A_595 = vector.broadcast %parallel_loop3A_594 : i32 to vector<16xi32>
      %parallel_loop3A_596 = arith.addi %parallel_loop3A_593, %parallel_loop3A_595 : vector<16xi32>
      tpu.vector_store_idx %arg7[%parallel_loop3A_596], %broadcast_in_dim3A_1 {add = true} : memref<2048xi32, #tpu.memory_space<vmem>>[vector<16xi32>], vector<16xi32>,
    } {sc.loop_unroll_factor = 16 : i64, sc.parallel_access}
    %dma_wait3A_115 = arith.constant 1 : i32
    %dma_wait3A_116 = arith.constant 12288 : i32
    %dma_wait3A_117 = tpu.memref_slice %arg4[%dma_wait3A_116] : memref<32768xf32, #tpu.memory_space<vmem>> -> memref<4096xf32, #tpu.memory_space<vmem>>
    %dma_wait3A_118 = arith.constant 12288 : i32
    %dma_wait3A_119 = tpu.memref_slice %arg2[%add3A, %dma_wait3A_118] : memref<32x32768xf32, #tpu.memory_space<hbm>> -> memref<1x4096xf32, #tpu.memory_space<hbm>>
    %dma_wait3A_120 = tpu.memref_squeeze %dma_wait3A_119 : memref<1x4096xf32, #tpu.memory_space<hbm>> -> memref<4096xf32, #tpu.memory_space<hbm>>
    %dma_wait3A_121 = tpu.memref_slice %arg9[%dma_wait3A_115] : memref<2x!tpu.dma_semaphore, #tpu.memory_space<semaphore_mem>> -> memref<1x!tpu.dma_semaphore, #tpu.memory_space<semaphore_mem>>
    %dma_wait3A_122 = tpu.memref_squeeze %dma_wait3A_121 : memref<1x!tpu.dma_semaphore, #tpu.memory_space<semaphore_mem>> -> memref<!tpu.dma_semaphore, #tpu.memory_space<semaphore_mem>>
    %dma_wait3A_123 = arith.constant 12288 : i32
    %dma_wait3A_124 = tpu.memref_slice %arg4[%dma_wait3A_123] : memref<32768xf32, #tpu.memory_space<vmem>> -> memref<4096xf32, #tpu.memory_space<vmem>>
    %dma_wait3A_125 = arith.constant 12288 : i32
    %dma_wait3A_126 = tpu.memref_slice %arg2[%add3A, %dma_wait3A_125] : memref<32x32768xf32, #tpu.memory_space<hbm>> -> memref<1x4096xf32, #tpu.memory_space<hbm>>
    %dma_wait3A_127 = tpu.memref_squeeze %dma_wait3A_126 : memref<1x4096xf32, #tpu.memory_space<hbm>> -> memref<4096xf32, #tpu.memory_space<hbm>>
    tpu.wait_dma2 semaphore(%dma_wait3A_122 : memref<!tpu.dma_semaphore, #tpu.memory_space<semaphore_mem>>) src(%dma_wait3A_127 : memref<4096xf32, #tpu.memory_space<hbm>>) dst(%dma_wait3A_124 : memref<4096xf32, #tpu.memory_space<vmem>>)
    %dma_start3A_128 = arith.constant 1 : i32
    %dma_start3A_129 = arith.constant 20480 : i32
    %dma_start3A_130 = tpu.memref_slice %arg4[%dma_start3A_129] : memref<32768xf32, #tpu.memory_space<vmem>> -> memref<4096xf32, #tpu.memory_space<vmem>>
    %dma_start3A_131 = arith.constant 20480 : i32
    %dma_start3A_132 = tpu.memref_slice %arg2[%add3A, %dma_start3A_131] : memref<32x32768xf32, #tpu.memory_space<hbm>> -> memref<1x4096xf32, #tpu.memory_space<hbm>>
    %dma_start3A_133 = tpu.memref_squeeze %dma_start3A_132 : memref<1x4096xf32, #tpu.memory_space<hbm>> -> memref<4096xf32, #tpu.memory_space<hbm>>
    %dma_start3A_134 = tpu.memref_slice %arg9[%dma_start3A_128] : memref<2x!tpu.dma_semaphore, #tpu.memory_space<semaphore_mem>> -> memref<1x!tpu.dma_semaphore, #tpu.memory_space<semaphore_mem>>
    %dma_start3A_135 = tpu.memref_squeeze %dma_start3A_134 : memref<1x!tpu.dma_semaphore, #tpu.memory_space<semaphore_mem>> -> memref<!tpu.dma_semaphore, #tpu.memory_space<semaphore_mem>>
    %dma_start3A_136 = arith.constant 20480 : i32
    %dma_start3A_137 = tpu.memref_slice %arg4[%dma_start3A_136] : memref<32768xf32, #tpu.memory_space<vmem>> -> memref<4096xf32, #tpu.memory_space<vmem>>
    %dma_start3A_138 = arith.constant 20480 : i32
    %dma_start3A_139 = tpu.memref_slice %arg2[%add3A, %dma_start3A_138] : memref<32x32768xf32, #tpu.memory_space<hbm>> -> memref<1x4096xf32, #tpu.memory_space<hbm>>
    %dma_start3A_140 = tpu.memref_squeeze %dma_start3A_139 : memref<1x4096xf32, #tpu.memory_space<hbm>> -> memref<4096xf32, #tpu.memory_space<hbm>>
    tpu.enqueue_dma source(%dma_start3A_140 : memref<4096xf32, #tpu.memory_space<hbm>>) target(%dma_start3A_137 : memref<4096xf32, #tpu.memory_space<vmem>>) target_semaphore(%dma_start3A_135 : memref<!tpu.dma_semaphore, #tpu.memory_space<semaphore_mem>>)
    %parallel_loop3A_141 = arith.constant 768 : i32
    %parallel_loop3A_142 = arith.constant 1024 : i32
    %parallel_loop3A_143 = arith.constant 1 : i32
    scf.for %parallel_loop3A_578 = %parallel_loop3A_141 to %parallel_loop3A_142 step %parallel_loop3A_143  : i32 {
      %parallel_loop3A_579 = arith.constant 16 : i32
      %parallel_loop3A_580 = arith.muli %parallel_loop3A_578, %parallel_loop3A_579 : i32
      %parallel_loop3A_581 = arith.index_cast %parallel_loop3A_580 : i32 to index
      %parallel_loop3A_582 = tpu.vector_load %arg4[%parallel_loop3A_581] {strides = array<i32>} : memref<32768xf32, #tpu.memory_space<vmem>>, vector<16xf32>,
      %parallel_loop3A_583 = tpu.bitcast %parallel_loop3A_582 : vector<16xf32> -> vector<16xi32>
      %parallel_loop3A_584 = arith.constant 31 : i32
      %parallel_loop3A_585 = vector.broadcast %parallel_loop3A_584 : i32 to vector<16xi32>
      %parallel_loop3A_586 = arith.shrsi %parallel_loop3A_583, %parallel_loop3A_585 : vector<16xi32>
      %parallel_loop3A_587 = arith.constant 2147483647 : i32
      %parallel_loop3A_588 = vector.broadcast %parallel_loop3A_587 : i32 to vector<16xi32>
      %parallel_loop3A_589 = arith.andi %parallel_loop3A_586, %parallel_loop3A_588 : vector<16xi32>
      %parallel_loop3A_590 = arith.xori %parallel_loop3A_583, %parallel_loop3A_589 : vector<16xi32>
      %parallel_loop3A_591 = arith.constant 21 : i32
      %parallel_loop3A_592 = vector.broadcast %parallel_loop3A_591 : i32 to vector<16xi32>
      %parallel_loop3A_593 = arith.shrsi %parallel_loop3A_590, %parallel_loop3A_592 : vector<16xi32>
      %parallel_loop3A_594 = arith.constant 1024 : i32
      %parallel_loop3A_595 = vector.broadcast %parallel_loop3A_594 : i32 to vector<16xi32>
      %parallel_loop3A_596 = arith.addi %parallel_loop3A_593, %parallel_loop3A_595 : vector<16xi32>
      tpu.vector_store_idx %arg7[%parallel_loop3A_596], %broadcast_in_dim3A_1 {add = true} : memref<2048xi32, #tpu.memory_space<vmem>>[vector<16xi32>], vector<16xi32>,
    } {sc.loop_unroll_factor = 16 : i64, sc.parallel_access}
    %dma_wait3A_144 = arith.constant 0 : i32
    %dma_wait3A_145 = arith.constant 16384 : i32
    %dma_wait3A_146 = tpu.memref_slice %arg4[%dma_wait3A_145] : memref<32768xf32, #tpu.memory_space<vmem>> -> memref<4096xf32, #tpu.memory_space<vmem>>
    %dma_wait3A_147 = arith.constant 16384 : i32
    %dma_wait3A_148 = tpu.memref_slice %arg2[%add3A, %dma_wait3A_147] : memref<32x32768xf32, #tpu.memory_space<hbm>> -> memref<1x4096xf32, #tpu.memory_space<hbm>>
    %dma_wait3A_149 = tpu.memref_squeeze %dma_wait3A_148 : memref<1x4096xf32, #tpu.memory_space<hbm>> -> memref<4096xf32, #tpu.memory_space<hbm>>
    %dma_wait3A_150 = tpu.memref_slice %arg9[%dma_wait3A_144] : memref<2x!tpu.dma_semaphore, #tpu.memory_space<semaphore_mem>> -> memref<1x!tpu.dma_semaphore, #tpu.memory_space<semaphore_mem>>
    %dma_wait3A_151 = tpu.memref_squeeze %dma_wait3A_150 : memref<1x!tpu.dma_semaphore, #tpu.memory_space<semaphore_mem>> -> memref<!tpu.dma_semaphore, #tpu.memory_space<semaphore_mem>>
    %dma_wait3A_152 = arith.constant 16384 : i32
    %dma_wait3A_153 = tpu.memref_slice %arg4[%dma_wait3A_152] : memref<32768xf32, #tpu.memory_space<vmem>> -> memref<4096xf32, #tpu.memory_space<vmem>>
    %dma_wait3A_154 = arith.constant 16384 : i32
    %dma_wait3A_155 = tpu.memref_slice %arg2[%add3A, %dma_wait3A_154] : memref<32x32768xf32, #tpu.memory_space<hbm>> -> memref<1x4096xf32, #tpu.memory_space<hbm>>
    %dma_wait3A_156 = tpu.memref_squeeze %dma_wait3A_155 : memref<1x4096xf32, #tpu.memory_space<hbm>> -> memref<4096xf32, #tpu.memory_space<hbm>>
    tpu.wait_dma2 semaphore(%dma_wait3A_151 : memref<!tpu.dma_semaphore, #tpu.memory_space<semaphore_mem>>) src(%dma_wait3A_156 : memref<4096xf32, #tpu.memory_space<hbm>>) dst(%dma_wait3A_153 : memref<4096xf32, #tpu.memory_space<vmem>>)
    %dma_start3A_157 = arith.constant 0 : i32
    %dma_start3A_158 = arith.constant 24576 : i32
    %dma_start3A_159 = tpu.memref_slice %arg4[%dma_start3A_158] : memref<32768xf32, #tpu.memory_space<vmem>> -> memref<4096xf32, #tpu.memory_space<vmem>>
    %dma_start3A_160 = arith.constant 24576 : i32
    %dma_start3A_161 = tpu.memref_slice %arg2[%add3A, %dma_start3A_160] : memref<32x32768xf32, #tpu.memory_space<hbm>> -> memref<1x4096xf32, #tpu.memory_space<hbm>>
    %dma_start3A_162 = tpu.memref_squeeze %dma_start3A_161 : memref<1x4096xf32, #tpu.memory_space<hbm>> -> memref<4096xf32, #tpu.memory_space<hbm>>
    %dma_start3A_163 = tpu.memref_slice %arg9[%dma_start3A_157] : memref<2x!tpu.dma_semaphore, #tpu.memory_space<semaphore_mem>> -> memref<1x!tpu.dma_semaphore, #tpu.memory_space<semaphore_mem>>
    %dma_start3A_164 = tpu.memref_squeeze %dma_start3A_163 : memref<1x!tpu.dma_semaphore, #tpu.memory_space<semaphore_mem>> -> memref<!tpu.dma_semaphore, #tpu.memory_space<semaphore_mem>>
    %dma_start3A_165 = arith.constant 24576 : i32
    %dma_start3A_166 = tpu.memref_slice %arg4[%dma_start3A_165] : memref<32768xf32, #tpu.memory_space<vmem>> -> memref<4096xf32, #tpu.memory_space<vmem>>
    %dma_start3A_167 = arith.constant 24576 : i32
    %dma_start3A_168 = tpu.memref_slice %arg2[%add3A, %dma_start3A_167] : memref<32x32768xf32, #tpu.memory_space<hbm>> -> memref<1x4096xf32, #tpu.memory_space<hbm>>
    %dma_start3A_169 = tpu.memref_squeeze %dma_start3A_168 : memref<1x4096xf32, #tpu.memory_space<hbm>> -> memref<4096xf32, #tpu.memory_space<hbm>>
    tpu.enqueue_dma source(%dma_start3A_169 : memref<4096xf32, #tpu.memory_space<hbm>>) target(%dma_start3A_166 : memref<4096xf32, #tpu.memory_space<vmem>>) target_semaphore(%dma_start3A_164 : memref<!tpu.dma_semaphore, #tpu.memory_space<semaphore_mem>>)
    %parallel_loop3A_170 = arith.constant 1024 : i32
    %parallel_loop3A_171 = arith.constant 1280 : i32
    %parallel_loop3A_172 = arith.constant 1 : i32
    scf.for %parallel_loop3A_578 = %parallel_loop3A_170 to %parallel_loop3A_171 step %parallel_loop3A_172  : i32 {
      %parallel_loop3A_579 = arith.constant 16 : i32
      %parallel_loop3A_580 = arith.muli %parallel_loop3A_578, %parallel_loop3A_579 : i32
      %parallel_loop3A_581 = arith.index_cast %parallel_loop3A_580 : i32 to index
      %parallel_loop3A_582 = tpu.vector_load %arg4[%parallel_loop3A_581] {strides = array<i32>} : memref<32768xf32, #tpu.memory_space<vmem>>, vector<16xf32>,
      %parallel_loop3A_583 = tpu.bitcast %parallel_loop3A_582 : vector<16xf32> -> vector<16xi32>
      %parallel_loop3A_584 = arith.constant 31 : i32
      %parallel_loop3A_585 = vector.broadcast %parallel_loop3A_584 : i32 to vector<16xi32>
      %parallel_loop3A_586 = arith.shrsi %parallel_loop3A_583, %parallel_loop3A_585 : vector<16xi32>
      %parallel_loop3A_587 = arith.constant 2147483647 : i32
      %parallel_loop3A_588 = vector.broadcast %parallel_loop3A_587 : i32 to vector<16xi32>
      %parallel_loop3A_589 = arith.andi %parallel_loop3A_586, %parallel_loop3A_588 : vector<16xi32>
      %parallel_loop3A_590 = arith.xori %parallel_loop3A_583, %parallel_loop3A_589 : vector<16xi32>
      %parallel_loop3A_591 = arith.constant 21 : i32
      %parallel_loop3A_592 = vector.broadcast %parallel_loop3A_591 : i32 to vector<16xi32>
      %parallel_loop3A_593 = arith.shrsi %parallel_loop3A_590, %parallel_loop3A_592 : vector<16xi32>
      %parallel_loop3A_594 = arith.constant 1024 : i32
      %parallel_loop3A_595 = vector.broadcast %parallel_loop3A_594 : i32 to vector<16xi32>
      %parallel_loop3A_596 = arith.addi %parallel_loop3A_593, %parallel_loop3A_595 : vector<16xi32>
      tpu.vector_store_idx %arg7[%parallel_loop3A_596], %broadcast_in_dim3A_1 {add = true} : memref<2048xi32, #tpu.memory_space<vmem>>[vector<16xi32>], vector<16xi32>,
    } {sc.loop_unroll_factor = 16 : i64, sc.parallel_access}
    %dma_wait3A_173 = arith.constant 1 : i32
    %dma_wait3A_174 = arith.constant 20480 : i32
    %dma_wait3A_175 = tpu.memref_slice %arg4[%dma_wait3A_174] : memref<32768xf32, #tpu.memory_space<vmem>> -> memref<4096xf32, #tpu.memory_space<vmem>>
    %dma_wait3A_176 = arith.constant 20480 : i32
    %dma_wait3A_177 = tpu.memref_slice %arg2[%add3A, %dma_wait3A_176] : memref<32x32768xf32, #tpu.memory_space<hbm>> -> memref<1x4096xf32, #tpu.memory_space<hbm>>
    %dma_wait3A_178 = tpu.memref_squeeze %dma_wait3A_177 : memref<1x4096xf32, #tpu.memory_space<hbm>> -> memref<4096xf32, #tpu.memory_space<hbm>>
    %dma_wait3A_179 = tpu.memref_slice %arg9[%dma_wait3A_173] : memref<2x!tpu.dma_semaphore, #tpu.memory_space<semaphore_mem>> -> memref<1x!tpu.dma_semaphore, #tpu.memory_space<semaphore_mem>>
    %dma_wait3A_180 = tpu.memref_squeeze %dma_wait3A_179 : memref<1x!tpu.dma_semaphore, #tpu.memory_space<semaphore_mem>> -> memref<!tpu.dma_semaphore, #tpu.memory_space<semaphore_mem>>
    %dma_wait3A_181 = arith.constant 20480 : i32
    %dma_wait3A_182 = tpu.memref_slice %arg4[%dma_wait3A_181] : memref<32768xf32, #tpu.memory_space<vmem>> -> memref<4096xf32, #tpu.memory_space<vmem>>
    %dma_wait3A_183 = arith.constant 20480 : i32
    %dma_wait3A_184 = tpu.memref_slice %arg2[%add3A, %dma_wait3A_183] : memref<32x32768xf32, #tpu.memory_space<hbm>> -> memref<1x4096xf32, #tpu.memory_space<hbm>>
    %dma_wait3A_185 = tpu.memref_squeeze %dma_wait3A_184 : memref<1x4096xf32, #tpu.memory_space<hbm>> -> memref<4096xf32, #tpu.memory_space<hbm>>
    tpu.wait_dma2 semaphore(%dma_wait3A_180 : memref<!tpu.dma_semaphore, #tpu.memory_space<semaphore_mem>>) src(%dma_wait3A_185 : memref<4096xf32, #tpu.memory_space<hbm>>) dst(%dma_wait3A_182 : memref<4096xf32, #tpu.memory_space<vmem>>)
    %dma_start3A_186 = arith.constant 1 : i32
    %dma_start3A_187 = arith.constant 28672 : i32
    %dma_start3A_188 = tpu.memref_slice %arg4[%dma_start3A_187] : memref<32768xf32, #tpu.memory_space<vmem>> -> memref<4096xf32, #tpu.memory_space<vmem>>
    %dma_start3A_189 = arith.constant 28672 : i32
    %dma_start3A_190 = tpu.memref_slice %arg2[%add3A, %dma_start3A_189] : memref<32x32768xf32, #tpu.memory_space<hbm>> -> memref<1x4096xf32, #tpu.memory_space<hbm>>
    %dma_start3A_191 = tpu.memref_squeeze %dma_start3A_190 : memref<1x4096xf32, #tpu.memory_space<hbm>> -> memref<4096xf32, #tpu.memory_space<hbm>>
    %dma_start3A_192 = tpu.memref_slice %arg9[%dma_start3A_186] : memref<2x!tpu.dma_semaphore, #tpu.memory_space<semaphore_mem>> -> memref<1x!tpu.dma_semaphore, #tpu.memory_space<semaphore_mem>>
    %dma_start3A_193 = tpu.memref_squeeze %dma_start3A_192 : memref<1x!tpu.dma_semaphore, #tpu.memory_space<semaphore_mem>> -> memref<!tpu.dma_semaphore, #tpu.memory_space<semaphore_mem>>
    %dma_start3A_194 = arith.constant 28672 : i32
    %dma_start3A_195 = tpu.memref_slice %arg4[%dma_start3A_194] : memref<32768xf32, #tpu.memory_space<vmem>> -> memref<4096xf32, #tpu.memory_space<vmem>>
    %dma_start3A_196 = arith.constant 28672 : i32
    %dma_start3A_197 = tpu.memref_slice %arg2[%add3A, %dma_start3A_196] : memref<32x32768xf32, #tpu.memory_space<hbm>> -> memref<1x4096xf32, #tpu.memory_space<hbm>>
    %dma_start3A_198 = tpu.memref_squeeze %dma_start3A_197 : memref<1x4096xf32, #tpu.memory_space<hbm>> -> memref<4096xf32, #tpu.memory_space<hbm>>
    tpu.enqueue_dma source(%dma_start3A_198 : memref<4096xf32, #tpu.memory_space<hbm>>) target(%dma_start3A_195 : memref<4096xf32, #tpu.memory_space<vmem>>) target_semaphore(%dma_start3A_193 : memref<!tpu.dma_semaphore, #tpu.memory_space<semaphore_mem>>)
    %parallel_loop3A_199 = arith.constant 1280 : i32
    %parallel_loop3A_200 = arith.constant 1536 : i32
    %parallel_loop3A_201 = arith.constant 1 : i32
    scf.for %parallel_loop3A_578 = %parallel_loop3A_199 to %parallel_loop3A_200 step %parallel_loop3A_201  : i32 {
      %parallel_loop3A_579 = arith.constant 16 : i32
      %parallel_loop3A_580 = arith.muli %parallel_loop3A_578, %parallel_loop3A_579 : i32
      %parallel_loop3A_581 = arith.index_cast %parallel_loop3A_580 : i32 to index
      %parallel_loop3A_582 = tpu.vector_load %arg4[%parallel_loop3A_581] {strides = array<i32>} : memref<32768xf32, #tpu.memory_space<vmem>>, vector<16xf32>,
      %parallel_loop3A_583 = tpu.bitcast %parallel_loop3A_582 : vector<16xf32> -> vector<16xi32>
      %parallel_loop3A_584 = arith.constant 31 : i32
      %parallel_loop3A_585 = vector.broadcast %parallel_loop3A_584 : i32 to vector<16xi32>
      %parallel_loop3A_586 = arith.shrsi %parallel_loop3A_583, %parallel_loop3A_585 : vector<16xi32>
      %parallel_loop3A_587 = arith.constant 2147483647 : i32
      %parallel_loop3A_588 = vector.broadcast %parallel_loop3A_587 : i32 to vector<16xi32>
      %parallel_loop3A_589 = arith.andi %parallel_loop3A_586, %parallel_loop3A_588 : vector<16xi32>
      %parallel_loop3A_590 = arith.xori %parallel_loop3A_583, %parallel_loop3A_589 : vector<16xi32>
      %parallel_loop3A_591 = arith.constant 21 : i32
      %parallel_loop3A_592 = vector.broadcast %parallel_loop3A_591 : i32 to vector<16xi32>
      %parallel_loop3A_593 = arith.shrsi %parallel_loop3A_590, %parallel_loop3A_592 : vector<16xi32>
      %parallel_loop3A_594 = arith.constant 1024 : i32
      %parallel_loop3A_595 = vector.broadcast %parallel_loop3A_594 : i32 to vector<16xi32>
      %parallel_loop3A_596 = arith.addi %parallel_loop3A_593, %parallel_loop3A_595 : vector<16xi32>
      tpu.vector_store_idx %arg7[%parallel_loop3A_596], %broadcast_in_dim3A_1 {add = true} : memref<2048xi32, #tpu.memory_space<vmem>>[vector<16xi32>], vector<16xi32>,
    } {sc.loop_unroll_factor = 16 : i64, sc.parallel_access}
    %dma_wait3A_202 = arith.constant 0 : i32
    %dma_wait3A_203 = arith.constant 24576 : i32
    %dma_wait3A_204 = tpu.memref_slice %arg4[%dma_wait3A_203] : memref<32768xf32, #tpu.memory_space<vmem>> -> memref<4096xf32, #tpu.memory_space<vmem>>
    %dma_wait3A_205 = arith.constant 24576 : i32
    %dma_wait3A_206 = tpu.memref_slice %arg2[%add3A, %dma_wait3A_205] : memref<32x32768xf32, #tpu.memory_space<hbm>> -> memref<1x4096xf32, #tpu.memory_space<hbm>>
    %dma_wait3A_207 = tpu.memref_squeeze %dma_wait3A_206 : memref<1x4096xf32, #tpu.memory_space<hbm>> -> memref<4096xf32, #tpu.memory_space<hbm>>
    %dma_wait3A_208 = tpu.memref_slice %arg9[%dma_wait3A_202] : memref<2x!tpu.dma_semaphore, #tpu.memory_space<semaphore_mem>> -> memref<1x!tpu.dma_semaphore, #tpu.memory_space<semaphore_mem>>
    %dma_wait3A_209 = tpu.memref_squeeze %dma_wait3A_208 : memref<1x!tpu.dma_semaphore, #tpu.memory_space<semaphore_mem>> -> memref<!tpu.dma_semaphore, #tpu.memory_space<semaphore_mem>>
    %dma_wait3A_210 = arith.constant 24576 : i32
    %dma_wait3A_211 = tpu.memref_slice %arg4[%dma_wait3A_210] : memref<32768xf32, #tpu.memory_space<vmem>> -> memref<4096xf32, #tpu.memory_space<vmem>>
    %dma_wait3A_212 = arith.constant 24576 : i32
    %dma_wait3A_213 = tpu.memref_slice %arg2[%add3A, %dma_wait3A_212] : memref<32x32768xf32, #tpu.memory_space<hbm>> -> memref<1x4096xf32, #tpu.memory_space<hbm>>
    %dma_wait3A_214 = tpu.memref_squeeze %dma_wait3A_213 : memref<1x4096xf32, #tpu.memory_space<hbm>> -> memref<4096xf32, #tpu.memory_space<hbm>>
    tpu.wait_dma2 semaphore(%dma_wait3A_209 : memref<!tpu.dma_semaphore, #tpu.memory_space<semaphore_mem>>) src(%dma_wait3A_214 : memref<4096xf32, #tpu.memory_space<hbm>>) dst(%dma_wait3A_211 : memref<4096xf32, #tpu.memory_space<vmem>>)
    %parallel_loop3A_215 = arith.constant 1536 : i32
    %parallel_loop3A_216 = arith.constant 1792 : i32
    %parallel_loop3A_217 = arith.constant 1 : i32
    scf.for %parallel_loop3A_578 = %parallel_loop3A_215 to %parallel_loop3A_216 step %parallel_loop3A_217  : i32 {
      %parallel_loop3A_579 = arith.constant 16 : i32
      %parallel_loop3A_580 = arith.muli %parallel_loop3A_578, %parallel_loop3A_579 : i32
      %parallel_loop3A_581 = arith.index_cast %parallel_loop3A_580 : i32 to index
      %parallel_loop3A_582 = tpu.vector_load %arg4[%parallel_loop3A_581] {strides = array<i32>} : memref<32768xf32, #tpu.memory_space<vmem>>, vector<16xf32>,
      %parallel_loop3A_583 = tpu.bitcast %parallel_loop3A_582 : vector<16xf32> -> vector<16xi32>
      %parallel_loop3A_584 = arith.constant 31 : i32
      %parallel_loop3A_585 = vector.broadcast %parallel_loop3A_584 : i32 to vector<16xi32>
      %parallel_loop3A_586 = arith.shrsi %parallel_loop3A_583, %parallel_loop3A_585 : vector<16xi32>
      %parallel_loop3A_587 = arith.constant 2147483647 : i32
      %parallel_loop3A_588 = vector.broadcast %parallel_loop3A_587 : i32 to vector<16xi32>
      %parallel_loop3A_589 = arith.andi %parallel_loop3A_586, %parallel_loop3A_588 : vector<16xi32>
      %parallel_loop3A_590 = arith.xori %parallel_loop3A_583, %parallel_loop3A_589 : vector<16xi32>
      %parallel_loop3A_591 = arith.constant 21 : i32
      %parallel_loop3A_592 = vector.broadcast %parallel_loop3A_591 : i32 to vector<16xi32>
      %parallel_loop3A_593 = arith.shrsi %parallel_loop3A_590, %parallel_loop3A_592 : vector<16xi32>
      %parallel_loop3A_594 = arith.constant 1024 : i32
      %parallel_loop3A_595 = vector.broadcast %parallel_loop3A_594 : i32 to vector<16xi32>
      %parallel_loop3A_596 = arith.addi %parallel_loop3A_593, %parallel_loop3A_595 : vector<16xi32>
      tpu.vector_store_idx %arg7[%parallel_loop3A_596], %broadcast_in_dim3A_1 {add = true} : memref<2048xi32, #tpu.memory_space<vmem>>[vector<16xi32>], vector<16xi32>,
    } {sc.loop_unroll_factor = 16 : i64, sc.parallel_access}
    %dma_wait3A_218 = arith.constant 1 : i32
    %dma_wait3A_219 = arith.constant 28672 : i32
    %dma_wait3A_220 = tpu.memref_slice %arg4[%dma_wait3A_219] : memref<32768xf32, #tpu.memory_space<vmem>> -> memref<4096xf32, #tpu.memory_space<vmem>>
    %dma_wait3A_221 = arith.constant 28672 : i32
    %dma_wait3A_222 = tpu.memref_slice %arg2[%add3A, %dma_wait3A_221] : memref<32x32768xf32, #tpu.memory_space<hbm>> -> memref<1x4096xf32, #tpu.memory_space<hbm>>
    %dma_wait3A_223 = tpu.memref_squeeze %dma_wait3A_222 : memref<1x4096xf32, #tpu.memory_space<hbm>> -> memref<4096xf32, #tpu.memory_space<hbm>>
    %dma_wait3A_224 = tpu.memref_slice %arg9[%dma_wait3A_218] : memref<2x!tpu.dma_semaphore, #tpu.memory_space<semaphore_mem>> -> memref<1x!tpu.dma_semaphore, #tpu.memory_space<semaphore_mem>>
    %dma_wait3A_225 = tpu.memref_squeeze %dma_wait3A_224 : memref<1x!tpu.dma_semaphore, #tpu.memory_space<semaphore_mem>> -> memref<!tpu.dma_semaphore, #tpu.memory_space<semaphore_mem>>
    %dma_wait3A_226 = arith.constant 28672 : i32
    %dma_wait3A_227 = tpu.memref_slice %arg4[%dma_wait3A_226] : memref<32768xf32, #tpu.memory_space<vmem>> -> memref<4096xf32, #tpu.memory_space<vmem>>
    %dma_wait3A_228 = arith.constant 28672 : i32
    %dma_wait3A_229 = tpu.memref_slice %arg2[%add3A, %dma_wait3A_228] : memref<32x32768xf32, #tpu.memory_space<hbm>> -> memref<1x4096xf32, #tpu.memory_space<hbm>>
    %dma_wait3A_230 = tpu.memref_squeeze %dma_wait3A_229 : memref<1x4096xf32, #tpu.memory_space<hbm>> -> memref<4096xf32, #tpu.memory_space<hbm>>
    tpu.wait_dma2 semaphore(%dma_wait3A_225 : memref<!tpu.dma_semaphore, #tpu.memory_space<semaphore_mem>>) src(%dma_wait3A_230 : memref<4096xf32, #tpu.memory_space<hbm>>) dst(%dma_wait3A_227 : memref<4096xf32, #tpu.memory_space<vmem>>)
    %parallel_loop3A_231 = arith.constant 1792 : i32
    %parallel_loop3A_232 = arith.constant 2048 : i32
    %parallel_loop3A_233 = arith.constant 1 : i32
    scf.for %parallel_loop3A_578 = %parallel_loop3A_231 to %parallel_loop3A_232 step %parallel_loop3A_233  : i32 {
      %parallel_loop3A_579 = arith.constant 16 : i32
      %parallel_loop3A_580 = arith.muli %parallel_loop3A_578, %parallel_loop3A_579 : i32
      %parallel_loop3A_581 = arith.index_cast %parallel_loop3A_580 : i32 to index
      %parallel_loop3A_582 = tpu.vector_load %arg4[%parallel_loop3A_581] {strides = array<i32>} : memref<32768xf32, #tpu.memory_space<vmem>>, vector<16xf32>,
      %parallel_loop3A_583 = tpu.bitcast %parallel_loop3A_582 : vector<16xf32> -> vector<16xi32>
      %parallel_loop3A_584 = arith.constant 31 : i32
      %parallel_loop3A_585 = vector.broadcast %parallel_loop3A_584 : i32 to vector<16xi32>
      %parallel_loop3A_586 = arith.shrsi %parallel_loop3A_583, %parallel_loop3A_585 : vector<16xi32>
      %parallel_loop3A_587 = arith.constant 2147483647 : i32
      %parallel_loop3A_588 = vector.broadcast %parallel_loop3A_587 : i32 to vector<16xi32>
      %parallel_loop3A_589 = arith.andi %parallel_loop3A_586, %parallel_loop3A_588 : vector<16xi32>
      %parallel_loop3A_590 = arith.xori %parallel_loop3A_583, %parallel_loop3A_589 : vector<16xi32>
      %parallel_loop3A_591 = arith.constant 21 : i32
      %parallel_loop3A_592 = vector.broadcast %parallel_loop3A_591 : i32 to vector<16xi32>
      %parallel_loop3A_593 = arith.shrsi %parallel_loop3A_590, %parallel_loop3A_592 : vector<16xi32>
      %parallel_loop3A_594 = arith.constant 1024 : i32
      %parallel_loop3A_595 = vector.broadcast %parallel_loop3A_594 : i32 to vector<16xi32>
      %parallel_loop3A_596 = arith.addi %parallel_loop3A_593, %parallel_loop3A_595 : vector<16xi32>
      tpu.vector_store_idx %arg7[%parallel_loop3A_596], %broadcast_in_dim3A_1 {add = true} : memref<2048xi32, #tpu.memory_space<vmem>>[vector<16xi32>], vector<16xi32>,
    } {sc.loop_unroll_factor = 16 : i64, sc.parallel_access}
    %broadcast_in_dim3A_234 = arith.constant 0 : i32
    %broadcast_in_dim3A_235 = vector.broadcast %broadcast_in_dim3A_234 : i32 to vector<16xi32>
    %broadcast_in_dim3A_236 = arith.constant -1 : i32
    %broadcast_in_dim3A_237 = vector.broadcast %broadcast_in_dim3A_236 : i32 to vector<16xi32>
    %parallel_loop3A_238 = arith.constant 0 : i32
    %parallel_loop3A_239 = arith.constant 128 : i32
    %parallel_loop3A_240 = arith.constant 1 : i32
    %parallel_loop3A_241:2 = scf.for %parallel_loop3A_578 = %parallel_loop3A_238 to %parallel_loop3A_239 step %parallel_loop3A_240 iter_args(%parallel_loop3A_579 = %broadcast_in_dim3A_237, %parallel_loop3A_580 = %broadcast_in_dim3A_235) -> (vector<16xi32>, vector<16xi32>)  : i32 {
      %parallel_loop3A_581 = arith.constant 127 : i32
      %parallel_loop3A_582 = arith.subi %parallel_loop3A_581, %parallel_loop3A_578 : i32
      %parallel_loop3A_583 = arith.constant 16 : i32
      %parallel_loop3A_584 = arith.muli %parallel_loop3A_582, %parallel_loop3A_583 : i32
      %parallel_loop3A_585 = arith.index_cast %parallel_loop3A_584 : i32 to index
      %parallel_loop3A_586 = tpu.vector_load %arg7[%parallel_loop3A_585] {strides = array<i32>} : memref<2048xi32, #tpu.memory_space<vmem>>, vector<16xi32>,
      %parallel_loop3A_587 = arith.constant true
      %parallel_loop3A_588 = vector.broadcast %parallel_loop3A_587 : i1 to vector<16xi1>
      %parallel_loop3A_589 = tpu.scan <sum>, %parallel_loop3A_580 masked %parallel_loop3A_588 : vector<16xi32>, vector<16xi1> -> vector<16xi32>
      %parallel_loop3A_590 = vector.extract %parallel_loop3A_589[15] : i32 from vector<16xi32>
      %parallel_loop3A_591 = arith.constant 15 : i32
      %parallel_loop3A_592 = vector.broadcast %parallel_loop3A_591 : i32 to vector<16xi32>
      %parallel_loop3A_593 = tpu.iota {dimensions = array<i32: 0>} : vector<16xi32>
      %parallel_loop3A_594 = arith.subi %parallel_loop3A_592, %parallel_loop3A_593 : vector<16xi32>
      %parallel_loop3A_595 = tpu.dynamic_gather %parallel_loop3A_586[%parallel_loop3A_594] in [0] : vector<16xi32>, vector<16xi32> -> vector<16xi32>
      %parallel_loop3A_596 = arith.constant true
      %parallel_loop3A_597 = vector.broadcast %parallel_loop3A_596 : i1 to vector<16xi1>
      %parallel_loop3A_598 = tpu.scan <sum>, %parallel_loop3A_595 masked %parallel_loop3A_597 : vector<16xi32>, vector<16xi1> -> vector<16xi32>
      %parallel_loop3A_599 = arith.constant 15 : i32
      %parallel_loop3A_600 = vector.broadcast %parallel_loop3A_599 : i32 to vector<16xi32>
      %parallel_loop3A_601 = tpu.iota {dimensions = array<i32: 0>} : vector<16xi32>
      %parallel_loop3A_602 = arith.subi %parallel_loop3A_600, %parallel_loop3A_601 : vector<16xi32>
      %parallel_loop3A_603 = tpu.dynamic_gather %parallel_loop3A_598[%parallel_loop3A_602] in [0] : vector<16xi32>, vector<16xi32> -> vector<16xi32>
      %parallel_loop3A_604 = vector.broadcast %parallel_loop3A_590 : i32 to vector<16xi32>
      %parallel_loop3A_605 = arith.addi %parallel_loop3A_603, %parallel_loop3A_604 : vector<16xi32>
      %parallel_loop3A_606 = arith.constant 256 : i32
      %parallel_loop3A_607 = vector.broadcast %parallel_loop3A_606 : i32 to vector<16xi32>
      %parallel_loop3A_608 = arith.cmpi sge, %parallel_loop3A_605, %parallel_loop3A_607 : vector<16xi32>
      %parallel_loop3A_609 = arith.constant 16 : i32
      %parallel_loop3A_610 = arith.muli %parallel_loop3A_582, %parallel_loop3A_609 : i32
      %parallel_loop3A_611 = tpu.iota {dimensions = array<i32: 0>} : vector<16xi32>
      %parallel_loop3A_612 = vector.broadcast %parallel_loop3A_610 : i32 to vector<16xi32>
      %parallel_loop3A_613 = arith.addi %parallel_loop3A_612, %parallel_loop3A_611 : vector<16xi32>
      %parallel_loop3A_614 = arith.constant -1 : i32
      %parallel_loop3A_615 = vector.broadcast %parallel_loop3A_614 : i32 to vector<16xi32>
      %parallel_loop3A_616 = arith.select %parallel_loop3A_608, %parallel_loop3A_613, %parallel_loop3A_615 : vector<16xi1>, vector<16xi32>
      %parallel_loop3A_617 = arith.maxsi %parallel_loop3A_579, %parallel_loop3A_616 : vector<16xi32>
      %parallel_loop3A_618 = arith.addi %parallel_loop3A_580, %parallel_loop3A_586 : vector<16xi32>
      scf.yield %parallel_loop3A_617, %parallel_loop3A_618 : vector<16xi32>, vector<16xi32>
    } {sc.loop_unroll_factor = 4 : i64, sc.parallel_access}
    %reduce_max3A = arith.constant true
    %reduce_max3A_242 = vector.broadcast %reduce_max3A : i1 to vector<16xi1>
    %reduce_max3A_243 = arith.constant -2147483648 : i32
    %reduce_max3A_244 = vector.broadcast %reduce_max3A_243 : i32 to vector<16xi32>
    %reduce_max3A_245 = arith.xori %parallel_loop3A_241#0, %reduce_max3A_244 : vector<16xi32>
    %reduce_max3A_246 = tpu.scan <max>, %reduce_max3A_245 masked %reduce_max3A_242 : vector<16xi32>, vector<16xi1> -> vector<16xi32>
    %reduce_max3A_247 = arith.xori %reduce_max3A_246, %reduce_max3A_244 : vector<16xi32>
    %reduce_max3A_248 = vector.extract %reduce_max3A_247[15] : i32 from vector<16xi32>
    %parallel_loop3A_249 = arith.constant 0 : i32
    %parallel_loop3A_250 = arith.constant 128 : i32
    %parallel_loop3A_251 = arith.constant 1 : i32
    %parallel_loop3A_252 = scf.for %parallel_loop3A_578 = %parallel_loop3A_249 to %parallel_loop3A_250 step %parallel_loop3A_251 iter_args(%parallel_loop3A_579 = %broadcast_in_dim3A_235) -> (vector<16xi32>)  : i32 {
      %parallel_loop3A_580 = arith.constant 16 : i32
      %parallel_loop3A_581 = arith.muli %parallel_loop3A_578, %parallel_loop3A_580 : i32
      %parallel_loop3A_582 = arith.index_cast %parallel_loop3A_581 : i32 to index
      %parallel_loop3A_583 = tpu.vector_load %arg7[%parallel_loop3A_582] {strides = array<i32>} : memref<2048xi32, #tpu.memory_space<vmem>>, vector<16xi32>,
      %parallel_loop3A_584 = arith.constant 16 : i32
      %parallel_loop3A_585 = arith.muli %parallel_loop3A_578, %parallel_loop3A_584 : i32
      %parallel_loop3A_586 = tpu.iota {dimensions = array<i32: 0>} : vector<16xi32>
      %parallel_loop3A_587 = vector.broadcast %parallel_loop3A_585 : i32 to vector<16xi32>
      %parallel_loop3A_588 = arith.addi %parallel_loop3A_587, %parallel_loop3A_586 : vector<16xi32>
      %parallel_loop3A_589 = vector.broadcast %reduce_max3A_248 : i32 to vector<16xi32>
      %parallel_loop3A_590 = arith.cmpi sgt, %parallel_loop3A_588, %parallel_loop3A_589 : vector<16xi32>
      %parallel_loop3A_591 = arith.constant 0 : i32
      %parallel_loop3A_592 = vector.broadcast %parallel_loop3A_591 : i32 to vector<16xi32>
      %parallel_loop3A_593 = arith.select %parallel_loop3A_590, %parallel_loop3A_583, %parallel_loop3A_592 : vector<16xi1>, vector<16xi32>
      %parallel_loop3A_594 = arith.addi %parallel_loop3A_579, %parallel_loop3A_593 : vector<16xi32>
      scf.yield %parallel_loop3A_594 : vector<16xi32>
    } {sc.loop_unroll_factor = 4 : i64, sc.parallel_access}
    %reduce_sum3A = arith.constant true
    %reduce_sum3A_253 = vector.broadcast %reduce_sum3A : i1 to vector<16xi1>
    %reduce_sum3A_254 = tpu.scan <sum>, %parallel_loop3A_252 masked %reduce_sum3A_253 : vector<16xi32>, vector<16xi1> -> vector<16xi32>
    %reduce_sum3A_255 = vector.extract %reduce_sum3A_254[15] : i32 from vector<16xi32>
    %sub3A = arith.constant 256 : i32
    %sub3A_256 = arith.subi %sub3A, %reduce_sum3A_255 : i32
    %broadcast_in_dim3A_257 = arith.constant 0 : i32
    %broadcast_in_dim3A_258 = vector.broadcast %broadcast_in_dim3A_257 : i32 to vector<16xi32>
    %parallel_loop3A_259 = arith.constant 0 : i32
    %parallel_loop3A_260 = arith.constant 2048 : i32
    %parallel_loop3A_261 = arith.constant 1 : i32
    %parallel_loop3A_262 = scf.for %parallel_loop3A_578 = %parallel_loop3A_259 to %parallel_loop3A_260 step %parallel_loop3A_261 iter_args(%parallel_loop3A_579 = %broadcast_in_dim3A_258) -> (vector<16xi32>)  : i32 {
      %parallel_loop3A_580 = arith.constant 16 : i32
      %parallel_loop3A_581 = arith.muli %parallel_loop3A_578, %parallel_loop3A_580 : i32
      %parallel_loop3A_582 = arith.index_cast %parallel_loop3A_581 : i32 to index
      %parallel_loop3A_583 = tpu.vector_load %arg4[%parallel_loop3A_582] {strides = array<i32>} : memref<32768xf32, #tpu.memory_space<vmem>>, vector<16xf32>,
      %parallel_loop3A_584 = tpu.bitcast %parallel_loop3A_583 : vector<16xf32> -> vector<16xi32>
      %parallel_loop3A_585 = arith.constant 31 : i32
      %parallel_loop3A_586 = vector.broadcast %parallel_loop3A_585 : i32 to vector<16xi32>
      %parallel_loop3A_587 = arith.shrsi %parallel_loop3A_584, %parallel_loop3A_586 : vector<16xi32>
      %parallel_loop3A_588 = arith.constant 2147483647 : i32
      %parallel_loop3A_589 = vector.broadcast %parallel_loop3A_588 : i32 to vector<16xi32>
      %parallel_loop3A_590 = arith.andi %parallel_loop3A_587, %parallel_loop3A_589 : vector<16xi32>
      %parallel_loop3A_591 = arith.xori %parallel_loop3A_584, %parallel_loop3A_590 : vector<16xi32>
      %parallel_loop3A_592 = arith.constant 21 : i32
      %parallel_loop3A_593 = vector.broadcast %parallel_loop3A_592 : i32 to vector<16xi32>
      %parallel_loop3A_594 = arith.shrsi %parallel_loop3A_591, %parallel_loop3A_593 : vector<16xi32>
      %parallel_loop3A_595 = arith.constant 1024 : i32
      %parallel_loop3A_596 = vector.broadcast %parallel_loop3A_595 : i32 to vector<16xi32>
      %parallel_loop3A_597 = arith.addi %parallel_loop3A_594, %parallel_loop3A_596 : vector<16xi32>
      %parallel_loop3A_598 = vector.broadcast %reduce_max3A_248 : i32 to vector<16xi32>
      %parallel_loop3A_599 = arith.cmpi eq, %parallel_loop3A_597, %parallel_loop3A_598 : vector<16xi32>
      %parallel_loop3A_600 = arith.extui %parallel_loop3A_599 : vector<16xi1> to vector<16xi32>
      %parallel_loop3A_601 = arith.constant true
      %parallel_loop3A_602 = vector.broadcast %parallel_loop3A_601 : i1 to vector<16xi1>
      %parallel_loop3A_603 = tpu.scan <sum>, %parallel_loop3A_600 masked %parallel_loop3A_602 : vector<16xi32>, vector<16xi1> -> vector<16xi32>
      %parallel_loop3A_604 = arith.addi %parallel_loop3A_579, %parallel_loop3A_603 : vector<16xi32>
      %parallel_loop3A_605 = arith.subi %parallel_loop3A_604, %parallel_loop3A_600 : vector<16xi32>
      %parallel_loop3A_606 = arith.constant 0 : i32
      %parallel_loop3A_607 = vector.broadcast %parallel_loop3A_606 : i32 to vector<16xi32>
      %parallel_loop3A_608 = arith.select %parallel_loop3A_599, %parallel_loop3A_605, %parallel_loop3A_607 : vector<16xi1>, vector<16xi32>
      tpu.vector_store_idx %arg5[%parallel_loop3A_608], %parallel_loop3A_591 masked %parallel_loop3A_599 : memref<32768xi32, #tpu.memory_space<vmem>>[vector<16xi32>], vector<16xi32>, vector<16xi1>
      %parallel_loop3A_609 = arith.constant 0 : i32
      %parallel_loop3A_610 = vector.broadcast %parallel_loop3A_609 : i32 to vector<16xi32>
      %parallel_loop3A_611 = arith.select %parallel_loop3A_599, %parallel_loop3A_605, %parallel_loop3A_610 : vector<16xi1>, vector<16xi32>
      %parallel_loop3A_612 = arith.constant 16 : i32
      %parallel_loop3A_613 = arith.muli %parallel_loop3A_578, %parallel_loop3A_612 : i32
      %parallel_loop3A_614 = vector.broadcast %parallel_loop3A_613 : i32 to vector<16xi32>
      %parallel_loop3A_615 = arith.addi %parallel_loop3A_614, %iota3A : vector<16xi32>
      tpu.vector_store_idx %arg6[%parallel_loop3A_611], %parallel_loop3A_615 masked %parallel_loop3A_599 : memref<32768xi32, #tpu.memory_space<vmem>>[vector<16xi32>], vector<16xi32>, vector<16xi1>
      %parallel_loop3A_616 = tpu.all_reduce %parallel_loop3A_599 {dim = 0 : i64, kind = #tpu.reduction_kind<sum>} : vector<16xi1> -> vector<16xi32>
      %parallel_loop3A_617 = arith.addi %parallel_loop3A_579, %parallel_loop3A_616 : vector<16xi32>
      scf.yield %parallel_loop3A_617 : vector<16xi32>
    } {sc.loop_unroll_factor = 8 : i64, sc.parallel_access}
    %iota3A_263 = tpu.iota {dimensions = array<i32: 0>} : vector<16xi32>
    %broadcast_in_dim3A_264 = arith.constant 1 : i32
    %broadcast_in_dim3A_265 = vector.broadcast %broadcast_in_dim3A_264 : i32 to vector<16xi32>
    %reduce_max3A_266 = arith.constant true
    %reduce_max3A_267 = vector.broadcast %reduce_max3A_266 : i1 to vector<16xi1>
    %reduce_max3A_268 = arith.constant -2147483648 : i32
    %reduce_max3A_269 = vector.broadcast %reduce_max3A_268 : i32 to vector<16xi32>
    %reduce_max3A_270 = arith.xori %parallel_loop3A_262, %reduce_max3A_269 : vector<16xi32>
    %reduce_max3A_271 = tpu.scan <max>, %reduce_max3A_270 masked %reduce_max3A_267 : vector<16xi32>, vector<16xi1> -> vector<16xi32>
    %reduce_max3A_272 = arith.xori %reduce_max3A_271, %reduce_max3A_269 : vector<16xi32>
    %reduce_max3A_273 = vector.extract %reduce_max3A_272[15] : i32 from vector<16xi32>
    %add3A_274 = arith.constant 16 : i32
    %add3A_275 = arith.addi %reduce_max3A_273, %add3A_274 : i32
    %sub3A_276 = arith.constant 1 : i32
    %sub3A_277 = arith.subi %add3A_275, %sub3A_276 : i32
    %jit3A = arith.constant 16 : i32
    %div3A = arith.divsi %sub3A_277, %jit3A : i32
    %sign3A = arith.constant 0 : i32
    %sign3A_278 = arith.cmpi sgt, %sub3A_277, %sign3A : i32
    %sign3A_279 = arith.extui %sign3A_278 : i1 to i32
    %sign3A_280 = arith.constant 0 : i32
    %sign3A_281 = arith.cmpi slt, %sub3A_277, %sign3A_280 : i32
    %sign3A_282 = arith.extui %sign3A_281 : i1 to i32
    %sign3A_283 = arith.subi %sign3A_279, %sign3A_282 : i32
    %sign3A_284 = arith.constant 0 : i32
    %sign3A_285 = arith.cmpi sgt, %jit3A, %sign3A_284 : i32
    %sign3A_286 = arith.extui %sign3A_285 : i1 to i32
    %sign3A_287 = arith.constant 0 : i32
    %sign3A_288 = arith.cmpi slt, %jit3A, %sign3A_287 : i32
    %sign3A_289 = arith.extui %sign3A_288 : i1 to i32
    %sign3A_290 = arith.subi %sign3A_286, %sign3A_289 : i32
    %ne3A = arith.cmpi ne, %sign3A_283, %sign3A_290 : i32
    %rem3A = arith.remsi %sub3A_277, %jit3A : i32
    %ne3A_291 = arith.constant 0 : i32
    %ne3A_292 = arith.cmpi ne, %rem3A, %ne3A_291 : i32
    %and3A = arith.andi %ne3A, %ne3A_292 : i1
    %sub3A_293 = arith.constant 1 : i32
    %sub3A_294 = arith.subi %div3A, %sub3A_293 : i32
    %select_n3A = arith.select %and3A, %sub3A_294, %div3A : i32
    %parallel_loop3A_295 = arith.constant 0 : i32
    %parallel_loop3A_296 = arith.constant 16 : i32
    %parallel_loop3A_297 = arith.constant 1 : i32
    scf.for %parallel_loop3A_578 = %parallel_loop3A_295 to %parallel_loop3A_296 step %parallel_loop3A_297  : i32 {
      %parallel_loop3A_579 = arith.constant 0 : i32
      %parallel_loop3A_580 = vector.broadcast %parallel_loop3A_579 : i32 to vector<16xi32>
      %parallel_loop3A_581 = arith.constant 16 : i32
      %parallel_loop3A_582 = arith.muli %parallel_loop3A_578, %parallel_loop3A_581 : i32
      %parallel_loop3A_583 = arith.index_cast %parallel_loop3A_582 : i32 to index
      %parallel_loop3A_584 = tpu.vector_load %arg7[%parallel_loop3A_583] {strides = array<i32>} : memref<2048xi32, #tpu.memory_space<vmem>>, vector<16xi32>,
      tpu.vector_store %arg7[%parallel_loop3A_583], %parallel_loop3A_580 {strides = array<i32>} : memref<2048xi32, #tpu.memory_space<vmem>>, vector<16xi32>,
    } {sc.loop_unroll_factor = 4 : i64, sc.parallel_access}
    %while3A = arith.constant 0 : i32
    %while3A_298 = arith.constant 0 : i32
    %while3A_299 = arith.subi %select_n3A, %while3A : i32
    %while3A_300 = arith.addi %while3A, %while3A_299 : i32
    %while3A_301 = arith.constant 1 : i32
    %while3A_302 = arith.divsi %while3A_299, %while3A_301 : i32
    %while3A_303 = arith.muli %while3A_302, %while3A_301 : i32
    %while3A_304 = arith.addi %while3A, %while3A_303 : i32
    %while3A_305 = arith.constant 1 : i32
    %while3A_306 = scf.for %while3A_578 = %while3A to %while3A_304 step %while3A_305 iter_args(%while3A_579 = %while3A_298) -> (i32)  : i32 {
      %mul3A_580 = arith.constant 16 : i32
      %mul3A_581 = arith.muli %while3A_578, %mul3A_580 : i32
      %get3A = arith.index_cast %mul3A_581 : i32 to index
      %get3A_582 = tpu.vector_load %arg5[%get3A] {strides = array<i32>} : memref<32768xi32, #tpu.memory_space<vmem>>, vector<16xi32>,
      %mul3A_583 = arith.constant 16 : i32
      %mul3A_584 = arith.muli %while3A_578, %mul3A_583 : i32
      %add3A_585 = vector.broadcast %mul3A_584 : i32 to vector<16xi32>
      %add3A_586 = arith.addi %add3A_585, %iota3A_263 : vector<16xi32>
      %lt3A = arith.cmpi slt, %add3A_586, %parallel_loop3A_262 : vector<16xi32>
      %shift_right_arithmetic3A = arith.constant 13 : i32
      %shift_right_arithmetic3A_587 = vector.broadcast %shift_right_arithmetic3A : i32 to vector<16xi32>
      %shift_right_arithmetic3A_588 = arith.shrsi %get3A_582, %shift_right_arithmetic3A_587 : vector<16xi32>
      %and3A_589 = arith.constant 255 : i32
      %and3A_590 = vector.broadcast %and3A_589 : i32 to vector<16xi32>
      %and3A_591 = arith.andi %shift_right_arithmetic3A_588, %and3A_590 : vector<16xi32>
      tpu.vector_store_idx %arg7[%and3A_591], %broadcast_in_dim3A_265 masked %lt3A {add = true} : memref<2048xi32, #tpu.memory_space<vmem>>[vector<16xi32>], vector<16xi32>, vector<16xi1>
      %while3A_592 = arith.constant 0 : i32
      scf.yield %while3A_592 : i32
    }
    %while3A_307 = arith.constant 1 : i32
    %while3A_308 = scf.for %while3A_578 = %while3A_304 to %while3A_300 step %while3A_307 iter_args(%while3A_579 = %while3A_306) -> (i32)  : i32 {
      %mul3A_580 = arith.constant 16 : i32
      %mul3A_581 = arith.muli %while3A_578, %mul3A_580 : i32
      %get3A = arith.index_cast %mul3A_581 : i32 to index
      %get3A_582 = tpu.vector_load %arg5[%get3A] {strides = array<i32>} : memref<32768xi32, #tpu.memory_space<vmem>>, vector<16xi32>,
      %mul3A_583 = arith.constant 16 : i32
      %mul3A_584 = arith.muli %while3A_578, %mul3A_583 : i32
      %add3A_585 = vector.broadcast %mul3A_584 : i32 to vector<16xi32>
      %add3A_586 = arith.addi %add3A_585, %iota3A_263 : vector<16xi32>
      %lt3A = arith.cmpi slt, %add3A_586, %parallel_loop3A_262 : vector<16xi32>
      %shift_right_arithmetic3A = arith.constant 13 : i32
      %shift_right_arithmetic3A_587 = vector.broadcast %shift_right_arithmetic3A : i32 to vector<16xi32>
      %shift_right_arithmetic3A_588 = arith.shrsi %get3A_582, %shift_right_arithmetic3A_587 : vector<16xi32>
      %and3A_589 = arith.constant 255 : i32
      %and3A_590 = vector.broadcast %and3A_589 : i32 to vector<16xi32>
      %and3A_591 = arith.andi %shift_right_arithmetic3A_588, %and3A_590 : vector<16xi32>
      tpu.vector_store_idx %arg7[%and3A_591], %broadcast_in_dim3A_265 masked %lt3A {add = true} : memref<2048xi32, #tpu.memory_space<vmem>>[vector<16xi32>], vector<16xi32>, vector<16xi1>
      %while3A_592 = arith.constant 0 : i32
      scf.yield %while3A_592 : i32
    }
    %broadcast_in_dim3A_309 = arith.constant 0 : i32
    %broadcast_in_dim3A_310 = vector.broadcast %broadcast_in_dim3A_309 : i32 to vector<16xi32>
    %broadcast_in_dim3A_311 = arith.constant -1 : i32
    %broadcast_in_dim3A_312 = vector.broadcast %broadcast_in_dim3A_311 : i32 to vector<16xi32>
    %parallel_loop3A_313 = arith.constant 0 : i32
    %parallel_loop3A_314 = arith.constant 16 : i32
    %parallel_loop3A_315 = arith.constant 1 : i32
    %parallel_loop3A_316:2 = scf.for %parallel_loop3A_578 = %parallel_loop3A_313 to %parallel_loop3A_314 step %parallel_loop3A_315 iter_args(%parallel_loop3A_579 = %broadcast_in_dim3A_312, %parallel_loop3A_580 = %broadcast_in_dim3A_310) -> (vector<16xi32>, vector<16xi32>)  : i32 {
      %parallel_loop3A_581 = arith.constant 15 : i32
      %parallel_loop3A_582 = arith.subi %parallel_loop3A_581, %parallel_loop3A_578 : i32
      %parallel_loop3A_583 = arith.constant 16 : i32
      %parallel_loop3A_584 = arith.muli %parallel_loop3A_582, %parallel_loop3A_583 : i32
      %parallel_loop3A_585 = arith.index_cast %parallel_loop3A_584 : i32 to index
      %parallel_loop3A_586 = tpu.vector_load %arg7[%parallel_loop3A_585] {strides = array<i32>} : memref<2048xi32, #tpu.memory_space<vmem>>, vector<16xi32>,
      %parallel_loop3A_587 = arith.constant true
      %parallel_loop3A_588 = vector.broadcast %parallel_loop3A_587 : i1 to vector<16xi1>
      %parallel_loop3A_589 = tpu.scan <sum>, %parallel_loop3A_580 masked %parallel_loop3A_588 : vector<16xi32>, vector<16xi1> -> vector<16xi32>
      %parallel_loop3A_590 = vector.extract %parallel_loop3A_589[15] : i32 from vector<16xi32>
      %parallel_loop3A_591 = arith.constant 15 : i32
      %parallel_loop3A_592 = vector.broadcast %parallel_loop3A_591 : i32 to vector<16xi32>
      %parallel_loop3A_593 = tpu.iota {dimensions = array<i32: 0>} : vector<16xi32>
      %parallel_loop3A_594 = arith.subi %parallel_loop3A_592, %parallel_loop3A_593 : vector<16xi32>
      %parallel_loop3A_595 = tpu.dynamic_gather %parallel_loop3A_586[%parallel_loop3A_594] in [0] : vector<16xi32>, vector<16xi32> -> vector<16xi32>
      %parallel_loop3A_596 = arith.constant true
      %parallel_loop3A_597 = vector.broadcast %parallel_loop3A_596 : i1 to vector<16xi1>
      %parallel_loop3A_598 = tpu.scan <sum>, %parallel_loop3A_595 masked %parallel_loop3A_597 : vector<16xi32>, vector<16xi1> -> vector<16xi32>
      %parallel_loop3A_599 = arith.constant 15 : i32
      %parallel_loop3A_600 = vector.broadcast %parallel_loop3A_599 : i32 to vector<16xi32>
      %parallel_loop3A_601 = tpu.iota {dimensions = array<i32: 0>} : vector<16xi32>
      %parallel_loop3A_602 = arith.subi %parallel_loop3A_600, %parallel_loop3A_601 : vector<16xi32>
      %parallel_loop3A_603 = tpu.dynamic_gather %parallel_loop3A_598[%parallel_loop3A_602] in [0] : vector<16xi32>, vector<16xi32> -> vector<16xi32>
      %parallel_loop3A_604 = vector.broadcast %parallel_loop3A_590 : i32 to vector<16xi32>
      %parallel_loop3A_605 = arith.addi %parallel_loop3A_603, %parallel_loop3A_604 : vector<16xi32>
      %parallel_loop3A_606 = vector.broadcast %sub3A_256 : i32 to vector<16xi32>
      %parallel_loop3A_607 = arith.cmpi sge, %parallel_loop3A_605, %parallel_loop3A_606 : vector<16xi32>
      %parallel_loop3A_608 = arith.constant 16 : i32
      %parallel_loop3A_609 = arith.muli %parallel_loop3A_582, %parallel_loop3A_608 : i32
      %parallel_loop3A_610 = tpu.iota {dimensions = array<i32: 0>} : vector<16xi32>
      %parallel_loop3A_611 = vector.broadcast %parallel_loop3A_609 : i32 to vector<16xi32>
      %parallel_loop3A_612 = arith.addi %parallel_loop3A_611, %parallel_loop3A_610 : vector<16xi32>
      %parallel_loop3A_613 = arith.constant -1 : i32
      %parallel_loop3A_614 = vector.broadcast %parallel_loop3A_613 : i32 to vector<16xi32>
      %parallel_loop3A_615 = arith.select %parallel_loop3A_607, %parallel_loop3A_612, %parallel_loop3A_614 : vector<16xi1>, vector<16xi32>
      %parallel_loop3A_616 = arith.maxsi %parallel_loop3A_579, %parallel_loop3A_615 : vector<16xi32>
      %parallel_loop3A_617 = arith.addi %parallel_loop3A_580, %parallel_loop3A_586 : vector<16xi32>
      scf.yield %parallel_loop3A_616, %parallel_loop3A_617 : vector<16xi32>, vector<16xi32>
    } {sc.loop_unroll_factor = 4 : i64, sc.parallel_access}
    %reduce_max3A_317 = arith.constant true
    %reduce_max3A_318 = vector.broadcast %reduce_max3A_317 : i1 to vector<16xi1>
    %reduce_max3A_319 = arith.constant -2147483648 : i32
    %reduce_max3A_320 = vector.broadcast %reduce_max3A_319 : i32 to vector<16xi32>
    %reduce_max3A_321 = arith.xori %parallel_loop3A_316#0, %reduce_max3A_320 : vector<16xi32>
    %reduce_max3A_322 = tpu.scan <max>, %reduce_max3A_321 masked %reduce_max3A_318 : vector<16xi32>, vector<16xi1> -> vector<16xi32>
    %reduce_max3A_323 = arith.xori %reduce_max3A_322, %reduce_max3A_320 : vector<16xi32>
    %reduce_max3A_324 = vector.extract %reduce_max3A_323[15] : i32 from vector<16xi32>
    %parallel_loop3A_325 = arith.constant 0 : i32
    %parallel_loop3A_326 = arith.constant 16 : i32
    %parallel_loop3A_327 = arith.constant 1 : i32
    %parallel_loop3A_328 = scf.for %parallel_loop3A_578 = %parallel_loop3A_325 to %parallel_loop3A_326 step %parallel_loop3A_327 iter_args(%parallel_loop3A_579 = %broadcast_in_dim3A_310) -> (vector<16xi32>)  : i32 {
      %parallel_loop3A_580 = arith.constant 16 : i32
      %parallel_loop3A_581 = arith.muli %parallel_loop3A_578, %parallel_loop3A_580 : i32
      %parallel_loop3A_582 = arith.index_cast %parallel_loop3A_581 : i32 to index
      %parallel_loop3A_583 = tpu.vector_load %arg7[%parallel_loop3A_582] {strides = array<i32>} : memref<2048xi32, #tpu.memory_space<vmem>>, vector<16xi32>,
      %parallel_loop3A_584 = arith.constant 16 : i32
      %parallel_loop3A_585 = arith.muli %parallel_loop3A_578, %parallel_loop3A_584 : i32
      %parallel_loop3A_586 = tpu.iota {dimensions = array<i32: 0>} : vector<16xi32>
      %parallel_loop3A_587 = vector.broadcast %parallel_loop3A_585 : i32 to vector<16xi32>
      %parallel_loop3A_588 = arith.addi %parallel_loop3A_587, %parallel_loop3A_586 : vector<16xi32>
      %parallel_loop3A_589 = vector.broadcast %reduce_max3A_324 : i32 to vector<16xi32>
      %parallel_loop3A_590 = arith.cmpi sgt, %parallel_loop3A_588, %parallel_loop3A_589 : vector<16xi32>
      %parallel_loop3A_591 = arith.constant 0 : i32
      %parallel_loop3A_592 = vector.broadcast %parallel_loop3A_591 : i32 to vector<16xi32>
      %parallel_loop3A_593 = arith.select %parallel_loop3A_590, %parallel_loop3A_583, %parallel_loop3A_592 : vector<16xi1>, vector<16xi32>
      %parallel_loop3A_594 = arith.addi %parallel_loop3A_579, %parallel_loop3A_593 : vector<16xi32>
      scf.yield %parallel_loop3A_594 : vector<16xi32>
    } {sc.loop_unroll_factor = 4 : i64, sc.parallel_access}
    %reduce_sum3A_329 = arith.constant true
    %reduce_sum3A_330 = vector.broadcast %reduce_sum3A_329 : i1 to vector<16xi1>
    %reduce_sum3A_331 = tpu.scan <sum>, %parallel_loop3A_328 masked %reduce_sum3A_330 : vector<16xi32>, vector<16xi1> -> vector<16xi32>
    %reduce_sum3A_332 = vector.extract %reduce_sum3A_331[15] : i32 from vector<16xi32>
    %broadcast_in_dim3A_333 = arith.constant 0 : i32
    %broadcast_in_dim3A_334 = vector.broadcast %broadcast_in_dim3A_333 : i32 to vector<16xi32>
    %while3A_335 = arith.constant 0 : i32
    %while3A_336 = arith.subi %select_n3A, %while3A_335 : i32
    %while3A_337 = arith.addi %while3A_335, %while3A_336 : i32
    %while3A_338 = arith.constant 1 : i32
    %while3A_339 = arith.divsi %while3A_336, %while3A_338 : i32
    %while3A_340 = arith.muli %while3A_339, %while3A_338 : i32
    %while3A_341 = arith.addi %while3A_335, %while3A_340 : i32
    %while3A_342 = arith.constant 1 : i32
    %while3A_343 = scf.for %while3A_578 = %while3A_335 to %while3A_341 step %while3A_342 iter_args(%while3A_579 = %broadcast_in_dim3A_334) -> (vector<16xi32>)  : i32 {
      %mul3A_580 = arith.constant 16 : i32
      %mul3A_581 = arith.muli %while3A_578, %mul3A_580 : i32
      %get3A = arith.index_cast %mul3A_581 : i32 to index
      %get3A_582 = tpu.vector_load %arg5[%get3A] {strides = array<i32>} : memref<32768xi32, #tpu.memory_space<vmem>>, vector<16xi32>,
      %mul3A_583 = arith.constant 16 : i32
      %mul3A_584 = arith.muli %while3A_578, %mul3A_583 : i32
      %get3A_585 = arith.index_cast %mul3A_584 : i32 to index
      %get3A_586 = tpu.vector_load %arg6[%get3A_585] {strides = array<i32>} : memref<32768xi32, #tpu.memory_space<vmem>>, vector<16xi32>,
      %mul3A_587 = arith.constant 16 : i32
      %mul3A_588 = arith.muli %while3A_578, %mul3A_587 : i32
      %add3A_589 = vector.broadcast %mul3A_588 : i32 to vector<16xi32>
      %add3A_590 = arith.addi %add3A_589, %iota3A_263 : vector<16xi32>
      %lt3A = arith.cmpi slt, %add3A_590, %parallel_loop3A_262 : vector<16xi32>
      %shift_right_arithmetic3A = arith.constant 13 : i32
      %shift_right_arithmetic3A_591 = vector.broadcast %shift_right_arithmetic3A : i32 to vector<16xi32>
      %shift_right_arithmetic3A_592 = arith.shrsi %get3A_582, %shift_right_arithmetic3A_591 : vector<16xi32>
      %and3A_593 = arith.constant 255 : i32
      %and3A_594 = vector.broadcast %and3A_593 : i32 to vector<16xi32>
      %and3A_595 = arith.andi %shift_right_arithmetic3A_592, %and3A_594 : vector<16xi32>
      %eq3A_596 = vector.broadcast %reduce_max3A_324 : i32 to vector<16xi32>
      %eq3A_597 = arith.cmpi eq, %and3A_595, %eq3A_596 : vector<16xi32>
      %and3A_598 = arith.andi %lt3A, %eq3A_597 : vector<16xi1>
      %convert_element_type3A = arith.extui %and3A_598 : vector<16xi1> to vector<16xi32>
      %broadcast_in_dim3A_599 = arith.constant true
      %broadcast_in_dim3A_600 = vector.broadcast %broadcast_in_dim3A_599 : i1 to vector<16xi1>
      %masked_cumsum3A = tpu.scan <sum>, %convert_element_type3A masked %broadcast_in_dim3A_600 : vector<16xi32>, vector<16xi1> -> vector<16xi32>
      %add3A_601 = arith.addi %while3A_579, %masked_cumsum3A : vector<16xi32>
      %sub3A_602 = arith.subi %add3A_601, %convert_element_type3A : vector<16xi32>
      %jit3A_603 = arith.constant 0 : i32
      %broadcast_in_dim3A_604 = vector.broadcast %jit3A_603 : i32 to vector<16xi32>
      %select_n3A_605 = arith.select %and3A_598, %sub3A_602, %broadcast_in_dim3A_604 : vector<16xi1>, vector<16xi32>
      tpu.vector_store_idx %arg5[%select_n3A_605], %get3A_582 masked %and3A_598 : memref<32768xi32, #tpu.memory_space<vmem>>[vector<16xi32>], vector<16xi32>, vector<16xi1>
      %jit3A_606 = arith.constant 0 : i32
      %broadcast_in_dim3A_607 = vector.broadcast %jit3A_606 : i32 to vector<16xi32>
      %select_n3A_608 = arith.select %and3A_598, %sub3A_602, %broadcast_in_dim3A_607 : vector<16xi1>, vector<16xi32>
      tpu.vector_store_idx %arg6[%select_n3A_608], %get3A_586 masked %and3A_598 : memref<32768xi32, #tpu.memory_space<vmem>>[vector<16xi32>], vector<16xi32>, vector<16xi1>
      %all_reduce_population_count3A = tpu.all_reduce %and3A_598 {dim = 0 : i64, kind = #tpu.reduction_kind<sum>} : vector<16xi1> -> vector<16xi32>
      %add3A_609 = arith.addi %while3A_579, %all_reduce_population_count3A : vector<16xi32>
      scf.yield %add3A_609 : vector<16xi32>
    }
    %while3A_344 = arith.constant 1 : i32
    %while3A_345 = scf.for %while3A_578 = %while3A_341 to %while3A_337 step %while3A_344 iter_args(%while3A_579 = %while3A_343) -> (vector<16xi32>)  : i32 {
      %mul3A_580 = arith.constant 16 : i32
      %mul3A_581 = arith.muli %while3A_578, %mul3A_580 : i32
      %get3A = arith.index_cast %mul3A_581 : i32 to index
      %get3A_582 = tpu.vector_load %arg5[%get3A] {strides = array<i32>} : memref<32768xi32, #tpu.memory_space<vmem>>, vector<16xi32>,
      %mul3A_583 = arith.constant 16 : i32
      %mul3A_584 = arith.muli %while3A_578, %mul3A_583 : i32
      %get3A_585 = arith.index_cast %mul3A_584 : i32 to index
      %get3A_586 = tpu.vector_load %arg6[%get3A_585] {strides = array<i32>} : memref<32768xi32, #tpu.memory_space<vmem>>, vector<16xi32>,
      %mul3A_587 = arith.constant 16 : i32
      %mul3A_588 = arith.muli %while3A_578, %mul3A_587 : i32
      %add3A_589 = vector.broadcast %mul3A_588 : i32 to vector<16xi32>
      %add3A_590 = arith.addi %add3A_589, %iota3A_263 : vector<16xi32>
      %lt3A = arith.cmpi slt, %add3A_590, %parallel_loop3A_262 : vector<16xi32>
      %shift_right_arithmetic3A = arith.constant 13 : i32
      %shift_right_arithmetic3A_591 = vector.broadcast %shift_right_arithmetic3A : i32 to vector<16xi32>
      %shift_right_arithmetic3A_592 = arith.shrsi %get3A_582, %shift_right_arithmetic3A_591 : vector<16xi32>
      %and3A_593 = arith.constant 255 : i32
      %and3A_594 = vector.broadcast %and3A_593 : i32 to vector<16xi32>
      %and3A_595 = arith.andi %shift_right_arithmetic3A_592, %and3A_594 : vector<16xi32>
      %eq3A_596 = vector.broadcast %reduce_max3A_324 : i32 to vector<16xi32>
      %eq3A_597 = arith.cmpi eq, %and3A_595, %eq3A_596 : vector<16xi32>
      %and3A_598 = arith.andi %lt3A, %eq3A_597 : vector<16xi1>
      %convert_element_type3A = arith.extui %and3A_598 : vector<16xi1> to vector<16xi32>
      %broadcast_in_dim3A_599 = arith.constant true
      %broadcast_in_dim3A_600 = vector.broadcast %broadcast_in_dim3A_599 : i1 to vector<16xi1>
      %masked_cumsum3A = tpu.scan <sum>, %convert_element_type3A masked %broadcast_in_dim3A_600 : vector<16xi32>, vector<16xi1> -> vector<16xi32>
      %add3A_601 = arith.addi %while3A_579, %masked_cumsum3A : vector<16xi32>
      %sub3A_602 = arith.subi %add3A_601, %convert_element_type3A : vector<16xi32>
      %jit3A_603 = arith.constant 0 : i32
      %broadcast_in_dim3A_604 = vector.broadcast %jit3A_603 : i32 to vector<16xi32>
      %select_n3A_605 = arith.select %and3A_598, %sub3A_602, %broadcast_in_dim3A_604 : vector<16xi1>, vector<16xi32>
      tpu.vector_store_idx %arg5[%select_n3A_605], %get3A_582 masked %and3A_598 : memref<32768xi32, #tpu.memory_space<vmem>>[vector<16xi32>], vector<16xi32>, vector<16xi1>
      %jit3A_606 = arith.constant 0 : i32
      %broadcast_in_dim3A_607 = vector.broadcast %jit3A_606 : i32 to vector<16xi32>
      %select_n3A_608 = arith.select %and3A_598, %sub3A_602, %broadcast_in_dim3A_607 : vector<16xi1>, vector<16xi32>
      tpu.vector_store_idx %arg6[%select_n3A_608], %get3A_586 masked %and3A_598 : memref<32768xi32, #tpu.memory_space<vmem>>[vector<16xi32>], vector<16xi32>, vector<16xi1>
      %all_reduce_population_count3A = tpu.all_reduce %and3A_598 {dim = 0 : i64, kind = #tpu.reduction_kind<sum>} : vector<16xi1> -> vector<16xi32>
      %add3A_609 = arith.addi %while3A_579, %all_reduce_population_count3A : vector<16xi32>
      scf.yield %add3A_609 : vector<16xi32>
    }
    %sub3A_346 = arith.subi %sub3A_256, %reduce_sum3A_332 : i32
    %iota3A_347 = tpu.iota {dimensions = array<i32: 0>} : vector<16xi32>
    %broadcast_in_dim3A_348 = arith.constant 1 : i32
    %broadcast_in_dim3A_349 = vector.broadcast %broadcast_in_dim3A_348 : i32 to vector<16xi32>
    %reduce_max3A_350 = arith.constant true
    %reduce_max3A_351 = vector.broadcast %reduce_max3A_350 : i1 to vector<16xi1>
    %reduce_max3A_352 = arith.constant -2147483648 : i32
    %reduce_max3A_353 = vector.broadcast %reduce_max3A_352 : i32 to vector<16xi32>
    %reduce_max3A_354 = arith.xori %while3A_345, %reduce_max3A_353 : vector<16xi32>
    %reduce_max3A_355 = tpu.scan <max>, %reduce_max3A_354 masked %reduce_max3A_351 : vector<16xi32>, vector<16xi1> -> vector<16xi32>
    %reduce_max3A_356 = arith.xori %reduce_max3A_355, %reduce_max3A_353 : vector<16xi32>
    %reduce_max3A_357 = vector.extract %reduce_max3A_356[15] : i32 from vector<16xi32>
    %add3A_358 = arith.constant 16 : i32
    %add3A_359 = arith.addi %reduce_max3A_357, %add3A_358 : i32
    %sub3A_360 = arith.constant 1 : i32
    %sub3A_361 = arith.subi %add3A_359, %sub3A_360 : i32
    %jit3A_362 = arith.constant 16 : i32
    %div3A_363 = arith.divsi %sub3A_361, %jit3A_362 : i32
    %sign3A_364 = arith.constant 0 : i32
    %sign3A_365 = arith.cmpi sgt, %sub3A_361, %sign3A_364 : i32
    %sign3A_366 = arith.extui %sign3A_365 : i1 to i32
    %sign3A_367 = arith.constant 0 : i32
    %sign3A_368 = arith.cmpi slt, %sub3A_361, %sign3A_367 : i32
    %sign3A_369 = arith.extui %sign3A_368 : i1 to i32
    %sign3A_370 = arith.subi %sign3A_366, %sign3A_369 : i32
    %sign3A_371 = arith.constant 0 : i32
    %sign3A_372 = arith.cmpi sgt, %jit3A_362, %sign3A_371 : i32
    %sign3A_373 = arith.extui %sign3A_372 : i1 to i32
    %sign3A_374 = arith.constant 0 : i32
    %sign3A_375 = arith.cmpi slt, %jit3A_362, %sign3A_374 : i32
    %sign3A_376 = arith.extui %sign3A_375 : i1 to i32
    %sign3A_377 = arith.subi %sign3A_373, %sign3A_376 : i32
    %ne3A_378 = arith.cmpi ne, %sign3A_370, %sign3A_377 : i32
    %rem3A_379 = arith.remsi %sub3A_361, %jit3A_362 : i32
    %ne3A_380 = arith.constant 0 : i32
    %ne3A_381 = arith.cmpi ne, %rem3A_379, %ne3A_380 : i32
    %and3A_382 = arith.andi %ne3A_378, %ne3A_381 : i1
    %sub3A_383 = arith.constant 1 : i32
    %sub3A_384 = arith.subi %div3A_363, %sub3A_383 : i32
    %select_n3A_385 = arith.select %and3A_382, %sub3A_384, %div3A_363 : i32
    %parallel_loop3A_386 = arith.constant 0 : i32
    %parallel_loop3A_387 = arith.constant 16 : i32
    %parallel_loop3A_388 = arith.constant 1 : i32
    scf.for %parallel_loop3A_578 = %parallel_loop3A_386 to %parallel_loop3A_387 step %parallel_loop3A_388  : i32 {
      %parallel_loop3A_579 = arith.constant 0 : i32
      %parallel_loop3A_580 = vector.broadcast %parallel_loop3A_579 : i32 to vector<16xi32>
      %parallel_loop3A_581 = arith.constant 16 : i32
      %parallel_loop3A_582 = arith.muli %parallel_loop3A_578, %parallel_loop3A_581 : i32
      %parallel_loop3A_583 = arith.index_cast %parallel_loop3A_582 : i32 to index
      %parallel_loop3A_584 = tpu.vector_load %arg7[%parallel_loop3A_583] {strides = array<i32>} : memref<2048xi32, #tpu.memory_space<vmem>>, vector<16xi32>,
      tpu.vector_store %arg7[%parallel_loop3A_583], %parallel_loop3A_580 {strides = array<i32>} : memref<2048xi32, #tpu.memory_space<vmem>>, vector<16xi32>,
    } {sc.loop_unroll_factor = 4 : i64, sc.parallel_access}
    %while3A_389 = arith.constant 0 : i32
    %while3A_390 = arith.constant 0 : i32
    %while3A_391 = arith.subi %select_n3A_385, %while3A_389 : i32
    %while3A_392 = arith.addi %while3A_389, %while3A_391 : i32
    %while3A_393 = arith.constant 1 : i32
    %while3A_394 = arith.divsi %while3A_391, %while3A_393 : i32
    %while3A_395 = arith.muli %while3A_394, %while3A_393 : i32
    %while3A_396 = arith.addi %while3A_389, %while3A_395 : i32
    %while3A_397 = arith.constant 1 : i32
    %while3A_398 = scf.for %while3A_578 = %while3A_389 to %while3A_396 step %while3A_397 iter_args(%while3A_579 = %while3A_390) -> (i32)  : i32 {
      %mul3A_580 = arith.constant 16 : i32
      %mul3A_581 = arith.muli %while3A_578, %mul3A_580 : i32
      %get3A = arith.index_cast %mul3A_581 : i32 to index
      %get3A_582 = tpu.vector_load %arg5[%get3A] {strides = array<i32>} : memref<32768xi32, #tpu.memory_space<vmem>>, vector<16xi32>,
      %mul3A_583 = arith.constant 16 : i32
      %mul3A_584 = arith.muli %while3A_578, %mul3A_583 : i32
      %add3A_585 = vector.broadcast %mul3A_584 : i32 to vector<16xi32>
      %add3A_586 = arith.addi %add3A_585, %iota3A_347 : vector<16xi32>
      %lt3A = arith.cmpi slt, %add3A_586, %while3A_345 : vector<16xi32>
      %shift_right_arithmetic3A = arith.constant 5 : i32
      %shift_right_arithmetic3A_587 = vector.broadcast %shift_right_arithmetic3A : i32 to vector<16xi32>
      %shift_right_arithmetic3A_588 = arith.shrsi %get3A_582, %shift_right_arithmetic3A_587 : vector<16xi32>
      %and3A_589 = arith.constant 255 : i32
      %and3A_590 = vector.broadcast %and3A_589 : i32 to vector<16xi32>
      %and3A_591 = arith.andi %shift_right_arithmetic3A_588, %and3A_590 : vector<16xi32>
      tpu.vector_store_idx %arg7[%and3A_591], %broadcast_in_dim3A_349 masked %lt3A {add = true} : memref<2048xi32, #tpu.memory_space<vmem>>[vector<16xi32>], vector<16xi32>, vector<16xi1>
      %while3A_592 = arith.constant 0 : i32
      scf.yield %while3A_592 : i32
    }
    %while3A_399 = arith.constant 1 : i32
    %while3A_400 = scf.for %while3A_578 = %while3A_396 to %while3A_392 step %while3A_399 iter_args(%while3A_579 = %while3A_398) -> (i32)  : i32 {
      %mul3A_580 = arith.constant 16 : i32
      %mul3A_581 = arith.muli %while3A_578, %mul3A_580 : i32
      %get3A = arith.index_cast %mul3A_581 : i32 to index
      %get3A_582 = tpu.vector_load %arg5[%get3A] {strides = array<i32>} : memref<32768xi32, #tpu.memory_space<vmem>>, vector<16xi32>,
      %mul3A_583 = arith.constant 16 : i32
      %mul3A_584 = arith.muli %while3A_578, %mul3A_583 : i32
      %add3A_585 = vector.broadcast %mul3A_584 : i32 to vector<16xi32>
      %add3A_586 = arith.addi %add3A_585, %iota3A_347 : vector<16xi32>
      %lt3A = arith.cmpi slt, %add3A_586, %while3A_345 : vector<16xi32>
      %shift_right_arithmetic3A = arith.constant 5 : i32
      %shift_right_arithmetic3A_587 = vector.broadcast %shift_right_arithmetic3A : i32 to vector<16xi32>
      %shift_right_arithmetic3A_588 = arith.shrsi %get3A_582, %shift_right_arithmetic3A_587 : vector<16xi32>
      %and3A_589 = arith.constant 255 : i32
      %and3A_590 = vector.broadcast %and3A_589 : i32 to vector<16xi32>
      %and3A_591 = arith.andi %shift_right_arithmetic3A_588, %and3A_590 : vector<16xi32>
      tpu.vector_store_idx %arg7[%and3A_591], %broadcast_in_dim3A_349 masked %lt3A {add = true} : memref<2048xi32, #tpu.memory_space<vmem>>[vector<16xi32>], vector<16xi32>, vector<16xi1>
      %while3A_592 = arith.constant 0 : i32
      scf.yield %while3A_592 : i32
    }
    %broadcast_in_dim3A_401 = arith.constant 0 : i32
    %broadcast_in_dim3A_402 = vector.broadcast %broadcast_in_dim3A_401 : i32 to vector<16xi32>
    %broadcast_in_dim3A_403 = arith.constant -1 : i32
    %broadcast_in_dim3A_404 = vector.broadcast %broadcast_in_dim3A_403 : i32 to vector<16xi32>
    %parallel_loop3A_405 = arith.constant 0 : i32
    %parallel_loop3A_406 = arith.constant 16 : i32
    %parallel_loop3A_407 = arith.constant 1 : i32
    %parallel_loop3A_408:2 = scf.for %parallel_loop3A_578 = %parallel_loop3A_405 to %parallel_loop3A_406 step %parallel_loop3A_407 iter_args(%parallel_loop3A_579 = %broadcast_in_dim3A_404, %parallel_loop3A_580 = %broadcast_in_dim3A_402) -> (vector<16xi32>, vector<16xi32>)  : i32 {
      %parallel_loop3A_581 = arith.constant 15 : i32
      %parallel_loop3A_582 = arith.subi %parallel_loop3A_581, %parallel_loop3A_578 : i32
      %parallel_loop3A_583 = arith.constant 16 : i32
      %parallel_loop3A_584 = arith.muli %parallel_loop3A_582, %parallel_loop3A_583 : i32
      %parallel_loop3A_585 = arith.index_cast %parallel_loop3A_584 : i32 to index
      %parallel_loop3A_586 = tpu.vector_load %arg7[%parallel_loop3A_585] {strides = array<i32>} : memref<2048xi32, #tpu.memory_space<vmem>>, vector<16xi32>,
      %parallel_loop3A_587 = arith.constant true
      %parallel_loop3A_588 = vector.broadcast %parallel_loop3A_587 : i1 to vector<16xi1>
      %parallel_loop3A_589 = tpu.scan <sum>, %parallel_loop3A_580 masked %parallel_loop3A_588 : vector<16xi32>, vector<16xi1> -> vector<16xi32>
      %parallel_loop3A_590 = vector.extract %parallel_loop3A_589[15] : i32 from vector<16xi32>
      %parallel_loop3A_591 = arith.constant 15 : i32
      %parallel_loop3A_592 = vector.broadcast %parallel_loop3A_591 : i32 to vector<16xi32>
      %parallel_loop3A_593 = tpu.iota {dimensions = array<i32: 0>} : vector<16xi32>
      %parallel_loop3A_594 = arith.subi %parallel_loop3A_592, %parallel_loop3A_593 : vector<16xi32>
      %parallel_loop3A_595 = tpu.dynamic_gather %parallel_loop3A_586[%parallel_loop3A_594] in [0] : vector<16xi32>, vector<16xi32> -> vector<16xi32>
      %parallel_loop3A_596 = arith.constant true
      %parallel_loop3A_597 = vector.broadcast %parallel_loop3A_596 : i1 to vector<16xi1>
      %parallel_loop3A_598 = tpu.scan <sum>, %parallel_loop3A_595 masked %parallel_loop3A_597 : vector<16xi32>, vector<16xi1> -> vector<16xi32>
      %parallel_loop3A_599 = arith.constant 15 : i32
      %parallel_loop3A_600 = vector.broadcast %parallel_loop3A_599 : i32 to vector<16xi32>
      %parallel_loop3A_601 = tpu.iota {dimensions = array<i32: 0>} : vector<16xi32>
      %parallel_loop3A_602 = arith.subi %parallel_loop3A_600, %parallel_loop3A_601 : vector<16xi32>
      %parallel_loop3A_603 = tpu.dynamic_gather %parallel_loop3A_598[%parallel_loop3A_602] in [0] : vector<16xi32>, vector<16xi32> -> vector<16xi32>
      %parallel_loop3A_604 = vector.broadcast %parallel_loop3A_590 : i32 to vector<16xi32>
      %parallel_loop3A_605 = arith.addi %parallel_loop3A_603, %parallel_loop3A_604 : vector<16xi32>
      %parallel_loop3A_606 = vector.broadcast %sub3A_346 : i32 to vector<16xi32>
      %parallel_loop3A_607 = arith.cmpi sge, %parallel_loop3A_605, %parallel_loop3A_606 : vector<16xi32>
      %parallel_loop3A_608 = arith.constant 16 : i32
      %parallel_loop3A_609 = arith.muli %parallel_loop3A_582, %parallel_loop3A_608 : i32
      %parallel_loop3A_610 = tpu.iota {dimensions = array<i32: 0>} : vector<16xi32>
      %parallel_loop3A_611 = vector.broadcast %parallel_loop3A_609 : i32 to vector<16xi32>
      %parallel_loop3A_612 = arith.addi %parallel_loop3A_611, %parallel_loop3A_610 : vector<16xi32>
      %parallel_loop3A_613 = arith.constant -1 : i32
      %parallel_loop3A_614 = vector.broadcast %parallel_loop3A_613 : i32 to vector<16xi32>
      %parallel_loop3A_615 = arith.select %parallel_loop3A_607, %parallel_loop3A_612, %parallel_loop3A_614 : vector<16xi1>, vector<16xi32>
      %parallel_loop3A_616 = arith.maxsi %parallel_loop3A_579, %parallel_loop3A_615 : vector<16xi32>
      %parallel_loop3A_617 = arith.addi %parallel_loop3A_580, %parallel_loop3A_586 : vector<16xi32>
      scf.yield %parallel_loop3A_616, %parallel_loop3A_617 : vector<16xi32>, vector<16xi32>
    } {sc.loop_unroll_factor = 4 : i64, sc.parallel_access}
    %reduce_max3A_409 = arith.constant true
    %reduce_max3A_410 = vector.broadcast %reduce_max3A_409 : i1 to vector<16xi1>
    %reduce_max3A_411 = arith.constant -2147483648 : i32
    %reduce_max3A_412 = vector.broadcast %reduce_max3A_411 : i32 to vector<16xi32>
    %reduce_max3A_413 = arith.xori %parallel_loop3A_408#0, %reduce_max3A_412 : vector<16xi32>
    %reduce_max3A_414 = tpu.scan <max>, %reduce_max3A_413 masked %reduce_max3A_410 : vector<16xi32>, vector<16xi1> -> vector<16xi32>
    %reduce_max3A_415 = arith.xori %reduce_max3A_414, %reduce_max3A_412 : vector<16xi32>
    %reduce_max3A_416 = vector.extract %reduce_max3A_415[15] : i32 from vector<16xi32>
    %parallel_loop3A_417 = arith.constant 0 : i32
    %parallel_loop3A_418 = arith.constant 16 : i32
    %parallel_loop3A_419 = arith.constant 1 : i32
    %parallel_loop3A_420 = scf.for %parallel_loop3A_578 = %parallel_loop3A_417 to %parallel_loop3A_418 step %parallel_loop3A_419 iter_args(%parallel_loop3A_579 = %broadcast_in_dim3A_402) -> (vector<16xi32>)  : i32 {
      %parallel_loop3A_580 = arith.constant 16 : i32
      %parallel_loop3A_581 = arith.muli %parallel_loop3A_578, %parallel_loop3A_580 : i32
      %parallel_loop3A_582 = arith.index_cast %parallel_loop3A_581 : i32 to index
      %parallel_loop3A_583 = tpu.vector_load %arg7[%parallel_loop3A_582] {strides = array<i32>} : memref<2048xi32, #tpu.memory_space<vmem>>, vector<16xi32>,
      %parallel_loop3A_584 = arith.constant 16 : i32
      %parallel_loop3A_585 = arith.muli %parallel_loop3A_578, %parallel_loop3A_584 : i32
      %parallel_loop3A_586 = tpu.iota {dimensions = array<i32: 0>} : vector<16xi32>
      %parallel_loop3A_587 = vector.broadcast %parallel_loop3A_585 : i32 to vector<16xi32>
      %parallel_loop3A_588 = arith.addi %parallel_loop3A_587, %parallel_loop3A_586 : vector<16xi32>
      %parallel_loop3A_589 = vector.broadcast %reduce_max3A_416 : i32 to vector<16xi32>
      %parallel_loop3A_590 = arith.cmpi sgt, %parallel_loop3A_588, %parallel_loop3A_589 : vector<16xi32>
      %parallel_loop3A_591 = arith.constant 0 : i32
      %parallel_loop3A_592 = vector.broadcast %parallel_loop3A_591 : i32 to vector<16xi32>
      %parallel_loop3A_593 = arith.select %parallel_loop3A_590, %parallel_loop3A_583, %parallel_loop3A_592 : vector<16xi1>, vector<16xi32>
      %parallel_loop3A_594 = arith.addi %parallel_loop3A_579, %parallel_loop3A_593 : vector<16xi32>
      scf.yield %parallel_loop3A_594 : vector<16xi32>
    } {sc.loop_unroll_factor = 4 : i64, sc.parallel_access}
    %reduce_sum3A_421 = arith.constant true
    %reduce_sum3A_422 = vector.broadcast %reduce_sum3A_421 : i1 to vector<16xi1>
    %reduce_sum3A_423 = tpu.scan <sum>, %parallel_loop3A_420 masked %reduce_sum3A_422 : vector<16xi32>, vector<16xi1> -> vector<16xi32>
    %reduce_sum3A_424 = vector.extract %reduce_sum3A_423[15] : i32 from vector<16xi32>
    %broadcast_in_dim3A_425 = arith.constant 0 : i32
    %broadcast_in_dim3A_426 = vector.broadcast %broadcast_in_dim3A_425 : i32 to vector<16xi32>
    %while3A_427 = arith.constant 0 : i32
    %while3A_428 = arith.subi %select_n3A_385, %while3A_427 : i32
    %while3A_429 = arith.addi %while3A_427, %while3A_428 : i32
    %while3A_430 = arith.constant 1 : i32
    %while3A_431 = arith.divsi %while3A_428, %while3A_430 : i32
    %while3A_432 = arith.muli %while3A_431, %while3A_430 : i32
    %while3A_433 = arith.addi %while3A_427, %while3A_432 : i32
    %while3A_434 = arith.constant 1 : i32
    %while3A_435 = scf.for %while3A_578 = %while3A_427 to %while3A_433 step %while3A_434 iter_args(%while3A_579 = %broadcast_in_dim3A_426) -> (vector<16xi32>)  : i32 {
      %mul3A_580 = arith.constant 16 : i32
      %mul3A_581 = arith.muli %while3A_578, %mul3A_580 : i32
      %get3A = arith.index_cast %mul3A_581 : i32 to index
      %get3A_582 = tpu.vector_load %arg5[%get3A] {strides = array<i32>} : memref<32768xi32, #tpu.memory_space<vmem>>, vector<16xi32>,
      %mul3A_583 = arith.constant 16 : i32
      %mul3A_584 = arith.muli %while3A_578, %mul3A_583 : i32
      %get3A_585 = arith.index_cast %mul3A_584 : i32 to index
      %get3A_586 = tpu.vector_load %arg6[%get3A_585] {strides = array<i32>} : memref<32768xi32, #tpu.memory_space<vmem>>, vector<16xi32>,
      %mul3A_587 = arith.constant 16 : i32
      %mul3A_588 = arith.muli %while3A_578, %mul3A_587 : i32
      %add3A_589 = vector.broadcast %mul3A_588 : i32 to vector<16xi32>
      %add3A_590 = arith.addi %add3A_589, %iota3A_347 : vector<16xi32>
      %lt3A = arith.cmpi slt, %add3A_590, %while3A_345 : vector<16xi32>
      %shift_right_arithmetic3A = arith.constant 5 : i32
      %shift_right_arithmetic3A_591 = vector.broadcast %shift_right_arithmetic3A : i32 to vector<16xi32>
      %shift_right_arithmetic3A_592 = arith.shrsi %get3A_582, %shift_right_arithmetic3A_591 : vector<16xi32>
      %and3A_593 = arith.constant 255 : i32
      %and3A_594 = vector.broadcast %and3A_593 : i32 to vector<16xi32>
      %and3A_595 = arith.andi %shift_right_arithmetic3A_592, %and3A_594 : vector<16xi32>
      %eq3A_596 = vector.broadcast %reduce_max3A_416 : i32 to vector<16xi32>
      %eq3A_597 = arith.cmpi eq, %and3A_595, %eq3A_596 : vector<16xi32>
      %and3A_598 = arith.andi %lt3A, %eq3A_597 : vector<16xi1>
      %convert_element_type3A = arith.extui %and3A_598 : vector<16xi1> to vector<16xi32>
      %broadcast_in_dim3A_599 = arith.constant true
      %broadcast_in_dim3A_600 = vector.broadcast %broadcast_in_dim3A_599 : i1 to vector<16xi1>
      %masked_cumsum3A = tpu.scan <sum>, %convert_element_type3A masked %broadcast_in_dim3A_600 : vector<16xi32>, vector<16xi1> -> vector<16xi32>
      %add3A_601 = arith.addi %while3A_579, %masked_cumsum3A : vector<16xi32>
      %sub3A_602 = arith.subi %add3A_601, %convert_element_type3A : vector<16xi32>
      %jit3A_603 = arith.constant 0 : i32
      %broadcast_in_dim3A_604 = vector.broadcast %jit3A_603 : i32 to vector<16xi32>
      %select_n3A_605 = arith.select %and3A_598, %sub3A_602, %broadcast_in_dim3A_604 : vector<16xi1>, vector<16xi32>
      tpu.vector_store_idx %arg5[%select_n3A_605], %get3A_582 masked %and3A_598 : memref<32768xi32, #tpu.memory_space<vmem>>[vector<16xi32>], vector<16xi32>, vector<16xi1>
      %jit3A_606 = arith.constant 0 : i32
      %broadcast_in_dim3A_607 = vector.broadcast %jit3A_606 : i32 to vector<16xi32>
      %select_n3A_608 = arith.select %and3A_598, %sub3A_602, %broadcast_in_dim3A_607 : vector<16xi1>, vector<16xi32>
      tpu.vector_store_idx %arg6[%select_n3A_608], %get3A_586 masked %and3A_598 : memref<32768xi32, #tpu.memory_space<vmem>>[vector<16xi32>], vector<16xi32>, vector<16xi1>
      %all_reduce_population_count3A = tpu.all_reduce %and3A_598 {dim = 0 : i64, kind = #tpu.reduction_kind<sum>} : vector<16xi1> -> vector<16xi32>
      %add3A_609 = arith.addi %while3A_579, %all_reduce_population_count3A : vector<16xi32>
      scf.yield %add3A_609 : vector<16xi32>
    }
    %while3A_436 = arith.constant 1 : i32
    %while3A_437 = scf.for %while3A_578 = %while3A_433 to %while3A_429 step %while3A_436 iter_args(%while3A_579 = %while3A_435) -> (vector<16xi32>)  : i32 {
      %mul3A_580 = arith.constant 16 : i32
      %mul3A_581 = arith.muli %while3A_578, %mul3A_580 : i32
      %get3A = arith.index_cast %mul3A_581 : i32 to index
      %get3A_582 = tpu.vector_load %arg5[%get3A] {strides = array<i32>} : memref<32768xi32, #tpu.memory_space<vmem>>, vector<16xi32>,
      %mul3A_583 = arith.constant 16 : i32
      %mul3A_584 = arith.muli %while3A_578, %mul3A_583 : i32
      %get3A_585 = arith.index_cast %mul3A_584 : i32 to index
      %get3A_586 = tpu.vector_load %arg6[%get3A_585] {strides = array<i32>} : memref<32768xi32, #tpu.memory_space<vmem>>, vector<16xi32>,
      %mul3A_587 = arith.constant 16 : i32
      %mul3A_588 = arith.muli %while3A_578, %mul3A_587 : i32
      %add3A_589 = vector.broadcast %mul3A_588 : i32 to vector<16xi32>
      %add3A_590 = arith.addi %add3A_589, %iota3A_347 : vector<16xi32>
      %lt3A = arith.cmpi slt, %add3A_590, %while3A_345 : vector<16xi32>
      %shift_right_arithmetic3A = arith.constant 5 : i32
      %shift_right_arithmetic3A_591 = vector.broadcast %shift_right_arithmetic3A : i32 to vector<16xi32>
      %shift_right_arithmetic3A_592 = arith.shrsi %get3A_582, %shift_right_arithmetic3A_591 : vector<16xi32>
      %and3A_593 = arith.constant 255 : i32
      %and3A_594 = vector.broadcast %and3A_593 : i32 to vector<16xi32>
      %and3A_595 = arith.andi %shift_right_arithmetic3A_592, %and3A_594 : vector<16xi32>
      %eq3A_596 = vector.broadcast %reduce_max3A_416 : i32 to vector<16xi32>
      %eq3A_597 = arith.cmpi eq, %and3A_595, %eq3A_596 : vector<16xi32>
      %and3A_598 = arith.andi %lt3A, %eq3A_597 : vector<16xi1>
      %convert_element_type3A = arith.extui %and3A_598 : vector<16xi1> to vector<16xi32>
      %broadcast_in_dim3A_599 = arith.constant true
      %broadcast_in_dim3A_600 = vector.broadcast %broadcast_in_dim3A_599 : i1 to vector<16xi1>
      %masked_cumsum3A = tpu.scan <sum>, %convert_element_type3A masked %broadcast_in_dim3A_600 : vector<16xi32>, vector<16xi1> -> vector<16xi32>
      %add3A_601 = arith.addi %while3A_579, %masked_cumsum3A : vector<16xi32>
      %sub3A_602 = arith.subi %add3A_601, %convert_element_type3A : vector<16xi32>
      %jit3A_603 = arith.constant 0 : i32
      %broadcast_in_dim3A_604 = vector.broadcast %jit3A_603 : i32 to vector<16xi32>
      %select_n3A_605 = arith.select %and3A_598, %sub3A_602, %broadcast_in_dim3A_604 : vector<16xi1>, vector<16xi32>
      tpu.vector_store_idx %arg5[%select_n3A_605], %get3A_582 masked %and3A_598 : memref<32768xi32, #tpu.memory_space<vmem>>[vector<16xi32>], vector<16xi32>, vector<16xi1>
      %jit3A_606 = arith.constant 0 : i32
      %broadcast_in_dim3A_607 = vector.broadcast %jit3A_606 : i32 to vector<16xi32>
      %select_n3A_608 = arith.select %and3A_598, %sub3A_602, %broadcast_in_dim3A_607 : vector<16xi1>, vector<16xi32>
      tpu.vector_store_idx %arg6[%select_n3A_608], %get3A_586 masked %and3A_598 : memref<32768xi32, #tpu.memory_space<vmem>>[vector<16xi32>], vector<16xi32>, vector<16xi1>
      %all_reduce_population_count3A = tpu.all_reduce %and3A_598 {dim = 0 : i64, kind = #tpu.reduction_kind<sum>} : vector<16xi1> -> vector<16xi32>
      %add3A_609 = arith.addi %while3A_579, %all_reduce_population_count3A : vector<16xi32>
      scf.yield %add3A_609 : vector<16xi32>
    }
    %sub3A_438 = arith.subi %sub3A_346, %reduce_sum3A_424 : i32
    %reduce_max3A_439 = arith.constant true
    %reduce_max3A_440 = vector.broadcast %reduce_max3A_439 : i1 to vector<16xi1>
    %reduce_max3A_441 = arith.constant -2147483648 : i32
    %reduce_max3A_442 = vector.broadcast %reduce_max3A_441 : i32 to vector<16xi32>
    %reduce_max3A_443 = arith.xori %while3A_437, %reduce_max3A_442 : vector<16xi32>
    %reduce_max3A_444 = tpu.scan <max>, %reduce_max3A_443 masked %reduce_max3A_440 : vector<16xi32>, vector<16xi1> -> vector<16xi32>
    %reduce_max3A_445 = arith.xori %reduce_max3A_444, %reduce_max3A_442 : vector<16xi32>
    %reduce_max3A_446 = vector.extract %reduce_max3A_445[15] : i32 from vector<16xi32>
    %parallel_loop3A_447 = arith.constant 0 : i32
    %parallel_loop3A_448 = arith.constant 2 : i32
    %parallel_loop3A_449 = arith.constant 1 : i32
    scf.for %parallel_loop3A_578 = %parallel_loop3A_447 to %parallel_loop3A_448 step %parallel_loop3A_449  : i32 {
      %parallel_loop3A_579 = arith.constant 0 : i32
      %parallel_loop3A_580 = vector.broadcast %parallel_loop3A_579 : i32 to vector<16xi32>
      %parallel_loop3A_581 = arith.constant 16 : i32
      %parallel_loop3A_582 = arith.muli %parallel_loop3A_578, %parallel_loop3A_581 : i32
      %parallel_loop3A_583 = arith.index_cast %parallel_loop3A_582 : i32 to index
      %parallel_loop3A_584 = tpu.vector_load %arg7[%parallel_loop3A_583] {strides = array<i32>} : memref<2048xi32, #tpu.memory_space<vmem>>, vector<16xi32>,
      tpu.vector_store %arg7[%parallel_loop3A_583], %parallel_loop3A_580 {strides = array<i32>} : memref<2048xi32, #tpu.memory_space<vmem>>, vector<16xi32>,
    } {sc.loop_unroll_factor = 4 : i64, sc.parallel_access}
    %add3A_450 = arith.constant 16 : i32
    %add3A_451 = arith.addi %reduce_max3A_446, %add3A_450 : i32
    %sub3A_452 = arith.constant 1 : i32
    %sub3A_453 = arith.subi %add3A_451, %sub3A_452 : i32
    %jit3A_454 = arith.constant 16 : i32
    %div3A_455 = arith.divsi %sub3A_453, %jit3A_454 : i32
    %sign3A_456 = arith.constant 0 : i32
    %sign3A_457 = arith.cmpi sgt, %sub3A_453, %sign3A_456 : i32
    %sign3A_458 = arith.extui %sign3A_457 : i1 to i32
    %sign3A_459 = arith.constant 0 : i32
    %sign3A_460 = arith.cmpi slt, %sub3A_453, %sign3A_459 : i32
    %sign3A_461 = arith.extui %sign3A_460 : i1 to i32
    %sign3A_462 = arith.subi %sign3A_458, %sign3A_461 : i32
    %sign3A_463 = arith.constant 0 : i32
    %sign3A_464 = arith.cmpi sgt, %jit3A_454, %sign3A_463 : i32
    %sign3A_465 = arith.extui %sign3A_464 : i1 to i32
    %sign3A_466 = arith.constant 0 : i32
    %sign3A_467 = arith.cmpi slt, %jit3A_454, %sign3A_466 : i32
    %sign3A_468 = arith.extui %sign3A_467 : i1 to i32
    %sign3A_469 = arith.subi %sign3A_465, %sign3A_468 : i32
    %ne3A_470 = arith.cmpi ne, %sign3A_462, %sign3A_469 : i32
    %rem3A_471 = arith.remsi %sub3A_453, %jit3A_454 : i32
    %ne3A_472 = arith.constant 0 : i32
    %ne3A_473 = arith.cmpi ne, %rem3A_471, %ne3A_472 : i32
    %and3A_474 = arith.andi %ne3A_470, %ne3A_473 : i1
    %sub3A_475 = arith.constant 1 : i32
    %sub3A_476 = arith.subi %div3A_455, %sub3A_475 : i32
    %select_n3A_477 = arith.select %and3A_474, %sub3A_476, %div3A_455 : i32
    %while3A_478 = arith.constant 0 : i32
    %while3A_479 = arith.constant 0 : i32
    %while3A_480 = arith.subi %select_n3A_477, %while3A_478 : i32
    %while3A_481 = arith.addi %while3A_478, %while3A_480 : i32
    %while3A_482 = arith.constant 1 : i32
    %while3A_483 = arith.divsi %while3A_480, %while3A_482 : i32
    %while3A_484 = arith.muli %while3A_483, %while3A_482 : i32
    %while3A_485 = arith.addi %while3A_478, %while3A_484 : i32
    %while3A_486 = arith.constant 1 : i32
    %while3A_487 = scf.for %while3A_578 = %while3A_478 to %while3A_485 step %while3A_486 iter_args(%while3A_579 = %while3A_479) -> (i32)  : i32 {
      %mul3A_580 = arith.constant 16 : i32
      %mul3A_581 = arith.muli %while3A_578, %mul3A_580 : i32
      %get3A = arith.index_cast %mul3A_581 : i32 to index
      %get3A_582 = tpu.vector_load %arg5[%get3A] {strides = array<i32>} : memref<32768xi32, #tpu.memory_space<vmem>>, vector<16xi32>,
      %mul3A_583 = arith.constant 16 : i32
      %mul3A_584 = arith.muli %while3A_578, %mul3A_583 : i32
      %add3A_585 = vector.broadcast %mul3A_584 : i32 to vector<16xi32>
      %add3A_586 = arith.addi %add3A_585, %iota3A : vector<16xi32>
      %lt3A = arith.cmpi slt, %add3A_586, %while3A_437 : vector<16xi32>
      %and3A_587 = arith.constant 31 : i32
      %and3A_588 = vector.broadcast %and3A_587 : i32 to vector<16xi32>
      %and3A_589 = arith.andi %get3A_582, %and3A_588 : vector<16xi32>
      tpu.vector_store_idx %arg7[%and3A_589], %broadcast_in_dim3A_1 masked %lt3A {add = true} : memref<2048xi32, #tpu.memory_space<vmem>>[vector<16xi32>], vector<16xi32>, vector<16xi1>
      %while3A_590 = arith.constant 0 : i32
      scf.yield %while3A_590 : i32
    }
    %while3A_488 = arith.constant 1 : i32
    %while3A_489 = scf.for %while3A_578 = %while3A_485 to %while3A_481 step %while3A_488 iter_args(%while3A_579 = %while3A_487) -> (i32)  : i32 {
      %mul3A_580 = arith.constant 16 : i32
      %mul3A_581 = arith.muli %while3A_578, %mul3A_580 : i32
      %get3A = arith.index_cast %mul3A_581 : i32 to index
      %get3A_582 = tpu.vector_load %arg5[%get3A] {strides = array<i32>} : memref<32768xi32, #tpu.memory_space<vmem>>, vector<16xi32>,
      %mul3A_583 = arith.constant 16 : i32
      %mul3A_584 = arith.muli %while3A_578, %mul3A_583 : i32
      %add3A_585 = vector.broadcast %mul3A_584 : i32 to vector<16xi32>
      %add3A_586 = arith.addi %add3A_585, %iota3A : vector<16xi32>
      %lt3A = arith.cmpi slt, %add3A_586, %while3A_437 : vector<16xi32>
      %and3A_587 = arith.constant 31 : i32
      %and3A_588 = vector.broadcast %and3A_587 : i32 to vector<16xi32>
      %and3A_589 = arith.andi %get3A_582, %and3A_588 : vector<16xi32>
      tpu.vector_store_idx %arg7[%and3A_589], %broadcast_in_dim3A_1 masked %lt3A {add = true} : memref<2048xi32, #tpu.memory_space<vmem>>[vector<16xi32>], vector<16xi32>, vector<16xi1>
      %while3A_590 = arith.constant 0 : i32
      scf.yield %while3A_590 : i32
    }
    %broadcast_in_dim3A_490 = arith.constant 0 : i32
    %broadcast_in_dim3A_491 = vector.broadcast %broadcast_in_dim3A_490 : i32 to vector<16xi32>
    %broadcast_in_dim3A_492 = arith.constant -1 : i32
    %broadcast_in_dim3A_493 = vector.broadcast %broadcast_in_dim3A_492 : i32 to vector<16xi32>
    %parallel_loop3A_494 = arith.constant 0 : i32
    %parallel_loop3A_495 = arith.constant 2 : i32
    %parallel_loop3A_496 = arith.constant 1 : i32
    %parallel_loop3A_497:2 = scf.for %parallel_loop3A_578 = %parallel_loop3A_494 to %parallel_loop3A_495 step %parallel_loop3A_496 iter_args(%parallel_loop3A_579 = %broadcast_in_dim3A_493, %parallel_loop3A_580 = %broadcast_in_dim3A_491) -> (vector<16xi32>, vector<16xi32>)  : i32 {
      %parallel_loop3A_581 = arith.constant 1 : i32
      %parallel_loop3A_582 = arith.subi %parallel_loop3A_581, %parallel_loop3A_578 : i32
      %parallel_loop3A_583 = arith.constant 16 : i32
      %parallel_loop3A_584 = arith.muli %parallel_loop3A_582, %parallel_loop3A_583 : i32
      %parallel_loop3A_585 = arith.index_cast %parallel_loop3A_584 : i32 to index
      %parallel_loop3A_586 = tpu.vector_load %arg7[%parallel_loop3A_585] {strides = array<i32>} : memref<2048xi32, #tpu.memory_space<vmem>>, vector<16xi32>,
      %parallel_loop3A_587 = arith.constant true
      %parallel_loop3A_588 = vector.broadcast %parallel_loop3A_587 : i1 to vector<16xi1>
      %parallel_loop3A_589 = tpu.scan <sum>, %parallel_loop3A_580 masked %parallel_loop3A_588 : vector<16xi32>, vector<16xi1> -> vector<16xi32>
      %parallel_loop3A_590 = vector.extract %parallel_loop3A_589[15] : i32 from vector<16xi32>
      %parallel_loop3A_591 = arith.constant 15 : i32
      %parallel_loop3A_592 = vector.broadcast %parallel_loop3A_591 : i32 to vector<16xi32>
      %parallel_loop3A_593 = tpu.iota {dimensions = array<i32: 0>} : vector<16xi32>
      %parallel_loop3A_594 = arith.subi %parallel_loop3A_592, %parallel_loop3A_593 : vector<16xi32>
      %parallel_loop3A_595 = tpu.dynamic_gather %parallel_loop3A_586[%parallel_loop3A_594] in [0] : vector<16xi32>, vector<16xi32> -> vector<16xi32>
      %parallel_loop3A_596 = arith.constant true
      %parallel_loop3A_597 = vector.broadcast %parallel_loop3A_596 : i1 to vector<16xi1>
      %parallel_loop3A_598 = tpu.scan <sum>, %parallel_loop3A_595 masked %parallel_loop3A_597 : vector<16xi32>, vector<16xi1> -> vector<16xi32>
      %parallel_loop3A_599 = arith.constant 15 : i32
      %parallel_loop3A_600 = vector.broadcast %parallel_loop3A_599 : i32 to vector<16xi32>
      %parallel_loop3A_601 = tpu.iota {dimensions = array<i32: 0>} : vector<16xi32>
      %parallel_loop3A_602 = arith.subi %parallel_loop3A_600, %parallel_loop3A_601 : vector<16xi32>
      %parallel_loop3A_603 = tpu.dynamic_gather %parallel_loop3A_598[%parallel_loop3A_602] in [0] : vector<16xi32>, vector<16xi32> -> vector<16xi32>
      %parallel_loop3A_604 = vector.broadcast %parallel_loop3A_590 : i32 to vector<16xi32>
      %parallel_loop3A_605 = arith.addi %parallel_loop3A_603, %parallel_loop3A_604 : vector<16xi32>
      %parallel_loop3A_606 = vector.broadcast %sub3A_438 : i32 to vector<16xi32>
      %parallel_loop3A_607 = arith.cmpi sge, %parallel_loop3A_605, %parallel_loop3A_606 : vector<16xi32>
      %parallel_loop3A_608 = arith.constant 16 : i32
      %parallel_loop3A_609 = arith.muli %parallel_loop3A_582, %parallel_loop3A_608 : i32
      %parallel_loop3A_610 = tpu.iota {dimensions = array<i32: 0>} : vector<16xi32>
      %parallel_loop3A_611 = vector.broadcast %parallel_loop3A_609 : i32 to vector<16xi32>
      %parallel_loop3A_612 = arith.addi %parallel_loop3A_611, %parallel_loop3A_610 : vector<16xi32>
      %parallel_loop3A_613 = arith.constant -1 : i32
      %parallel_loop3A_614 = vector.broadcast %parallel_loop3A_613 : i32 to vector<16xi32>
      %parallel_loop3A_615 = arith.select %parallel_loop3A_607, %parallel_loop3A_612, %parallel_loop3A_614 : vector<16xi1>, vector<16xi32>
      %parallel_loop3A_616 = arith.maxsi %parallel_loop3A_579, %parallel_loop3A_615 : vector<16xi32>
      %parallel_loop3A_617 = arith.addi %parallel_loop3A_580, %parallel_loop3A_586 : vector<16xi32>
      scf.yield %parallel_loop3A_616, %parallel_loop3A_617 : vector<16xi32>, vector<16xi32>
    } {sc.loop_unroll_factor = 4 : i64, sc.parallel_access}
    %reduce_max3A_498 = arith.constant true
    %reduce_max3A_499 = vector.broadcast %reduce_max3A_498 : i1 to vector<16xi1>
    %reduce_max3A_500 = arith.constant -2147483648 : i32
    %reduce_max3A_501 = vector.broadcast %reduce_max3A_500 : i32 to vector<16xi32>
    %reduce_max3A_502 = arith.xori %parallel_loop3A_497#0, %reduce_max3A_501 : vector<16xi32>
    %reduce_max3A_503 = tpu.scan <max>, %reduce_max3A_502 masked %reduce_max3A_499 : vector<16xi32>, vector<16xi1> -> vector<16xi32>
    %reduce_max3A_504 = arith.xori %reduce_max3A_503, %reduce_max3A_501 : vector<16xi32>
    %reduce_max3A_505 = vector.extract %reduce_max3A_504[15] : i32 from vector<16xi32>
    %parallel_loop3A_506 = arith.constant 0 : i32
    %parallel_loop3A_507 = arith.constant 2 : i32
    %parallel_loop3A_508 = arith.constant 1 : i32
    %parallel_loop3A_509 = scf.for %parallel_loop3A_578 = %parallel_loop3A_506 to %parallel_loop3A_507 step %parallel_loop3A_508 iter_args(%parallel_loop3A_579 = %broadcast_in_dim3A_491) -> (vector<16xi32>)  : i32 {
      %parallel_loop3A_580 = arith.constant 16 : i32
      %parallel_loop3A_581 = arith.muli %parallel_loop3A_578, %parallel_loop3A_580 : i32
      %parallel_loop3A_582 = arith.index_cast %parallel_loop3A_581 : i32 to index
      %parallel_loop3A_583 = tpu.vector_load %arg7[%parallel_loop3A_582] {strides = array<i32>} : memref<2048xi32, #tpu.memory_space<vmem>>, vector<16xi32>,
      %parallel_loop3A_584 = arith.constant 16 : i32
      %parallel_loop3A_585 = arith.muli %parallel_loop3A_578, %parallel_loop3A_584 : i32
      %parallel_loop3A_586 = tpu.iota {dimensions = array<i32: 0>} : vector<16xi32>
      %parallel_loop3A_587 = vector.broadcast %parallel_loop3A_585 : i32 to vector<16xi32>
      %parallel_loop3A_588 = arith.addi %parallel_loop3A_587, %parallel_loop3A_586 : vector<16xi32>
      %parallel_loop3A_589 = vector.broadcast %reduce_max3A_505 : i32 to vector<16xi32>
      %parallel_loop3A_590 = arith.cmpi sgt, %parallel_loop3A_588, %parallel_loop3A_589 : vector<16xi32>
      %parallel_loop3A_591 = arith.constant 0 : i32
      %parallel_loop3A_592 = vector.broadcast %parallel_loop3A_591 : i32 to vector<16xi32>
      %parallel_loop3A_593 = arith.select %parallel_loop3A_590, %parallel_loop3A_583, %parallel_loop3A_592 : vector<16xi1>, vector<16xi32>
      %parallel_loop3A_594 = arith.addi %parallel_loop3A_579, %parallel_loop3A_593 : vector<16xi32>
      scf.yield %parallel_loop3A_594 : vector<16xi32>
    } {sc.loop_unroll_factor = 4 : i64, sc.parallel_access}
    %reduce_sum3A_510 = arith.constant true
    %reduce_sum3A_511 = vector.broadcast %reduce_sum3A_510 : i1 to vector<16xi1>
    %reduce_sum3A_512 = tpu.scan <sum>, %parallel_loop3A_509 masked %reduce_sum3A_511 : vector<16xi32>, vector<16xi1> -> vector<16xi32>
    %reduce_sum3A_513 = vector.extract %reduce_sum3A_512[15] : i32 from vector<16xi32>
    %sub3A_514 = arith.subi %sub3A_438, %reduce_sum3A_513 : i32
    %sub3A_515 = arith.constant 1024 : i32
    %sub3A_516 = arith.subi %reduce_max3A_248, %sub3A_515 : i32
    %shift_left3A = arith.constant 21 : i32
    %shift_left3A_517 = arith.shli %sub3A_516, %shift_left3A : i32
    %shift_left3A_518 = arith.constant 13 : i32
    %shift_left3A_519 = arith.shli %reduce_max3A_324, %shift_left3A_518 : i32
    %add3A_520 = arith.addi %shift_left3A_517, %shift_left3A_519 : i32
    %shift_left3A_521 = arith.constant 5 : i32
    %shift_left3A_522 = arith.shli %reduce_max3A_416, %shift_left3A_521 : i32
    %add3A_523 = arith.addi %add3A_520, %shift_left3A_522 : i32
    %add3A_524 = arith.addi %add3A_523, %reduce_max3A_505 : i32
    %add3A_525 = arith.constant 16 : i32
    %add3A_526 = arith.addi %reduce_max3A_446, %add3A_525 : i32
    %sub3A_527 = arith.constant 1 : i32
    %sub3A_528 = arith.subi %add3A_526, %sub3A_527 : i32
    %jit3A_529 = arith.constant 16 : i32
    %div3A_530 = arith.divsi %sub3A_528, %jit3A_529 : i32
    %sign3A_531 = arith.constant 0 : i32
    %sign3A_532 = arith.cmpi sgt, %sub3A_528, %sign3A_531 : i32
    %sign3A_533 = arith.extui %sign3A_532 : i1 to i32
    %sign3A_534 = arith.constant 0 : i32
    %sign3A_535 = arith.cmpi slt, %sub3A_528, %sign3A_534 : i32
    %sign3A_536 = arith.extui %sign3A_535 : i1 to i32
    %sign3A_537 = arith.subi %sign3A_533, %sign3A_536 : i32
    %sign3A_538 = arith.constant 0 : i32
    %sign3A_539 = arith.cmpi sgt, %jit3A_529, %sign3A_538 : i32
    %sign3A_540 = arith.extui %sign3A_539 : i1 to i32
    %sign3A_541 = arith.constant 0 : i32
    %sign3A_542 = arith.cmpi slt, %jit3A_529, %sign3A_541 : i32
    %sign3A_543 = arith.extui %sign3A_542 : i1 to i32
    %sign3A_544 = arith.subi %sign3A_540, %sign3A_543 : i32
    %ne3A_545 = arith.cmpi ne, %sign3A_537, %sign3A_544 : i32
    %rem3A_546 = arith.remsi %sub3A_528, %jit3A_529 : i32
    %ne3A_547 = arith.constant 0 : i32
    %ne3A_548 = arith.cmpi ne, %rem3A_546, %ne3A_547 : i32
    %and3A_549 = arith.andi %ne3A_545, %ne3A_548 : i1
    %sub3A_550 = arith.constant 1 : i32
    %sub3A_551 = arith.subi %div3A_530, %sub3A_550 : i32
    %select_n3A_552 = arith.select %and3A_549, %sub3A_551, %div3A_530 : i32
    %while3A_553 = arith.constant 0 : i32
    %while3A_554 = arith.constant 0 : i32
    %while3A_555 = arith.constant 2147483647 : i32
    %while3A_556 = arith.subi %select_n3A_552, %while3A_553 : i32
    %while3A_557 = arith.addi %while3A_553, %while3A_556 : i32
    %while3A_558 = arith.constant 1 : i32
    %while3A_559 = arith.divsi %while3A_556, %while3A_558 : i32
    %while3A_560 = arith.muli %while3A_559, %while3A_558 : i32
    %while3A_561 = arith.addi %while3A_553, %while3A_560 : i32
    %while3A_562 = arith.constant 1 : i32
    %while3A_563:2 = scf.for %while3A_578 = %while3A_553 to %while3A_561 step %while3A_562 iter_args(%while3A_579 = %while3A_554, %while3A_580 = %while3A_555) -> (i32, i32)  : i32 {
      %mul3A_581 = arith.constant 16 : i32
      %mul3A_582 = arith.muli %while3A_578, %mul3A_581 : i32
      %get3A = arith.index_cast %mul3A_582 : i32 to index
      %get3A_583 = tpu.vector_load %arg5[%get3A] {strides = array<i32>} : memref<32768xi32, #tpu.memory_space<vmem>>, vector<16xi32>,
      %mul3A_584 = arith.constant 16 : i32
      %mul3A_585 = arith.muli %while3A_578, %mul3A_584 : i32
      %get3A_586 = arith.index_cast %mul3A_585 : i32 to index
      %get3A_587 = tpu.vector_load %arg6[%get3A_586] {strides = array<i32>} : memref<32768xi32, #tpu.memory_space<vmem>>, vector<16xi32>,
      %mul3A_588 = arith.constant 16 : i32
      %mul3A_589 = arith.muli %while3A_578, %mul3A_588 : i32
      %add3A_590 = vector.broadcast %mul3A_589 : i32 to vector<16xi32>
      %add3A_591 = arith.addi %add3A_590, %iota3A : vector<16xi32>
      %lt3A = arith.cmpi slt, %add3A_591, %while3A_437 : vector<16xi32>
      %eq3A_592 = vector.broadcast %add3A_524 : i32 to vector<16xi32>
      %eq3A_593 = arith.cmpi eq, %get3A_583, %eq3A_592 : vector<16xi32>
      %and3A_594 = arith.andi %lt3A, %eq3A_593 : vector<16xi1>
      %convert_element_type3A = arith.extui %and3A_594 : vector<16xi1> to vector<16xi32>
      %broadcast_in_dim3A_595 = arith.constant true
      %broadcast_in_dim3A_596 = vector.broadcast %broadcast_in_dim3A_595 : i1 to vector<16xi1>
      %masked_cumsum3A = tpu.scan <sum>, %convert_element_type3A masked %broadcast_in_dim3A_596 : vector<16xi32>, vector<16xi1> -> vector<16xi32>
      %add3A_597 = vector.broadcast %while3A_579 : i32 to vector<16xi32>
      %add3A_598 = arith.addi %add3A_597, %masked_cumsum3A : vector<16xi32>
      %eq3A_599 = vector.broadcast %sub3A_514 : i32 to vector<16xi32>
      %eq3A_600 = arith.cmpi eq, %add3A_598, %eq3A_599 : vector<16xi32>
      %and3A_601 = arith.andi %and3A_594, %eq3A_600 : vector<16xi1>
      %reduce_sum3A_602 = arith.constant true
      %reduce_sum3A_603 = vector.broadcast %reduce_sum3A_602 : i1 to vector<16xi1>
      %reduce_sum3A_604 = tpu.scan <sum>, %convert_element_type3A masked %reduce_sum3A_603 : vector<16xi32>, vector<16xi1> -> vector<16xi32>
      %reduce_sum3A_605 = vector.extract %reduce_sum3A_604[15] : i32 from vector<16xi32>
      %add3A_606 = arith.addi %while3A_579, %reduce_sum3A_605 : i32
      %jit3A_607 = arith.constant 2147483647 : i32
      %broadcast_in_dim3A_608 = vector.broadcast %jit3A_607 : i32 to vector<16xi32>
      %select_n3A_609 = arith.select %and3A_601, %get3A_587, %broadcast_in_dim3A_608 : vector<16xi1>, vector<16xi32>
      %reduce_min3A = arith.constant true
      %reduce_min3A_610 = vector.broadcast %reduce_min3A : i1 to vector<16xi1>
      %reduce_min3A_611 = arith.constant -2147483648 : i32
      %reduce_min3A_612 = vector.broadcast %reduce_min3A_611 : i32 to vector<16xi32>
      %reduce_min3A_613 = arith.xori %select_n3A_609, %reduce_min3A_612 : vector<16xi32>
      %reduce_min3A_614 = tpu.scan <min>, %reduce_min3A_613 masked %reduce_min3A_610 : vector<16xi32>, vector<16xi1> -> vector<16xi32>
      %reduce_min3A_615 = arith.xori %reduce_min3A_614, %reduce_min3A_612 : vector<16xi32>
      %reduce_min3A_616 = vector.extract %reduce_min3A_615[15] : i32 from vector<16xi32>
      %min3A = arith.minsi %while3A_580, %reduce_min3A_616 : i32
      scf.yield %add3A_606, %min3A : i32, i32
    }
    %while3A_564 = arith.constant 1 : i32
    %while3A_565:2 = scf.for %while3A_578 = %while3A_561 to %while3A_557 step %while3A_564 iter_args(%while3A_579 = %while3A_563#0, %while3A_580 = %while3A_563#1) -> (i32, i32)  : i32 {
      %mul3A_581 = arith.constant 16 : i32
      %mul3A_582 = arith.muli %while3A_578, %mul3A_581 : i32
      %get3A = arith.index_cast %mul3A_582 : i32 to index
      %get3A_583 = tpu.vector_load %arg5[%get3A] {strides = array<i32>} : memref<32768xi32, #tpu.memory_space<vmem>>, vector<16xi32>,
      %mul3A_584 = arith.constant 16 : i32
      %mul3A_585 = arith.muli %while3A_578, %mul3A_584 : i32
      %get3A_586 = arith.index_cast %mul3A_585 : i32 to index
      %get3A_587 = tpu.vector_load %arg6[%get3A_586] {strides = array<i32>} : memref<32768xi32, #tpu.memory_space<vmem>>, vector<16xi32>,
      %mul3A_588 = arith.constant 16 : i32
      %mul3A_589 = arith.muli %while3A_578, %mul3A_588 : i32
      %add3A_590 = vector.broadcast %mul3A_589 : i32 to vector<16xi32>
      %add3A_591 = arith.addi %add3A_590, %iota3A : vector<16xi32>
      %lt3A = arith.cmpi slt, %add3A_591, %while3A_437 : vector<16xi32>
      %eq3A_592 = vector.broadcast %add3A_524 : i32 to vector<16xi32>
      %eq3A_593 = arith.cmpi eq, %get3A_583, %eq3A_592 : vector<16xi32>
      %and3A_594 = arith.andi %lt3A, %eq3A_593 : vector<16xi1>
      %convert_element_type3A = arith.extui %and3A_594 : vector<16xi1> to vector<16xi32>
      %broadcast_in_dim3A_595 = arith.constant true
      %broadcast_in_dim3A_596 = vector.broadcast %broadcast_in_dim3A_595 : i1 to vector<16xi1>
      %masked_cumsum3A = tpu.scan <sum>, %convert_element_type3A masked %broadcast_in_dim3A_596 : vector<16xi32>, vector<16xi1> -> vector<16xi32>
      %add3A_597 = vector.broadcast %while3A_579 : i32 to vector<16xi32>
      %add3A_598 = arith.addi %add3A_597, %masked_cumsum3A : vector<16xi32>
      %eq3A_599 = vector.broadcast %sub3A_514 : i32 to vector<16xi32>
      %eq3A_600 = arith.cmpi eq, %add3A_598, %eq3A_599 : vector<16xi32>
      %and3A_601 = arith.andi %and3A_594, %eq3A_600 : vector<16xi1>
      %reduce_sum3A_602 = arith.constant true
      %reduce_sum3A_603 = vector.broadcast %reduce_sum3A_602 : i1 to vector<16xi1>
      %reduce_sum3A_604 = tpu.scan <sum>, %convert_element_type3A masked %reduce_sum3A_603 : vector<16xi32>, vector<16xi1> -> vector<16xi32>
      %reduce_sum3A_605 = vector.extract %reduce_sum3A_604[15] : i32 from vector<16xi32>
      %add3A_606 = arith.addi %while3A_579, %reduce_sum3A_605 : i32
      %jit3A_607 = arith.constant 2147483647 : i32
      %broadcast_in_dim3A_608 = vector.broadcast %jit3A_607 : i32 to vector<16xi32>
      %select_n3A_609 = arith.select %and3A_601, %get3A_587, %broadcast_in_dim3A_608 : vector<16xi1>, vector<16xi32>
      %reduce_min3A = arith.constant true
      %reduce_min3A_610 = vector.broadcast %reduce_min3A : i1 to vector<16xi1>
      %reduce_min3A_611 = arith.constant -2147483648 : i32
      %reduce_min3A_612 = vector.broadcast %reduce_min3A_611 : i32 to vector<16xi32>
      %reduce_min3A_613 = arith.xori %select_n3A_609, %reduce_min3A_612 : vector<16xi32>
      %reduce_min3A_614 = tpu.scan <min>, %reduce_min3A_613 masked %reduce_min3A_610 : vector<16xi32>, vector<16xi1> -> vector<16xi32>
      %reduce_min3A_615 = arith.xori %reduce_min3A_614, %reduce_min3A_612 : vector<16xi32>
      %reduce_min3A_616 = vector.extract %reduce_min3A_615[15] : i32 from vector<16xi32>
      %min3A = arith.minsi %while3A_580, %reduce_min3A_616 : i32
      scf.yield %add3A_606, %min3A : i32, i32
    }
    %eq3A = arith.constant 0 : i32
    %eq3A_566 = vector.broadcast %eq3A : i32 to vector<16xi32>
    %eq3A_567 = arith.cmpi eq, %iota3A, %eq3A_566 : vector<16xi32>
    %eq3A_568 = arith.constant 1 : i32
    %eq3A_569 = vector.broadcast %eq3A_568 : i32 to vector<16xi32>
    %eq3A_570 = arith.cmpi eq, %iota3A, %eq3A_569 : vector<16xi32>
    %jit3A_571 = arith.constant 0 : i32
    %broadcast_in_dim3A_572 = vector.broadcast %while3A_565#1 : i32 to vector<16xi32>
    %broadcast_in_dim3A_573 = vector.broadcast %jit3A_571 : i32 to vector<16xi32>
    %select_n3A_574 = arith.select %eq3A_570, %broadcast_in_dim3A_572, %broadcast_in_dim3A_573 : vector<16xi1>, vector<16xi32>
    %broadcast_in_dim3A_575 = vector.broadcast %add3A_524 : i32 to vector<16xi32>
    %select_n3A_576 = arith.select %eq3A_567, %broadcast_in_dim3A_575, %select_n3A_574 : vector<16xi1>, vector<16xi32>
    %swap3A = arith.constant 0 : index
    %swap3A_577 = tpu.vector_load %arg8[%swap3A] {strides = array<i32>} : memref<16xi32, #tpu.memory_space<vmem>>, vector<16xi32>,
    tpu.vector_store %arg8[%swap3A], %select_n3A_576 {strides = array<i32>} : memref<16xi32, #tpu.memory_space<vmem>>, vector<16xi32>,
    "tpu.region"() ({
      %run_scoped3A = tpu.sem_alloc : memref<!tpu.dma_semaphore, #tpu.memory_space<semaphore_mem>>
      %dma_start3A_578 = arith.constant 0 : i32
      %dma_start3A_579 = tpu.memref_slice %arg3[%add3A, %dma_start3A_578] : memref<32x16xi32, #tpu.memory_space<hbm>> -> memref<1x16xi32, #tpu.memory_space<hbm>>
      %dma_start3A_580 = tpu.memref_squeeze %dma_start3A_579 : memref<1x16xi32, #tpu.memory_space<hbm>> -> memref<16xi32, #tpu.memory_space<hbm>>
      %dma_start3A_581 = arith.constant 0 : i32
      %dma_start3A_582 = tpu.memref_slice %arg3[%add3A, %dma_start3A_581] : memref<32x16xi32, #tpu.memory_space<hbm>> -> memref<1x16xi32, #tpu.memory_space<hbm>>
      %dma_start3A_583 = tpu.memref_squeeze %dma_start3A_582 : memref<1x16xi32, #tpu.memory_space<hbm>> -> memref<16xi32, #tpu.memory_space<hbm>>
      tpu.enqueue_dma source(%arg8 : memref<16xi32, #tpu.memory_space<vmem>>) target(%dma_start3A_583 : memref<16xi32, #tpu.memory_space<hbm>>) target_semaphore(%run_scoped3A : memref<!tpu.dma_semaphore, #tpu.memory_space<semaphore_mem>>)
      %dma_wait3A_584 = arith.constant 0 : i32
      %dma_wait3A_585 = tpu.memref_slice %arg3[%add3A, %dma_wait3A_584] : memref<32x16xi32, #tpu.memory_space<hbm>> -> memref<1x16xi32, #tpu.memory_space<hbm>>
      %dma_wait3A_586 = tpu.memref_squeeze %dma_wait3A_585 : memref<1x16xi32, #tpu.memory_space<hbm>> -> memref<16xi32, #tpu.memory_space<hbm>>
      %dma_wait3A_587 = arith.constant 0 : i32
      %dma_wait3A_588 = tpu.memref_slice %arg3[%add3A, %dma_wait3A_587] : memref<32x16xi32, #tpu.memory_space<hbm>> -> memref<1x16xi32, #tpu.memory_space<hbm>>
      %dma_wait3A_589 = tpu.memref_squeeze %dma_wait3A_588 : memref<1x16xi32, #tpu.memory_space<hbm>> -> memref<16xi32, #tpu.memory_space<hbm>>
      tpu.wait_dma2 semaphore(%run_scoped3A : memref<!tpu.dma_semaphore, #tpu.memory_space<semaphore_mem>>) src(%arg8 : memref<16xi32, #tpu.memory_space<vmem>>) dst(%dma_wait3A_589 : memref<16xi32, #tpu.memory_space<hbm>>)
      tpu.yield
    }) : () -> ()
    return
  }
}

module attributes {stable_mosaic.version = 14 : i64} {
  func.func @_encode_body(%arg0: i32, %arg1: memref<32x768xf32, #tpu.memory_space<vmem>>, %arg2: memref<2048x768xf32, #tpu.memory_space<vmem>>, %arg3: memref<1x2048xf32, #tpu.memory_space<vmem>>, %arg4: memref<32x2048xf32, #tpu.memory_space<vmem>>) attributes {dimension_semantics = [#tpu.dimension_semantics<arbitrary>], iteration_bounds = array<i64: 16>, scalar_prefetch = 0 : i64, scratch_operands = 0 : i64, tpu.core_type = #tpu.core_type<tc>, window_params = [{pipeline_mode = #tpu.pipeline_mode<synchronous>, transform_indices = @transform_0, window_bounds = array<i64: 32, 768>}, {transform_indices = @transform_1, window_bounds = array<i64: 2048, 768>}, {transform_indices = @transform_2, window_bounds = array<i64: 1, 2048>}, {transform_indices = @transform_3, window_bounds = array<i64: 32, 2048>}]} {
    %get3A = arith.constant 0 : index
    %get3A_0 = arith.constant 0 : index
    %get3A_1 = vector.load %arg1[%get3A, %get3A_0] : memref<32x768xf32, #tpu.memory_space<vmem>>, vector<32x768xf32>
    %get3A_2 = arith.constant 0 : index
    %get3A_3 = arith.constant 0 : index
    %get3A_4 = vector.load %arg2[%get3A_2, %get3A_3] : memref<2048x768xf32, #tpu.memory_space<vmem>>, vector<2048x768xf32>
    %dot_general3A = arith.constant dense<0.000000e+00> : vector<32x2048xf32>
    %dot_general3A_5 = tpu.matmul %get3A_1, %get3A_4, %dot_general3A {dimension_numbers = #tpu.dot_dimension_numbers<[1], [1], [0], [0], [0, 0, 1, 0], [], []>, transpose_lhs_hint = false} : vector<32x768xf32>, vector<2048x768xf32>, vector<32x2048xf32> -> vector<32x2048xf32>
    %get3A_6 = arith.constant 0 : index
    %get3A_7 = arith.constant 0 : index
    %get3A_8 = vector.load %arg3[%get3A_6, %get3A_7] : memref<1x2048xf32, #tpu.memory_space<vmem>>, vector<1x2048xf32>
    %add3A = vector.broadcast %get3A_8 : vector<1x2048xf32> to vector<32x2048xf32>
    %add3A_9 = arith.addf %dot_general3A_5, %add3A : vector<32x2048xf32>
    %swap3A = arith.constant 0 : index
    %swap3A_10 = arith.constant 0 : index
    %swap3A_11 = vector.load %arg4[%swap3A, %swap3A_10] : memref<32x2048xf32, #tpu.memory_space<vmem>>, vector<32x2048xf32>
    tpu.vector_store %arg4[%swap3A, %swap3A_10], %add3A_9 {strides = array<i32>} : memref<32x2048xf32, #tpu.memory_space<vmem>>, vector<32x2048xf32>,
    return
  }
  func.func @transform_0(%arg0: i32) -> (i32, i32) {
    %c0_i32 = arith.constant 0 : i32
    %c0_i32_0 = arith.constant 0 : i32
    %c0_i32_1 = arith.constant 0 : i32
    return %c0_i32, %c0_i32_0 : i32, i32
  }
  func.func @transform_1(%arg0: i32) -> (i32, i32) {
    %c0_i32 = arith.constant 0 : i32
    %c0_i32_0 = arith.constant 0 : i32
    return %arg0, %c0_i32 : i32, i32
  }
  func.func @transform_2(%arg0: i32) -> (i32, i32) {
    %c0_i32 = arith.constant 0 : i32
    %c0_i32_0 = arith.constant 0 : i32
    return %c0_i32, %arg0 : i32, i32
  }
  func.func @transform_3(%arg0: i32) -> (i32, i32) {
    %c0_i32 = arith.constant 0 : i32
    %c0_i32_0 = arith.constant 0 : i32
    return %c0_i32, %arg0 : i32, i32
  }
}

module attributes {stable_mosaic.version = 14 : i64} {
  func.func @_decode_body(%arg0: i32, %arg1: memref<32x2048xf32, #tpu.memory_space<vmem>>, %arg2: memref<32x16xi32, #tpu.memory_space<vmem>>, %arg3: memref<768x2048xf32, #tpu.memory_space<vmem>>, %arg4: memref<32x768xf32, #tpu.memory_space<vmem>>, %arg5: memref<32x2048xf32, #tpu.memory_space<vmem>>) attributes {dimension_semantics = [#tpu.dimension_semantics<arbitrary>], iteration_bounds = array<i64: 16>, scalar_prefetch = 0 : i64, scratch_operands = 0 : i64, tpu.core_type = #tpu.core_type<tc>, window_params = [{transform_indices = @transform_0, window_bounds = array<i64: 32, 2048>}, {pipeline_mode = #tpu.pipeline_mode<synchronous>, transform_indices = @transform_1, window_bounds = array<i64: 32, 16>}, {transform_indices = @transform_2, window_bounds = array<i64: 768, 2048>}, {pipeline_mode = #tpu.pipeline_mode<synchronous>, transform_indices = @transform_3, window_bounds = array<i64: 32, 768>}, {transform_indices = @transform_4, window_bounds = array<i64: 32, 2048>}]} {
    %get3A = arith.constant 0 : index
    %get3A_0 = arith.constant 0 : index
    %get3A_1 = vector.load %arg1[%get3A, %get3A_0] : memref<32x2048xf32, #tpu.memory_space<vmem>>, vector<32x2048xf32>
    %bitcast_convert_type3A = tpu.bitcast %get3A_1 : vector<32x2048xf32> -> vector<32x2048xi32>
    %shift_right_arithmetic3A = arith.constant 31 : i32
    %shift_right_arithmetic3A_2 = vector.broadcast %shift_right_arithmetic3A : i32 to vector<32x2048xi32>
    %shift_right_arithmetic3A_3 = arith.shrsi %bitcast_convert_type3A, %shift_right_arithmetic3A_2 : vector<32x2048xi32>
    %and3A = arith.constant 2147483647 : i32
    %and3A_4 = vector.broadcast %and3A : i32 to vector<32x2048xi32>
    %and3A_5 = arith.andi %shift_right_arithmetic3A_3, %and3A_4 : vector<32x2048xi32>
    %xor3A = arith.xori %bitcast_convert_type3A, %and3A_5 : vector<32x2048xi32>
    %get3A_6 = arith.constant 0 : index
    %get3A_7 = arith.constant 0 : index
    %get3A_8 = vector.load %arg2[%get3A_6, %get3A_7] : memref<32x16xi32, #tpu.memory_space<vmem>>, vector<32x1xi32>
    %get3A_9 = arith.constant 0 : index
    %get3A_10 = arith.constant 1 : index
    %get3A_11 = vector.load %arg2[%get3A_9, %get3A_10] : memref<32x16xi32, #tpu.memory_space<vmem>>, vector<32x1xi32>
    %iota3A = tpu.iota {dimensions = array<i32: 1>} : vector<32x2048xi32>
    %mul3A = arith.constant 2048 : i32
    %mul3A_12 = arith.muli %arg0, %mul3A : i32
    %add3A = vector.broadcast %mul3A_12 : i32 to vector<32x2048xi32>
    %add3A_13 = arith.addi %iota3A, %add3A : vector<32x2048xi32>
    %gt3A = vector.broadcast %get3A_8 : vector<32x1xi32> to vector<32x2048xi32>
    %gt3A_14 = arith.cmpi sgt, %xor3A, %gt3A : vector<32x2048xi32>
    %eq3A = vector.broadcast %get3A_8 : vector<32x1xi32> to vector<32x2048xi32>
    %eq3A_15 = arith.cmpi eq, %xor3A, %eq3A : vector<32x2048xi32>
    %le3A = vector.broadcast %get3A_11 : vector<32x1xi32> to vector<32x2048xi32>
    %le3A_16 = arith.cmpi sle, %add3A_13, %le3A : vector<32x2048xi32>
    %and3A_17 = arith.andi %eq3A_15, %le3A_16 : vector<32x2048xi1>
    %or3A = arith.ori %gt3A_14, %and3A_17 : vector<32x2048xi1>
    %gt3A_18 = arith.constant 0 : i32
    %gt3A_19 = vector.broadcast %gt3A_18 : i32 to vector<32x2048xi32>
    %gt3A_20 = arith.cmpi sgt, %xor3A, %gt3A_19 : vector<32x2048xi32>
    %and3A_21 = arith.andi %or3A, %gt3A_20 : vector<32x2048xi1>
    %get3A_22 = arith.constant 0 : index
    %get3A_23 = arith.constant 0 : index
    %get3A_24 = vector.load %arg1[%get3A_22, %get3A_23] : memref<32x2048xf32, #tpu.memory_space<vmem>>, vector<32x2048xf32>
    %jit3A = arith.constant 0.000000e+00 : f32
    %broadcast_in_dim3A = vector.broadcast %jit3A : f32 to vector<32x2048xf32>
    %select_n3A = arith.select %and3A_21, %get3A_24, %broadcast_in_dim3A : vector<32x2048xi1>, vector<32x2048xf32>
    %swap3A = arith.constant 0 : index
    %swap3A_25 = arith.constant 0 : index
    %swap3A_26 = vector.load %arg5[%swap3A, %swap3A_25] : memref<32x2048xf32, #tpu.memory_space<vmem>>, vector<32x2048xf32>
    tpu.vector_store %arg5[%swap3A, %swap3A_25], %select_n3A {strides = array<i32>} : memref<32x2048xf32, #tpu.memory_space<vmem>>, vector<32x2048xf32>,
    %get3A_27 = arith.constant 0 : index
    %get3A_28 = arith.constant 0 : index
    %get3A_29 = vector.load %arg3[%get3A_27, %get3A_28] : memref<768x2048xf32, #tpu.memory_space<vmem>>, vector<768x2048xf32>
    %dot_general3A = arith.constant dense<0.000000e+00> : vector<32x768xf32>
    %dot_general3A_30 = tpu.matmul %select_n3A, %get3A_29, %dot_general3A {dimension_numbers = #tpu.dot_dimension_numbers<[1], [1], [0], [0], [0, 0, 1, 0], [], []>, transpose_lhs_hint = false} : vector<32x2048xf32>, vector<768x2048xf32>, vector<32x768xf32> -> vector<32x768xf32>
    %eq3A_31 = arith.constant 0 : i32
    %eq3A_32 = arith.cmpi eq, %arg0, %eq3A_31 : i32
    %convert_element_type3A = arith.extui %eq3A_32 : i1 to i32
    %cond3A = arith.constant 0 : i32
    %cond3A_33 = arith.cmpi ne, %convert_element_type3A, %cond3A : i32
    scf.if %cond3A_33 {
      %swap3A_39 = arith.constant 0 : index
      %swap3A_40 = arith.constant 0 : index
      %swap3A_41 = vector.load %arg4[%swap3A_39, %swap3A_40] : memref<32x768xf32, #tpu.memory_space<vmem>>, vector<32x768xf32>
      tpu.vector_store %arg4[%swap3A_39, %swap3A_40], %dot_general3A_30 {strides = array<i32>} : memref<32x768xf32, #tpu.memory_space<vmem>>, vector<32x768xf32>,
    } else {
    }
    %gt3A_34 = arith.constant 0 : i32
    %gt3A_35 = arith.cmpi sgt, %arg0, %gt3A_34 : i32
    %convert_element_type3A_36 = arith.extui %gt3A_35 : i1 to i32
    %cond3A_37 = arith.constant 0 : i32
    %cond3A_38 = arith.cmpi ne, %convert_element_type3A_36, %cond3A_37 : i32
    scf.if %cond3A_38 {
      %get3A_39 = arith.constant 0 : index
      %get3A_40 = arith.constant 0 : index
      %get3A_41 = vector.load %arg4[%get3A_39, %get3A_40] : memref<32x768xf32, #tpu.memory_space<vmem>>, vector<32x768xf32>
      %add3A_42 = arith.addf %get3A_41, %dot_general3A_30 : vector<32x768xf32>
      %swap3A_43 = arith.constant 0 : index
      %swap3A_44 = arith.constant 0 : index
      %swap3A_45 = vector.load %arg4[%swap3A_43, %swap3A_44] : memref<32x768xf32, #tpu.memory_space<vmem>>, vector<32x768xf32>
      tpu.vector_store %arg4[%swap3A_43, %swap3A_44], %add3A_42 {strides = array<i32>} : memref<32x768xf32, #tpu.memory_space<vmem>>, vector<32x768xf32>,
    } else {
    }
    return
  }
  func.func @transform_0(%arg0: i32) -> (i32, i32) {
    %c0_i32 = arith.constant 0 : i32
    %c0_i32_0 = arith.constant 0 : i32
    return %c0_i32, %arg0 : i32, i32
  }
  func.func @transform_1(%arg0: i32) -> (i32, i32) {
    %c0_i32 = arith.constant 0 : i32
    %c0_i32_0 = arith.constant 0 : i32
    %c0_i32_1 = arith.constant 0 : i32
    return %c0_i32, %c0_i32_0 : i32, i32
  }
  func.func @transform_2(%arg0: i32) -> (i32, i32) {
    %c0_i32 = arith.constant 0 : i32
    %c0_i32_0 = arith.constant 0 : i32
    return %c0_i32, %arg0 : i32, i32
  }
  func.func @transform_3(%arg0: i32) -> (i32, i32) {
    %c0_i32 = arith.constant 0 : i32
    %c0_i32_0 = arith.constant 0 : i32
    %c0_i32_1 = arith.constant 0 : i32
    return %c0_i32, %c0_i32_0 : i32, i32
  }
  func.func @transform_4(%arg0: i32) -> (i32, i32) {
    %c0_i32 = arith.constant 0 : i32
    %c0_i32_0 = arith.constant 0 : i32
    return %c0_i32, %arg0 : i32, i32
  }
}

</mosaic_0001>

<sc_bundles>
// kernel: kernel.5.cloned.1.call-start
scs
__scs_entry_jumppad:
0x0: {  	(pc) =	sbr.rel $0x88, $3  }
0x1: {  	(tag) =	ssettag $0x0;
	lr =	simm.s32 $0x1  }
0x2: {  	[smem:$0x3F9D] =	sst lr;
	_ =	strace $0xD0000000  }
0x3: {  	_ = 	snop  }
0x4: {  	_ = 	snop  }
0x5: {  	_ = 	snop  }
0x6: {  	_ = 	snop  }
0x7: {  	_ = 	snop  }
__scs_overlays_trampoline_lowered:
0x8: {  	[smem:$0x3FAC] =	sst s0  }
0x9: {  	[smem:$0x3FAD] =	sst s1  }
0xa: {  	[smem:$0x3FAE] =	sst s2  }
0xb: {  	[smem:$0x3FAF] =	sst s3  }
0xc: {  	[smem:$0x3FB0] =	sst s4  }
0xd: {  	[smem:$0x3FB1] =	sst s5  }
0xe: {  	[smem:$0x3FB2] =	sst s6  }
0xf: {  	[smem:$0x3FB3] =	sst s7  }
0x10: {  	[smem:$0x3FB4] =	sst s8  }
0x11: {  	[smem:$0x3FB5] =	sst s9;
	s0 =	simm.s32 @!p0 $0x0  }
0x12: {  	s1 =	sld [smem:$0x3F9B];
	s0 =	simm.s32 @p0 $0x1  }
0x13: {  	[smem:$0x3FB6] =	sst s0;
	s0 =	simm.s32 @!p1 $0x0  }
0x14: {  	s2 =	sld [smem:$0x3F9A];
	s0 =	simm.s32 @p1 $0x1  }
0x15: {  	[smem:$0x3FB7] =	sst s0;
	s0 =	simm.s32 @!p2 $0x0  }
0x16: {  	s3 =	sld [smem:$0x3FDB];
	s0 =	simm.s32 @p2 $0x1  }
0x17: {  	s4 =	simm.s32 $0x1BF5;
	[smem:$0x3FB9] =	sst s0  }
0x18: {  	s0 =	sld [smem:$0x3F9C];
	_ =	swait.ge [sflag:s4], $0x0  }
0x19: {  	s7 =	sld [smem:$0x3F9D]  }
0x1a: {  	s8 =	sadd.s32 $0xFFFFE003, lr  }
0x1b: {  	s9 =	sadd.s32 $0xFFFFFEF7, lr;
	s5 =	simm.s32 $0xFFFFFFFF;
	p2 =	slt.u32 s8, $0xFFFFF086  }
0x1c: {  	p1 =	slt.u32 s9, $0xF7A;
	s5 =	simm.s32 @!p2 $0x0  }
0x1d: {  	s5 =	simm.s32 @p1 $0x1;
	p0 =	seq.s32 s7, s2  }
0x1e: {  	s7 =	smul.u32 @!p0 $0xF7A, s2;
	p2 =	seq.s32 @!p0 s5, $0x0  }
0x1f: {  	s9 =	smul.u32 $0xF7A, s1;
	s8 =	simm.s32 @!p0 $0x1BF5;
	p2 =	por !p2, p0  }
0x20: {  	[sflag:s8] =	ssyncset.s32 @!p0 $0xFFFFF086;
	s6 =	sadd.s32 @!p0 s3, s7;
	s7 =	simm.s32 @!p0 $0x108  }
0x21: {  	s3 =	sadd.s32 s3, s9;
	s6 =	sadd.s32 @!p0 $0x88, s6;
	s7 =	simm.s32 @p2 $0x1082  }
0x22: {  	[simem:s7], [sflag:s8] =	dma.local @!p0 [hbm:s6], $0xF7A  }
0x23: {  	s9 =	sor.u32 $0xD0000000, s2;
	s6 =	simm.s32 $0x108;
	_ =	swait.ge @!p0 [sflag:s8], $0x0  }
0x24: {  	s3 =	sadd.s32 $0x88, s3;
	s6 =	simm.s32 @!p1 $0x1082;
	[sflag:s4] =	ssyncset.s32 $0xFFFFF086  }
0x25: {  	[simem:s6], [sflag:s4] =	dma.local [hbm:s3], $0xF7A  }
0x26: {  	[smem:$0x3F9D] =	sst s1;
	(tag) =	ssettag s2;
	_ =	strace s9  }
0x27: {  	s1 =	sld [smem:$0x3FAD]  }
0x28: {  	s2 =	sld [smem:$0x3FAE]  }
0x29: {  	s4 =	sld [smem:$0x3FB0]  }
0x2a: {  	p0 =	seq.s32 s5, $0x0;
	s5 =	sld [smem:$0x3FB1]  }
0x2b: {  	s6 =	sld [smem:$0x3FB2]  }
0x2c: {  	s7 =	sld [smem:$0x3FB3]  }
0x2d: {  	s3 =	simm.s32 $0x108;
	s8 =	sld [smem:$0x3FB4]  }
0x2e: {  	s3 =	simm.s32 @!p0 $0x1082;
	s9 =	sld [smem:$0x3FB5]  }
0x2f: {  	lr =	sadd.s32 s0, s3;
	s0 =	sld [smem:$0x3FAC]  }
0x30: {  	s3 =	sld [smem:$0x3FAF]  }
0x31: {  	[smem:$0x3FB8] =	sst s10  }
0x32: {  	s10 =	sld [smem:$0x3FB6];
	_ =	sdelay $0x3  }
0x33: {  	p0 =	seq.s32 s10, $0x1;
	s10 =	sld [smem:$0x3FB8];
	_ =	sdelay $0x3  }
0x34: {  	[smem:$0x3FB8] =	sst s10  }
0x35: {  	s10 =	sld [smem:$0x3FB7];
	_ =	sdelay $0x3  }
0x36: {  	p1 =	seq.s32 s10, $0x1;
	s10 =	sld [smem:$0x3FB8];
	_ =	sdelay $0x3  }
0x37: {  	[smem:$0x3FB8] =	sst s10  }
0x38: {  	s10 =	sld [smem:$0x3FB9]  }
0x39: {  	_ = 	snop;
	(pc) =	sbr.ind lr, $3  }
0x3a: {  	_ = 	snop  }
0x3b: {  	_ = 	snop  }
0x3c: {  	p2 =	seq.s32 s10, $0x1;
	s10 =	sld [smem:$0x3FB8]  }
0x3d: {  	_ =	shalt  }
0x3e: {  	_ =	shalt  }
0x3f: {  	_ =	shalt  }
0x40: {  	_ =	shalt  }
0x41: {  	_ =	shalt  }
0x42: {  	_ =	shalt  }
0x43: {  	_ =	shalt  }
0x44: {  	_ =	shalt  }
0x45: {  	_ =	shalt  }
0x46: {  	_ =	shalt  }
0x47: {  	_ =	shalt  }
0x48: {  	_ =	shalt  }
0x49: {  	_ =	shalt  }
0x4a: {  	_ =	shalt  }
0x4b: {  	_ =	shalt  }
0x4c: {  	_ =	shalt  }
0x4d: {  	_ =	shalt  }
0x4e: {  	_ =	shalt  }
0x4f: {  	_ =	shalt  }
0x50: {  	_ =	shalt  }
0x51: {  	_ =	shalt  }
0x52: {  	_ =	shalt  }
0x53: {  	_ =	shalt  }
0x54: {  	_ =	shalt  }
0x55: {  	_ =	shalt  }
0x56: {  	_ =	shalt  }
0x57: {  	_ =	shalt  }
0x58: {  	_ =	shalt  }
0x59: {  	_ =	shalt  }
0x5a: {  	_ =	shalt  }
0x5b: {  	_ =	shalt  }
0x5c: {  	_ =	shalt  }
0x5d: {  	_ =	shalt  }
0x5e: {  	_ =	shalt  }
0x5f: {  	_ =	shalt  }
0x60: {  	_ =	shalt  }
0x61: {  	_ =	shalt  }
0x62: {  	_ =	shalt  }
0x63: {  	_ =	shalt  }
0x64: {  	_ =	shalt  }
0x65: {  	_ =	shalt  }
0x66: {  	_ =	shalt  }
0x67: {  	_ =	shalt  }
0x68: {  	_ =	shalt  }
0x69: {  	_ =	shalt  }
0x6a: {  	_ =	shalt  }
0x6b: {  	_ =	shalt  }
0x6c: {  	_ =	shalt  }
0x6d: {  	_ =	shalt  }
0x6e: {  	_ =	shalt  }
0x6f: {  	_ =	shalt  }
0x70: {  	_ =	shalt  }
0x71: {  	_ =	shalt  }
0x72: {  	_ =	shalt  }
0x73: {  	_ =	shalt  }
0x74: {  	_ =	shalt  }
0x75: {  	_ =	shalt  }
0x76: {  	_ =	shalt  }
0x77: {  	_ =	shalt  }
0x78: {  	_ =	shalt  }
0x79: {  	_ =	shalt  }
0x7a: {  	_ =	shalt  }
0x7b: {  	_ =	shalt  }
0x7c: {  	_ =	shalt  }
0x7d: {  	_ =	shalt  }
0x7e: {  	_ =	shalt  }
0x7f: {  	_ =	shalt  }
0x80: {  	_ =	shalt  }
0x81: {  	_ =	shalt  }
0x82: {  	_ =	shalt  }
0x83: {  	_ =	shalt  }
0x84: {  	_ =	shalt  }
0x85: {  	_ =	shalt  }
0x86: {  	_ =	shalt  }
0x87: {  	_ =	shalt  }
.Lfunc_end0:
.L_simem_size_0:
called_computation_lowered:
.L_overlay_start_0:
0x88: {  	s2 =	sld [smem:$0x3FD9]  }
0x89: {  	s3 =	sld [smem:$0x3FFE];
	_ =	sdelay $0x1  }
0x8a: {  	s1 =	srdreg.scid  }
0x8b: {  	s0 =	sand.u32 $0x1, s1  }
0x8c: {  	s15 =	sshll.u32 s0, $0xA;
	s2 =	sadd.s32 s3, s2  }
0x8d: {  	s2 =	sadd.s32 s2, s15  }
0x8e: {  	[smem:$0x3FC4] =	sst s2  }
0x8f: {  	_ = 	snop  }
0x90: {  	s2 =	sld [smem:$0x3FD0];
	_ =	sdelay $0x2  }
0x91: {  	s16 =	simm.s32 $0xA;
	s4 =	simm.s32 $0x10  }
0x92: {  	[smem:s4], [sflag:s16] =	dma.local [hbm:s2], $0x1  }
0x93: {  	_ =	swait.eq [sflag:s16], $0x1  }
0x94: {  	[sflag:s16] =	ssyncset.done $0x0  }
0x95: {  	s17 =	sld [smem:$0x10];
	[sflag:s16] =	ssyncadd.s32 $0xFFFFFFFF  }
0x96: {  	s18 =	sld [smem:$0x11];
	(tm) =	ssettm $0x1  }
0x97: {  	s19 =	sld [smem:$0x3FFB];
	_ =	sdelay $0x3  }
0x98: {  	_ =	strace s19  }
0x99: {  	s4 =	sld [smem:$0x3FFC];
	_ =	sdelay $0x3  }
0x9a: {  	_ =	strace s4  }
0x9b: {  	s4 =	sld [smem:$0x3FFD];
	_ =	sdelay $0x3  }
0x9c: {  	_ =	strace s4  }
0x9d: {  	_ =	strace $0x8FFFFFFF  }
0x9e: {  	s20 =	sld [smem:$0x3FDB];
	_ =	sdelay $0x1  }
0x9f: {  	s5 =	simm.s32 $_scs_section_size  }
0xa0: {  	s6 =	simm.s32 $_size__tile_overlayer_lowered;
	s7 =	simm.s32 $_tile_overlayer_lowered  }
0xa1: {  	s23 =	simm.s32 $0x1BFF;
	s22 =	sshll.u32 s7, $0x1;
	s4 =	sadd.s32 s5, s20  }
0xa2: {  	s8 =	simm.s32 $0x0;
	s21 =	sshll.u32 s6, $0x1;
	s6 =	sadd.s32 s22, s4  }
0xa3: {  	[timem:s8], [sflag:s23] =	dma.local [hbm:s6], s21  }
0xa4: {  	_ =	swait.ge [sflag:s23], s21  }
0xa5: {  	s5 =	ssub.s32 $0x0, s21;
	[sflag:s23] =	ssyncset.done $0x0  }
0xa6: {  	[sflag:s23] =	ssyncadd.s32 s5;
	_ =	sdelay $0x1  }
0xa7: {  	s24 =	simm.s32 $0x1B8B  }
0xa8: {  	_ =	swait.ge [sflag:s24], $0x1  }
0xa9: {  	[sflag:s24] =	ssyncset.done $0x0  }
0xaa: {  	s25 =	simm.s32 $0x1B8E;
	[sflag:s24] =	ssyncadd.s32 $0xFFFFFFFF  }
0xab: {  	s26 =	simm.s32 $execute0_lowered;
	[smem:$0x3FD2] =	sst s25  }
0xac: {  	s5 =	sshll.u32 s26, $0x1;
	_ =	strace $0x80000046;
	[dreg:$0x1] =	wrdreg $0xFFFFFFFF  }
0xad: {  	s28 =	simm.s32 $_size_execute0_lowered;
	s4 =	sadd.s32 s4, s5;
	[dreg:$0x0] =	wrdreg $0x0  }
0xae: {  	s5 =	sshll.u32 s28, $0x1;
	[dreg:$0x2] =	wrdreg s4  }
0xaf: {  	[dreg:$0x3] =	wrdreg s5  }
0xb0: {  	[dreg:$0x4] =	wrdreg $0xC0  }
0xb1: {  	_ =	task [dreg:s8], $0x5FFFF  }
0xb2: {  	[dreg:$0x1] =	wrdreg $0xFFFFFFFF  }
0xb3: {  	[dreg:$0x0] =	wrdreg $0x60  }
0xb4: {  	[dreg:$0x2] =	wrdreg s18  }
0xb5: {  	[dreg:$0x3] =	wrdreg s17  }
0xb6: {  	[dreg:$0x4] =	wrdreg $0x9  }
0xb7: {  	_ =	task.clear_ibuf [dreg:s8], $0x5FFFF;
	_ =	strace $0x90000046  }
0xb8: {  	s29 =	simm.s32 $0x9;
	_ =	strace $0x80000048  }
0xb9: {  	_ =	swait.ge [sflag:s29], $0x1  }
0xba: {  	[sflag:s29] =	ssyncadd.s32 $0xFFFFFFFF  }
0xbb: {  	_ =	strace $0x90000048  }
0xbc: {  	_ =	sfence  }
0xbd: {  	s30 =	sld [smem:$0x0];
	_ =	sdelay $0x2  }
0xbe: {  	s31 =	sshll.u32 s1, $0xD;
	s1 =	sshrl.u32 s1, $0x2  }
0xbf: {  	s3 =	sand.u32 $0x4000, s31;
	s1 =	sadd.s32 s1, s30  }
0xc0: {  	s0 =	sor.u32 s3, s0;
	s1 =	sshll.u32 s1, $0x11  }
0xc1: {  	s0 =	sor.u32 s1, s0  }
0xc2: {  	s0 =	sadd.s32 $0x8F2B, s0  }
0xc3: {  	[sflag:s0] =	ssyncadd.remote.s32 $0x1  }
0xc4: {  	_ =	sfence.sel $0xFFFF  }
0xc5: {  	[dreg:$0x0] =	wrdreg $0xFFFFFFFF;
	(pc) =	sbr.abs _section_cstart, $3  }
0xc6: {  	[dreg:$0x1] =	wrdreg $0xFFFFFFFF  }
0xc7: {  	_ =	task.clear_ibuf [dreg:s8], $0x2FFFF;
	_ =	strace $0x9FFFFFFF  }
0xc8: {  	(tm) =	ssettm $0x7FFFFFFF  }
0xc9: {  	_ =	shalt  }
tec
execute0_lowered:
.L_overlay_start_1:
0x0: {  	(tag) =	ssettag $0x1  }
0x1: {  	s0 =	srdreg.scid;
	s1 =	rddreg [dreg:$0x0]  }
0x2: {  	s3 =	stileid.u32;
	s5 =	rddreg [dreg:$0x1];
	s24 =	simm.s32 $0x0  }
0x3: {  	s13 =	simm.s32 $0x400;
	s15 =	simm.s32 $0x1;
	s17 =	simm.s32 $0x18000  }
0x4: {  	s18 =	simm.s32 $0x2;
	s0 =	sand.u32 $0x1, s0;
	s2 =	sshll.u32 s3, $0x8  }
0x5: {  	s4 =	sshrl.u32 s3, $0x2;
	s21 =	sshll.u32 s0, $0x7;
	s2 =	sand.u32 $0x300, s2  }
0x6: {  	s19 =	simm.s32 $0x80;
	s6 =	sshll.u32 s4, $0x12;
	s2 =	sor.u32 s21, s2  }
0x7: {  	s29 =	simm.s32 $0x3;
	[smem:$0x7FF] =	sst s24;
	s3 =	sor.u32 s6, s2  }
0x8: {  	v0 =	vimm.s32 $0x0;
	s0 =	ssub.s32 $0x2, s0;
	_ =	strace $0x80000047;
	s3 =	sshrl.u32 s3, $0x3  }
0x9: {  	s30 =	simm.s32 $0x0;
	s22 =	sshrl.u32 s0, $0x1;
	(xrf0) =	vadd.scan.msk.s32 $0xffff, v0;
	s3 =	sadd.s32 s1, s3  }
0xa: {  	s23 =	sshll.u32 s4, $0xA;
	s0 =	ssub.s32 s0, s22;
	s1 =	sadd.s32 $0x1000, s3  }
0xb: {  	s12 =	smax.u32 s0, $0x1;
	s25 =	sadd.s32 $0x2000, s3;
	[dreg:$0x3] =	wrdreg s1  }
.Ltmp0:
0xc: {  	s26 =	sadd.s32 $0x3000, s3;
	[dreg:$0x4] =	wrdreg s25;
	(pc) =	sbr.rel .LBB2_1-.Ltmp0, $4  }
0xd: {  	s28 =	sadd.s32 $0x4000, s3;
	s31 =	sadd.s32 $0x5000, s3;
	[dreg:$0x5] =	wrdreg s26  }
0xe: {  	s9 =	sadd.s32 $0x6000, s3;
	s1 =	sor.u32 s23, s2;
	[dreg:$0x6] =	wrdreg s28  }
0xf: {  	v2 =	vimm.s32 $0x1;
	v3 =	vlaneseq.u32;
	s10 =	sadd.s32 $0x7000, s3;
	[dreg:$0x7] =	wrdreg s31;
	s1 =	sshrl.u32 s1, $0x3;
	v1, _, _ =	vpop (xrf0)  }
0x10: {  	vm0 =	vcmask $0x300;
	vm1 =	vcmask $0x704;
	s25 =	simm.s32 $0x8000;
	s26 =	simm.s32 $0x10000;
	s11 =	sadd.s32 s5, s1;
	v1 =	vbroadcast v1, $0xF  }
.LBB2_79:
0x11: {  	s0 =	simm.s32 $0x7FFFFFFF  }
.LBB2_103:
0x12: {  	v4 =	vmov s1  }
0x13: {  	s30 =	sadd.s32 $0x1, s30;
	v4 =	vnsel vm0, $0x0, v4  }
0x14: {  	p0 =	sne.s32 s30, s12;
	v4 =	vsel vm1, s0, v4  }
.Ltmp1:
0x15: {  	s31 =	simm.s32 $0x18800;
	[tilespmem:$0x18800] =	vst v4;
	(pc) =	sbr.rel @!p0 .LBB2_104-.Ltmp1, $4  }
0x16: {  	[hbm4b:s11+s24] =	stream.linear.scatter [tilespmem:s31], [sflag:$0x3], $0x80, $0x38;
	[tilespmem:$0x18880] =	vst v63  }
0x17: {  	_ =	swait.ge [sflag:s29], $0x80  }
0x18: {  	[sflag:s29] =	ssyncset.done $0x0  }
0x19: {  	[sflag:s29] =	ssyncadd.s32 $0xFFFFFF80  }
.LBB2_1:
0x1a: {  	s0 =	simm.s32 $0x18020  }
0x1b: {  	[tilespmem:s0+$0xFFFFFFE0] =	vst v0  }
0x1c: {  	[tilespmem:s0+$0x10] =	vst v0  }
0x1d: {  	s1 =	simm.s32 $0x0;
	[tilespmem:s0+$0x0] =	vst v0  }
.LBB2_2:
0x1e: {  	s1 =	sadd.s32 $0x4, s1  }
0x1f: {  	[tilespmem:s0+$0xFFFFFFF0] =	vst v0;
	s0 =	sadd.s32 $0x40, s0;
	p0 =	slt.u32 s1, $0x7C  }
.Ltmp2:
0x20: {  	[tilespmem:s0+$0xFFFFFFE0] =	vst v0;
	(pc) =	sbr.rel @p0 .LBB2_2-.Ltmp2, $3  }
0x21: {  	_ =	sdelay $0x1  }
0x22: {  	[tilespmem:s0+$0x10] =	vst v0  }
0x23: {  	[tilespmem:s0+$0x0] =	vst v0  }
0x24: {  	[tilespmem:s0+$0xFFFFFFF0] =	vst v0;
	s23 =	simm.s32 $0x80  }
0x25: {  	[tilespmem:s24], [sflag:$0x1] =	stream.strided.gather [hbm4b:s3+s23], $0x1000, s13, s23, $0x38;
	[tilespmem:$0x18880] =	vst v63  }
0x26: {  	s2 =	simm.s32 $0x1000;
	s1 =	rddreg [dreg:$0x3]  }
0x27: {  	[tilespmem:s2], [sflag:$0x2] =	stream.strided.gather [hbm4b:s1+s23], $0x1000, s13, s23, $0x38;
	[tilespmem:$0x18880] =	vst v63  }
0x28: {  	_ =	swait.ge [sflag:s15], $0x1000  }
0x29: {  	[sflag:s15] =	ssyncset.done $0x0  }
0x2a: {  	s31 =	simm.s32 $0x2000;
	s28 =	rddreg [dreg:$0x4];
	[sflag:s15] =	ssyncadd.s32 $0xFFFFF000  }
0x2b: {  	[tilespmem:s31], [sflag:$0x1] =	stream.strided.gather [hbm4b:s28+s23], $0x1000, s13, s23, $0x38;
	[tilespmem:$0x18880] =	vst v63  }
0x2c: {  	v4 =	vld [tilespmem:s23+$0x70]  }
0x2d: {  	v5 =	vld [tilespmem:s23+$0xFFFFFF90]  }
0x2e: {  	v6 =	vld [tilespmem:s23+$0xFFFFFFA0]  }
0x2f: {  	v8 =	vld [tilespmem:s23+$0xFFFFFFC0]  }
0x30: {  	v7 =	vld [tilespmem:s23+$0xFFFFFFB0]  }
0x31: {  	v9 =	vld [tilespmem:s23+$0xFFFFFFD0];
	_ =	sdelay $0x1  }
0x32: {  	v12 =	vld [tilespmem:s23+$0xFFFFFFE0];
	v10 =	vshra.s32 v4, $0x1F;
	v11 =	vshra.s32 v5, $0x1F;
	v13 =	vshra.s32 v6, $0x1F  }
0x33: {  	v16 =	vshra.s32 v8, $0x1F;
	v10 =	vand.u32 $0x7FE00000, v10;
	v11 =	vand.u32 $0x7FE00000, v11  }
0x34: {  	v14 =	vld [tilespmem:s23+$0xFFFFFFF0];
	v4 =	vxor.u32 v4, v10;
	v10 =	vand.u32 $0x7FE00000, v13;
	v13 =	vshra.s32 v7, $0x1F  }
0x35: {  	v5 =	vxor.u32 v5, v11;
	v11 =	vand.u32 $0x7FE00000, v16;
	v16 =	vshra.s32 v9, $0x1F  }
0x36: {  	v15 =	vld [tilespmem:s23+$0x0];
	v4 =	vshra.s32 v4, $0x15;
	v13 =	vand.u32 $0x7FE00000, v13;
	v6 =	vxor.u32 v6, v10  }
0x37: {  	v17 =	vld [tilespmem:s23+$0x10];
	v10 =	vand.u32 $0x7FE00000, v16;
	v16 =	vshra.s32 v12, $0x1F;
	v8 =	vxor.u32 v8, v11  }
0x38: {  	v18 =	vld [tilespmem:s23+$0x20];
	v5 =	vshra.s32 v5, $0x15;
	v4 =	vadd.s32 $0x400, v4;
	v7 =	vxor.u32 v7, v13  }
0x39: {  	v19 =	vld [tilespmem:s23+$0x30];
	v13 =	vand.u32 $0x7FE00000, v16;
	v16 =	vshra.s32 v14, $0x1F;
	v9 =	vxor.u32 v9, v10  }
0x3a: {  	v20 =	vld [tilespmem:s23+$0x40];
	v6 =	vshra.s32 v6, $0x15;
	v8 =	vshra.s32 v8, $0x15;
	v11 =	vand.u32 $0x7FE00000, v16  }
0x3b: {  	v21 =	vld [tilespmem:s23+$0x50];
	v16 =	vshra.s32 v15, $0x1F;
	v12 =	vxor.u32 v12, v13;
	v7 =	vshra.s32 v7, $0x15  }
0x3c: {  	v22 =	vld [tilespmem:s23+$0x60];
	v9 =	vshra.s32 v9, $0x15;
	v10 =	vand.u32 $0x7FE00000, v16;
	v16 =	vshra.s32 v17, $0x1F  }
0x3d: {  	v11 =	vxor.u32 v14, v11;
	v12 =	vshra.s32 v12, $0x15;
	v13 =	vand.u32 $0x7FE00000, v16  }
0x3e: {  	v16 =	vshra.s32 v18, $0x1F;
	v10 =	vxor.u32 v15, v10;
	v15 =	vshra.s32 v19, $0x1F  }
0x3f: {  	v16 =	vand.u32 $0x7FE00000, v16;
	v15 =	vand.u32 $0x7FE00000, v15;
	v13 =	vxor.u32 v17, v13  }
0x40: {  	v14 =	vld [tilespmem:s23+$0xFFFFFF80];
	v17 =	vshra.s32 v20, $0x1F;
	v16 =	vxor.u32 v18, v16;
	v18 =	vshra.s32 v21, $0x1F  }
0x41: {  	v17 =	vand.u32 $0x7FE00000, v17;
	v15 =	vxor.u32 v19, v15;
	v19 =	vshra.s32 v22, $0x1F  }
0x42: {  	v23 =	vshra.s32 v13, $0x15;
	v13 =	vadd.s32 $0x400, v9;
	v18 =	vand.u32 $0x7FE00000, v18  }
0x43: {  	v17 =	vxor.u32 v20, v17;
	v19 =	vand.u32 $0x7FE00000, v19;
	v24 =	vshra.s32 v16, $0x15  }
0x44: {  	v25 =	vshra.s32 v15, $0x15;
	v16 =	vadd.s32 $0x400, v6;
	v15 =	vadd.s32 $0x400, v7  }
0x45: {  	v6 =	vadd.s32 $0x400, v23;
	v18 =	vxor.u32 v21, v18;
	v20 =	vshra.s32 v14, $0x1F  }
0x46: {  	v19 =	vxor.u32 v22, v19;
	v21 =	vshra.s32 v11, $0x15;
	v22 =	vshra.s32 v10, $0x15  }
0x47: {  	v26 =	vshra.s32 v17, $0x15;
	v11 =	vadd.s32 $0x400, v12;
	v7 =	vadd.s32 $0x400, v24  }
0x48: {  	v20 =	vand.u32 $0x7FE00000, v20;
	v19 =	vshra.s32 v19, $0x15;
	v10 =	vadd.s32 $0x400, v21  }
0x49: {  	[tilespmem:v4+s17+$0x0] =	vst.idx.add.s32.msk $0xffff, v2;
	v4 =	vadd.s32 $0x400, v26;
	v14 =	vxor.u32 v14, v20;
	v20 =	vshra.s32 v18, $0x15  }
0x4a: {  	v18 =	vadd.s32 $0x400, v5;
	v5 =	vadd.s32 $0x400, v25;
	v14 =	vshra.s32 v14, $0x15  }
0x4b: {  	s0 =	simm.s32 $0x0;
	s1 =	simm.s32 $0x180;
	v17 =	vadd.s32 $0x400, v14;
	v14 =	vadd.s32 $0x400, v8;
	v8 =	vadd.s32 $0x400, v22  }
.LBB2_4:
0x4c: {  	v21 =	vld [tilespmem:s1+$0x70];
	s0 =	sadd.s32 $0x10, s0;
	v12 =	vadd.s32 $0x400, v20;
	v9 =	vadd.s32 $0x400, v19  }
0x4d: {  	v19 =	vld [tilespmem:s1+$0xFFFFFF90];
	p0 =	slt.u32 s0, $0xF0  }
0x4e: {  	v20 =	vld [tilespmem:s1+$0xFFFFFFA0]  }
0x4f: {  	v22 =	vld [tilespmem:s1+$0xFFFFFFB0]  }
0x50: {  	v23 =	vld [tilespmem:s1+$0xFFFFFFC0]  }
0x51: {  	v24 =	vld [tilespmem:s1+$0xFFFFFFD0];
	v25 =	vshra.s32 v21, $0x1F  }
0x52: {  	v26 =	vshra.s32 v19, $0x1F;
	v27 =	vld [tilespmem:s1+$0xFFFFFFE0];
	v25 =	vand.u32 $0x7FE00000, v25  }
0x53: {  	v26 =	vand.u32 $0x7FE00000, v26;
	v28 =	vshra.s32 v20, $0x1F;
	v29 =	vld [tilespmem:s1+$0xFFFFFFF0];
	v21 =	vxor.u32 v21, v25  }
0x54: {  	v25 =	vand.u32 $0x7FE00000, v28;
	v28 =	vshra.s32 v22, $0x1F;
	v30 =	vld [tilespmem:s1+$0x0];
	v21 =	vshra.s32 v21, $0x15  }
0x55: {  	v28 =	vand.u32 $0x7FE00000, v28;
	v31 =	vshra.s32 v23, $0x1F;
	v32 =	vld [tilespmem:s1+$0x10];
	v21 =	vadd.s32 $0x400, v21  }
0x56: {  	v19 =	vxor.u32 v19, v26;
	v26 =	vand.u32 $0x7FE00000, v31;
	v31 =	vshra.s32 v24, $0x1F;
	v33 =	vld [tilespmem:s1+$0x20]  }
0x57: {  	v20 =	vxor.u32 v20, v25;
	v25 =	vand.u32 $0x7FE00000, v31;
	v31 =	vshra.s32 v27, $0x1F;
	v34 =	vld [tilespmem:s1+$0x30]  }
0x58: {  	v22 =	vxor.u32 v22, v28;
	v28 =	vand.u32 $0x7FE00000, v31;
	v31 =	vshra.s32 v29, $0x1F;
	v35 =	vld [tilespmem:s1+$0x40]  }
0x59: {  	v23 =	vxor.u32 v23, v26;
	v26 =	vand.u32 $0x7FE00000, v31;
	v31 =	vshra.s32 v30, $0x1F;
	v36 =	vld [tilespmem:s1+$0x50]  }
0x5a: {  	v24 =	vxor.u32 v24, v25;
	v25 =	vand.u32 $0x7FE00000, v31;
	v31 =	vshra.s32 v32, $0x1F;
	[tilespmem:v21+s17+$0x0] =	vst.idx.add.s32.msk $0xffff, v2  }
0x5b: {  	v21 =	vxor.u32 v27, v28;
	v27 =	vand.u32 $0x7FE00000, v31;
	v28 =	vshra.s32 v33, $0x1F;
	v31 =	vld [tilespmem:s1+$0x60]  }
0x5c: {  	v26 =	vxor.u32 v29, v26;
	v37 =	vld [tilespmem:s1+$0xFFFFFF80];
	v28 =	vand.u32 $0x7FE00000, v28;
	v29 =	vshra.s32 v34, $0x1F  }
0x5d: {  	v25 =	vxor.u32 v30, v25;
	v29 =	vand.u32 $0x7FE00000, v29;
	v30 =	vshra.s32 v35, $0x1F;
	[tilespmem:v17+s17+$0x0] =	vst.idx.add.s32.msk $0xffff, v2  }
0x5e: {  	v17 =	vxor.u32 v32, v27;
	v27 =	vand.u32 $0x7FE00000, v30;
	v30 =	vshra.s32 v36, $0x1F;
	[tilespmem:v18+s17+$0x0] =	vst.idx.add.s32.msk $0xffff, v2  }
0x5f: {  	v18 =	vxor.u32 v33, v28;
	v28 =	vxor.u32 v34, v29;
	v29 =	vand.u32 $0x7FE00000, v30;
	[tilespmem:v16+s17+$0x0] =	vst.idx.add.s32.msk $0xffff, v2  }
0x60: {  	v16 =	vxor.u32 v35, v27;
	v27 =	vxor.u32 v36, v29;
	v29 =	vshra.s32 v31, $0x1F;
	[tilespmem:v15+s17+$0x0] =	vst.idx.add.s32.msk $0xffff, v2  }
0x61: {  	v30 =	vshra.s32 v19, $0x15;
	v15 =	vshra.s32 v37, $0x1F;
	v19 =	vand.u32 $0x7FE00000, v29;
	[tilespmem:v14+s17+$0x0] =	vst.idx.add.s32.msk $0xffff, v2  }
0x62: {  	v14 =	vand.u32 $0x7FE00000, v15;
	v15 =	vshra.s32 v20, $0x15;
	v19 =	vxor.u32 v31, v19;
	[tilespmem:v13+s17+$0x0] =	vst.idx.add.s32.msk $0xffff, v2  }
0x63: {  	v13 =	vxor.u32 v37, v14;
	v14 =	vshra.s32 v22, $0x15;
	v22 =	vshra.s32 v23, $0x15;
	[tilespmem:v11+s17+$0x0] =	vst.idx.add.s32.msk $0xffff, v2  }
0x64: {  	v21 =	vshra.s32 v21, $0x15;
	v11 =	vshra.s32 v13, $0x15;
	v13 =	vshra.s32 v24, $0x15;
	[tilespmem:v10+s17+$0x0] =	vst.idx.add.s32.msk $0xffff, v2  }
0x65: {  	v23 =	vshra.s32 v25, $0x15;
	v10 =	vshra.s32 v26, $0x15;
	v24 =	vshra.s32 v17, $0x15;
	[tilespmem:v8+s17+$0x0] =	vst.idx.add.s32.msk $0xffff, v2  }
0x66: {  	v25 =	vshra.s32 v18, $0x15;
	v26 =	vshra.s32 v28, $0x15;
	v28 =	vshra.s32 v16, $0x15;
	[tilespmem:v6+s17+$0x0] =	vst.idx.add.s32.msk $0xffff, v2  }
.Ltmp3:
0x67: {  	v20 =	vshra.s32 v27, $0x15;
	v19 =	vshra.s32 v19, $0x15;
	v17 =	vadd.s32 $0x400, v11;
	[tilespmem:v7+s17+$0x0] =	vst.idx.add.s32.msk $0xffff, v2;
	(pc) =	sbr.rel @p0 .LBB2_4-.Ltmp3, $4  }
0x68: {  	v18 =	vadd.s32 $0x400, v30;
	v16 =	vadd.s32 $0x400, v15;
	v15 =	vadd.s32 $0x400, v14;
	[tilespmem:v5+s17+$0x0] =	vst.idx.add.s32.msk $0xffff, v2  }
0x69: {  	v14 =	vadd.s32 $0x400, v22;
	v13 =	vadd.s32 $0x400, v13;
	v11 =	vadd.s32 $0x400, v21;
	[tilespmem:v4+s17+$0x0] =	vst.idx.add.s32.msk $0xffff, v2  }
0x6a: {  	v10 =	vadd.s32 $0x400, v10;
	v8 =	vadd.s32 $0x400, v23;
	v6 =	vadd.s32 $0x400, v24;
	[tilespmem:v12+s17+$0x0] =	vst.idx.add.s32.msk $0xffff, v2  }
0x6b: {  	s1 =	sadd.s32 $0x100, s1;
	v7 =	vadd.s32 $0x400, v25;
	v5 =	vadd.s32 $0x400, v26;
	v4 =	vadd.s32 $0x400, v28;
	[tilespmem:v9+s17+$0x0] =	vst.idx.add.s32.msk $0xffff, v2  }
0x6c: {  	_ =	sdelay $0x3  }
0x6d: {  	[tilespmem:v17+s17+$0x0] =	vst.idx.add.s32.msk $0xffff, v2  }
0x6e: {  	[tilespmem:v18+s17+$0x0] =	vst.idx.add.s32.msk $0xffff, v2  }
0x6f: {  	[tilespmem:v16+s17+$0x0] =	vst.idx.add.s32.msk $0xffff, v2  }
0x70: {  	[tilespmem:v15+s17+$0x0] =	vst.idx.add.s32.msk $0xffff, v2  }
0x71: {  	[tilespmem:v14+s17+$0x0] =	vst.idx.add.s32.msk $0xffff, v2  }
0x72: {  	[tilespmem:v13+s17+$0x0] =	vst.idx.add.s32.msk $0xffff, v2  }
0x73: {  	[tilespmem:v11+s17+$0x0] =	vst.idx.add.s32.msk $0xffff, v2  }
0x74: {  	[tilespmem:v10+s17+$0x0] =	vst.idx.add.s32.msk $0xffff, v2  }
0x75: {  	v9 =	vadd.s32 $0x400, v20;
	[tilespmem:v8+s17+$0x0] =	vst.idx.add.s32.msk $0xffff, v2  }
0x76: {  	v8 =	vadd.s32 $0x400, v19;
	[tilespmem:v6+s17+$0x0] =	vst.idx.add.s32.msk $0xffff, v2  }
0x77: {  	[tilespmem:v7+s17+$0x0] =	vst.idx.add.s32.msk $0xffff, v2  }
0x78: {  	[tilespmem:v5+s17+$0x0] =	vst.idx.add.s32.msk $0xffff, v2  }
0x79: {  	[tilespmem:v4+s17+$0x0] =	vst.idx.add.s32.msk $0xffff, v2  }
0x7a: {  	[tilespmem:v9+s17+$0x0] =	vst.idx.add.s32.msk $0xffff, v2  }
0x7b: {  	[tilespmem:v8+s17+$0x0] =	vst.idx.add.s32.msk $0xffff, v2  }
0x7c: {  	_ =	swait.ge [sflag:s18], $0x1000  }
0x7d: {  	s1 =	simm.s32 $0x3000;
	[sflag:s18] =	ssyncset.done $0x0  }
0x7e: {  	s31 =	simm.s32 $0x10F0;
	s0 =	rddreg [dreg:$0x5];
	[sflag:s18] =	ssyncadd.s32 $0xFFFFF000  }
0x7f: {  	[tilespmem:s1], [sflag:$0x2] =	stream.strided.gather [hbm4b:s0+s19], $0x1000, s13, s19, $0x38;
	[tilespmem:$0x18880] =	vst v63  }
0x80: {  	v4 =	vld [tilespmem:s31+$0x0]  }
0x81: {  	v5 =	vld [tilespmem:s31+$0xFFFFFF20]  }
0x82: {  	v6 =	vld [tilespmem:s31+$0xFFFFFF30]  }
0x83: {  	v8 =	vld [tilespmem:s31+$0xFFFFFF50]  }
0x84: {  	v7 =	vld [tilespmem:s31+$0xFFFFFF40]  }
0x85: {  	v9 =	vld [tilespmem:s31+$0xFFFFFF60];
	_ =	sdelay $0x1  }
0x86: {  	v12 =	vld [tilespmem:s31+$0xFFFFFF70];
	v10 =	vshra.s32 v4, $0x1F;
	v11 =	vshra.s32 v5, $0x1F;
	v13 =	vshra.s32 v6, $0x1F  }
0x87: {  	v16 =	vshra.s32 v8, $0x1F;
	v10 =	vand.u32 $0x7FE00000, v10;
	v11 =	vand.u32 $0x7FE00000, v11  }
0x88: {  	v14 =	vld [tilespmem:s31+$0xFFFFFF80];
	v4 =	vxor.u32 v4, v10;
	v10 =	vand.u32 $0x7FE00000, v13;
	v13 =	vshra.s32 v7, $0x1F  }
0x89: {  	v5 =	vxor.u32 v5, v11;
	v11 =	vand.u32 $0x7FE00000, v16;
	v16 =	vshra.s32 v9, $0x1F  }
0x8a: {  	v15 =	vld [tilespmem:s31+$0xFFFFFF90];
	v4 =	vshra.s32 v4, $0x15;
	v13 =	vand.u32 $0x7FE00000, v13;
	v6 =	vxor.u32 v6, v10  }
0x8b: {  	v17 =	vld [tilespmem:s31+$0xFFFFFFA0];
	v10 =	vand.u32 $0x7FE00000, v16;
	v16 =	vshra.s32 v12, $0x1F;
	v8 =	vxor.u32 v8, v11  }
0x8c: {  	v18 =	vld [tilespmem:s31+$0xFFFFFFB0];
	v5 =	vshra.s32 v5, $0x15;
	v4 =	vadd.s32 $0x400, v4;
	v7 =	vxor.u32 v7, v13  }
0x8d: {  	v19 =	vld [tilespmem:s31+$0xFFFFFFC0];
	v13 =	vand.u32 $0x7FE00000, v16;
	v16 =	vshra.s32 v14, $0x1F;
	v9 =	vxor.u32 v9, v10  }
0x8e: {  	v20 =	vld [tilespmem:s31+$0xFFFFFFD0];
	v6 =	vshra.s32 v6, $0x15;
	v8 =	vshra.s32 v8, $0x15;
	v11 =	vand.u32 $0x7FE00000, v16  }
0x8f: {  	v21 =	vld [tilespmem:s31+$0xFFFFFFE0];
	v16 =	vshra.s32 v15, $0x1F;
	v12 =	vxor.u32 v12, v13;
	v7 =	vshra.s32 v7, $0x15  }
0x90: {  	v22 =	vld [tilespmem:s31+$0xFFFFFFF0];
	v9 =	vshra.s32 v9, $0x15;
	v10 =	vand.u32 $0x7FE00000, v16;
	v16 =	vshra.s32 v17, $0x1F  }
0x91: {  	v11 =	vxor.u32 v14, v11;
	v12 =	vshra.s32 v12, $0x15;
	v13 =	vand.u32 $0x7FE00000, v16  }
0x92: {  	v16 =	vshra.s32 v18, $0x1F;
	v10 =	vxor.u32 v15, v10;
	v15 =	vshra.s32 v19, $0x1F  }
0x93: {  	v16 =	vand.u32 $0x7FE00000, v16;
	v15 =	vand.u32 $0x7FE00000, v15;
	v13 =	vxor.u32 v17, v13  }
0x94: {  	v14 =	vld [tilespmem:s31+$0xFFFFFF10];
	v17 =	vshra.s32 v20, $0x1F;
	v16 =	vxor.u32 v18, v16;
	v18 =	vshra.s32 v21, $0x1F  }
0x95: {  	v17 =	vand.u32 $0x7FE00000, v17;
	v15 =	vxor.u32 v19, v15;
	v19 =	vshra.s32 v22, $0x1F  }
0x96: {  	v23 =	vshra.s32 v13, $0x15;
	v13 =	vadd.s32 $0x400, v9;
	v18 =	vand.u32 $0x7FE00000, v18  }
0x97: {  	v17 =	vxor.u32 v20, v17;
	v19 =	vand.u32 $0x7FE00000, v19;
	v24 =	vshra.s32 v16, $0x15  }
0x98: {  	v25 =	vshra.s32 v15, $0x15;
	v16 =	vadd.s32 $0x400, v6;
	v15 =	vadd.s32 $0x400, v7  }
0x99: {  	v6 =	vadd.s32 $0x400, v23;
	v18 =	vxor.u32 v21, v18;
	v20 =	vshra.s32 v14, $0x1F  }
0x9a: {  	v19 =	vxor.u32 v22, v19;
	v21 =	vshra.s32 v11, $0x15;
	v22 =	vshra.s32 v10, $0x15  }
0x9b: {  	v26 =	vshra.s32 v17, $0x15;
	v11 =	vadd.s32 $0x400, v12;
	v7 =	vadd.s32 $0x400, v24  }
0x9c: {  	v20 =	vand.u32 $0x7FE00000, v20;
	v19 =	vshra.s32 v19, $0x15;
	v10 =	vadd.s32 $0x400, v21  }
0x9d: {  	[tilespmem:v4+s17+$0x0] =	vst.idx.add.s32.msk $0xffff, v2;
	v4 =	vadd.s32 $0x400, v26;
	v14 =	vxor.u32 v14, v20;
	v20 =	vshra.s32 v18, $0x15  }
0x9e: {  	v18 =	vadd.s32 $0x400, v5;
	v5 =	vadd.s32 $0x400, v25;
	v14 =	vshra.s32 v14, $0x15  }
0x9f: {  	s0 =	simm.s32 $0x100;
	s1 =	simm.s32 $0x11F0;
	v17 =	vadd.s32 $0x400, v14;
	v14 =	vadd.s32 $0x400, v8;
	v8 =	vadd.s32 $0x400, v22  }
.LBB2_6:
0xa0: {  	v21 =	vld [tilespmem:s1+$0x0];
	s0 =	sadd.s32 $0x10, s0;
	v12 =	vadd.s32 $0x400, v20;
	v9 =	vadd.s32 $0x400, v19  }
0xa1: {  	v19 =	vld [tilespmem:s1+$0xFFFFFF20];
	p0 =	slt.u32 s0, $0x1F0  }
0xa2: {  	v20 =	vld [tilespmem:s1+$0xFFFFFF30]  }
0xa3: {  	v22 =	vld [tilespmem:s1+$0xFFFFFF40]  }
0xa4: {  	v23 =	vld [tilespmem:s1+$0xFFFFFF50]  }
0xa5: {  	v24 =	vld [tilespmem:s1+$0xFFFFFF60];
	v25 =	vshra.s32 v21, $0x1F  }
0xa6: {  	v26 =	vshra.s32 v19, $0x1F;
	v27 =	vld [tilespmem:s1+$0xFFFFFF70];
	v25 =	vand.u32 $0x7FE00000, v25  }
0xa7: {  	v26 =	vand.u32 $0x7FE00000, v26;
	v28 =	vshra.s32 v20, $0x1F;
	v29 =	vld [tilespmem:s1+$0xFFFFFF80];
	v21 =	vxor.u32 v21, v25  }
0xa8: {  	v25 =	vand.u32 $0x7FE00000, v28;
	v28 =	vshra.s32 v22, $0x1F;
	v30 =	vld [tilespmem:s1+$0xFFFFFF90];
	v21 =	vshra.s32 v21, $0x15  }
0xa9: {  	v28 =	vand.u32 $0x7FE00000, v28;
	v31 =	vshra.s32 v23, $0x1F;
	v32 =	vld [tilespmem:s1+$0xFFFFFFA0];
	v21 =	vadd.s32 $0x400, v21  }
0xaa: {  	v19 =	vxor.u32 v19, v26;
	v26 =	vand.u32 $0x7FE00000, v31;
	v31 =	vshra.s32 v24, $0x1F;
	v33 =	vld [tilespmem:s1+$0xFFFFFFB0]  }
0xab: {  	v20 =	vxor.u32 v20, v25;
	v25 =	vand.u32 $0x7FE00000, v31;
	v31 =	vshra.s32 v27, $0x1F;
	v34 =	vld [tilespmem:s1+$0xFFFFFFC0]  }
0xac: {  	v22 =	vxor.u32 v22, v28;
	v28 =	vand.u32 $0x7FE00000, v31;
	v31 =	vshra.s32 v29, $0x1F;
	v35 =	vld [tilespmem:s1+$0xFFFFFFD0]  }
0xad: {  	v23 =	vxor.u32 v23, v26;
	v26 =	vand.u32 $0x7FE00000, v31;
	v31 =	vshra.s32 v30, $0x1F;
	v36 =	vld [tilespmem:s1+$0xFFFFFFE0]  }
0xae: {  	v24 =	vxor.u32 v24, v25;
	v25 =	vand.u32 $0x7FE00000, v31;
	v31 =	vshra.s32 v32, $0x1F;
	[tilespmem:v21+s17+$0x0] =	vst.idx.add.s32.msk $0xffff, v2  }
0xaf: {  	v21 =	vxor.u32 v27, v28;
	v27 =	vand.u32 $0x7FE00000, v31;
	v28 =	vshra.s32 v33, $0x1F;
	v31 =	vld [tilespmem:s1+$0xFFFFFFF0]  }
0xb0: {  	v26 =	vxor.u32 v29, v26;
	v37 =	vld [tilespmem:s1+$0xFFFFFF10];
	v28 =	vand.u32 $0x7FE00000, v28;
	v29 =	vshra.s32 v34, $0x1F  }
0xb1: {  	v25 =	vxor.u32 v30, v25;
	v29 =	vand.u32 $0x7FE00000, v29;
	v30 =	vshra.s32 v35, $0x1F;
	[tilespmem:v17+s17+$0x0] =	vst.idx.add.s32.msk $0xffff, v2  }
0xb2: {  	v17 =	vxor.u32 v32, v27;
	v27 =	vand.u32 $0x7FE00000, v30;
	v30 =	vshra.s32 v36, $0x1F;
	[tilespmem:v18+s17+$0x0] =	vst.idx.add.s32.msk $0xffff, v2  }
0xb3: {  	v18 =	vxor.u32 v33, v28;
	v28 =	vxor.u32 v34, v29;
	v29 =	vand.u32 $0x7FE00000, v30;
	[tilespmem:v16+s17+$0x0] =	vst.idx.add.s32.msk $0xffff, v2  }
0xb4: {  	v16 =	vxor.u32 v35, v27;
	v27 =	vxor.u32 v36, v29;
	v29 =	vshra.s32 v31, $0x1F;
	[tilespmem:v15+s17+$0x0] =	vst.idx.add.s32.msk $0xffff, v2  }
0xb5: {  	v30 =	vshra.s32 v19, $0x15;
	v15 =	vshra.s32 v37, $0x1F;
	v19 =	vand.u32 $0x7FE00000, v29;
	[tilespmem:v14+s17+$0x0] =	vst.idx.add.s32.msk $0xffff, v2  }
0xb6: {  	v14 =	vand.u32 $0x7FE00000, v15;
	v15 =	vshra.s32 v20, $0x15;
	v19 =	vxor.u32 v31, v19;
	[tilespmem:v13+s17+$0x0] =	vst.idx.add.s32.msk $0xffff, v2  }
0xb7: {  	v13 =	vxor.u32 v37, v14;
	v14 =	vshra.s32 v22, $0x15;
	v22 =	vshra.s32 v23, $0x15;
	[tilespmem:v11+s17+$0x0] =	vst.idx.add.s32.msk $0xffff, v2  }
0xb8: {  	v21 =	vshra.s32 v21, $0x15;
	v11 =	vshra.s32 v13, $0x15;
	v13 =	vshra.s32 v24, $0x15;
	[tilespmem:v10+s17+$0x0] =	vst.idx.add.s32.msk $0xffff, v2  }
0xb9: {  	v23 =	vshra.s32 v25, $0x15;
	v10 =	vshra.s32 v26, $0x15;
	v24 =	vshra.s32 v17, $0x15;
	[tilespmem:v8+s17+$0x0] =	vst.idx.add.s32.msk $0xffff, v2  }
0xba: {  	v25 =	vshra.s32 v18, $0x15;
	v26 =	vshra.s32 v28, $0x15;
	v28 =	vshra.s32 v16, $0x15;
	[tilespmem:v6+s17+$0x0] =	vst.idx.add.s32.msk $0xffff, v2  }
.Ltmp4:
0xbb: {  	v20 =	vshra.s32 v27, $0x15;
	v19 =	vshra.s32 v19, $0x15;
	v17 =	vadd.s32 $0x400, v11;
	[tilespmem:v7+s17+$0x0] =	vst.idx.add.s32.msk $0xffff, v2;
	(pc) =	sbr.rel @p0 .LBB2_6-.Ltmp4, $4  }
0xbc: {  	v18 =	vadd.s32 $0x400, v30;
	v16 =	vadd.s32 $0x400, v15;
	v15 =	vadd.s32 $0x400, v14;
	[tilespmem:v5+s17+$0x0] =	vst.idx.add.s32.msk $0xffff, v2  }
0xbd: {  	v14 =	vadd.s32 $0x400, v22;
	v13 =	vadd.s32 $0x400, v13;
	v11 =	vadd.s32 $0x400, v21;
	[tilespmem:v4+s17+$0x0] =	vst.idx.add.s32.msk $0xffff, v2  }
0xbe: {  	v10 =	vadd.s32 $0x400, v10;
	v8 =	vadd.s32 $0x400, v23;
	v6 =	vadd.s32 $0x400, v24;
	[tilespmem:v12+s17+$0x0] =	vst.idx.add.s32.msk $0xffff, v2  }
0xbf: {  	s1 =	sadd.s32 $0x100, s1;
	v7 =	vadd.s32 $0x400, v25;
	v5 =	vadd.s32 $0x400, v26;
	v4 =	vadd.s32 $0x400, v28;
	[tilespmem:v9+s17+$0x0] =	vst.idx.add.s32.msk $0xffff, v2  }
0xc0: {  	_ =	sdelay $0x3  }
0xc1: {  	[tilespmem:v17+s17+$0x0] =	vst.idx.add.s32.msk $0xffff, v2  }
0xc2: {  	[tilespmem:v18+s17+$0x0] =	vst.idx.add.s32.msk $0xffff, v2  }
0xc3: {  	[tilespmem:v16+s17+$0x0] =	vst.idx.add.s32.msk $0xffff, v2  }
0xc4: {  	[tilespmem:v15+s17+$0x0] =	vst.idx.add.s32.msk $0xffff, v2  }
0xc5: {  	[tilespmem:v14+s17+$0x0] =	vst.idx.add.s32.msk $0xffff, v2  }
0xc6: {  	[tilespmem:v13+s17+$0x0] =	vst.idx.add.s32.msk $0xffff, v2  }
0xc7: {  	[tilespmem:v11+s17+$0x0] =	vst.idx.add.s32.msk $0xffff, v2  }
0xc8: {  	[tilespmem:v10+s17+$0x0] =	vst.idx.add.s32.msk $0xffff, v2  }
0xc9: {  	v9 =	vadd.s32 $0x400, v20;
	[tilespmem:v8+s17+$0x0] =	vst.idx.add.s32.msk $0xffff, v2  }
0xca: {  	v8 =	vadd.s32 $0x400, v19;
	[tilespmem:v6+s17+$0x0] =	vst.idx.add.s32.msk $0xffff, v2  }
0xcb: {  	[tilespmem:v7+s17+$0x0] =	vst.idx.add.s32.msk $0xffff, v2  }
0xcc: {  	[tilespmem:v5+s17+$0x0] =	vst.idx.add.s32.msk $0xffff, v2  }
0xcd: {  	[tilespmem:v4+s17+$0x0] =	vst.idx.add.s32.msk $0xffff, v2  }
0xce: {  	[tilespmem:v9+s17+$0x0] =	vst.idx.add.s32.msk $0xffff, v2  }
0xcf: {  	[tilespmem:v8+s17+$0x0] =	vst.idx.add.s32.msk $0xffff, v2  }
0xd0: {  	_ =	swait.ge [sflag:s15], $0x1000  }
0xd1: {  	s1 =	simm.s32 $0x4000;
	[sflag:s15] =	ssyncset.done $0x0  }
0xd2: {  	s31 =	simm.s32 $0x20F0;
	s0 =	rddreg [dreg:$0x6];
	[sflag:s15] =	ssyncadd.s32 $0xFFFFF000  }
0xd3: {  	[tilespmem:s1], [sflag:$0x1] =	stream.strided.gather [hbm4b:s0+s19], $0x1000, s13, s19, $0x38;
	[tilespmem:$0x18880] =	vst v63  }
0xd4: {  	v4 =	vld [tilespmem:s31+$0x0]  }
0xd5: {  	v5 =	vld [tilespmem:s31+$0xFFFFFF20]  }
0xd6: {  	v6 =	vld [tilespmem:s31+$0xFFFFFF30]  }
0xd7: {  	v8 =	vld [tilespmem:s31+$0xFFFFFF50]  }
0xd8: {  	v7 =	vld [tilespmem:s31+$0xFFFFFF40]  }
0xd9: {  	v9 =	vld [tilespmem:s31+$0xFFFFFF60];
	_ =	sdelay $0x1  }
0xda: {  	v12 =	vld [tilespmem:s31+$0xFFFFFF70];
	v10 =	vshra.s32 v4, $0x1F;
	v11 =	vshra.s32 v5, $0x1F;
	v13 =	vshra.s32 v6, $0x1F  }
0xdb: {  	v16 =	vshra.s32 v8, $0x1F;
	v10 =	vand.u32 $0x7FE00000, v10;
	v11 =	vand.u32 $0x7FE00000, v11  }
0xdc: {  	v14 =	vld [tilespmem:s31+$0xFFFFFF80];
	v4 =	vxor.u32 v4, v10;
	v10 =	vand.u32 $0x7FE00000, v13;
	v13 =	vshra.s32 v7, $0x1F  }
0xdd: {  	v5 =	vxor.u32 v5, v11;
	v11 =	vand.u32 $0x7FE00000, v16;
	v16 =	vshra.s32 v9, $0x1F  }
0xde: {  	v15 =	vld [tilespmem:s31+$0xFFFFFF90];
	v4 =	vshra.s32 v4, $0x15;
	v13 =	vand.u32 $0x7FE00000, v13;
	v6 =	vxor.u32 v6, v10  }
0xdf: {  	v17 =	vld [tilespmem:s31+$0xFFFFFFA0];
	v10 =	vand.u32 $0x7FE00000, v16;
	v16 =	vshra.s32 v12, $0x1F;
	v8 =	vxor.u32 v8, v11  }
0xe0: {  	v18 =	vld [tilespmem:s31+$0xFFFFFFB0];
	v5 =	vshra.s32 v5, $0x15;
	v4 =	vadd.s32 $0x400, v4;
	v7 =	vxor.u32 v7, v13  }
0xe1: {  	v19 =	vld [tilespmem:s31+$0xFFFFFFC0];
	v13 =	vand.u32 $0x7FE00000, v16;
	v16 =	vshra.s32 v14, $0x1F;
	v9 =	vxor.u32 v9, v10  }
0xe2: {  	v20 =	vld [tilespmem:s31+$0xFFFFFFD0];
	v6 =	vshra.s32 v6, $0x15;
	v8 =	vshra.s32 v8, $0x15;
	v11 =	vand.u32 $0x7FE00000, v16  }
0xe3: {  	v21 =	vld [tilespmem:s31+$0xFFFFFFE0];
	v16 =	vshra.s32 v15, $0x1F;
	v12 =	vxor.u32 v12, v13;
	v7 =	vshra.s32 v7, $0x15  }
0xe4: {  	v22 =	vld [tilespmem:s31+$0xFFFFFFF0];
	v9 =	vshra.s32 v9, $0x15;
	v10 =	vand.u32 $0x7FE00000, v16;
	v16 =	vshra.s32 v17, $0x1F  }
0xe5: {  	v11 =	vxor.u32 v14, v11;
	v12 =	vshra.s32 v12, $0x15;
	v13 =	vand.u32 $0x7FE00000, v16  }
0xe6: {  	v16 =	vshra.s32 v18, $0x1F;
	v10 =	vxor.u32 v15, v10;
	v15 =	vshra.s32 v19, $0x1F  }
0xe7: {  	v16 =	vand.u32 $0x7FE00000, v16;
	v15 =	vand.u32 $0x7FE00000, v15;
	v13 =	vxor.u32 v17, v13  }
0xe8: {  	v14 =	vld [tilespmem:s31+$0xFFFFFF10];
	v17 =	vshra.s32 v20, $0x1F;
	v16 =	vxor.u32 v18, v16;
	v18 =	vshra.s32 v21, $0x1F  }
0xe9: {  	v17 =	vand.u32 $0x7FE00000, v17;
	v15 =	vxor.u32 v19, v15;
	v19 =	vshra.s32 v22, $0x1F  }
0xea: {  	v23 =	vshra.s32 v13, $0x15;
	v13 =	vadd.s32 $0x400, v9;
	v18 =	vand.u32 $0x7FE00000, v18  }
0xeb: {  	v17 =	vxor.u32 v20, v17;
	v19 =	vand.u32 $0x7FE00000, v19;
	v24 =	vshra.s32 v16, $0x15  }
0xec: {  	v25 =	vshra.s32 v15, $0x15;
	v16 =	vadd.s32 $0x400, v6;
	v15 =	vadd.s32 $0x400, v7  }
0xed: {  	v6 =	vadd.s32 $0x400, v23;
	v18 =	vxor.u32 v21, v18;
	v20 =	vshra.s32 v14, $0x1F  }
0xee: {  	v19 =	vxor.u32 v22, v19;
	v21 =	vshra.s32 v11, $0x15;
	v22 =	vshra.s32 v10, $0x15  }
0xef: {  	v26 =	vshra.s32 v17, $0x15;
	v11 =	vadd.s32 $0x400, v12;
	v7 =	vadd.s32 $0x400, v24  }
0xf0: {  	v20 =	vand.u32 $0x7FE00000, v20;
	v19 =	vshra.s32 v19, $0x15;
	v10 =	vadd.s32 $0x400, v21  }
0xf1: {  	[tilespmem:v4+s17+$0x0] =	vst.idx.add.s32.msk $0xffff, v2;
	v4 =	vadd.s32 $0x400, v26;
	v14 =	vxor.u32 v14, v20;
	v20 =	vshra.s32 v18, $0x15  }
0xf2: {  	v18 =	vadd.s32 $0x400, v5;
	v5 =	vadd.s32 $0x400, v25;
	v14 =	vshra.s32 v14, $0x15  }
0xf3: {  	s0 =	simm.s32 $0x200;
	s1 =	simm.s32 $0x21F0;
	v17 =	vadd.s32 $0x400, v14;
	v14 =	vadd.s32 $0x400, v8;
	v8 =	vadd.s32 $0x400, v22  }
.LBB2_8:
0xf4: {  	v21 =	vld [tilespmem:s1+$0x0];
	s0 =	sadd.s32 $0x10, s0;
	v12 =	vadd.s32 $0x400, v20;
	v9 =	vadd.s32 $0x400, v19  }
0xf5: {  	v19 =	vld [tilespmem:s1+$0xFFFFFF20];
	p0 =	slt.u32 s0, $0x2F0  }
0xf6: {  	v20 =	vld [tilespmem:s1+$0xFFFFFF30]  }
0xf7: {  	v22 =	vld [tilespmem:s1+$0xFFFFFF40]  }
0xf8: {  	v23 =	vld [tilespmem:s1+$0xFFFFFF50]  }
0xf9: {  	v24 =	vld [tilespmem:s1+$0xFFFFFF60];
	v25 =	vshra.s32 v21, $0x1F  }
0xfa: {  	v26 =	vshra.s32 v19, $0x1F;
	v27 =	vld [tilespmem:s1+$0xFFFFFF70];
	v25 =	vand.u32 $0x7FE00000, v25  }
0xfb: {  	v26 =	vand.u32 $0x7FE00000, v26;
	v28 =	vshra.s32 v20, $0x1F;
	v29 =	vld [tilespmem:s1+$0xFFFFFF80];
	v21 =	vxor.u32 v21, v25  }
0xfc: {  	v25 =	vand.u32 $0x7FE00000, v28;
	v28 =	vshra.s32 v22, $0x1F;
	v30 =	vld [tilespmem:s1+$0xFFFFFF90];
	v21 =	vshra.s32 v21, $0x15  }
0xfd: {  	v28 =	vand.u32 $0x7FE00000, v28;
	v31 =	vshra.s32 v23, $0x1F;
	v32 =	vld [tilespmem:s1+$0xFFFFFFA0];
	v21 =	vadd.s32 $0x400, v21  }
0xfe: {  	v19 =	vxor.u32 v19, v26;
	v26 =	vand.u32 $0x7FE00000, v31;
	v31 =	vshra.s32 v24, $0x1F;
	v33 =	vld [tilespmem:s1+$0xFFFFFFB0]  }
0xff: {  	v20 =	vxor.u32 v20, v25;
	v25 =	vand.u32 $0x7FE00000, v31;
	v31 =	vshra.s32 v27, $0x1F;
	v34 =	vld [tilespmem:s1+$0xFFFFFFC0]  }
0x100: {  	v22 =	vxor.u32 v22, v28;
	v28 =	vand.u32 $0x7FE00000, v31;
	v31 =	vshra.s32 v29, $0x1F;
	v35 =	vld [tilespmem:s1+$0xFFFFFFD0]  }
0x101: {  	v23 =	vxor.u32 v23, v26;
	v26 =	vand.u32 $0x7FE00000, v31;
	v31 =	vshra.s32 v30, $0x1F;
	v36 =	vld [tilespmem:s1+$0xFFFFFFE0]  }
0x102: {  	v24 =	vxor.u32 v24, v25;
	v25 =	vand.u32 $0x7FE00000, v31;
	v31 =	vshra.s32 v32, $0x1F;
	[tilespmem:v21+s17+$0x0] =	vst.idx.add.s32.msk $0xffff, v2  }
0x103: {  	v21 =	vxor.u32 v27, v28;
	v27 =	vand.u32 $0x7FE00000, v31;
	v28 =	vshra.s32 v33, $0x1F;
	v31 =	vld [tilespmem:s1+$0xFFFFFFF0]  }
0x104: {  	v26 =	vxor.u32 v29, v26;
	v37 =	vld [tilespmem:s1+$0xFFFFFF10];
	v28 =	vand.u32 $0x7FE00000, v28;
	v29 =	vshra.s32 v34, $0x1F  }
0x105: {  	v25 =	vxor.u32 v30, v25;
	v29 =	vand.u32 $0x7FE00000, v29;
	v30 =	vshra.s32 v35, $0x1F;
	[tilespmem:v17+s17+$0x0] =	vst.idx.add.s32.msk $0xffff, v2  }
0x106: {  	v17 =	vxor.u32 v32, v27;
	v27 =	vand.u32 $0x7FE00000, v30;
	v30 =	vshra.s32 v36, $0x1F;
	[tilespmem:v18+s17+$0x0] =	vst.idx.add.s32.msk $0xffff, v2  }
0x107: {  	v18 =	vxor.u32 v33, v28;
	v28 =	vxor.u32 v34, v29;
	v29 =	vand.u32 $0x7FE00000, v30;
	[tilespmem:v16+s17+$0x0] =	vst.idx.add.s32.msk $0xffff, v2  }
0x108: {  	v16 =	vxor.u32 v35, v27;
	v27 =	vxor.u32 v36, v29;
	v29 =	vshra.s32 v31, $0x1F;
	[tilespmem:v15+s17+$0x0] =	vst.idx.add.s32.msk $0xffff, v2  }
0x109: {  	v30 =	vshra.s32 v19, $0x15;
	v15 =	vshra.s32 v37, $0x1F;
	v19 =	vand.u32 $0x7FE00000, v29;
	[tilespmem:v14+s17+$0x0] =	vst.idx.add.s32.msk $0xffff, v2  }
0x10a: {  	v14 =	vand.u32 $0x7FE00000, v15;
	v15 =	vshra.s32 v20, $0x15;
	v19 =	vxor.u32 v31, v19;
	[tilespmem:v13+s17+$0x0] =	vst.idx.add.s32.msk $0xffff, v2  }
0x10b: {  	v13 =	vxor.u32 v37, v14;
	v14 =	vshra.s32 v22, $0x15;
	v22 =	vshra.s32 v23, $0x15;
	[tilespmem:v11+s17+$0x0] =	vst.idx.add.s32.msk $0xffff, v2  }
0x10c: {  	v21 =	vshra.s32 v21, $0x15;
	v11 =	vshra.s32 v13, $0x15;
	v13 =	vshra.s32 v24, $0x15;
	[tilespmem:v10+s17+$0x0] =	vst.idx.add.s32.msk $0xffff, v2  }
0x10d: {  	v23 =	vshra.s32 v25, $0x15;
	v10 =	vshra.s32 v26, $0x15;
	v24 =	vshra.s32 v17, $0x15;
	[tilespmem:v8+s17+$0x0] =	vst.idx.add.s32.msk $0xffff, v2  }
0x10e: {  	v25 =	vshra.s32 v18, $0x15;
	v26 =	vshra.s32 v28, $0x15;
	v28 =	vshra.s32 v16, $0x15;
	[tilespmem:v6+s17+$0x0] =	vst.idx.add.s32.msk $0xffff, v2  }
.Ltmp5:
0x10f: {  	v20 =	vshra.s32 v27, $0x15;
	v19 =	vshra.s32 v19, $0x15;
	v17 =	vadd.s32 $0x400, v11;
	[tilespmem:v7+s17+$0x0] =	vst.idx.add.s32.msk $0xffff, v2;
	(pc) =	sbr.rel @p0 .LBB2_8-.Ltmp5, $4  }
0x110: {  	v18 =	vadd.s32 $0x400, v30;
	v16 =	vadd.s32 $0x400, v15;
	v15 =	vadd.s32 $0x400, v14;
	[tilespmem:v5+s17+$0x0] =	vst.idx.add.s32.msk $0xffff, v2  }
0x111: {  	v14 =	vadd.s32 $0x400, v22;
	v13 =	vadd.s32 $0x400, v13;
	v11 =	vadd.s32 $0x400, v21;
	[tilespmem:v4+s17+$0x0] =	vst.idx.add.s32.msk $0xffff, v2  }
0x112: {  	v10 =	vadd.s32 $0x400, v10;
	v8 =	vadd.s32 $0x400, v23;
	v6 =	vadd.s32 $0x400, v24;
	[tilespmem:v12+s17+$0x0] =	vst.idx.add.s32.msk $0xffff, v2  }
0x113: {  	s1 =	sadd.s32 $0x100, s1;
	v7 =	vadd.s32 $0x400, v25;
	v5 =	vadd.s32 $0x400, v26;
	v4 =	vadd.s32 $0x400, v28;
	[tilespmem:v9+s17+$0x0] =	vst.idx.add.s32.msk $0xffff, v2  }
0x114: {  	_ =	sdelay $0x3  }
0x115: {  	[tilespmem:v17+s17+$0x0] =	vst.idx.add.s32.msk $0xffff, v2  }
0x116: {  	[tilespmem:v18+s17+$0x0] =	vst.idx.add.s32.msk $0xffff, v2  }
0x117: {  	[tilespmem:v16+s17+$0x0] =	vst.idx.add.s32.msk $0xffff, v2  }
0x118: {  	[tilespmem:v15+s17+$0x0] =	vst.idx.add.s32.msk $0xffff, v2  }
0x119: {  	[tilespmem:v14+s17+$0x0] =	vst.idx.add.s32.msk $0xffff, v2  }
0x11a: {  	[tilespmem:v13+s17+$0x0] =	vst.idx.add.s32.msk $0xffff, v2  }
0x11b: {  	[tilespmem:v11+s17+$0x0] =	vst.idx.add.s32.msk $0xffff, v2  }
0x11c: {  	[tilespmem:v10+s17+$0x0] =	vst.idx.add.s32.msk $0xffff, v2  }
0x11d: {  	v9 =	vadd.s32 $0x400, v20;
	[tilespmem:v8+s17+$0x0] =	vst.idx.add.s32.msk $0xffff, v2  }
0x11e: {  	v8 =	vadd.s32 $0x400, v19;
	[tilespmem:v6+s17+$0x0] =	vst.idx.add.s32.msk $0xffff, v2  }
0x11f: {  	[tilespmem:v7+s17+$0x0] =	vst.idx.add.s32.msk $0xffff, v2  }
0x120: {  	[tilespmem:v5+s17+$0x0] =	vst.idx.add.s32.msk $0xffff, v2  }
0x121: {  	[tilespmem:v4+s17+$0x0] =	vst.idx.add.s32.msk $0xffff, v2  }
0x122: {  	[tilespmem:v9+s17+$0x0] =	vst.idx.add.s32.msk $0xffff, v2  }
0x123: {  	[tilespmem:v8+s17+$0x0] =	vst.idx.add.s32.msk $0xffff, v2  }
0x124: {  	_ =	swait.ge [sflag:s18], $0x1000  }
0x125: {  	s1 =	simm.s32 $0x5000;
	[sflag:s18] =	ssyncset.done $0x0  }
0x126: {  	s31 =	simm.s32 $0x30F0;
	s0 =	rddreg [dreg:$0x7];
	[sflag:s18] =	ssyncadd.s32 $0xFFFFF000  }
0x127: {  	[tilespmem:s1], [sflag:$0x2] =	stream.strided.gather [hbm4b:s0+s19], $0x1000, s13, s19, $0x38;
	[tilespmem:$0x18880] =	vst v63  }
0x128: {  	v4 =	vld [tilespmem:s31+$0x0]  }
0x129: {  	v5 =	vld [tilespmem:s31+$0xFFFFFF20]  }
0x12a: {  	v6 =	vld [tilespmem:s31+$0xFFFFFF30]  }
0x12b: {  	v8 =	vld [tilespmem:s31+$0xFFFFFF50]  }
0x12c: {  	v7 =	vld [tilespmem:s31+$0xFFFFFF40]  }
0x12d: {  	v9 =	vld [tilespmem:s31+$0xFFFFFF60];
	_ =	sdelay $0x1  }
0x12e: {  	v12 =	vld [tilespmem:s31+$0xFFFFFF70];
	v10 =	vshra.s32 v4, $0x1F;
	v11 =	vshra.s32 v5, $0x1F;
	v13 =	vshra.s32 v6, $0x1F  }
0x12f: {  	v16 =	vshra.s32 v8, $0x1F;
	v10 =	vand.u32 $0x7FE00000, v10;
	v11 =	vand.u32 $0x7FE00000, v11  }
0x130: {  	v14 =	vld [tilespmem:s31+$0xFFFFFF80];
	v4 =	vxor.u32 v4, v10;
	v10 =	vand.u32 $0x7FE00000, v13;
	v13 =	vshra.s32 v7, $0x1F  }
0x131: {  	v5 =	vxor.u32 v5, v11;
	v11 =	vand.u32 $0x7FE00000, v16;
	v16 =	vshra.s32 v9, $0x1F  }
0x132: {  	v15 =	vld [tilespmem:s31+$0xFFFFFF90];
	v4 =	vshra.s32 v4, $0x15;
	v13 =	vand.u32 $0x7FE00000, v13;
	v6 =	vxor.u32 v6, v10  }
0x133: {  	v17 =	vld [tilespmem:s31+$0xFFFFFFA0];
	v10 =	vand.u32 $0x7FE00000, v16;
	v16 =	vshra.s32 v12, $0x1F;
	v8 =	vxor.u32 v8, v11  }
0x134: {  	v18 =	vld [tilespmem:s31+$0xFFFFFFB0];
	v5 =	vshra.s32 v5, $0x15;
	v4 =	vadd.s32 $0x400, v4;
	v7 =	vxor.u32 v7, v13  }
0x135: {  	v19 =	vld [tilespmem:s31+$0xFFFFFFC0];
	v13 =	vand.u32 $0x7FE00000, v16;
	v16 =	vshra.s32 v14, $0x1F;
	v9 =	vxor.u32 v9, v10  }
0x136: {  	v20 =	vld [tilespmem:s31+$0xFFFFFFD0];
	v6 =	vshra.s32 v6, $0x15;
	v8 =	vshra.s32 v8, $0x15;
	v11 =	vand.u32 $0x7FE00000, v16  }
0x137: {  	v21 =	vld [tilespmem:s31+$0xFFFFFFE0];
	v16 =	vshra.s32 v15, $0x1F;
	v12 =	vxor.u32 v12, v13;
	v7 =	vshra.s32 v7, $0x15  }
0x138: {  	v22 =	vld [tilespmem:s31+$0xFFFFFFF0];
	v9 =	vshra.s32 v9, $0x15;
	v10 =	vand.u32 $0x7FE00000, v16;
	v16 =	vshra.s32 v17, $0x1F  }
0x139: {  	v11 =	vxor.u32 v14, v11;
	v12 =	vshra.s32 v12, $0x15;
	v13 =	vand.u32 $0x7FE00000, v16  }
0x13a: {  	v16 =	vshra.s32 v18, $0x1F;
	v10 =	vxor.u32 v15, v10;
	v15 =	vshra.s32 v19, $0x1F  }
0x13b: {  	v16 =	vand.u32 $0x7FE00000, v16;
	v15 =	vand.u32 $0x7FE00000, v15;
	v13 =	vxor.u32 v17, v13  }
0x13c: {  	v14 =	vld [tilespmem:s31+$0xFFFFFF10];
	v17 =	vshra.s32 v20, $0x1F;
	v16 =	vxor.u32 v18, v16;
	v18 =	vshra.s32 v21, $0x1F  }
0x13d: {  	v17 =	vand.u32 $0x7FE00000, v17;
	v15 =	vxor.u32 v19, v15;
	v19 =	vshra.s32 v22, $0x1F  }
0x13e: {  	v23 =	vshra.s32 v13, $0x15;
	v13 =	vadd.s32 $0x400, v9;
	v18 =	vand.u32 $0x7FE00000, v18  }
0x13f: {  	v17 =	vxor.u32 v20, v17;
	v19 =	vand.u32 $0x7FE00000, v19;
	v24 =	vshra.s32 v16, $0x15  }
0x140: {  	v25 =	vshra.s32 v15, $0x15;
	v16 =	vadd.s32 $0x400, v6;
	v15 =	vadd.s32 $0x400, v7  }
0x141: {  	v6 =	vadd.s32 $0x400, v23;
	v18 =	vxor.u32 v21, v18;
	v20 =	vshra.s32 v14, $0x1F  }
0x142: {  	v19 =	vxor.u32 v22, v19;
	v21 =	vshra.s32 v11, $0x15;
	v22 =	vshra.s32 v10, $0x15  }
0x143: {  	v26 =	vshra.s32 v17, $0x15;
	v11 =	vadd.s32 $0x400, v12;
	v7 =	vadd.s32 $0x400, v24  }
0x144: {  	v20 =	vand.u32 $0x7FE00000, v20;
	v19 =	vshra.s32 v19, $0x15;
	v10 =	vadd.s32 $0x400, v21  }
0x145: {  	[tilespmem:v4+s17+$0x0] =	vst.idx.add.s32.msk $0xffff, v2;
	v4 =	vadd.s32 $0x400, v26;
	v14 =	vxor.u32 v14, v20;
	v20 =	vshra.s32 v18, $0x15  }
0x146: {  	v18 =	vadd.s32 $0x400, v5;
	v5 =	vadd.s32 $0x400, v25;
	v14 =	vshra.s32 v14, $0x15  }
0x147: {  	s0 =	simm.s32 $0x300;
	s1 =	simm.s32 $0x31F0;
	v17 =	vadd.s32 $0x400, v14;
	v14 =	vadd.s32 $0x400, v8;
	v8 =	vadd.s32 $0x400, v22  }
.LBB2_10:
0x148: {  	v21 =	vld [tilespmem:s1+$0x0];
	s0 =	sadd.s32 $0x10, s0;
	v12 =	vadd.s32 $0x400, v20;
	v9 =	vadd.s32 $0x400, v19  }
0x149: {  	v19 =	vld [tilespmem:s1+$0xFFFFFF20];
	p0 =	slt.u32 s0, $0x3F0  }
0x14a: {  	v20 =	vld [tilespmem:s1+$0xFFFFFF30]  }
0x14b: {  	v22 =	vld [tilespmem:s1+$0xFFFFFF40]  }
0x14c: {  	v23 =	vld [tilespmem:s1+$0xFFFFFF50]  }
0x14d: {  	v24 =	vld [tilespmem:s1+$0xFFFFFF60];
	v25 =	vshra.s32 v21, $0x1F  }
0x14e: {  	v26 =	vshra.s32 v19, $0x1F;
	v27 =	vld [tilespmem:s1+$0xFFFFFF70];
	v25 =	vand.u32 $0x7FE00000, v25  }
0x14f: {  	v26 =	vand.u32 $0x7FE00000, v26;
	v28 =	vshra.s32 v20, $0x1F;
	v29 =	vld [tilespmem:s1+$0xFFFFFF80];
	v21 =	vxor.u32 v21, v25  }
0x150: {  	v25 =	vand.u32 $0x7FE00000, v28;
	v28 =	vshra.s32 v22, $0x1F;
	v30 =	vld [tilespmem:s1+$0xFFFFFF90];
	v21 =	vshra.s32 v21, $0x15  }
0x151: {  	v28 =	vand.u32 $0x7FE00000, v28;
	v31 =	vshra.s32 v23, $0x1F;
	v32 =	vld [tilespmem:s1+$0xFFFFFFA0];
	v21 =	vadd.s32 $0x400, v21  }
0x152: {  	v19 =	vxor.u32 v19, v26;
	v26 =	vand.u32 $0x7FE00000, v31;
	v31 =	vshra.s32 v24, $0x1F;
	v33 =	vld [tilespmem:s1+$0xFFFFFFB0]  }
0x153: {  	v20 =	vxor.u32 v20, v25;
	v25 =	vand.u32 $0x7FE00000, v31;
	v31 =	vshra.s32 v27, $0x1F;
	v34 =	vld [tilespmem:s1+$0xFFFFFFC0]  }
0x154: {  	v22 =	vxor.u32 v22, v28;
	v28 =	vand.u32 $0x7FE00000, v31;
	v31 =	vshra.s32 v29, $0x1F;
	v35 =	vld [tilespmem:s1+$0xFFFFFFD0]  }
0x155: {  	v23 =	vxor.u32 v23, v26;
	v26 =	vand.u32 $0x7FE00000, v31;
	v31 =	vshra.s32 v30, $0x1F;
	v36 =	vld [tilespmem:s1+$0xFFFFFFE0]  }
0x156: {  	v24 =	vxor.u32 v24, v25;
	v25 =	vand.u32 $0x7FE00000, v31;
	v31 =	vshra.s32 v32, $0x1F;
	[tilespmem:v21+s17+$0x0] =	vst.idx.add.s32.msk $0xffff, v2  }
0x157: {  	v21 =	vxor.u32 v27, v28;
	v27 =	vand.u32 $0x7FE00000, v31;
	v28 =	vshra.s32 v33, $0x1F;
	v31 =	vld [tilespmem:s1+$0xFFFFFFF0]  }
0x158: {  	v26 =	vxor.u32 v29, v26;
	v37 =	vld [tilespmem:s1+$0xFFFFFF10];
	v28 =	vand.u32 $0x7FE00000, v28;
	v29 =	vshra.s32 v34, $0x1F  }
0x159: {  	v25 =	vxor.u32 v30, v25;
	v29 =	vand.u32 $0x7FE00000, v29;
	v30 =	vshra.s32 v35, $0x1F;
	[tilespmem:v17+s17+$0x0] =	vst.idx.add.s32.msk $0xffff, v2  }
0x15a: {  	v17 =	vxor.u32 v32, v27;
	v27 =	vand.u32 $0x7FE00000, v30;
	v30 =	vshra.s32 v36, $0x1F;
	[tilespmem:v18+s17+$0x0] =	vst.idx.add.s32.msk $0xffff, v2  }
0x15b: {  	v18 =	vxor.u32 v33, v28;
	v28 =	vxor.u32 v34, v29;
	v29 =	vand.u32 $0x7FE00000, v30;
	[tilespmem:v16+s17+$0x0] =	vst.idx.add.s32.msk $0xffff, v2  }
0x15c: {  	v16 =	vxor.u32 v35, v27;
	v27 =	vxor.u32 v36, v29;
	v29 =	vshra.s32 v31, $0x1F;
	[tilespmem:v15+s17+$0x0] =	vst.idx.add.s32.msk $0xffff, v2  }
0x15d: {  	v30 =	vshra.s32 v19, $0x15;
	v15 =	vshra.s32 v37, $0x1F;
	v19 =	vand.u32 $0x7FE00000, v29;
	[tilespmem:v14+s17+$0x0] =	vst.idx.add.s32.msk $0xffff, v2  }
0x15e: {  	v14 =	vand.u32 $0x7FE00000, v15;
	v15 =	vshra.s32 v20, $0x15;
	v19 =	vxor.u32 v31, v19;
	[tilespmem:v13+s17+$0x0] =	vst.idx.add.s32.msk $0xffff, v2  }
0x15f: {  	v13 =	vxor.u32 v37, v14;
	v14 =	vshra.s32 v22, $0x15;
	v22 =	vshra.s32 v23, $0x15;
	[tilespmem:v11+s17+$0x0] =	vst.idx.add.s32.msk $0xffff, v2  }
0x160: {  	v21 =	vshra.s32 v21, $0x15;
	v11 =	vshra.s32 v13, $0x15;
	v13 =	vshra.s32 v24, $0x15;
	[tilespmem:v10+s17+$0x0] =	vst.idx.add.s32.msk $0xffff, v2  }
0x161: {  	v23 =	vshra.s32 v25, $0x15;
	v10 =	vshra.s32 v26, $0x15;
	v24 =	vshra.s32 v17, $0x15;
	[tilespmem:v8+s17+$0x0] =	vst.idx.add.s32.msk $0xffff, v2  }
0x162: {  	v25 =	vshra.s32 v18, $0x15;
	v26 =	vshra.s32 v28, $0x15;
	v28 =	vshra.s32 v16, $0x15;
	[tilespmem:v6+s17+$0x0] =	vst.idx.add.s32.msk $0xffff, v2  }
.Ltmp6:
0x163: {  	v20 =	vshra.s32 v27, $0x15;
	v19 =	vshra.s32 v19, $0x15;
	v17 =	vadd.s32 $0x400, v11;
	[tilespmem:v7+s17+$0x0] =	vst.idx.add.s32.msk $0xffff, v2;
	(pc) =	sbr.rel @p0 .LBB2_10-.Ltmp6, $4  }
0x164: {  	v18 =	vadd.s32 $0x400, v30;
	v16 =	vadd.s32 $0x400, v15;
	v15 =	vadd.s32 $0x400, v14;
	[tilespmem:v5+s17+$0x0] =	vst.idx.add.s32.msk $0xffff, v2  }
0x165: {  	v14 =	vadd.s32 $0x400, v22;
	v13 =	vadd.s32 $0x400, v13;
	v11 =	vadd.s32 $0x400, v21;
	[tilespmem:v4+s17+$0x0] =	vst.idx.add.s32.msk $0xffff, v2  }
0x166: {  	v10 =	vadd.s32 $0x400, v10;
	v8 =	vadd.s32 $0x400, v23;
	v6 =	vadd.s32 $0x400, v24;
	[tilespmem:v12+s17+$0x0] =	vst.idx.add.s32.msk $0xffff, v2  }
0x167: {  	s1 =	sadd.s32 $0x100, s1;
	v7 =	vadd.s32 $0x400, v25;
	v5 =	vadd.s32 $0x400, v26;
	v4 =	vadd.s32 $0x400, v28;
	[tilespmem:v9+s17+$0x0] =	vst.idx.add.s32.msk $0xffff, v2  }
0x168: {  	_ =	sdelay $0x3  }
0x169: {  	[tilespmem:v17+s17+$0x0] =	vst.idx.add.s32.msk $0xffff, v2  }
0x16a: {  	[tilespmem:v18+s17+$0x0] =	vst.idx.add.s32.msk $0xffff, v2  }
0x16b: {  	[tilespmem:v16+s17+$0x0] =	vst.idx.add.s32.msk $0xffff, v2  }
0x16c: {  	[tilespmem:v15+s17+$0x0] =	vst.idx.add.s32.msk $0xffff, v2  }
0x16d: {  	[tilespmem:v14+s17+$0x0] =	vst.idx.add.s32.msk $0xffff, v2  }
0x16e: {  	[tilespmem:v13+s17+$0x0] =	vst.idx.add.s32.msk $0xffff, v2  }
0x16f: {  	[tilespmem:v11+s17+$0x0] =	vst.idx.add.s32.msk $0xffff, v2  }
0x170: {  	[tilespmem:v10+s17+$0x0] =	vst.idx.add.s32.msk $0xffff, v2  }
0x171: {  	v9 =	vadd.s32 $0x400, v20;
	[tilespmem:v8+s17+$0x0] =	vst.idx.add.s32.msk $0xffff, v2  }
0x172: {  	v8 =	vadd.s32 $0x400, v19;
	[tilespmem:v6+s17+$0x0] =	vst.idx.add.s32.msk $0xffff, v2  }
0x173: {  	[tilespmem:v7+s17+$0x0] =	vst.idx.add.s32.msk $0xffff, v2  }
0x174: {  	[tilespmem:v5+s17+$0x0] =	vst.idx.add.s32.msk $0xffff, v2  }
0x175: {  	[tilespmem:v4+s17+$0x0] =	vst.idx.add.s32.msk $0xffff, v2  }
0x176: {  	[tilespmem:v9+s17+$0x0] =	vst.idx.add.s32.msk $0xffff, v2  }
0x177: {  	[tilespmem:v8+s17+$0x0] =	vst.idx.add.s32.msk $0xffff, v2  }
0x178: {  	_ =	swait.ge [sflag:s15], $0x1000  }
0x179: {  	[sflag:s15] =	ssyncset.done $0x0  }
0x17a: {  	s0 =	simm.s32 $0x6000;
	s31 =	simm.s32 $0x40F0;
	[sflag:s15] =	ssyncadd.s32 $0xFFFFF000  }
0x17b: {  	[tilespmem:s0], [sflag:$0x1] =	stream.strided.gather [hbm4b:s9+s19], $0x1000, s13, s19, $0x38;
	[tilespmem:$0x18880] =	vst v63  }
0x17c: {  	v4 =	vld [tilespmem:s31+$0x0]  }
0x17d: {  	v5 =	vld [tilespmem:s31+$0xFFFFFF20]  }
0x17e: {  	v6 =	vld [tilespmem:s31+$0xFFFFFF30]  }
0x17f: {  	v8 =	vld [tilespmem:s31+$0xFFFFFF50]  }
0x180: {  	v7 =	vld [tilespmem:s31+$0xFFFFFF40]  }
0x181: {  	v9 =	vld [tilespmem:s31+$0xFFFFFF60];
	_ =	sdelay $0x1  }
0x182: {  	v12 =	vld [tilespmem:s31+$0xFFFFFF70];
	v10 =	vshra.s32 v4, $0x1F;
	v11 =	vshra.s32 v5, $0x1F;
	v13 =	vshra.s32 v6, $0x1F  }
0x183: {  	v16 =	vshra.s32 v8, $0x1F;
	v10 =	vand.u32 $0x7FE00000, v10;
	v11 =	vand.u32 $0x7FE00000, v11  }
0x184: {  	v14 =	vld [tilespmem:s31+$0xFFFFFF80];
	v4 =	vxor.u32 v4, v10;
	v10 =	vand.u32 $0x7FE00000, v13;
	v13 =	vshra.s32 v7, $0x1F  }
0x185: {  	v5 =	vxor.u32 v5, v11;
	v11 =	vand.u32 $0x7FE00000, v16;
	v16 =	vshra.s32 v9, $0x1F  }
0x186: {  	v15 =	vld [tilespmem:s31+$0xFFFFFF90];
	v4 =	vshra.s32 v4, $0x15;
	v13 =	vand.u32 $0x7FE00000, v13;
	v6 =	vxor.u32 v6, v10  }
0x187: {  	v17 =	vld [tilespmem:s31+$0xFFFFFFA0];
	v10 =	vand.u32 $0x7FE00000, v16;
	v16 =	vshra.s32 v12, $0x1F;
	v8 =	vxor.u32 v8, v11  }
0x188: {  	v18 =	vld [tilespmem:s31+$0xFFFFFFB0];
	v5 =	vshra.s32 v5, $0x15;
	v4 =	vadd.s32 $0x400, v4;
	v7 =	vxor.u32 v7, v13  }
0x189: {  	v19 =	vld [tilespmem:s31+$0xFFFFFFC0];
	v13 =	vand.u32 $0x7FE00000, v16;
	v16 =	vshra.s32 v14, $0x1F;
	v9 =	vxor.u32 v9, v10  }
0x18a: {  	v20 =	vld [tilespmem:s31+$0xFFFFFFD0];
	v6 =	vshra.s32 v6, $0x15;
	v8 =	vshra.s32 v8, $0x15;
	v11 =	vand.u32 $0x7FE00000, v16  }
0x18b: {  	v21 =	vld [tilespmem:s31+$0xFFFFFFE0];
	v16 =	vshra.s32 v15, $0x1F;
	v12 =	vxor.u32 v12, v13;
	v7 =	vshra.s32 v7, $0x15  }
0x18c: {  	v22 =	vld [tilespmem:s31+$0xFFFFFFF0];
	v9 =	vshra.s32 v9, $0x15;
	v10 =	vand.u32 $0x7FE00000, v16;
	v16 =	vshra.s32 v17, $0x1F  }
0x18d: {  	v11 =	vxor.u32 v14, v11;
	v12 =	vshra.s32 v12, $0x15;
	v13 =	vand.u32 $0x7FE00000, v16  }
0x18e: {  	v16 =	vshra.s32 v18, $0x1F;
	v10 =	vxor.u32 v15, v10;
	v15 =	vshra.s32 v19, $0x1F  }
0x18f: {  	v16 =	vand.u32 $0x7FE00000, v16;
	v15 =	vand.u32 $0x7FE00000, v15;
	v13 =	vxor.u32 v17, v13  }
0x190: {  	v14 =	vld [tilespmem:s31+$0xFFFFFF10];
	v17 =	vshra.s32 v20, $0x1F;
	v16 =	vxor.u32 v18, v16;
	v18 =	vshra.s32 v21, $0x1F  }
0x191: {  	v17 =	vand.u32 $0x7FE00000, v17;
	v15 =	vxor.u32 v19, v15;
	v19 =	vshra.s32 v22, $0x1F  }
0x192: {  	v23 =	vshra.s32 v13, $0x15;
	v13 =	vadd.s32 $0x400, v9;
	v18 =	vand.u32 $0x7FE00000, v18  }
0x193: {  	v17 =	vxor.u32 v20, v17;
	v19 =	vand.u32 $0x7FE00000, v19;
	v24 =	vshra.s32 v16, $0x15  }
0x194: {  	v25 =	vshra.s32 v15, $0x15;
	v16 =	vadd.s32 $0x400, v6;
	v15 =	vadd.s32 $0x400, v7  }
0x195: {  	v6 =	vadd.s32 $0x400, v23;
	v18 =	vxor.u32 v21, v18;
	v20 =	vshra.s32 v14, $0x1F  }
0x196: {  	v19 =	vxor.u32 v22, v19;
	v21 =	vshra.s32 v11, $0x15;
	v22 =	vshra.s32 v10, $0x15  }
0x197: {  	v26 =	vshra.s32 v17, $0x15;
	v11 =	vadd.s32 $0x400, v12;
	v7 =	vadd.s32 $0x400, v24  }
0x198: {  	v20 =	vand.u32 $0x7FE00000, v20;
	v19 =	vshra.s32 v19, $0x15;
	v10 =	vadd.s32 $0x400, v21  }
0x199: {  	[tilespmem:v4+s17+$0x0] =	vst.idx.add.s32.msk $0xffff, v2;
	v4 =	vadd.s32 $0x400, v26;
	v14 =	vxor.u32 v14, v20;
	v20 =	vshra.s32 v18, $0x15  }
0x19a: {  	v18 =	vadd.s32 $0x400, v5;
	v5 =	vadd.s32 $0x400, v25;
	v14 =	vshra.s32 v14, $0x15  }
0x19b: {  	s1 =	simm.s32 $0x41F0;
	s0 =	simm.s32 $0x400;
	v17 =	vadd.s32 $0x400, v14;
	v14 =	vadd.s32 $0x400, v8;
	v8 =	vadd.s32 $0x400, v22  }
.LBB2_12:
0x19c: {  	v21 =	vld [tilespmem:s1+$0x0];
	s0 =	sadd.s32 $0x10, s0;
	v12 =	vadd.s32 $0x400, v20;
	v9 =	vadd.s32 $0x400, v19  }
0x19d: {  	v19 =	vld [tilespmem:s1+$0xFFFFFF20];
	p0 =	slt.u32 s0, $0x4F0  }
0x19e: {  	v20 =	vld [tilespmem:s1+$0xFFFFFF30]  }
0x19f: {  	v22 =	vld [tilespmem:s1+$0xFFFFFF40]  }
0x1a0: {  	v23 =	vld [tilespmem:s1+$0xFFFFFF50]  }
0x1a1: {  	v24 =	vld [tilespmem:s1+$0xFFFFFF60];
	v25 =	vshra.s32 v21, $0x1F  }
0x1a2: {  	v26 =	vshra.s32 v19, $0x1F;
	v27 =	vld [tilespmem:s1+$0xFFFFFF70];
	v25 =	vand.u32 $0x7FE00000, v25  }
0x1a3: {  	v26 =	vand.u32 $0x7FE00000, v26;
	v28 =	vshra.s32 v20, $0x1F;
	v29 =	vld [tilespmem:s1+$0xFFFFFF80];
	v21 =	vxor.u32 v21, v25  }
0x1a4: {  	v25 =	vand.u32 $0x7FE00000, v28;
	v28 =	vshra.s32 v22, $0x1F;
	v30 =	vld [tilespmem:s1+$0xFFFFFF90];
	v21 =	vshra.s32 v21, $0x15  }
0x1a5: {  	v28 =	vand.u32 $0x7FE00000, v28;
	v31 =	vshra.s32 v23, $0x1F;
	v32 =	vld [tilespmem:s1+$0xFFFFFFA0];
	v21 =	vadd.s32 $0x400, v21  }
0x1a6: {  	v19 =	vxor.u32 v19, v26;
	v26 =	vand.u32 $0x7FE00000, v31;
	v31 =	vshra.s32 v24, $0x1F;
	v33 =	vld [tilespmem:s1+$0xFFFFFFB0]  }
0x1a7: {  	v20 =	vxor.u32 v20, v25;
	v25 =	vand.u32 $0x7FE00000, v31;
	v31 =	vshra.s32 v27, $0x1F;
	v34 =	vld [tilespmem:s1+$0xFFFFFFC0]  }
0x1a8: {  	v22 =	vxor.u32 v22, v28;
	v28 =	vand.u32 $0x7FE00000, v31;
	v31 =	vshra.s32 v29, $0x1F;
	v35 =	vld [tilespmem:s1+$0xFFFFFFD0]  }
0x1a9: {  	v23 =	vxor.u32 v23, v26;
	v26 =	vand.u32 $0x7FE00000, v31;
	v31 =	vshra.s32 v30, $0x1F;
	v36 =	vld [tilespmem:s1+$0xFFFFFFE0]  }
0x1aa: {  	v24 =	vxor.u32 v24, v25;
	v25 =	vand.u32 $0x7FE00000, v31;
	v31 =	vshra.s32 v32, $0x1F;
	[tilespmem:v21+s17+$0x0] =	vst.idx.add.s32.msk $0xffff, v2  }
0x1ab: {  	v21 =	vxor.u32 v27, v28;
	v27 =	vand.u32 $0x7FE00000, v31;
	v28 =	vshra.s32 v33, $0x1F;
	v31 =	vld [tilespmem:s1+$0xFFFFFFF0]  }
0x1ac: {  	v26 =	vxor.u32 v29, v26;
	v37 =	vld [tilespmem:s1+$0xFFFFFF10];
	v28 =	vand.u32 $0x7FE00000, v28;
	v29 =	vshra.s32 v34, $0x1F  }
0x1ad: {  	v25 =	vxor.u32 v30, v25;
	v29 =	vand.u32 $0x7FE00000, v29;
	v30 =	vshra.s32 v35, $0x1F;
	[tilespmem:v17+s17+$0x0] =	vst.idx.add.s32.msk $0xffff, v2  }
0x1ae: {  	v17 =	vxor.u32 v32, v27;
	v27 =	vand.u32 $0x7FE00000, v30;
	v30 =	vshra.s32 v36, $0x1F;
	[tilespmem:v18+s17+$0x0] =	vst.idx.add.s32.msk $0xffff, v2  }
0x1af: {  	v18 =	vxor.u32 v33, v28;
	v28 =	vxor.u32 v34, v29;
	v29 =	vand.u32 $0x7FE00000, v30;
	[tilespmem:v16+s17+$0x0] =	vst.idx.add.s32.msk $0xffff, v2  }
0x1b0: {  	v16 =	vxor.u32 v35, v27;
	v27 =	vxor.u32 v36, v29;
	v29 =	vshra.s32 v31, $0x1F;
	[tilespmem:v15+s17+$0x0] =	vst.idx.add.s32.msk $0xffff, v2  }
0x1b1: {  	v30 =	vshra.s32 v19, $0x15;
	v15 =	vshra.s32 v37, $0x1F;
	v19 =	vand.u32 $0x7FE00000, v29;
	[tilespmem:v14+s17+$0x0] =	vst.idx.add.s32.msk $0xffff, v2  }
0x1b2: {  	v14 =	vand.u32 $0x7FE00000, v15;
	v15 =	vshra.s32 v20, $0x15;
	v19 =	vxor.u32 v31, v19;
	[tilespmem:v13+s17+$0x0] =	vst.idx.add.s32.msk $0xffff, v2  }
0x1b3: {  	v13 =	vxor.u32 v37, v14;
	v14 =	vshra.s32 v22, $0x15;
	v22 =	vshra.s32 v23, $0x15;
	[tilespmem:v11+s17+$0x0] =	vst.idx.add.s32.msk $0xffff, v2  }
0x1b4: {  	v21 =	vshra.s32 v21, $0x15;
	v11 =	vshra.s32 v13, $0x15;
	v13 =	vshra.s32 v24, $0x15;
	[tilespmem:v10+s17+$0x0] =	vst.idx.add.s32.msk $0xffff, v2  }
0x1b5: {  	v23 =	vshra.s32 v25, $0x15;
	v10 =	vshra.s32 v26, $0x15;
	v24 =	vshra.s32 v17, $0x15;
	[tilespmem:v8+s17+$0x0] =	vst.idx.add.s32.msk $0xffff, v2  }
0x1b6: {  	v25 =	vshra.s32 v18, $0x15;
	v26 =	vshra.s32 v28, $0x15;
	v28 =	vshra.s32 v16, $0x15;
	[tilespmem:v6+s17+$0x0] =	vst.idx.add.s32.msk $0xffff, v2  }
.Ltmp7:
0x1b7: {  	v20 =	vshra.s32 v27, $0x15;
	v19 =	vshra.s32 v19, $0x15;
	v17 =	vadd.s32 $0x400, v11;
	[tilespmem:v7+s17+$0x0] =	vst.idx.add.s32.msk $0xffff, v2;
	(pc) =	sbr.rel @p0 .LBB2_12-.Ltmp7, $4  }
0x1b8: {  	v18 =	vadd.s32 $0x400, v30;
	v16 =	vadd.s32 $0x400, v15;
	v15 =	vadd.s32 $0x400, v14;
	[tilespmem:v5+s17+$0x0] =	vst.idx.add.s32.msk $0xffff, v2  }
0x1b9: {  	v14 =	vadd.s32 $0x400, v22;
	v13 =	vadd.s32 $0x400, v13;
	v11 =	vadd.s32 $0x400, v21;
	[tilespmem:v4+s17+$0x0] =	vst.idx.add.s32.msk $0xffff, v2  }
0x1ba: {  	v10 =	vadd.s32 $0x400, v10;
	v8 =	vadd.s32 $0x400, v23;
	v6 =	vadd.s32 $0x400, v24;
	[tilespmem:v12+s17+$0x0] =	vst.idx.add.s32.msk $0xffff, v2  }
0x1bb: {  	s1 =	sadd.s32 $0x100, s1;
	v7 =	vadd.s32 $0x400, v25;
	v5 =	vadd.s32 $0x400, v26;
	v4 =	vadd.s32 $0x400, v28;
	[tilespmem:v9+s17+$0x0] =	vst.idx.add.s32.msk $0xffff, v2  }
0x1bc: {  	_ =	sdelay $0x3  }
0x1bd: {  	[tilespmem:v17+s17+$0x0] =	vst.idx.add.s32.msk $0xffff, v2  }
0x1be: {  	[tilespmem:v18+s17+$0x0] =	vst.idx.add.s32.msk $0xffff, v2  }
0x1bf: {  	[tilespmem:v16+s17+$0x0] =	vst.idx.add.s32.msk $0xffff, v2  }
0x1c0: {  	[tilespmem:v15+s17+$0x0] =	vst.idx.add.s32.msk $0xffff, v2  }
0x1c1: {  	[tilespmem:v14+s17+$0x0] =	vst.idx.add.s32.msk $0xffff, v2  }
0x1c2: {  	[tilespmem:v13+s17+$0x0] =	vst.idx.add.s32.msk $0xffff, v2  }
0x1c3: {  	[tilespmem:v11+s17+$0x0] =	vst.idx.add.s32.msk $0xffff, v2  }
0x1c4: {  	[tilespmem:v10+s17+$0x0] =	vst.idx.add.s32.msk $0xffff, v2  }
0x1c5: {  	v9 =	vadd.s32 $0x400, v20;
	[tilespmem:v8+s17+$0x0] =	vst.idx.add.s32.msk $0xffff, v2  }
0x1c6: {  	v8 =	vadd.s32 $0x400, v19;
	[tilespmem:v6+s17+$0x0] =	vst.idx.add.s32.msk $0xffff, v2  }
0x1c7: {  	[tilespmem:v7+s17+$0x0] =	vst.idx.add.s32.msk $0xffff, v2  }
0x1c8: {  	[tilespmem:v5+s17+$0x0] =	vst.idx.add.s32.msk $0xffff, v2  }
0x1c9: {  	[tilespmem:v4+s17+$0x0] =	vst.idx.add.s32.msk $0xffff, v2  }
0x1ca: {  	[tilespmem:v9+s17+$0x0] =	vst.idx.add.s32.msk $0xffff, v2  }
0x1cb: {  	[tilespmem:v8+s17+$0x0] =	vst.idx.add.s32.msk $0xffff, v2  }
0x1cc: {  	_ =	swait.ge [sflag:s18], $0x1000  }
0x1cd: {  	[sflag:s18] =	ssyncset.done $0x0  }
0x1ce: {  	s0 =	simm.s32 $0x7000;
	s31 =	simm.s32 $0x50F0;
	[sflag:s18] =	ssyncadd.s32 $0xFFFFF000  }
0x1cf: {  	[tilespmem:s0], [sflag:$0x2] =	stream.strided.gather [hbm4b:s10+s19], $0x1000, s13, s19, $0x38;
	[tilespmem:$0x18880] =	vst v63  }
0x1d0: {  	v4 =	vld [tilespmem:s31+$0x0]  }
0x1d1: {  	v5 =	vld [tilespmem:s31+$0xFFFFFF20]  }
0x1d2: {  	v6 =	vld [tilespmem:s31+$0xFFFFFF30]  }
0x1d3: {  	v8 =	vld [tilespmem:s31+$0xFFFFFF50]  }
0x1d4: {  	v7 =	vld [tilespmem:s31+$0xFFFFFF40]  }
0x1d5: {  	v9 =	vld [tilespmem:s31+$0xFFFFFF60];
	_ =	sdelay $0x1  }
0x1d6: {  	v12 =	vld [tilespmem:s31+$0xFFFFFF70];
	v10 =	vshra.s32 v4, $0x1F;
	v11 =	vshra.s32 v5, $0x1F;
	v13 =	vshra.s32 v6, $0x1F  }
0x1d7: {  	v16 =	vshra.s32 v8, $0x1F;
	v10 =	vand.u32 $0x7FE00000, v10;
	v11 =	vand.u32 $0x7FE00000, v11  }
0x1d8: {  	v14 =	vld [tilespmem:s31+$0xFFFFFF80];
	v4 =	vxor.u32 v4, v10;
	v10 =	vand.u32 $0x7FE00000, v13;
	v13 =	vshra.s32 v7, $0x1F  }
0x1d9: {  	v5 =	vxor.u32 v5, v11;
	v11 =	vand.u32 $0x7FE00000, v16;
	v16 =	vshra.s32 v9, $0x1F  }
0x1da: {  	v15 =	vld [tilespmem:s31+$0xFFFFFF90];
	v4 =	vshra.s32 v4, $0x15;
	v13 =	vand.u32 $0x7FE00000, v13;
	v6 =	vxor.u32 v6, v10  }
0x1db: {  	v17 =	vld [tilespmem:s31+$0xFFFFFFA0];
	v10 =	vand.u32 $0x7FE00000, v16;
	v16 =	vshra.s32 v12, $0x1F;
	v8 =	vxor.u32 v8, v11  }
0x1dc: {  	v18 =	vld [tilespmem:s31+$0xFFFFFFB0];
	v5 =	vshra.s32 v5, $0x15;
	v4 =	vadd.s32 $0x400, v4;
	v7 =	vxor.u32 v7, v13  }
0x1dd: {  	v19 =	vld [tilespmem:s31+$0xFFFFFFC0];
	v13 =	vand.u32 $0x7FE00000, v16;
	v16 =	vshra.s32 v14, $0x1F;
	v9 =	vxor.u32 v9, v10  }
0x1de: {  	v20 =	vld [tilespmem:s31+$0xFFFFFFD0];
	v6 =	vshra.s32 v6, $0x15;
	v8 =	vshra.s32 v8, $0x15;
	v11 =	vand.u32 $0x7FE00000, v16  }
0x1df: {  	v21 =	vld [tilespmem:s31+$0xFFFFFFE0];
	v16 =	vshra.s32 v15, $0x1F;
	v12 =	vxor.u32 v12, v13;
	v7 =	vshra.s32 v7, $0x15  }
0x1e0: {  	v22 =	vld [tilespmem:s31+$0xFFFFFFF0];
	v9 =	vshra.s32 v9, $0x15;
	v10 =	vand.u32 $0x7FE00000, v16;
	v16 =	vshra.s32 v17, $0x1F  }
0x1e1: {  	v11 =	vxor.u32 v14, v11;
	v12 =	vshra.s32 v12, $0x15;
	v13 =	vand.u32 $0x7FE00000, v16  }
0x1e2: {  	v16 =	vshra.s32 v18, $0x1F;
	v10 =	vxor.u32 v15, v10;
	v15 =	vshra.s32 v19, $0x1F  }
0x1e3: {  	v16 =	vand.u32 $0x7FE00000, v16;
	v15 =	vand.u32 $0x7FE00000, v15;
	v13 =	vxor.u32 v17, v13  }
0x1e4: {  	v14 =	vld [tilespmem:s31+$0xFFFFFF10];
	v17 =	vshra.s32 v20, $0x1F;
	v16 =	vxor.u32 v18, v16;
	v18 =	vshra.s32 v21, $0x1F  }
0x1e5: {  	v17 =	vand.u32 $0x7FE00000, v17;
	v15 =	vxor.u32 v19, v15;
	v19 =	vshra.s32 v22, $0x1F  }
0x1e6: {  	v23 =	vshra.s32 v13, $0x15;
	v13 =	vadd.s32 $0x400, v9;
	v18 =	vand.u32 $0x7FE00000, v18  }
0x1e7: {  	v17 =	vxor.u32 v20, v17;
	v19 =	vand.u32 $0x7FE00000, v19;
	v24 =	vshra.s32 v16, $0x15  }
0x1e8: {  	v25 =	vshra.s32 v15, $0x15;
	v16 =	vadd.s32 $0x400, v6;
	v15 =	vadd.s32 $0x400, v7  }
0x1e9: {  	v6 =	vadd.s32 $0x400, v23;
	v18 =	vxor.u32 v21, v18;
	v20 =	vshra.s32 v14, $0x1F  }
0x1ea: {  	v19 =	vxor.u32 v22, v19;
	v21 =	vshra.s32 v11, $0x15;
	v22 =	vshra.s32 v10, $0x15  }
0x1eb: {  	v26 =	vshra.s32 v17, $0x15;
	v11 =	vadd.s32 $0x400, v12;
	v7 =	vadd.s32 $0x400, v24  }
0x1ec: {  	v20 =	vand.u32 $0x7FE00000, v20;
	v19 =	vshra.s32 v19, $0x15;
	v10 =	vadd.s32 $0x400, v21  }
0x1ed: {  	[tilespmem:v4+s17+$0x0] =	vst.idx.add.s32.msk $0xffff, v2;
	v4 =	vadd.s32 $0x400, v26;
	v14 =	vxor.u32 v14, v20;
	v20 =	vshra.s32 v18, $0x15  }
0x1ee: {  	v18 =	vadd.s32 $0x400, v5;
	v5 =	vadd.s32 $0x400, v25;
	v14 =	vshra.s32 v14, $0x15  }
0x1ef: {  	s1 =	simm.s32 $0x51F0;
	s0 =	simm.s32 $0x500;
	v17 =	vadd.s32 $0x400, v14;
	v14 =	vadd.s32 $0x400, v8;
	v8 =	vadd.s32 $0x400, v22  }
.LBB2_14:
0x1f0: {  	v21 =	vld [tilespmem:s1+$0x0];
	s0 =	sadd.s32 $0x10, s0;
	v12 =	vadd.s32 $0x400, v20;
	v9 =	vadd.s32 $0x400, v19  }
0x1f1: {  	v19 =	vld [tilespmem:s1+$0xFFFFFF20];
	p0 =	slt.u32 s0, $0x5F0  }
0x1f2: {  	v20 =	vld [tilespmem:s1+$0xFFFFFF30]  }
0x1f3: {  	v22 =	vld [tilespmem:s1+$0xFFFFFF40]  }
0x1f4: {  	v23 =	vld [tilespmem:s1+$0xFFFFFF50]  }
0x1f5: {  	v24 =	vld [tilespmem:s1+$0xFFFFFF60];
	v25 =	vshra.s32 v21, $0x1F  }
0x1f6: {  	v26 =	vshra.s32 v19, $0x1F;
	v27 =	vld [tilespmem:s1+$0xFFFFFF70];
	v25 =	vand.u32 $0x7FE00000, v25  }
0x1f7: {  	v26 =	vand.u32 $0x7FE00000, v26;
	v28 =	vshra.s32 v20, $0x1F;
	v29 =	vld [tilespmem:s1+$0xFFFFFF80];
	v21 =	vxor.u32 v21, v25  }
0x1f8: {  	v25 =	vand.u32 $0x7FE00000, v28;
	v28 =	vshra.s32 v22, $0x1F;
	v30 =	vld [tilespmem:s1+$0xFFFFFF90];
	v21 =	vshra.s32 v21, $0x15  }
0x1f9: {  	v28 =	vand.u32 $0x7FE00000, v28;
	v31 =	vshra.s32 v23, $0x1F;
	v32 =	vld [tilespmem:s1+$0xFFFFFFA0];
	v21 =	vadd.s32 $0x400, v21  }
0x1fa: {  	v19 =	vxor.u32 v19, v26;
	v26 =	vand.u32 $0x7FE00000, v31;
	v31 =	vshra.s32 v24, $0x1F;
	v33 =	vld [tilespmem:s1+$0xFFFFFFB0]  }
0x1fb: {  	v20 =	vxor.u32 v20, v25;
	v25 =	vand.u32 $0x7FE00000, v31;
	v31 =	vshra.s32 v27, $0x1F;
	v34 =	vld [tilespmem:s1+$0xFFFFFFC0]  }
0x1fc: {  	v22 =	vxor.u32 v22, v28;
	v28 =	vand.u32 $0x7FE00000, v31;
	v31 =	vshra.s32 v29, $0x1F;
	v35 =	vld [tilespmem:s1+$0xFFFFFFD0]  }
0x1fd: {  	v23 =	vxor.u32 v23, v26;
	v26 =	vand.u32 $0x7FE00000, v31;
	v31 =	vshra.s32 v30, $0x1F;
	v36 =	vld [tilespmem:s1+$0xFFFFFFE0]  }
0x1fe: {  	v24 =	vxor.u32 v24, v25;
	v25 =	vand.u32 $0x7FE00000, v31;
	v31 =	vshra.s32 v32, $0x1F;
	[tilespmem:v21+s17+$0x0] =	vst.idx.add.s32.msk $0xffff, v2  }
0x1ff: {  	v21 =	vxor.u32 v27, v28;
	v27 =	vand.u32 $0x7FE00000, v31;
	v28 =	vshra.s32 v33, $0x1F;
	v31 =	vld [tilespmem:s1+$0xFFFFFFF0]  }
0x200: {  	v26 =	vxor.u32 v29, v26;
	v37 =	vld [tilespmem:s1+$0xFFFFFF10];
	v28 =	vand.u32 $0x7FE00000, v28;
	v29 =	vshra.s32 v34, $0x1F  }
0x201: {  	v25 =	vxor.u32 v30, v25;
	v29 =	vand.u32 $0x7FE00000, v29;
	v30 =	vshra.s32 v35, $0x1F;
	[tilespmem:v17+s17+$0x0] =	vst.idx.add.s32.msk $0xffff, v2  }
0x202: {  	v17 =	vxor.u32 v32, v27;
	v27 =	vand.u32 $0x7FE00000, v30;
	v30 =	vshra.s32 v36, $0x1F;
	[tilespmem:v18+s17+$0x0] =	vst.idx.add.s32.msk $0xffff, v2  }
0x203: {  	v18 =	vxor.u32 v33, v28;
	v28 =	vxor.u32 v34, v29;
	v29 =	vand.u32 $0x7FE00000, v30;
	[tilespmem:v16+s17+$0x0] =	vst.idx.add.s32.msk $0xffff, v2  }
0x204: {  	v16 =	vxor.u32 v35, v27;
	v27 =	vxor.u32 v36, v29;
	v29 =	vshra.s32 v31, $0x1F;
	[tilespmem:v15+s17+$0x0] =	vst.idx.add.s32.msk $0xffff, v2  }
0x205: {  	v30 =	vshra.s32 v19, $0x15;
	v15 =	vshra.s32 v37, $0x1F;
	v19 =	vand.u32 $0x7FE00000, v29;
	[tilespmem:v14+s17+$0x0] =	vst.idx.add.s32.msk $0xffff, v2  }
0x206: {  	v14 =	vand.u32 $0x7FE00000, v15;
	v15 =	vshra.s32 v20, $0x15;
	v19 =	vxor.u32 v31, v19;
	[tilespmem:v13+s17+$0x0] =	vst.idx.add.s32.msk $0xffff, v2  }
0x207: {  	v13 =	vxor.u32 v37, v14;
	v14 =	vshra.s32 v22, $0x15;
	v22 =	vshra.s32 v23, $0x15;
	[tilespmem:v11+s17+$0x0] =	vst.idx.add.s32.msk $0xffff, v2  }
0x208: {  	v21 =	vshra.s32 v21, $0x15;
	v11 =	vshra.s32 v13, $0x15;
	v13 =	vshra.s32 v24, $0x15;
	[tilespmem:v10+s17+$0x0] =	vst.idx.add.s32.msk $0xffff, v2  }
0x209: {  	v23 =	vshra.s32 v25, $0x15;
	v10 =	vshra.s32 v26, $0x15;
	v24 =	vshra.s32 v17, $0x15;
	[tilespmem:v8+s17+$0x0] =	vst.idx.add.s32.msk $0xffff, v2  }
0x20a: {  	v25 =	vshra.s32 v18, $0x15;
	v26 =	vshra.s32 v28, $0x15;
	v28 =	vshra.s32 v16, $0x15;
	[tilespmem:v6+s17+$0x0] =	vst.idx.add.s32.msk $0xffff, v2  }
.Ltmp8:
0x20b: {  	v20 =	vshra.s32 v27, $0x15;
	v19 =	vshra.s32 v19, $0x15;
	v17 =	vadd.s32 $0x400, v11;
	[tilespmem:v7+s17+$0x0] =	vst.idx.add.s32.msk $0xffff, v2;
	(pc) =	sbr.rel @p0 .LBB2_14-.Ltmp8, $4  }
0x20c: {  	v18 =	vadd.s32 $0x400, v30;
	v16 =	vadd.s32 $0x400, v15;
	v15 =	vadd.s32 $0x400, v14;
	[tilespmem:v5+s17+$0x0] =	vst.idx.add.s32.msk $0xffff, v2  }
0x20d: {  	v14 =	vadd.s32 $0x400, v22;
	v13 =	vadd.s32 $0x400, v13;
	v11 =	vadd.s32 $0x400, v21;
	[tilespmem:v4+s17+$0x0] =	vst.idx.add.s32.msk $0xffff, v2  }
0x20e: {  	v10 =	vadd.s32 $0x400, v10;
	v8 =	vadd.s32 $0x400, v23;
	v6 =	vadd.s32 $0x400, v24;
	[tilespmem:v12+s17+$0x0] =	vst.idx.add.s32.msk $0xffff, v2  }
0x20f: {  	s1 =	sadd.s32 $0x100, s1;
	v7 =	vadd.s32 $0x400, v25;
	v5 =	vadd.s32 $0x400, v26;
	v4 =	vadd.s32 $0x400, v28;
	[tilespmem:v9+s17+$0x0] =	vst.idx.add.s32.msk $0xffff, v2  }
0x210: {  	_ =	sdelay $0x3  }
0x211: {  	[tilespmem:v17+s17+$0x0] =	vst.idx.add.s32.msk $0xffff, v2  }
0x212: {  	[tilespmem:v18+s17+$0x0] =	vst.idx.add.s32.msk $0xffff, v2  }
0x213: {  	[tilespmem:v16+s17+$0x0] =	vst.idx.add.s32.msk $0xffff, v2  }
0x214: {  	[tilespmem:v15+s17+$0x0] =	vst.idx.add.s32.msk $0xffff, v2  }
0x215: {  	[tilespmem:v14+s17+$0x0] =	vst.idx.add.s32.msk $0xffff, v2  }
0x216: {  	[tilespmem:v13+s17+$0x0] =	vst.idx.add.s32.msk $0xffff, v2  }
0x217: {  	[tilespmem:v11+s17+$0x0] =	vst.idx.add.s32.msk $0xffff, v2  }
0x218: {  	[tilespmem:v10+s17+$0x0] =	vst.idx.add.s32.msk $0xffff, v2  }
0x219: {  	v9 =	vadd.s32 $0x400, v20;
	[tilespmem:v8+s17+$0x0] =	vst.idx.add.s32.msk $0xffff, v2  }
0x21a: {  	v8 =	vadd.s32 $0x400, v19;
	[tilespmem:v6+s17+$0x0] =	vst.idx.add.s32.msk $0xffff, v2  }
0x21b: {  	[tilespmem:v7+s17+$0x0] =	vst.idx.add.s32.msk $0xffff, v2  }
0x21c: {  	[tilespmem:v5+s17+$0x0] =	vst.idx.add.s32.msk $0xffff, v2  }
0x21d: {  	[tilespmem:v4+s17+$0x0] =	vst.idx.add.s32.msk $0xffff, v2  }
0x21e: {  	[tilespmem:v9+s17+$0x0] =	vst.idx.add.s32.msk $0xffff, v2  }
0x21f: {  	[tilespmem:v8+s17+$0x0] =	vst.idx.add.s32.msk $0xffff, v2  }
0x220: {  	_ =	swait.ge [sflag:s15], $0x1000  }
0x221: {  	[sflag:s15] =	ssyncset.done $0x0  }
0x222: {  	s0 =	simm.s32 $0x60F0;
	[sflag:s15] =	ssyncadd.s32 $0xFFFFF000  }
0x223: {  	v4 =	vld [tilespmem:s0+$0x0]  }
0x224: {  	v5 =	vld [tilespmem:s0+$0xFFFFFF20]  }
0x225: {  	v6 =	vld [tilespmem:s0+$0xFFFFFF30]  }
0x226: {  	v8 =	vld [tilespmem:s0+$0xFFFFFF50]  }
0x227: {  	v7 =	vld [tilespmem:s0+$0xFFFFFF40]  }
0x228: {  	v9 =	vld [tilespmem:s0+$0xFFFFFF60];
	_ =	sdelay $0x1  }
0x229: {  	v12 =	vld [tilespmem:s0+$0xFFFFFF70];
	v10 =	vshra.s32 v4, $0x1F;
	v11 =	vshra.s32 v5, $0x1F;
	v13 =	vshra.s32 v6, $0x1F  }
0x22a: {  	v16 =	vshra.s32 v8, $0x1F;
	v10 =	vand.u32 $0x7FE00000, v10;
	v11 =	vand.u32 $0x7FE00000, v11  }
0x22b: {  	v14 =	vld [tilespmem:s0+$0xFFFFFF80];
	v4 =	vxor.u32 v4, v10;
	v10 =	vand.u32 $0x7FE00000, v13;
	v13 =	vshra.s32 v7, $0x1F  }
0x22c: {  	v5 =	vxor.u32 v5, v11;
	v11 =	vand.u32 $0x7FE00000, v16;
	v16 =	vshra.s32 v9, $0x1F  }
0x22d: {  	v15 =	vld [tilespmem:s0+$0xFFFFFF90];
	v4 =	vshra.s32 v4, $0x15;
	v13 =	vand.u32 $0x7FE00000, v13;
	v6 =	vxor.u32 v6, v10  }
0x22e: {  	v17 =	vld [tilespmem:s0+$0xFFFFFFA0];
	v10 =	vand.u32 $0x7FE00000, v16;
	v16 =	vshra.s32 v12, $0x1F;
	v8 =	vxor.u32 v8, v11  }
0x22f: {  	v18 =	vld [tilespmem:s0+$0xFFFFFFB0];
	v5 =	vshra.s32 v5, $0x15;
	v4 =	vadd.s32 $0x400, v4;
	v7 =	vxor.u32 v7, v13  }
0x230: {  	v19 =	vld [tilespmem:s0+$0xFFFFFFC0];
	v13 =	vand.u32 $0x7FE00000, v16;
	v16 =	vshra.s32 v14, $0x1F;
	v9 =	vxor.u32 v9, v10  }
0x231: {  	v20 =	vld [tilespmem:s0+$0xFFFFFFD0];
	v6 =	vshra.s32 v6, $0x15;
	v8 =	vshra.s32 v8, $0x15;
	v11 =	vand.u32 $0x7FE00000, v16  }
0x232: {  	v21 =	vld [tilespmem:s0+$0xFFFFFFE0];
	v16 =	vshra.s32 v15, $0x1F;
	v12 =	vxor.u32 v12, v13;
	v7 =	vshra.s32 v7, $0x15  }
0x233: {  	v22 =	vld [tilespmem:s0+$0xFFFFFFF0];
	v9 =	vshra.s32 v9, $0x15;
	v10 =	vand.u32 $0x7FE00000, v16;
	v16 =	vshra.s32 v17, $0x1F  }
0x234: {  	v11 =	vxor.u32 v14, v11;
	v12 =	vshra.s32 v12, $0x15;
	v13 =	vand.u32 $0x7FE00000, v16  }
0x235: {  	v16 =	vshra.s32 v18, $0x1F;
	v10 =	vxor.u32 v15, v10;
	v15 =	vshra.s32 v19, $0x1F  }
0x236: {  	v16 =	vand.u32 $0x7FE00000, v16;
	v15 =	vand.u32 $0x7FE00000, v15;
	v13 =	vxor.u32 v17, v13  }
0x237: {  	v14 =	vld [tilespmem:s0+$0xFFFFFF10];
	v17 =	vshra.s32 v20, $0x1F;
	v16 =	vxor.u32 v18, v16;
	v18 =	vshra.s32 v21, $0x1F  }
0x238: {  	v17 =	vand.u32 $0x7FE00000, v17;
	v15 =	vxor.u32 v19, v15;
	v19 =	vshra.s32 v22, $0x1F  }
0x239: {  	v23 =	vshra.s32 v13, $0x15;
	v13 =	vadd.s32 $0x400, v9;
	v18 =	vand.u32 $0x7FE00000, v18  }
0x23a: {  	v17 =	vxor.u32 v20, v17;
	v19 =	vand.u32 $0x7FE00000, v19;
	v24 =	vshra.s32 v16, $0x15  }
0x23b: {  	v25 =	vshra.s32 v15, $0x15;
	v16 =	vadd.s32 $0x400, v6;
	v15 =	vadd.s32 $0x400, v7  }
0x23c: {  	v6 =	vadd.s32 $0x400, v23;
	v18 =	vxor.u32 v21, v18;
	v20 =	vshra.s32 v14, $0x1F  }
0x23d: {  	v19 =	vxor.u32 v22, v19;
	v21 =	vshra.s32 v11, $0x15;
	v22 =	vshra.s32 v10, $0x15  }
0x23e: {  	v26 =	vshra.s32 v17, $0x15;
	v11 =	vadd.s32 $0x400, v12;
	v7 =	vadd.s32 $0x400, v24  }
0x23f: {  	v20 =	vand.u32 $0x7FE00000, v20;
	v19 =	vshra.s32 v19, $0x15;
	v10 =	vadd.s32 $0x400, v21  }
0x240: {  	[tilespmem:v4+s17+$0x0] =	vst.idx.add.s32.msk $0xffff, v2;
	v4 =	vadd.s32 $0x400, v26;
	v14 =	vxor.u32 v14, v20;
	v20 =	vshra.s32 v18, $0x15  }
0x241: {  	v18 =	vadd.s32 $0x400, v5;
	v5 =	vadd.s32 $0x400, v25;
	v14 =	vshra.s32 v14, $0x15  }
0x242: {  	s1 =	simm.s32 $0x61F0;
	s0 =	simm.s32 $0x600;
	v17 =	vadd.s32 $0x400, v14;
	v14 =	vadd.s32 $0x400, v8;
	v8 =	vadd.s32 $0x400, v22  }
.LBB2_16:
0x243: {  	v21 =	vld [tilespmem:s1+$0x0];
	s0 =	sadd.s32 $0x10, s0;
	v12 =	vadd.s32 $0x400, v20;
	v9 =	vadd.s32 $0x400, v19  }
0x244: {  	v19 =	vld [tilespmem:s1+$0xFFFFFF20];
	p0 =	slt.u32 s0, $0x6F0  }
0x245: {  	v20 =	vld [tilespmem:s1+$0xFFFFFF30]  }
0x246: {  	v22 =	vld [tilespmem:s1+$0xFFFFFF40]  }
0x247: {  	v23 =	vld [tilespmem:s1+$0xFFFFFF50]  }
0x248: {  	v24 =	vld [tilespmem:s1+$0xFFFFFF60];
	v25 =	vshra.s32 v21, $0x1F  }
0x249: {  	v26 =	vshra.s32 v19, $0x1F;
	v27 =	vld [tilespmem:s1+$0xFFFFFF70];
	v25 =	vand.u32 $0x7FE00000, v25  }
0x24a: {  	v26 =	vand.u32 $0x7FE00000, v26;
	v28 =	vshra.s32 v20, $0x1F;
	v29 =	vld [tilespmem:s1+$0xFFFFFF80];
	v21 =	vxor.u32 v21, v25  }
0x24b: {  	v25 =	vand.u32 $0x7FE00000, v28;
	v28 =	vshra.s32 v22, $0x1F;
	v30 =	vld [tilespmem:s1+$0xFFFFFF90];
	v21 =	vshra.s32 v21, $0x15  }
0x24c: {  	v28 =	vand.u32 $0x7FE00000, v28;
	v31 =	vshra.s32 v23, $0x1F;
	v32 =	vld [tilespmem:s1+$0xFFFFFFA0];
	v21 =	vadd.s32 $0x400, v21  }
0x24d: {  	v19 =	vxor.u32 v19, v26;
	v26 =	vand.u32 $0x7FE00000, v31;
	v31 =	vshra.s32 v24, $0x1F;
	v33 =	vld [tilespmem:s1+$0xFFFFFFB0]  }
0x24e: {  	v20 =	vxor.u32 v20, v25;
	v25 =	vand.u32 $0x7FE00000, v31;
	v31 =	vshra.s32 v27, $0x1F;
	v34 =	vld [tilespmem:s1+$0xFFFFFFC0]  }
0x24f: {  	v22 =	vxor.u32 v22, v28;
	v28 =	vand.u32 $0x7FE00000, v31;
	v31 =	vshra.s32 v29, $0x1F;
	v35 =	vld [tilespmem:s1+$0xFFFFFFD0]  }
0x250: {  	v23 =	vxor.u32 v23, v26;
	v26 =	vand.u32 $0x7FE00000, v31;
	v31 =	vshra.s32 v30, $0x1F;
	v36 =	vld [tilespmem:s1+$0xFFFFFFE0]  }
0x251: {  	v24 =	vxor.u32 v24, v25;
	v25 =	vand.u32 $0x7FE00000, v31;
	v31 =	vshra.s32 v32, $0x1F;
	[tilespmem:v21+s17+$0x0] =	vst.idx.add.s32.msk $0xffff, v2  }
0x252: {  	v21 =	vxor.u32 v27, v28;
	v27 =	vand.u32 $0x7FE00000, v31;
	v28 =	vshra.s32 v33, $0x1F;
	v31 =	vld [tilespmem:s1+$0xFFFFFFF0]  }
0x253: {  	v26 =	vxor.u32 v29, v26;
	v37 =	vld [tilespmem:s1+$0xFFFFFF10];
	v28 =	vand.u32 $0x7FE00000, v28;
	v29 =	vshra.s32 v34, $0x1F  }
0x254: {  	v25 =	vxor.u32 v30, v25;
	v29 =	vand.u32 $0x7FE00000, v29;
	v30 =	vshra.s32 v35, $0x1F;
	[tilespmem:v17+s17+$0x0] =	vst.idx.add.s32.msk $0xffff, v2  }
0x255: {  	v17 =	vxor.u32 v32, v27;
	v27 =	vand.u32 $0x7FE00000, v30;
	v30 =	vshra.s32 v36, $0x1F;
	[tilespmem:v18+s17+$0x0] =	vst.idx.add.s32.msk $0xffff, v2  }
0x256: {  	v18 =	vxor.u32 v33, v28;
	v28 =	vxor.u32 v34, v29;
	v29 =	vand.u32 $0x7FE00000, v30;
	[tilespmem:v16+s17+$0x0] =	vst.idx.add.s32.msk $0xffff, v2  }
0x257: {  	v16 =	vxor.u32 v35, v27;
	v27 =	vxor.u32 v36, v29;
	v29 =	vshra.s32 v31, $0x1F;
	[tilespmem:v15+s17+$0x0] =	vst.idx.add.s32.msk $0xffff, v2  }
0x258: {  	v30 =	vshra.s32 v19, $0x15;
	v15 =	vshra.s32 v37, $0x1F;
	v19 =	vand.u32 $0x7FE00000, v29;
	[tilespmem:v14+s17+$0x0] =	vst.idx.add.s32.msk $0xffff, v2  }
0x259: {  	v14 =	vand.u32 $0x7FE00000, v15;
	v15 =	vshra.s32 v20, $0x15;
	v19 =	vxor.u32 v31, v19;
	[tilespmem:v13+s17+$0x0] =	vst.idx.add.s32.msk $0xffff, v2  }
0x25a: {  	v13 =	vxor.u32 v37, v14;
	v14 =	vshra.s32 v22, $0x15;
	v22 =	vshra.s32 v23, $0x15;
	[tilespmem:v11+s17+$0x0] =	vst.idx.add.s32.msk $0xffff, v2  }
0x25b: {  	v21 =	vshra.s32 v21, $0x15;
	v11 =	vshra.s32 v13, $0x15;
	v13 =	vshra.s32 v24, $0x15;
	[tilespmem:v10+s17+$0x0] =	vst.idx.add.s32.msk $0xffff, v2  }
0x25c: {  	v23 =	vshra.s32 v25, $0x15;
	v10 =	vshra.s32 v26, $0x15;
	v24 =	vshra.s32 v17, $0x15;
	[tilespmem:v8+s17+$0x0] =	vst.idx.add.s32.msk $0xffff, v2  }
0x25d: {  	v25 =	vshra.s32 v18, $0x15;
	v26 =	vshra.s32 v28, $0x15;
	v28 =	vshra.s32 v16, $0x15;
	[tilespmem:v6+s17+$0x0] =	vst.idx.add.s32.msk $0xffff, v2  }
.Ltmp9:
0x25e: {  	v20 =	vshra.s32 v27, $0x15;
	v19 =	vshra.s32 v19, $0x15;
	v17 =	vadd.s32 $0x400, v11;
	[tilespmem:v7+s17+$0x0] =	vst.idx.add.s32.msk $0xffff, v2;
	(pc) =	sbr.rel @p0 .LBB2_16-.Ltmp9, $4  }
0x25f: {  	v18 =	vadd.s32 $0x400, v30;
	v16 =	vadd.s32 $0x400, v15;
	v15 =	vadd.s32 $0x400, v14;
	[tilespmem:v5+s17+$0x0] =	vst.idx.add.s32.msk $0xffff, v2  }
0x260: {  	v14 =	vadd.s32 $0x400, v22;
	v13 =	vadd.s32 $0x400, v13;
	v11 =	vadd.s32 $0x400, v21;
	[tilespmem:v4+s17+$0x0] =	vst.idx.add.s32.msk $0xffff, v2  }
0x261: {  	v10 =	vadd.s32 $0x400, v10;
	v8 =	vadd.s32 $0x400, v23;
	v6 =	vadd.s32 $0x400, v24;
	[tilespmem:v12+s17+$0x0] =	vst.idx.add.s32.msk $0xffff, v2  }
0x262: {  	s1 =	sadd.s32 $0x100, s1;
	v7 =	vadd.s32 $0x400, v25;
	v5 =	vadd.s32 $0x400, v26;
	v4 =	vadd.s32 $0x400, v28;
	[tilespmem:v9+s17+$0x0] =	vst.idx.add.s32.msk $0xffff, v2  }
0x263: {  	_ =	sdelay $0x3  }
0x264: {  	[tilespmem:v17+s17+$0x0] =	vst.idx.add.s32.msk $0xffff, v2  }
0x265: {  	[tilespmem:v18+s17+$0x0] =	vst.idx.add.s32.msk $0xffff, v2  }
0x266: {  	[tilespmem:v16+s17+$0x0] =	vst.idx.add.s32.msk $0xffff, v2  }
0x267: {  	[tilespmem:v15+s17+$0x0] =	vst.idx.add.s32.msk $0xffff, v2  }
0x268: {  	[tilespmem:v14+s17+$0x0] =	vst.idx.add.s32.msk $0xffff, v2  }
0x269: {  	[tilespmem:v13+s17+$0x0] =	vst.idx.add.s32.msk $0xffff, v2  }
0x26a: {  	[tilespmem:v11+s17+$0x0] =	vst.idx.add.s32.msk $0xffff, v2  }
0x26b: {  	[tilespmem:v10+s17+$0x0] =	vst.idx.add.s32.msk $0xffff, v2  }
0x26c: {  	v9 =	vadd.s32 $0x400, v20;
	[tilespmem:v8+s17+$0x0] =	vst.idx.add.s32.msk $0xffff, v2  }
0x26d: {  	v8 =	vadd.s32 $0x400, v19;
	[tilespmem:v6+s17+$0x0] =	vst.idx.add.s32.msk $0xffff, v2  }
0x26e: {  	[tilespmem:v7+s17+$0x0] =	vst.idx.add.s32.msk $0xffff, v2  }
0x26f: {  	[tilespmem:v5+s17+$0x0] =	vst.idx.add.s32.msk $0xffff, v2  }
0x270: {  	[tilespmem:v4+s17+$0x0] =	vst.idx.add.s32.msk $0xffff, v2  }
0x271: {  	[tilespmem:v9+s17+$0x0] =	vst.idx.add.s32.msk $0xffff, v2  }
0x272: {  	[tilespmem:v8+s17+$0x0] =	vst.idx.add.s32.msk $0xffff, v2  }
0x273: {  	_ =	swait.ge [sflag:s18], $0x1000  }
0x274: {  	[sflag:s18] =	ssyncset.done $0x0  }
0x275: {  	s0 =	simm.s32 $0x70F0;
	[sflag:s18] =	ssyncadd.s32 $0xFFFFF000  }
0x276: {  	v4 =	vld [tilespmem:s0+$0x0]  }
0x277: {  	v6 =	vld [tilespmem:s0+$0xFFFFFF20]  }
0x278: {  	v7 =	vld [tilespmem:s0+$0xFFFFFF30]  }
0x279: {  	v9 =	vld [tilespmem:s0+$0xFFFFFF50]  }
0x27a: {  	v8 =	vld [tilespmem:s0+$0xFFFFFF40]  }
0x27b: {  	v10 =	vld [tilespmem:s0+$0xFFFFFF60]  }
0x27c: {  	v5 =	vimm.s32 $0xFFFFFFFF  }
0x27d: {  	v13 =	vld [tilespmem:s0+$0xFFFFFF70];
	v11 =	vshra.s32 v4, $0x1F;
	v12 =	vshra.s32 v6, $0x1F;
	v14 =	vshra.s32 v7, $0x1F  }
0x27e: {  	v17 =	vshra.s32 v9, $0x1F;
	v11 =	vand.u32 $0x7FE00000, v11;
	v12 =	vand.u32 $0x7FE00000, v12  }
0x27f: {  	v15 =	vld [tilespmem:s0+$0xFFFFFF80];
	v4 =	vxor.u32 v4, v11;
	v11 =	vand.u32 $0x7FE00000, v14;
	v14 =	vshra.s32 v8, $0x1F  }
0x280: {  	v6 =	vxor.u32 v6, v12;
	v12 =	vand.u32 $0x7FE00000, v17;
	v17 =	vshra.s32 v10, $0x1F  }
0x281: {  	v16 =	vld [tilespmem:s0+$0xFFFFFF90];
	v4 =	vshra.s32 v4, $0x15;
	v14 =	vand.u32 $0x7FE00000, v14;
	v7 =	vxor.u32 v7, v11  }
0x282: {  	v18 =	vld [tilespmem:s0+$0xFFFFFFA0];
	v11 =	vand.u32 $0x7FE00000, v17;
	v17 =	vshra.s32 v13, $0x1F;
	v9 =	vxor.u32 v9, v12  }
0x283: {  	v19 =	vld [tilespmem:s0+$0xFFFFFFB0];
	v6 =	vshra.s32 v6, $0x15;
	v4 =	vadd.s32 $0x400, v4;
	v8 =	vxor.u32 v8, v14  }
0x284: {  	v20 =	vld [tilespmem:s0+$0xFFFFFFC0];
	v14 =	vand.u32 $0x7FE00000, v17;
	v17 =	vshra.s32 v15, $0x1F;
	v10 =	vxor.u32 v10, v11  }
0x285: {  	v7 =	vshra.s32 v7, $0x15;
	v9 =	vshra.s32 v9, $0x15;
	v12 =	vand.u32 $0x7FE00000, v17  }
0x286: {  	v21 =	vld [tilespmem:s0+$0xFFFFFFD0];
	v17 =	vshra.s32 v16, $0x1F;
	v13 =	vxor.u32 v13, v14;
	v8 =	vshra.s32 v8, $0x15  }
0x287: {  	v10 =	vshra.s32 v10, $0x15;
	v11 =	vand.u32 $0x7FE00000, v17;
	v17 =	vshra.s32 v18, $0x1F  }
0x288: {  	v22 =	vld [tilespmem:s0+$0xFFFFFFE0];
	v12 =	vxor.u32 v15, v12;
	v13 =	vshra.s32 v13, $0x15;
	v14 =	vand.u32 $0x7FE00000, v17  }
0x289: {  	v17 =	vshra.s32 v19, $0x1F;
	v11 =	vxor.u32 v16, v11;
	v16 =	vshra.s32 v20, $0x1F  }
0x28a: {  	v12 =	vshra.s32 v12, $0x15;
	v13 =	vadd.s32 $0x400, v13;
	v17 =	vand.u32 $0x7FE00000, v17  }
0x28b: {  	v23 =	vld [tilespmem:s0+$0xFFFFFFF0];
	v16 =	vand.u32 $0x7FE00000, v16;
	v14 =	vxor.u32 v18, v14;
	v18 =	vshra.s32 v21, $0x1F  }
0x28c: {  	v15 =	vld [tilespmem:s0+$0xFFFFFF10];
	v11 =	vshra.s32 v11, $0x15;
	v12 =	vadd.s32 $0x400, v12;
	v17 =	vxor.u32 v19, v17  }
0x28d: {  	v19 =	vshra.s32 v22, $0x1F;
	v18 =	vand.u32 $0x7FE00000, v18;
	v16 =	vxor.u32 v20, v16  }
0x28e: {  	v14 =	vshra.s32 v14, $0x15;
	v19 =	vand.u32 $0x7FE00000, v19;
	v18 =	vxor.u32 v21, v18  }
0x28f: {  	v24 =	vshra.s32 v17, $0x15;
	v25 =	vshra.s32 v16, $0x15;
	v17 =	vadd.s32 $0x400, v8  }
0x290: {  	v16 =	vadd.s32 $0x400, v9;
	v8 =	vadd.s32 $0x400, v14;
	v20 =	vxor.u32 v22, v19  }
0x291: {  	v19 =	vshra.s32 v23, $0x1F;
	v21 =	vshra.s32 v15, $0x1F;
	v26 =	vshra.s32 v18, $0x15  }
0x292: {  	v18 =	vadd.s32 $0x400, v7;
	v9 =	vadd.s32 $0x400, v24;
	v7 =	vadd.s32 $0x400, v25  }
0x293: {  	v19 =	vand.u32 $0x7FE00000, v19;
	v21 =	vand.u32 $0x7FE00000, v21;
	v22 =	vshra.s32 v20, $0x15  }
0x294: {  	v20 =	vadd.s32 $0x400, v6;
	v23 =	vxor.u32 v23, v19;
	v15 =	vxor.u32 v15, v21  }
0x295: {  	s2 =	simm.s32 $0x700;
	[tilespmem:v4+s17+$0x0] =	vst.idx.add.s32.msk $0xffff, v2;
	v4 =	vadd.s32 $0x400, v26;
	v15 =	vshra.s32 v15, $0x15;
	v21 =	vshra.s32 v23, $0x15  }
0x296: {  	s1 =	simm.s32 $0x187F0;
	s4 =	simm.s32 $0x71F0;
	s0 =	simm.s32 $0x7F0;
	v19 =	vadd.s32 $0x400, v15;
	v15 =	vadd.s32 $0x400, v10;
	v10 =	vadd.s32 $0x400, v11  }
.LBB2_18:
0x297: {  	v23 =	vld [tilespmem:s4+$0x0];
	s2 =	sadd.s32 $0x10, s2;
	v14 =	vadd.s32 $0x400, v22;
	v11 =	vadd.s32 $0x400, v21  }
0x298: {  	v21 =	vld [tilespmem:s4+$0xFFFFFF20];
	p0 =	slt.u32 s2, $0x7F0  }
0x299: {  	v22 =	vld [tilespmem:s4+$0xFFFFFF30]  }
0x29a: {  	v24 =	vld [tilespmem:s4+$0xFFFFFF40]  }
0x29b: {  	v25 =	vld [tilespmem:s4+$0xFFFFFF50]  }
0x29c: {  	v26 =	vld [tilespmem:s4+$0xFFFFFF60];
	v27 =	vshra.s32 v23, $0x1F  }
0x29d: {  	v6 =	vimm.s32 $0x0;
	v28 =	vshra.s32 v21, $0x1F;
	v29 =	vld [tilespmem:s4+$0xFFFFFF70];
	v27 =	vand.u32 $0x7FE00000, v27  }
0x29e: {  	v28 =	vand.u32 $0x7FE00000, v28;
	v30 =	vshra.s32 v22, $0x1F;
	v31 =	vld [tilespmem:s4+$0xFFFFFF80];
	v23 =	vxor.u32 v23, v27  }
0x29f: {  	v27 =	vand.u32 $0x7FE00000, v30;
	v30 =	vshra.s32 v24, $0x1F;
	v32 =	vld [tilespmem:s4+$0xFFFFFF90];
	v23 =	vshra.s32 v23, $0x15  }
0x2a0: {  	v30 =	vand.u32 $0x7FE00000, v30;
	v33 =	vshra.s32 v25, $0x1F;
	v34 =	vld [tilespmem:s4+$0xFFFFFFA0];
	v23 =	vadd.s32 $0x400, v23  }
0x2a1: {  	v21 =	vxor.u32 v21, v28;
	v28 =	vand.u32 $0x7FE00000, v33;
	v33 =	vshra.s32 v26, $0x1F;
	v35 =	vld [tilespmem:s4+$0xFFFFFFB0]  }
0x2a2: {  	v22 =	vxor.u32 v22, v27;
	v27 =	vand.u32 $0x7FE00000, v33;
	v33 =	vshra.s32 v29, $0x1F;
	v36 =	vld [tilespmem:s4+$0xFFFFFFC0]  }
0x2a3: {  	v24 =	vxor.u32 v24, v30;
	v30 =	vand.u32 $0x7FE00000, v33;
	v33 =	vshra.s32 v31, $0x1F;
	v37 =	vld [tilespmem:s4+$0xFFFFFFD0]  }
0x2a4: {  	v25 =	vxor.u32 v25, v28;
	v28 =	vand.u32 $0x7FE00000, v33;
	v33 =	vshra.s32 v32, $0x1F;
	v38 =	vld [tilespmem:s4+$0xFFFFFFE0]  }
0x2a5: {  	v26 =	vxor.u32 v26, v27;
	v27 =	vand.u32 $0x7FE00000, v33;
	v33 =	vshra.s32 v34, $0x1F;
	[tilespmem:v23+s17+$0x0] =	vst.idx.add.s32.msk $0xffff, v2  }
0x2a6: {  	v23 =	vxor.u32 v29, v30;
	v29 =	vand.u32 $0x7FE00000, v33;
	v30 =	vshra.s32 v35, $0x1F;
	v33 =	vld [tilespmem:s4+$0xFFFFFFF0]  }
0x2a7: {  	v28 =	vxor.u32 v31, v28;
	v39 =	vld [tilespmem:s4+$0xFFFFFF10];
	v30 =	vand.u32 $0x7FE00000, v30;
	v31 =	vshra.s32 v36, $0x1F  }
0x2a8: {  	v27 =	vxor.u32 v32, v27;
	v31 =	vand.u32 $0x7FE00000, v31;
	v32 =	vshra.s32 v37, $0x1F;
	[tilespmem:v19+s17+$0x0] =	vst.idx.add.s32.msk $0xffff, v2  }
0x2a9: {  	v19 =	vxor.u32 v34, v29;
	v29 =	vand.u32 $0x7FE00000, v32;
	v32 =	vshra.s32 v38, $0x1F;
	[tilespmem:v20+s17+$0x0] =	vst.idx.add.s32.msk $0xffff, v2  }
0x2aa: {  	v20 =	vxor.u32 v35, v30;
	v30 =	vxor.u32 v36, v31;
	v31 =	vand.u32 $0x7FE00000, v32;
	[tilespmem:v18+s17+$0x0] =	vst.idx.add.s32.msk $0xffff, v2  }
0x2ab: {  	v18 =	vxor.u32 v37, v29;
	v29 =	vxor.u32 v38, v31;
	v31 =	vshra.s32 v33, $0x1F;
	[tilespmem:v17+s17+$0x0] =	vst.idx.add.s32.msk $0xffff, v2  }
0x2ac: {  	v32 =	vshra.s32 v21, $0x15;
	v17 =	vshra.s32 v39, $0x1F;
	v21 =	vand.u32 $0x7FE00000, v31;
	[tilespmem:v16+s17+$0x0] =	vst.idx.add.s32.msk $0xffff, v2  }
0x2ad: {  	v16 =	vand.u32 $0x7FE00000, v17;
	v17 =	vshra.s32 v22, $0x15;
	v21 =	vxor.u32 v33, v21;
	[tilespmem:v15+s17+$0x0] =	vst.idx.add.s32.msk $0xffff, v2  }
0x2ae: {  	v15 =	vxor.u32 v39, v16;
	v16 =	vshra.s32 v24, $0x15;
	v24 =	vshra.s32 v25, $0x15;
	[tilespmem:v13+s17+$0x0] =	vst.idx.add.s32.msk $0xffff, v2  }
0x2af: {  	v23 =	vshra.s32 v23, $0x15;
	v13 =	vshra.s32 v15, $0x15;
	v15 =	vshra.s32 v26, $0x15;
	[tilespmem:v12+s17+$0x0] =	vst.idx.add.s32.msk $0xffff, v2  }
0x2b0: {  	v25 =	vshra.s32 v27, $0x15;
	v12 =	vshra.s32 v28, $0x15;
	v26 =	vshra.s32 v19, $0x15;
	[tilespmem:v10+s17+$0x0] =	vst.idx.add.s32.msk $0xffff, v2  }
0x2b1: {  	v27 =	vshra.s32 v20, $0x15;
	v28 =	vshra.s32 v30, $0x15;
	v30 =	vshra.s32 v18, $0x15;
	[tilespmem:v8+s17+$0x0] =	vst.idx.add.s32.msk $0xffff, v2  }
.Ltmp10:
0x2b2: {  	v22 =	vshra.s32 v29, $0x15;
	v21 =	vshra.s32 v21, $0x15;
	v19 =	vadd.s32 $0x400, v13;
	[tilespmem:v9+s17+$0x0] =	vst.idx.add.s32.msk $0xffff, v2;
	(pc) =	sbr.rel @p0 .LBB2_18-.Ltmp10, $4  }
0x2b3: {  	v20 =	vadd.s32 $0x400, v32;
	v18 =	vadd.s32 $0x400, v17;
	v17 =	vadd.s32 $0x400, v16;
	[tilespmem:v7+s17+$0x0] =	vst.idx.add.s32.msk $0xffff, v2  }
0x2b4: {  	v16 =	vadd.s32 $0x400, v24;
	v15 =	vadd.s32 $0x400, v15;
	v13 =	vadd.s32 $0x400, v23;
	[tilespmem:v4+s17+$0x0] =	vst.idx.add.s32.msk $0xffff, v2  }
0x2b5: {  	v12 =	vadd.s32 $0x400, v12;
	v10 =	vadd.s32 $0x400, v25;
	v8 =	vadd.s32 $0x400, v26;
	[tilespmem:v14+s17+$0x0] =	vst.idx.add.s32.msk $0xffff, v2  }
0x2b6: {  	s4 =	sadd.s32 $0x100, s4;
	v9 =	vadd.s32 $0x400, v27;
	v7 =	vadd.s32 $0x400, v28;
	v4 =	vadd.s32 $0x400, v30;
	[tilespmem:v11+s17+$0x0] =	vst.idx.add.s32.msk $0xffff, v2  }
0x2b7: {  	_ =	sdelay $0x3  }
0x2b8: {  	[tilespmem:v19+s17+$0x0] =	vst.idx.add.s32.msk $0xffff, v2  }
0x2b9: {  	[tilespmem:v20+s17+$0x0] =	vst.idx.add.s32.msk $0xffff, v2  }
0x2ba: {  	[tilespmem:v18+s17+$0x0] =	vst.idx.add.s32.msk $0xffff, v2  }
0x2bb: {  	[tilespmem:v17+s17+$0x0] =	vst.idx.add.s32.msk $0xffff, v2  }
0x2bc: {  	[tilespmem:v16+s17+$0x0] =	vst.idx.add.s32.msk $0xffff, v2  }
0x2bd: {  	[tilespmem:v15+s17+$0x0] =	vst.idx.add.s32.msk $0xffff, v2  }
0x2be: {  	[tilespmem:v13+s17+$0x0] =	vst.idx.add.s32.msk $0xffff, v2  }
0x2bf: {  	[tilespmem:v12+s17+$0x0] =	vst.idx.add.s32.msk $0xffff, v2  }
0x2c0: {  	v11 =	vadd.s32 $0x400, v22;
	[tilespmem:v10+s17+$0x0] =	vst.idx.add.s32.msk $0xffff, v2  }
0x2c1: {  	v10 =	vadd.s32 $0x400, v21;
	[tilespmem:v8+s17+$0x0] =	vst.idx.add.s32.msk $0xffff, v2  }
0x2c2: {  	[tilespmem:v9+s17+$0x0] =	vst.idx.add.s32.msk $0xffff, v2  }
0x2c3: {  	[tilespmem:v7+s17+$0x0] =	vst.idx.add.s32.msk $0xffff, v2  }
0x2c4: {  	[tilespmem:v4+s17+$0x0] =	vst.idx.add.s32.msk $0xffff, v2  }
0x2c5: {  	[tilespmem:v11+s17+$0x0] =	vst.idx.add.s32.msk $0xffff, v2  }
0x2c6: {  	[tilespmem:v10+s17+$0x0] =	vst.idx.add.s32.msk $0xffff, v2  }
0x2c7: {  	v7 =	vld [tilespmem:s1+$0x0]  }
0x2c8: {  	v8 =	vld [tilespmem:s1+$0xFFFFFFF0]  }
0x2c9: {  	v4 =	vmul.u32 $0xFFFFFFFF, v3;
	v9 =	vld [tilespmem:s1+$0xFFFFFFE0];
	_ =	sdelay $0x1  }
0x2ca: {  	v4 =	vadd.s32 $0xF, v4  }
0x2cb: {  	(xrf0) =	vadd.scan.msk.s32 $0xffff, v6;
	v10 =	vperm.xlane v7, v4;
	v7 =	vadd.s32 v6, v7  }
0x2cc: {  	v11 =	vld [tilespmem:s1+$0xFFFFFFD0];
	v6 =	vperm.xlane v8, v4;
	(xrf0) =	vadd.scan.msk.s32 $0xffff, v7  }
0x2cd: {  	v7 =	vadd.s32 v7, v8;
	v8 =	vperm.xlane v9, v4;
	(xrf0) =	vadd.scan.msk.s32 $0xffff, v10  }
0x2ce: {  	(xrf0) =	vadd.scan.msk.s32 $0xffff, v6;
	_ =	sdelay $0x1  }
0x2cf: {  	s23 =	simm.s32 $0x187B0;
	(xrf0) =	vadd.scan.msk.s32 $0xffff, v7  }
0x2d0: {  	v6 =	vadd.s32 v7, v9;
	v9 =	vld [tilespmem:s23+$0x0];
	v7 =	vperm.xlane v11, v4;
	(xrf0) =	vadd.scan.msk.s32 $0xffff, v8;
	v8, _, _ =	vpop (xrf0)  }
0x2d1: {  	(xrf0) =	vadd.scan.msk.s32 $0xffff, v6;
	v10, _, _ =	vpop (xrf0)  }
0x2d2: {  	s4 =	simm.s32 $0x7E0;
	v58 =	vor.u32 s0, v3;
	v6 =	vadd.s32 v6, v11;
	v11 =	vld [tilespmem:s23+$0xFFFFFFF0];
	v8 =	vbroadcast v8, $0xF;
	(xrf0) =	vadd.scan.msk.s32 $0xffff, v7;
	v12, _, _ =	vpop (xrf0)  }
0x2d3: {  	s2 =	simm.s32 $0x7C0;
	s28 =	simm.s32 $0x7D0;
	v13 =	vor.u32 s4, v3;
	v16 =	vld [tilespmem:s23+$0xFFFFFFE0];
	v10 =	vbroadcast v10, $0xF;
	v12 =	vperm.xlane v12, v4;
	v14, _, _ =	vpop (xrf0)  }
0x2d4: {  	v15 =	vor.u32 s28, v3;
	v7 =	vor.u32 s2, v3;
	v14 =	vperm.xlane v14, v4  }
0x2d5: {  	v20 =	vld [tilespmem:s23+$0xFFFFFFD0];
	v60 =	vperm.xlane v9, v4;
	v9 =	vadd.s32 v6, v9;
	v57, _, _ =	vpop (xrf0);
	v8 =	vadd.s32 v8, v12  }
0x2d6: {  	v12 =	vbroadcast v57, $0xF;
	v59, _, _ =	vpop (xrf0);
	vm2 =	vgt.s32 v8, $0xFF;
	v8 =	vadd.s32 v10, v14  }
0x2d7: {  	(xrf0) =	vadd.scan.msk.s32 $0xffff, v6;
	v10, _, _ =	vpop (xrf0);
	v14 =	vperm.xlane v11, v4;
	v11 =	vadd.s32 v9, v11;
	v6 =	vnsel vm2, $0xFFFFFFFF, v58  }
0x2d8: {  	(xrf0) =	vadd.scan.msk.s32 $0xffff, v9;
	v9 =	vperm.xlane v16, v4;
	v10 =	vbroadcast v10, $0xF;
	v61, _, _ =	vpop (xrf0);
	vm2 =	vgt.s32 v5, v6  }
0x2d9: {  	(xrf0) =	vadd.scan.msk.s32 $0xffff, v60;
	v62 =	vperm.xlane v61, v4;
	v5 =	vsel vm2, v5, v6;
	v6 =	vperm.xlane v59, v4  }
0x2da: {  	v63 =	vadd.s32 v11, v16;
	vm3 =	vgt.s32 v8, $0xFF;
	v8 =	vperm.xlane v20, v4;
	(xrf0) =	vadd.scan.msk.s32 $0xffff, v14  }
0x2db: {  	v13 =	vnsel vm3, $0xFFFFFFFF, v13;
	(xrf0) =	vadd.scan.msk.s32 $0xffff, v11;
	v10 =	vadd.s32 v10, v62;
	v6 =	vadd.s32 v12, v6  }
0x2dc: {  	s31 =	simm.s32 $0x780;
	vm2 =	vgt.s32 v5, v13;
	(xrf0) =	vadd.scan.msk.s32 $0xffff, v9;
	v9 =	vadd.s32 v63, v20;
	vm3 =	vgt.s32 v10, $0xFF  }
0x2dd: {  	s0 =	simm.s32 $0x7B0;
	s5 =	simm.s32 $0x7A0;
	v10 =	vsel vm2, v5, v13;
	v5 =	vor.u32 s31, v3;
	vm2 =	vgt.s32 v6, $0xFF  }
0x2de: {  	s4 =	simm.s32 $0x790;
	s1 =	simm.s32 $0x4;
	s2 =	simm.s32 $0x18770;
	v12, _, _ =	vpop (xrf0);
	(xrf0) =	vadd.scan.msk.s32 $0xffff, v63;
	v7 =	vnsel vm3, $0xFFFFFFFF, v7;
	v11 =	vnsel vm2, $0xFFFFFFFF, v15;
	v6 =	vmov v4  }
.LBB2_20:
0x2df: {  	v13 =	vld [tilespmem:s2+$0x0];
	s1 =	sadd.s32 $0x4, s1;
	v14 =	vor.u32 s5, v3;
	v15 =	vor.u32 s4, v3;
	v16, _, _ =	vpop (xrf0);
	(xrf0) =	vadd.scan.msk.s32 $0xffff, v8;
	vm2 =	vgt.s32 v10, v11  }
0x2e0: {  	v21 =	vbroadcast v12, $0xF;
	v8 =	vld [tilespmem:s2+$0xFFFFFFF0];
	p0 =	slt.u32 s1, $0x7C;
	v16 =	vbroadcast v16, $0xF;
	v17, _, _ =	vpop (xrf0);
	v10 =	vsel vm2, v10, v11  }
0x2e1: {  	v11 =	vperm.xlane v17, v6;
	v17, _, _ =	vpop (xrf0);
	vm2 =	vgt.s32 v10, v7  }
0x2e2: {  	v19 =	vor.u32 s0, v3;
	v18 =	vld [tilespmem:s2+$0xFFFFFFE0];
	v17 =	vperm.xlane v17, v6;
	v20, _, _ =	vpop (xrf0);
	v7 =	vsel vm2, v10, v7  }
0x2e3: {  	v10 =	vadd.s32 v21, v11;
	v11 =	vbroadcast v20, $0xF;
	v12, _, _ =	vpop (xrf0)  }
0x2e4: {  	v20 =	vperm.xlane v13, v4;
	v21 =	vld [tilespmem:s2+$0xFFFFFFD0];
	vm2 =	vgt.s32 v10, $0xFF;
	v10 =	vadd.s32 v16, v17;
	v16, _, _ =	vpop (xrf0)  }
0x2e5: {  	v13 =	vadd.s32 v9, v13;
	v17 =	vperm.xlane v8, v4;
	v16 =	vbroadcast v16, $0xF;
	v22, _, _ =	vpop (xrf0)  }
0x2e6: {  	v23 =	vadd.s32 v13, v8;
	v8 =	vnsel vm2, $0xFFFFFFFF, v19;
	(xrf0) =	vadd.scan.msk.s32 $0xffff, v9;
	v9 =	vperm.xlane v22, v6  }
0x2e7: {  	vm3 =	vgt.s32 v10, $0xFF;
	vm2 =	vgt.s32 v7, v8;
	v19 =	vadd.s32 v23, v18;
	(xrf0) =	vadd.scan.msk.s32 $0xffff, v13  }
.Ltmp11:
0x2e8: {  	v12 =	vperm.xlane v12, v6;
	v10 =	vperm.xlane v18, v4;
	v7 =	vsel vm2, v7, v8;
	(xrf0) =	vadd.scan.msk.s32 $0xffff, v20;
	(pc) =	sbr.rel @p0 .LBB2_20-.Ltmp11, $4  }
0x2e9: {  	v6 =	vmovc v4;
	v13 =	vnsel vm3, $0xFFFFFFFF, v14;
	v9 =	vadd.s32 v16, v9;
	v8 =	vperm.xlane v21, v4;
	(xrf0) =	vadd.scan.msk.s32 $0xffff, v17  }
0x2ea: {  	s0 =	sadd.s32 $0xFFFFFFC0, s0;
	v11 =	vadd.s32 v11, v12;
	vm2 =	vgt.s32 v7, v13;
	vm3 =	vgt.s32 v9, $0xFF;
	(xrf0) =	vadd.scan.msk.s32 $0xffff, v23  }
0x2eb: {  	s6 =	sadd.s32 $0xFFFFFFD0, s0;
	(xrf0) =	vadd.scan.msk.s32 $0xffff, v10;
	v10 =	vsel vm2, v7, v13;
	vm2 =	vgt.s32 v11, $0xFF;
	v7 =	vnsel vm3, $0xFFFFFFFF, v5  }
0x2ec: {  	s5 =	sadd.s32 $0xFFFFFFF0, s0;
	s4 =	sadd.s32 $0xFFFFFFE0, s0;
	s2 =	sadd.s32 $0xFFFFFFC0, s2;
	v9 =	vadd.s32 v19, v21;
	v5 =	vor.u32 s6, v3;
	v12, _, _ =	vpop (xrf0);
	(xrf0) =	vadd.scan.msk.s32 $0xffff, v19;
	v11 =	vnsel vm2, $0xFFFFFFFF, v15  }
0x2ed: {  	v9, _, _ =	vpop (xrf0)  }
0x2ee: {  	vm2 =	vgt.s32 v10, v11;
	v13, _, _ =	vpop (xrf0)  }
0x2ef: {  	(xrf0) =	vadd.scan.msk.s32 $0xffff, v8;
	v12 =	vbroadcast v12, $0xF;
	v10 =	vsel vm2, v10, v11;
	v11 =	vperm.xlane v13, v6  }
0x2f0: {  	v9 =	vbroadcast v9, $0xF;
	v13, _, _ =	vpop (xrf0);
	vm2 =	vgt.s32 v10, v7  }
0x2f1: {  	v13 =	vperm.xlane v13, v6;
	v7 =	vsel vm2, v10, v7;
	v10 =	vadd.s32 v12, v11  }
0x2f2: {  	v8 =	vor.u32 s5, v3;
	v15 =	vor.u32 s0, v3;
	v14, _, _ =	vpop (xrf0)  }
0x2f3: {  	v12 =	vbroadcast v14, $0xF;
	vm2 =	vgt.s32 v10, $0xFF;
	v9 =	vadd.s32 v9, v13;
	v11, _, _ =	vpop (xrf0)  }
0x2f4: {  	v14 =	vnsel vm2, $0xFFFFFFFF, v15;
	vm3 =	vgt.s32 v9, $0xFF;
	v10, _, _ =	vpop (xrf0);
	v11 =	vperm.xlane v11, v6  }
0x2f5: {  	vm2 =	vgt.s32 v7, v14;
	v8 =	vnsel vm3, $0xFFFFFFFF, v8;
	v10 =	vbroadcast v10, $0xF;
	v13, _, _ =	vpop (xrf0)  }
0x2f6: {  	v7 =	vsel vm2, v7, v14;
	v6 =	vperm.xlane v13, v6;
	v9 =	vadd.s32 v12, v11  }
0x2f7: {  	v11 =	vor.u32 s4, v3;
	vm2 =	vgt.s32 v7, v8;
	vm3 =	vgt.s32 v9, $0xFF  }
0x2f8: {  	v7 =	vsel vm2, v7, v8;
	v6 =	vadd.s32 v10, v6;
	v8 =	vnsel vm3, $0xFFFFFFFF, v11  }
0x2f9: {  	vm2 =	vgt.s32 v6, $0xFF;
	vm3 =	vgt.s32 v7, v8  }
0x2fa: {  	v5 =	vnsel vm2, $0xFFFFFFFF, v5;
	v6 =	vsel vm3, v7, v8  }
0x2fb: {  	vm2 =	vgt.s32 v6, v5  }
0x2fc: {  	v5 =	vsel vm2, v6, v5  }
0x2fd: {  	v5 =	vxor.u32 $0x80000000, v5  }
0x2fe: {  	(xrf0) =	vmax.scan.msk.u32 $0xffff, v5;
	_ =	sdelay $0x5  }
0x2ff: {  	v5, _, _ =	vpop (xrf0)  }
0x300: {  	(v2sf) =	vpush v5, $0xF;
	_ =	sdelay $0xb  }
0x301: {  	s20 =	simm.s32 $0x18060  }
0x302: {  	s7 =	simm.s32 $0x18020;
	v17 =	vld [tilespmem:s20+$0xFFFFFFE0]  }
0x303: {  	s8 =	simm.s32 $0x10;
	s16 =	simm.s32 $0x30;
	v5 =	vld [tilespmem:s7+$0xFFFFFFE0]  }
0x304: {  	v19 =	vimm.s32 $0x0;
	s14 =	simm.s32 $0x20;
	s22 =	simm.s32 $0x60;
	v15 =	vor.u32 s16, v3;
	v10 =	vld [tilespmem:s7+$0xFFFFFFF0];
	s31 =	spop (v2sf)  }
0x305: {  	s2 =	simm.s32 $0x0;
	s23 =	simm.s32 $0x70;
	v12 =	vld [tilespmem:s7+$0x0];
	v13 =	vor.u32 s14, v3;
	v9 =	vor.u32 s22, v3;
	v11 =	vor.u32 s8, v3;
	s1 =	sxor.u32 $0x80000000, s31  }
0x306: {  	s21 =	simm.s32 $0x50;
	v14 =	vld [tilespmem:s7+$0x10];
	v8 =	vor.u32 s23, v3;
	v6 =	vor.u32 s2, v3;
	v7 =	vmov s1  }
0x307: {  	vm2 =	vgt.s32 v6, v7;
	v6 =	vor.u32 s21, v3;
	vm3 =	vgt.s32 v13, v7  }
0x308: {  	s28 =	simm.s32 $0x40;
	vm4 =	vgt.s32 v15, v7;
	v16 =	vnsel vm2, $0x0, v5;
	vm2 =	vgt.s32 v11, v7;
	v5 =	vld [tilespmem:s20+$0x10]  }
0x309: {  	v11 =	vor.u32 s28, v3;
	v13 =	vadd.s32 v19, v16;
	v10 =	vnsel vm2, $0x0, v10  }
0x30a: {  	v15 =	vnsel vm3, $0x0, v12;
	vm2 =	vgt.s32 v11, v7;
	v11 =	vld [tilespmem:s20+$0xFFFFFFF0];
	v13 =	vadd.s32 v10, v13  }
0x30b: {  	s0 =	simm.s32 $0x4;
	s2 =	simm.s32 $0x180A0;
	s1 =	simm.s32 $0x80;
	v14 =	vnsel vm4, $0x0, v14;
	v12 =	vnsel vm2, $0x0, v17;
	v10 =	vld [tilespmem:s20+$0x0];
	v13 =	vadd.s32 v15, v13  }
.LBB2_22:
0x30c: {  	s4 =	sadd.s32 $0x10, s1;
	s0 =	sadd.s32 $0x4, s0  }
0x30d: {  	v15 =	vld [tilespmem:s2+$0xFFFFFFE0];
	s5 =	sadd.s32 $0x20, s1;
	s6 =	sadd.s32 $0x30, s1;
	v13 =	vadd.s32 v14, v13;
	v14 =	vmov v5;
	p0 =	slt.u32 s0, $0x7C  }
.Ltmp12:
0x30e: {  	v16 =	vor.u32 s4, v3;
	v17 =	vor.u32 s5, v3;
	v5 =	vld [tilespmem:s2+$0x10];
	v18 =	vor.u32 s6, v3;
	(pc) =	sbr.rel @p0 .LBB2_22-.Ltmp12, $4  }
0x30f: {  	vm2 =	vgt.s32 v6, v7;
	vm3 =	vgt.s32 v9, v7;
	vm4 =	vgt.s32 v8, v7;
	v6 =	vmovc v16  }
0x310: {  	v12 =	vadd.s32 v13, v12;
	v16 =	vor.u32 s1, v3;
	v9 =	vmovc v17;
	v8 =	vmovc v18;
	v13 =	vnsel vm2, $0x0, v11  }
0x311: {  	vm2 =	vgt.s32 v16, v7;
	v11 =	vld [tilespmem:s2+$0xFFFFFFF0];
	v13 =	vadd.s32 v13, v12;
	v16 =	vnsel vm3, $0x0, v10  }
0x312: {  	v14 =	vnsel vm4, $0x0, v14;
	s1 =	sadd.s32 $0x40, s1;
	v12 =	vnsel vm2, $0x0, v15;
	v10 =	vld [tilespmem:s2+$0x0];
	s2 =	sadd.s32 $0x40, s2;
	v13 =	vadd.s32 v16, v13  }
0x313: {  	s0 =	simm.s32 $0x40  }
0x314: {  	v15 =	vld [tilespmem:s0+$0xFFFFFFE0]  }
0x315: {  	v16 =	vld [tilespmem:s0+$0xFFFFFFF0]  }
0x316: {  	v17 =	vld [tilespmem:s0+$0x0]  }
0x317: {  	v20 =	vld [tilespmem:s0+$0x10]  }
0x318: {  	v13 =	vadd.s32 v14, v13;
	vm2 =	vgt.s32 v6, v7;
	v21 =	vld [tilespmem:s0+$0x20]  }
0x319: {  	vm3 =	vgt.s32 v9, v7;
	v14 =	vld [tilespmem:s0+$0x30];
	v6 =	vadd.s32 v13, v12;
	v9 =	vnsel vm2, $0x0, v11  }
0x31a: {  	v12 =	vld [tilespmem:s0+$0xFFFFFFD0];
	vm2 =	vgt.s32 v8, v7;
	v6 =	vadd.s32 v9, v6;
	v8 =	vnsel vm3, $0x0, v10  }
0x31b: {  	v5 =	vnsel vm2, $0x0, v5;
	v6 =	vadd.s32 v8, v6  }
0x31c: {  	v6 =	vadd.s32 v5, v6  }
0x31d: {  	v5 =	vshra.s32 v15, $0x1F;
	v8 =	vshra.s32 v16, $0x1F;
	v10 =	vshra.s32 v17, $0x1F  }
0x31e: {  	v9 =	vld [tilespmem:s0+$0xFFFFFFC0];
	v11 =	vshra.s32 v20, $0x1F;
	v13 =	vshra.s32 v21, $0x1F;
	v18 =	vshra.s32 v14, $0x1F  }
0x31f: {  	v23 =	vshra.s32 v12, $0x1F;
	v5 =	vand.u32 $0x7FFFFFFF, v5;
	v24 =	vand.u32 $0x7FFFFFFF, v8  }
0x320: {  	v10 =	vand.u32 $0x7FFFFFFF, v10;
	v11 =	vand.u32 $0x7FFFFFFF, v11;
	v23 =	vand.u32 $0x7FFFFFFF, v23  }
0x321: {  	v13 =	vand.u32 $0x7FFFFFFF, v13;
	v25 =	vand.u32 $0x7FFFFFFF, v18;
	v8 =	vxor.u32 v15, v5  }
0x322: {  	v18 =	vxor.u32 v16, v24;
	v17 =	vxor.u32 v17, v10;
	v16 =	vxor.u32 v20, v11  }
0x323: {  	v10 =	vxor.u32 v21, v13;
	v12 =	vxor.u32 v12, v23;
	v22 =	vshra.s32 v9, $0x1F  }
0x324: {  	v5 =	vshra.s32 v8, $0x15;
	v13 =	vshra.s32 v18, $0x15;
	v15 =	vshra.s32 v16, $0x15  }
0x325: {  	v20 =	vshra.s32 v10, $0x15;
	v23 =	vshra.s32 v12, $0x15;
	v22 =	vand.u32 $0x7FFFFFFF, v22  }
0x326: {  	v5 =	vadd.s32 $0x400, v5;
	v13 =	vadd.s32 $0x400, v13;
	v15 =	vadd.s32 $0x400, v15  }
0x327: {  	v24 =	vadd.s32 $0x400, v20;
	v11 =	vxor.u32 v9, v22;
	v9 =	vxor.u32 v14, v25  }
0x328: {  	v14 =	vshra.s32 v17, $0x15;
	vm5 =	veq.s32 v5, v7;
	vm4 =	veq.s32 v13, v7  }
0x329: {  	vm2 =	veq.s32 v15, v7;
	vm6 =	veq.s32 v24, v7;
	v22 =	vshra.s32 v11, $0x15  }
0x32a: {  	v21 =	vshra.s32 v9, $0x15;
	v14 =	vadd.s32 $0x400, v14;
	v22 =	vadd.s32 $0x400, v22  }
0x32b: {  	v13 =	vmpcnt.ones.xlane vm4;
	vm7 =	veq.s32 v22, v7;
	v22 =	vadd.s32 $0x400, v23  }
0x32c: {  	v15 =	vmpcnt.ones.xlane vm2;
	v23 =	vmpcnt.ones.xlane vm7;
	vm8 =	veq.s32 v22, v7  }
0x32d: {  	v26 =	vsel vm5, $0x1, v0;
	v34 =	vsel vm6, $0x1, v0;
	v20 =	vmpcnt.ones.xlane vm8  }
0x32e: {  	v30 =	vsel vm5, $0xFFFFFFFF, v0;
	v22 =	vadd.s32 v19, v23;
	v23 =	vmpcnt.ones.xlane vm5  }
0x32f: {  	v5 =	vadd.s32 $0x400, v21;
	vm3 =	veq.s32 v14, v7;
	v21 =	vadd.s32 v22, v20  }
0x330: {  	v27 =	vsel vm4, $0xFFFFFFFF, v0;
	v14 =	vmpcnt.ones.xlane vm3;
	v20 =	vadd.s32 v21, v23  }
0x331: {  	vm9 =	veq.s32 v5, v7;
	v5 =	vsel vm7, $0x1, v0;
	v13 =	vadd.s32 v20, v13  }
0x332: {  	v25 =	vsel vm8, $0x1, v0;
	(xrf0) =	vadd.scan.msk.s32 $0xffff, v5;
	v23 =	vmpcnt.ones.xlane vm6;
	v14 =	vadd.s32 v13, v14  }
0x333: {  	p1 =	por $0x1, $0x1;
	v33 =	vsel vm3, $0x1, v0;
	v24 =	vmpcnt.ones.xlane vm9;
	(xrf0) =	vadd.scan.msk.s32 $0xffff, v25;
	v15 =	vadd.s32 v14, v15  }
.Ltmp13:
0x334: {  	v28 =	vsel vm9, $0x1, v0;
	(xrf0) =	vadd.scan.msk.s32 $0xffff, v26;
	v32 =	vadd.s32 v15, v23;
	v23 =	vsel vm4, $0x1, v0;
	(pc) =	sbr.rel @!p1 .LBB2_24-.Ltmp13, $4  }
0x335: {  	v29 =	vsel vm7, $0xFFFFFFFF, v0;
	v63 =	vsel vm9, $0xFFFFFFFF, v0;
	v31 =	vsel vm8, $0xFFFFFFFF, v0;
	(xrf0) =	vadd.scan.msk.s32 $0xffff, v23  }
0x336: {  	v5 =	vadd.s32 v32, v24;
	v24 =	vsel vm2, $0x1, v0;
	v23 =	vsel vm2, $0xFFFFFFFF, v0;
	(xrf0) =	vadd.scan.msk.s32 $0xffff, v33  }
0x337: {  	s14 =	simm.s32 $0x70;
	s1 =	simm.s32 $0xFFFFFFFC;
	v25 =	vsel vm3, $0xFFFFFFFF, v0;
	v23 =	vadd.s32 v23, v14;
	v14 =	vsel vm6, $0xFFFFFFFF, v0;
	(xrf0) =	vadd.scan.msk.s32 $0xffff, v24  }
0x338: {  	s2 =	simm.s32 $0xC0;
	p0 =	por $0x0, $0x0;
	s0 =	simm.s32 $0x18020;
	v26 =	vadd.s32 v25, v13;
	v25 =	vadd.s32 v14, v15;
	v24 =	vadd.s32 v63, v32;
	v32, _, _ =	vpop (xrf0);
	(xrf0) =	vadd.scan.msk.s32 $0xffff, v34  }
0x339: {  	v13 =	vadd.s32 v31, v22;
	v14, _, _ =	vpop (xrf0)  }
0x33a: {  	v13 =	vadd.s32 v14, v13  }
0x33b: {  	(xrf0) =	vadd.scan.msk.s32 $0xffff, v28;
	v15 =	vadd.s32 v30, v21;
	v19 =	vadd.s32 v29, v19;
	v14, _, _ =	vpop (xrf0)  }
0x33c: {  	v20 =	vadd.s32 v27, v20;
	s4 =	simm.s32 $0x0;
	s21 =	simm.s32 $0x10;
	v19 =	vadd.s32 v32, v19;
	v14 =	vadd.s32 v14, v15  }
0x33d: {  	v22 =	vld [tilespmem:s2+$0xFFFFFFE0];
	s22 =	simm.s32 $0x20;
	s5 =	simm.s32 $0x30;
	v30 =	vor.u32 s4, v3;
	v59 =	vor.u32 s21, v3;
	v21 =	vnsel vm8, $0x0, v13;
	v13, _, _ =	vpop (xrf0)  }
0x33e: {  	v29 =	vld [tilespmem:s2+$0x10];
	v34 =	vor.u32 s22, v3;
	v35 =	vor.u32 s5, v3;
	v13 =	vadd.s32 v13, v20;
	v15, _, _ =	vpop (xrf0)  }
0x33f: {  	v27 =	vnsel vm5, $0x0, v14;
	v20 =	vld [tilespmem:s2+$0xFFFFFFF0];
	v28 =	vnsel vm4, $0x0, v13;
	v13 =	vadd.s32 v15, v26;
	v14, _, _ =	vpop (xrf0)  }
0x340: {  	s23 =	simm.s32 $0x40;
	v19 =	vnsel vm7, $0x0, v19;
	v15 =	vld [tilespmem:s2+$0x0];
	v26 =	vnsel vm3, $0x0, v13;
	v13 =	vadd.s32 v14, v23;
	v14, _, _ =	vpop (xrf0)  }
0x341: {  	s28 =	simm.s32 $0x50;
	v37 =	vld [tilespmem:s2+$0xFFFFFFD0];
	v38 =	vor.u32 s23, v3;
	v31 =	vnsel vm2, $0x0, v13;
	v13 =	vadd.s32 v14, v25;
	v14, _, _ =	vpop (xrf0)  }
0x342: {  	s6 =	simm.s32 $0x60;
	v39 =	vor.u32 s28, v3;
	v25 =	vld [tilespmem:s2+$0x20];
	v33 =	vnsel vm6, $0x0, v13;
	v13 =	vadd.s32 v14, v24  }
0x343: {  	v41 =	vor.u32 s6, v3;
	[tilespmem:v21+s25+$0x0] =	vst.idx.msk vm8, v12;
	v24 =	vld [tilespmem:s2+$0x30];
	v36 =	vnsel vm9, $0x0, v13;
	v13 =	vshra.s32 v22, $0x1F  }
0x344: {  	v40 =	vld [tilespmem:s2+$0xFFFFFFC0];
	v23 =	vor.u32 s14, v3;
	[tilespmem:v27+s25+$0x0] =	vst.idx.msk vm5, v8;
	v14 =	vshra.s32 v20, $0x1F;
	v8 =	vand.u32 $0x7FFFFFFF, v13  }
0x345: {  	[tilespmem:v19+s25+$0x0] =	vst.idx.msk vm7, v11;
	v13 =	vand.u32 $0x7FFFFFFF, v14;
	v8 =	vxor.u32 v22, v8;
	v22 =	vshra.s32 v15, $0x1F  }
0x346: {  	[tilespmem:v19+s26+$0x0] =	vst.idx.msk vm7, v30;
	v13 =	vxor.u32 v20, v13;
	v20 =	vshra.s32 v29, $0x1F;
	v14 =	vand.u32 $0x7FFFFFFF, v22  }
0x347: {  	[tilespmem:v21+s26+$0x0] =	vst.idx.msk vm8, v59;
	v12 =	vshra.s32 v25, $0x1F;
	v19 =	vshra.s32 v8, $0x15;
	v14 =	vxor.u32 v15, v14  }
0x348: {  	[tilespmem:v27+s26+$0x0] =	vst.idx.msk vm5, v34;
	v15 =	vand.u32 $0x7FFFFFFF, v20;
	v11 =	vshra.s32 v24, $0x1F;
	v20 =	vshra.s32 v37, $0x1F  }
0x349: {  	[tilespmem:v33+s25+$0x0] =	vst.idx.msk vm6, v10;
	v10 =	vshra.s32 v40, $0x1F;
	v12 =	vand.u32 $0x7FFFFFFF, v12;
	v19 =	vadd.s32 $0x400, v19  }
0x34a: {  	v15 =	vxor.u32 v29, v15;
	v20 =	vand.u32 $0x7FFFFFFF, v20;
	[tilespmem:v36+s25+$0x0] =	vst.idx.msk vm9, v9;
	v9 =	vand.u32 $0x7FFFFFFF, v11  }
0x34b: {  	[tilespmem:v26+s25+$0x0] =	vst.idx.msk vm3, v17;
	v11 =	vand.u32 $0x7FFFFFFF, v10;
	v10 =	vxor.u32 v25, v12;
	v22 =	vshra.s32 v14, $0x15  }
0x34c: {  	vm5 =	veq.s32 v19, v7;
	v11 =	vxor.u32 v40, v11;
	v12 =	vxor.u32 v37, v20  }
0x34d: {  	[tilespmem:v26+s26+$0x0] =	vst.idx.msk vm3, v38;
	v9 =	vxor.u32 v24, v9;
	v20 =	vshra.s32 v13, $0x15;
	v21 =	vshra.s32 v15, $0x15  }
0x34e: {  	[tilespmem:v31+s25+$0x0] =	vst.idx.msk vm2, v16;
	v24 =	vshra.s32 v10, $0x15;
	v16 =	vmpcnt.ones.xlane vm5;
	v26 =	vsel vm5, $0x1, v0  }
0x34f: {  	[tilespmem:v28+s25+$0x0] =	vst.idx.msk vm4, v18;
	v30 =	vsel vm5, $0xFFFFFFFF, v0;
	v25 =	vshra.s32 v9, $0x15;
	v27 =	vshra.s32 v11, $0x15  }
0x350: {  	[tilespmem:v28+s26+$0x0] =	vst.idx.msk vm4, v35;
	v29 =	vshra.s32 v12, $0x15;
	v20 =	vadd.s32 $0x400, v20;
	v28 =	vadd.s32 $0x400, v21  }
0x351: {  	[tilespmem:v31+s26+$0x0] =	vst.idx.msk vm2, v39;
	v18 =	vadd.s32 $0x400, v27;
	v27 =	vadd.s32 $0x400, v22;
	v19 =	vadd.s32 $0x400, v25  }
0x352: {  	vm4 =	veq.s32 v20, v7;
	vm2 =	veq.s32 v28, v7;
	vm7 =	veq.s32 v18, v7  }
0x353: {  	[tilespmem:v36+s26+$0x0] =	vst.idx.msk vm9, v23;
	v18 =	vadd.s32 $0x400, v29;
	vm3 =	veq.s32 v27, v7;
	v23 =	vmpcnt.ones.xlane vm2  }
0x354: {  	vm9 =	veq.s32 v19, v7;
	v17 =	vmpcnt.ones.xlane vm7;
	vm8 =	veq.s32 v18, v7  }
0x355: {  	v27 =	vsel vm4, $0xFFFFFFFF, v0;
	v18 =	vadd.s32 $0x400, v24;
	v21 =	vmpcnt.ones.xlane vm8  }
0x356: {  	v19 =	vsel vm7, $0x1, v0;
	v61 =	vsel vm3, $0x1, v0;
	v22 =	vadd.s32 v5, v17  }
0x357: {  	v28 =	vsel vm9, $0x1, v0;
	v17 =	vmpcnt.ones.xlane vm4;
	v21 =	vadd.s32 v22, v21  }
0x358: {  	[tilespmem:v33+s26+$0x0] =	vst.idx.msk vm6, v41;
	v29 =	vsel vm7, $0xFFFFFFFF, v0;
	v20 =	vadd.s32 v21, v16;
	v16 =	vmpcnt.ones.xlane vm3  }
0x359: {  	vm6 =	veq.s32 v18, v7;
	v25 =	vsel vm8, $0x1, v0;
	(xrf0) =	vadd.scan.msk.s32 $0xffff, v19;
	v17 =	vadd.s32 v20, v17  }
0x35a: {  	p1 =	por $0x1, $0x1;
	v63 =	vsel vm9, $0xFFFFFFFF, v0;
	(xrf0) =	vadd.scan.msk.s32 $0xffff, v25;
	v18 =	vadd.s32 v17, v16;
	v16 =	vmpcnt.ones.xlane vm6  }
.Ltmp14:
0x35b: {  	v19 =	vsel vm4, $0x1, v0;
	(xrf0) =	vadd.scan.msk.s32 $0xffff, v26;
	v24 =	vadd.s32 v18, v23;
	v23 =	vmpcnt.ones.xlane vm9;
	(pc) =	sbr.rel @!p1 .LBB2_26-.Ltmp14, $4  }
0x35c: {  	v31 =	vsel vm8, $0xFFFFFFFF, v0;
	v25 =	vsel vm2, $0x1, v0;
	(xrf0) =	vadd.scan.msk.s32 $0xffff, v19;
	v60 =	vadd.s32 v24, v16  }
0x35d: {  	v62 =	vsel vm6, $0x1, v0;
	(xrf0) =	vadd.scan.msk.s32 $0xffff, v61;
	v16 =	vadd.s32 v60, v23;
	v23 =	vsel vm2, $0xFFFFFFFF, v0  }
0x35e: {  	p0 =	por $0x1, $0x1;
	v19 =	vsel vm3, $0xFFFFFFFF, v0;
	(xrf0) =	vadd.scan.msk.s32 $0xffff, v25;
	v23 =	vadd.s32 v23, v18;
	v18 =	vsel vm6, $0xFFFFFFFF, v0  }
0x35f: {  	s4 =	simm.s32 $0x8;
	s5 =	simm.s32 $0x140;
	s2 =	simm.s32 $0x70;
	v26 =	vadd.s32 v19, v17;
	v32, _, _ =	vpop (xrf0);
	(xrf0) =	vadd.scan.msk.s32 $0xffff, v62;
	v25 =	vadd.s32 v18, v24;
	v24 =	vadd.s32 v63, v60  }
.LBB2_27:
0x360: {  	v17 =	vld [tilespmem:s5+$0xFFFFFFE0];
	v18 =	vadd.s32 v31, v22;
	v19 =	vadd.s32 v30, v21;
	v20 =	vadd.s32 v27, v20;
	v21, _, _ =	vpop (xrf0);
	(xrf0) =	vadd.scan.msk.s32 $0xffff, v28  }
0x361: {  	v27 =	vadd.s32 v29, v5;
	v5 =	vmov v16;
	v22 =	vld [tilespmem:s5+$0xFFFFFFF0];
	v18 =	vadd.s32 v21, v18;
	v21, _, _ =	vpop (xrf0)  }
0x362: {  	v27 =	vadd.s32 v32, v27;
	v28 =	vld [tilespmem:s5+$0x0];
	v18 =	vnsel vm8, $0x0, v18;
	v19 =	vadd.s32 v21, v19;
	v21, _, _ =	vpop (xrf0)  }
0x363: {  	v27 =	vnsel vm7, $0x0, v27;
	v29 =	vld [tilespmem:s5+$0x10];
	v19 =	vnsel vm5, $0x0, v19;
	v20 =	vadd.s32 v21, v20;
	v21, _, _ =	vpop (xrf0)  }
0x364: {  	s2 =	sadd.s32 $0x80, s2;
	v30 =	vld [tilespmem:s5+$0x20];
	v20 =	vnsel vm4, $0x0, v20;
	v21 =	vadd.s32 v21, v26;
	v26, _, _ =	vpop (xrf0)  }
0x365: {  	s4 =	sadd.s32 $0x8, s4;
	s6 =	sadd.s32 $0xFFFFFF90, s2;
	v31 =	vld [tilespmem:s5+$0x30];
	v21 =	vnsel vm3, $0x0, v21;
	v23 =	vadd.s32 v26, v23;
	v26 =	vor.u32 s2, v3;
	v32, _, _ =	vpop (xrf0)  }
0x366: {  	p1 =	slt.u32 s4, $0x7F8;
	v34 =	vor.u32 s6, v3;
	s6 =	sadd.s32 $0xFFFFFFA0, s2;
	v33 =	vld [tilespmem:s5+$0xFFFFFFD0];
	v23 =	vnsel vm2, $0x0, v23;
	v25 =	vadd.s32 v32, v25;
	v32, _, _ =	vpop (xrf0)  }
0x367: {  	s7 =	sadd.s32 $0xFFFFFFC0, s2;
	v35 =	vld [tilespmem:s5+$0xFFFFFFC0];
	[tilespmem:v18+s25+$0x0] =	vst.idx.msk vm8, v12;
	v12 =	vor.u32 s6, v3;
	s6 =	sadd.s32 $0xFFFFFFB0, s2;
	v25 =	vnsel vm6, $0x0, v25;
	v24 =	vadd.s32 v32, v24  }
0x368: {  	s16 =	sadd.s32 $0xFFFFFFF0, s2;
	v36 =	vor.u32 s7, v3;
	s7 =	sadd.s32 $0xFFFFFFE0, s2;
	[tilespmem:v27+s25+$0x0] =	vst.idx.msk vm7, v11;
	v32 =	vor.u32 s6, v3;
	s6 =	sadd.s32 $0xFFFFFFD0, s2;
	v11 =	vnsel vm9, $0x0, v24  }
0x369: {  	[tilespmem:v27+s26+$0x0] =	vst.idx.msk vm7, v34;
	v24 =	vor.u32 s6, v3;
	v27 =	vor.u32 s7, v3;
	v34 =	vor.u32 s16, v3  }
0x36a: {  	v37 =	vshra.s32 v17, $0x1F;
	v38 =	vshra.s32 v22, $0x1F;
	v39 =	vshra.s32 v28, $0x1F;
	[tilespmem:v18+s26+$0x0] =	vst.idx.msk vm8, v12  }
0x36b: {  	v12 =	vshra.s32 v29, $0x1F;
	v18 =	vshra.s32 v30, $0x1F;
	v40 =	vshra.s32 v31, $0x1F;
	[tilespmem:v19+s25+$0x0] =	vst.idx.msk vm5, v8  }
0x36c: {  	v37 =	vand.u32 $0x7FFFFFFF, v37;
	v41 =	vshra.s32 v33, $0x1F;
	v8 =	vshra.s32 v35, $0x1F;
	[tilespmem:v25+s25+$0x0] =	vst.idx.msk vm6, v10  }
0x36d: {  	v12 =	vand.u32 $0x7FFFFFFF, v12;
	v10 =	vand.u32 $0x7FFFFFFF, v38;
	v38 =	vand.u32 $0x7FFFFFFF, v39;
	[tilespmem:v11+s25+$0x0] =	vst.idx.msk vm9, v9  }
0x36e: {  	v18 =	vand.u32 $0x7FFFFFFF, v18;
	v39 =	vand.u32 $0x7FFFFFFF, v40;
	v9 =	vand.u32 $0x7FFFFFFF, v41;
	[tilespmem:v11+s26+$0x0] =	vst.idx.msk vm9, v26  }
0x36f: {  	v11 =	vand.u32 $0x7FFFFFFF, v8;
	v8 =	vxor.u32 v17, v37;
	v17 =	vxor.u32 v22, v10;
	[tilespmem:v25+s26+$0x0] =	vst.idx.msk vm6, v34  }
0x370: {  	v22 =	vxor.u32 v28, v38;
	v10 =	vxor.u32 v30, v18;
	v25 =	vxor.u32 v29, v12  }
0x371: {  	v11 =	vxor.u32 v35, v11;
	v12 =	vxor.u32 v33, v9;
	v9 =	vxor.u32 v31, v39  }
0x372: {  	v18 =	vshra.s32 v8, $0x15;
	v26 =	vshra.s32 v17, $0x15;
	v28 =	vshra.s32 v22, $0x15;
	[tilespmem:v19+s26+$0x0] =	vst.idx.msk vm5, v32  }
0x373: {  	v29 =	vshra.s32 v10, $0x15;
	v30 =	vshra.s32 v9, $0x15;
	v19 =	vshra.s32 v25, $0x15;
	[tilespmem:v20+s25+$0x0] =	vst.idx.msk vm4, v13;
	v13 =	vmovc v17  }
0x374: {  	v31 =	vshra.s32 v12, $0x15;
	v18 =	vadd.s32 $0x400, v18;
	v17 =	vshra.s32 v11, $0x15;
	[tilespmem:v20+s26+$0x0] =	vst.idx.msk vm4, v36  }
0x375: {  	v17 =	vadd.s32 $0x400, v17;
	v20 =	vadd.s32 $0x400, v26;
	v26 =	vadd.s32 $0x400, v28;
	[tilespmem:v21+s25+$0x0] =	vst.idx.msk vm3, v14;
	v14 =	vmovc v22  }
0x376: {  	v19 =	vadd.s32 $0x400, v19;
	vm7 =	veq.s32 v17, v7;
	v17 =	vadd.s32 $0x400, v31;
	[tilespmem:v21+s26+$0x0] =	vst.idx.msk vm3, v24  }
0x377: {  	v21 =	vmpcnt.ones.xlane vm7;
	vm8 =	veq.s32 v17, v7;
	v17 =	vadd.s32 $0x400, v29;
	[tilespmem:v23+s25+$0x0] =	vst.idx.msk vm2, v15;
	v15 =	vmovc v25  }
0x378: {  	vm5 =	veq.s32 v18, v7;
	v18 =	vadd.s32 $0x400, v30;
	v24 =	vmpcnt.ones.xlane vm8;
	[tilespmem:v23+s26+$0x0] =	vst.idx.msk vm2, v27  }
0x379: {  	vm4 =	veq.s32 v20, v7;
	v22 =	vadd.s32 v16, v21;
	v16 =	vmpcnt.ones.xlane vm5  }
0x37a: {  	vm3 =	veq.s32 v26, v7;
	v23 =	vmpcnt.ones.xlane vm4;
	v21 =	vadd.s32 v22, v24  }
0x37b: {  	vm2 =	veq.s32 v19, v7;
	v20 =	vadd.s32 v21, v16;
	v16 =	vmpcnt.ones.xlane vm3  }
0x37c: {  	vm6 =	veq.s32 v17, v7;
	v19 =	vadd.s32 v20, v23;
	v23 =	vmpcnt.ones.xlane vm2  }
0x37d: {  	vm9 =	veq.s32 v18, v7;
	v17 =	vadd.s32 v19, v16;
	v16 =	vmpcnt.ones.xlane vm6  }
0x37e: {  	v18 =	vsel vm7, $0x1, v0;
	v24 =	vadd.s32 v17, v23;
	v23 =	vmpcnt.ones.xlane vm9  }
0x37f: {  	v26 =	vsel vm5, $0x1, v0;
	v25 =	vsel vm8, $0x1, v0;
	v32 =	vadd.s32 v24, v16;
	(xrf0) =	vadd.scan.msk.s32 $0xffff, v18  }
0x380: {  	v33 =	vsel vm3, $0x1, v0;
	v18 =	vsel vm4, $0x1, v0;
	v16 =	vadd.s32 v32, v23;
	(xrf0) =	vadd.scan.msk.s32 $0xffff, v25  }
.Ltmp15:
0x381: {  	v28 =	vsel vm9, $0x1, v0;
	v34 =	vsel vm6, $0x1, v0;
	v25 =	vsel vm2, $0x1, v0;
	(xrf0) =	vadd.scan.msk.s32 $0xffff, v26;
	(pc) =	sbr.rel @p1 .LBB2_27-.Ltmp15, $4  }
0x382: {  	v30 =	vsel vm5, $0xFFFFFFFF, v0;
	v29 =	vsel vm7, $0xFFFFFFFF, v0;
	v31 =	vsel vm8, $0xFFFFFFFF, v0;
	(xrf0) =	vadd.scan.msk.s32 $0xffff, v18  }
0x383: {  	v27 =	vsel vm4, $0xFFFFFFFF, v0;
	v23 =	vsel vm2, $0xFFFFFFFF, v0;
	v18 =	vsel vm3, $0xFFFFFFFF, v0;
	(xrf0) =	vadd.scan.msk.s32 $0xffff, v33  }
0x384: {  	v23 =	vadd.s32 v23, v17;
	v17 =	vsel vm6, $0xFFFFFFFF, v0;
	v33 =	vsel vm9, $0xFFFFFFFF, v0;
	(xrf0) =	vadd.scan.msk.s32 $0xffff, v25  }
0x385: {  	s5 =	sadd.s32 $0x80, s5;
	v26 =	vadd.s32 v18, v19;
	v25 =	vadd.s32 v17, v24;
	v24 =	vadd.s32 v33, v32;
	v32, _, _ =	vpop (xrf0);
	(xrf0) =	vadd.scan.msk.s32 $0xffff, v34  }
0x386: {  	v19 =	vmovc v5;
	v5 =	vmovc v16;
	v18 =	vmov v13;
	v17 =	vmov v14;
	v16 =	vmov v15  }
.LBB2_29:
0x387: {  	v7 =	vadd.s32 v31, v22;
	v13, _, _ =	vpop (xrf0)  }
0x388: {  	v14 =	vadd.s32 v29, v19;
	v7 =	vadd.s32 v13, v7  }
0x389: {  	(xrf0) =	vadd.scan.msk.s32 $0xffff, v28;
	v14 =	vadd.s32 v32, v14;
	v7 =	vnsel vm8, $0x0, v7  }
0x38a: {  	v47, _, _ =	vpop (xrf0);
	v14 =	vnsel vm7, $0x0, v14  }
0x38b: {  	v21 =	vadd.s32 v30, v21;
	v15, _, _ =	vpop (xrf0)  }
0x38c: {  	s2 =	sadd.s32 @p0 $0x80, s2;
	v13 =	vadd.s32 v47, v21;
	v48, _, _ =	vpop (xrf0)  }
0x38d: {  	s14 =	smov.u32 @p0 s2;
	v13 =	vnsel vm5, $0x0, v13;
	v49, _, _ =	vpop (xrf0)  }
0x38e: {  	s2 =	sadd.s32 $0xFFFFFF90, s14;
	v50, _, _ =	vpop (xrf0);
	v60 =	vadd.s32 v49, v23;
	[tilespmem:v7+s25+$0x0] =	vst.idx.msk vm8, v12  }
0x38f: {  	s20 =	sadd.s32 $0xFFFFFFA0, s14;
	v54 =	vor.u32 s2, v3;
	v21 =	vadd.s32 v50, v25;
	v51, _, _ =	vpop (xrf0);
	v62 =	vnsel vm2, $0x0, v60;
	[tilespmem:v14+s25+$0x0] =	vst.idx.msk vm7, v11  }
0x390: {  	v56 =	vor.u32 s20, v3;
	v52 =	vnsel vm6, $0x0, v21;
	v53 =	vadd.s32 v51, v24;
	[tilespmem:v14+s26+$0x0] =	vst.idx.msk vm7, v54  }
0x391: {  	s4 =	sadd.s32 $0xFFFFFFB0, s14;
	v55 =	vnsel vm9, $0x0, v53;
	[tilespmem:v7+s26+$0x0] =	vst.idx.msk vm8, v56  }
0x392: {  	v57 =	vadd.s32 v27, v20;
	v61 =	vor.u32 s4, v3;
	[tilespmem:v13+s25+$0x0] =	vst.idx.msk vm5, v8  }
0x393: {  	v7 =	vadd.s32 v15, v57;
	[tilespmem:v13+s26+$0x0] =	vst.idx.msk vm5, v61  }
0x394: {  	v8 =	vadd.s32 v48, v26;
	v7 =	vnsel vm4, $0x0, v7;
	[tilespmem:v62+s25+$0x0] =	vst.idx.msk vm2, v16  }
0x395: {  	s21 =	sadd.s32 $0xFFFFFFF0, s14;
	v8 =	vnsel vm3, $0x0, v8;
	[tilespmem:v52+s25+$0x0] =	vst.idx.msk vm6, v10  }
0x396: {  	v59 =	vor.u32 s21, v3;
	[tilespmem:v55+s25+$0x0] =	vst.idx.msk vm9, v9  }
0x397: {  	v58 =	vor.u32 s14, v3;
	[tilespmem:v52+s26+$0x0] =	vst.idx.msk vm6, v59  }
0x398: {  	[tilespmem:v55+s26+$0x0] =	vst.idx.msk vm9, v58  }
0x399: {  	s22 =	sadd.s32 $0xFFFFFFC0, s14;
	[tilespmem:v7+s25+$0x0] =	vst.idx.msk vm4, v18  }
0x39a: {  	s1 =	sadd.s32 $0x4, s1;
	s23 =	sadd.s32 $0xFFFFFFD0, s14;
	v63 =	vor.u32 s22, v3;
	[tilespmem:v8+s25+$0x0] =	vst.idx.msk vm3, v17  }
0x39b: {  	p0 =	slt.u32 s1, $0xC;
	s28 =	sadd.s32 $0xFFFFFFE0, s14;
	[tilespmem:v7+s26+$0x0] =	vst.idx.msk vm4, v63;
	v7 =	vor.u32 s23, v3  }
.Ltmp16:
0x39c: {  	[tilespmem:v8+s26+$0x0] =	vst.idx.msk vm3, v7;
	v7 =	vor.u32 s28, v3;
	(pc) =	sbr.rel @!p0 .LBB2_31-.Ltmp16, $4  }
0x39d: {  	[tilespmem:v62+s26+$0x0] =	vst.idx.msk vm2, v7  }
0x39e: {  	[tilespmem:s0+$0xFFFFFFE0] =	vst v0  }
0x39f: {  	[tilespmem:s0+$0x10] =	vst v0  }
0x3a0: {  	[tilespmem:s0+$0x0] =	vst v0  }
.LBB2_30:
0x3a1: {  	s1 =	sadd.s32 $0x4, s1  }
0x3a2: {  	[tilespmem:s0+$0xFFFFFFF0] =	vst v0;
	s0 =	sadd.s32 $0x40, s0;
	p0 =	slt.u32 s1, $0xC  }
.Ltmp17:
0x3a3: {  	[tilespmem:s0+$0xFFFFFFE0] =	vst v0;
	(pc) =	sbr.rel @p0 .LBB2_30-.Ltmp17, $3  }
0x3a4: {  	_ =	sdelay $0x1  }
0x3a5: {  	[tilespmem:s0+$0x10] =	vst v0  }
0x3a6: {  	[tilespmem:s0+$0x0] =	vst v0  }
.LBB2_31:
0x3a7: {  	(xrf0) =	vadd.scan.msk.s32 $0xffff, v6;
	v6 =	vxor.u32 $0x80000000, v5  }
0x3a8: {  	(xrf0) =	vmax.scan.msk.u32 $0xffff, v6;
	_ =	sdelay $0x4  }
0x3a9: {  	v6, _, _ =	vpop (xrf0)  }
0x3aa: {  	(v2sf) =	vpush v6, $0xF;
	v6, _, _ =	vpop (xrf0)  }
0x3ab: {  	(v2sf) =	vpush v6, $0xF;
	_ =	sdelay $0xd  }
0x3ac: {  	[tilespmem:s0+$0xFFFFFFF0] =	vst v0;
	s0 =	spop (v2sf)  }
0x3ad: {  	s1 =	spop (v2sf)  }
0x3ae: {  	s1 =	sadd.s32 $0x8000000F, s1  }
0x3af: {  	s2 =	sand.u32 $0xF, s1  }
0x3b0: {  	s28 =	sshra.s32 s1, $0x1F;
	p1 =	slt.s32 s1, $0x1;
	p0 =	sne.s32 s2, $0x0  }
0x3b1: {  	s2 =	sshrl.u32 s28, $0x1C;
	p0 =	por !p1, !p0  }
0x3b2: {  	s1 =	sadd.s32 s2, s1;
	s2 =	simm.s32 $0x1;
	p0 =	por !p0, !p0  }
0x3b3: {  	s1 =	sshra.s32 s1, $0x4;
	s2 =	simm.s32 @!p0 $0x0  }
0x3b4: {  	s14 =	ssub.s32 s1, s2  }
0x3b5: {  	p0 =	sgt.s32 s14, $0x0  }
.Ltmp18:
0x3b6: {  	_ = 	snop;
	(pc) =	sbr.rel @!p0 .LBB2_38-.Ltmp18, $1  }
0x3b7: {  	_ =	sdelay $0x3  }
0x3b8: {  	p1 =	seq.s32 s14, $0x1  }
.Ltmp19:
0x3b9: {  	_ = 	snop;
	(pc) =	sbr.rel @p1 .LBB2_33-.Ltmp19, $3  }
0x3ba: {  	_ =	sdelay $0x1  }
0x3bb: {  	s2 =	simm.s32 $0x8000  }
0x3bc: {  	s1 =	simm.s32 $0x0;
	p0 =	por $0x0, $0x0;
	v6 =	vld [tilespmem:s2+$0x0];
	s2 =	sadd.s32 $0xFFFFFFFF, s14  }
0x3bd: {  	_ =	sdelay $0x2  }
0x3be: {  	v7 =	vor.u32 s1, v3  }
0x3bf: {  	vm2 =	vlt.s32 v7, v5;
	v6 =	vshrl.u32 v6, $0xD  }
0x3c0: {  	v6 =	vand.u32 $0xFF, v6  }
0x3c1: {  	p1 =	seq.s32 s2, $0x1  }
.Ltmp20:
0x3c2: {  	_ = 	snop;
	(pc) =	sbr.rel @p1 .LBB2_35-.Ltmp20, $3  }
0x3c3: {  	_ =	sdelay $0x1  }
0x3c4: {  	s4 =	simm.s32 $0x8010;
	[tilespmem:v6+s17+$0x0] =	vst.idx.add.s32.msk vm2, v2  }
0x3c5: {  	s5 =	sadd.s32 $0xFFFFFFFF, s2;
	p0 =	por $0x1, $0x1;
	s2 =	simm.s32 $0x0;
	v6 =	vld [tilespmem:s4+$0x0]  }
.LBB2_36:
0x3c6: {  	p1 =	seq.s32 s5, $0x1;
	_ =	sdelay $0x1  }
0x3c7: {  	s2 =	sadd.s32 $0x10, s2  }
0x3c8: {  	v7 =	vor.u32 s2, v3  }
0x3c9: {  	vm2 =	vlt.s32 v7, v5;
	v6 =	vshrl.u32 v6, $0xD  }
0x3ca: {  	v6 =	vand.u32 $0xFF, v6;
	_ =	sdelay $0x1  }
.Ltmp21:
0x3cb: {  	(pc) =	sbr.rel @!p1 .LBB2_36-.Ltmp21, $3  }
0x3cc: {  	_ =	sdelay $0x1  }
0x3cd: {  	s4 =	sadd.s32 $0x10, s4;
	[tilespmem:v6+s17+$0x0] =	vst.idx.add.s32.msk vm2, v2  }
0x3ce: {  	s5 =	sadd.s32 $0xFFFFFFFF, s5;
	v6 =	vld [tilespmem:s4+$0x0]  }
.LBB2_37:
0x3cf: {  	_ = 	snop  }
0x3d0: {  	s2 =	sadd.s32 @p0 $0x10, s2  }
0x3d1: {  	s1 =	smov.u32 @p0 s2  }
0x3d2: {  	v7 =	vor.u32 s1, v3  }
0x3d3: {  	vm2 =	vlt.s32 v7, v5;
	v6 =	vshrl.u32 v6, $0xD  }
0x3d4: {  	v6 =	vand.u32 $0xFF, v6;
	_ =	sdelay $0x4  }
0x3d5: {  	[tilespmem:v6+s17+$0x0] =	vst.idx.add.s32.msk vm2, v2  }
.LBB2_38:
0x3d6: {  	s2 =	simm.s32 $0x180F0  }
0x3d7: {  	v9 =	vld [tilespmem:s2+$0x0];
	_ =	sdelay $0x1  }
0x3d8: {  	v10 =	vld [tilespmem:s2+$0xFFFFFFF0];
	_ =	sdelay $0x1  }
0x3d9: {  	v11 =	vld [tilespmem:s2+$0xFFFFFFE0]  }
0x3da: {  	v8 =	vimm.s32 $0x0;
	v12 =	vperm.xlane v9, v4  }
0x3db: {  	v13 =	vld [tilespmem:s2+$0xFFFFFFD0];
	(xrf0) =	vadd.scan.msk.s32 $0xffff, v8  }
0x3dc: {  	v8 =	vadd.s32 v8, v9;
	v9 =	vperm.xlane v10, v4;
	(xrf0) =	vadd.scan.msk.s32 $0xffff, v12  }
0x3dd: {  	(xrf0) =	vadd.scan.msk.s32 $0xffff, v8  }
0x3de: {  	s23 =	simm.s32 $0x180B0;
	v53 =	vperm.xlane v11, v4;
	v8 =	vadd.s32 v8, v10;
	(xrf0) =	vadd.scan.msk.s32 $0xffff, v9  }
0x3df: {  	v21 =	vld [tilespmem:s23+$0xFFFFFFD0];
	(xrf0) =	vadd.scan.msk.s32 $0xffff, v8  }
0x3e0: {  	v9 =	vperm.xlane v13, v4;
	v8 =	vadd.s32 v8, v11;
	(xrf0) =	vadd.scan.msk.s32 $0xffff, v53  }
0x3e1: {  	s0 =	ssub.s32 $0x100, s0;
	v10, _, _ =	vpop (xrf0);
	(xrf0) =	vadd.scan.msk.s32 $0xffff, v8  }
0x3e2: {  	v7 =	vimm.s32 $0xFFFFFFFF;
	s4 =	simm.s32 $0xD0;
	v6 =	vmov s0;
	v11, _, _ =	vpop (xrf0);
	(xrf0) =	vadd.scan.msk.s32 $0xffff, v9;
	v9 =	vld [tilespmem:s23+$0x0]  }
0x3e3: {  	s1 =	simm.s32 $0xF0;
	s5 =	simm.s32 $0xE0;
	v55 =	vld [tilespmem:s23+$0xFFFFFFE0];
	v16 =	vor.u32 s4, v3;
	v10 =	vbroadcast v10, $0xF;
	v54, _, _ =	vpop (xrf0);
	v11 =	vperm.xlane v11, v4  }
0x3e4: {  	v15 =	vld [tilespmem:s23+$0xFFFFFFF0];
	v18 =	vor.u32 s1, v3;
	v19 =	vor.u32 s5, v3;
	v62 =	vperm.xlane v21, v4;
	v14, _, _ =	vpop (xrf0)  }
0x3e5: {  	v12 =	vbroadcast v54, $0xF;
	v14 =	vperm.xlane v14, v4;
	v17, _, _ =	vpop (xrf0);
	v10 =	vadd.s32 v10, v11  }
0x3e6: {  	v8 =	vadd.s32 v8, v13;
	v17 =	vbroadcast v17, $0xF;
	v20, _, _ =	vpop (xrf0);
	vm2 =	vlt.s32 v10, v6  }
0x3e7: {  	v11 =	vadd.s32 v12, v14;
	v56 =	vperm.xlane v20, v4;
	v57, _, _ =	vpop (xrf0);
	v58 =	vperm.xlane v9, v4  }
0x3e8: {  	(xrf0) =	vadd.scan.msk.s32 $0xffff, v8;
	v9 =	vadd.s32 v8, v9;
	vm3 =	vlt.s32 v11, v6;
	v10, _, _ =	vpop (xrf0);
	v11 =	vperm.xlane v55, v4  }
0x3e9: {  	v18 =	vsel vm2, $0xFFFFFFFF, v18;
	v8 =	vperm.xlane v10, v4;
	v10 =	vperm.xlane v15, v4;
	(xrf0) =	vadd.scan.msk.s32 $0xffff, v58  }
0x3ea: {  	vm2 =	vgt.s32 v7, v18;
	v12 =	vadd.s32 v17, v56;
	v59 =	vsel vm3, $0xFFFFFFFF, v19;
	(xrf0) =	vadd.scan.msk.s32 $0xffff, v9  }
0x3eb: {  	v7 =	vsel vm2, v7, v18;
	v9 =	vadd.s32 v9, v15;
	(xrf0) =	vadd.scan.msk.s32 $0xffff, v10;
	v10 =	vbroadcast v57, $0xF  }
0x3ec: {  	vm3 =	vlt.s32 v12, v6;
	vm2 =	vgt.s32 v7, v59;
	v60 =	vadd.s32 v9, v55;
	(xrf0) =	vadd.scan.msk.s32 $0xffff, v9  }
0x3ed: {  	s28 =	simm.s32 $0xC0;
	v61 =	vsel vm3, $0xFFFFFFFF, v16;
	(xrf0) =	vadd.scan.msk.s32 $0xffff, v11;
	v11 =	vsel vm2, v7, v59;
	v7 =	vadd.s32 v10, v8  }
0x3ee: {  	s2 =	simm.s32 $0x4;
	v63 =	vor.u32 s28, v3;
	v8, _, _ =	vpop (xrf0);
	(xrf0) =	vadd.scan.msk.s32 $0xffff, v60;
	vm2 =	vgt.s32 v11, v61;
	vm3 =	vlt.s32 v7, v6  }
0x3ef: {  	s1 =	simm.s32 $0xB0;
	s5 =	simm.s32 $0x80;
	s4 =	simm.s32 $0x18070;
	v7 =	vadd.s32 v60, v21;
	v9, _, _ =	vpop (xrf0);
	(xrf0) =	vadd.scan.msk.s32 $0xffff, v62;
	v10 =	vsel vm2, v11, v61;
	v11 =	vsel vm3, $0xFFFFFFFF, v63  }
.LBB2_39:
0x3f0: {  	v12 =	vld [tilespmem:s4+$0x0];
	s2 =	sadd.s32 $0x4, s2;
	v13 =	vor.u32 s5, v3;
	v14, _, _ =	vpop (xrf0);
	vm2 =	vgt.s32 v10, v11  }
0x3f1: {  	v8 =	vbroadcast v8, $0xF;
	s5 =	sadd.s32 $0xFFFFFFE0, s1;
	v15 =	vld [tilespmem:s4+$0xFFFFFFE0];
	p0 =	slt.u32 s2, $0xC;
	v14 =	vbroadcast v14, $0xF;
	v16, _, _ =	vpop (xrf0);
	v10 =	vsel vm2, v10, v11  }
0x3f2: {  	v9 =	vperm.xlane v9, v4;
	s6 =	sadd.s32 $0xFFFFFFF0, s1;
	v17 =	vor.u32 s5, v3;
	v11 =	vld [tilespmem:s4+$0xFFFFFFF0];
	v22 =	vperm.xlane v16, v4;
	v18, _, _ =	vpop (xrf0)  }
0x3f3: {  	v19 =	vor.u32 s1, v3;
	v20 =	vor.u32 s6, v3;
	v18 =	vbroadcast v18, $0xF;
	v21, _, _ =	vpop (xrf0)  }
0x3f4: {  	v23 =	vadd.s32 v8, v9;
	v9 =	vadd.s32 v14, v22;
	v14 =	vperm.xlane v21, v4;
	v16, _, _ =	vpop (xrf0)  }
0x3f5: {  	vm2 =	vlt.s32 v23, v6;
	v21 =	vperm.xlane v12, v4;
	vm3 =	vlt.s32 v9, v6;
	v8, _, _ =	vpop (xrf0)  }
0x3f6: {  	v9 =	vadd.s32 v7, v12;
	v12 =	vperm.xlane v15, v4;
	v22 =	vld [tilespmem:s4+$0xFFFFFFD0];
	(xrf0) =	vadd.scan.msk.s32 $0xffff, v7;
	v7 =	vperm.xlane v8, v4  }
0x3f7: {  	v19 =	vsel vm2, $0xFFFFFFFF, v19;
	v14 =	vadd.s32 v18, v14;
	v8 =	vperm.xlane v11, v4;
	(xrf0) =	vadd.scan.msk.s32 $0xffff, v21  }
0x3f8: {  	vm2 =	vgt.s32 v10, v19;
	v18 =	vsel vm3, $0xFFFFFFFF, v20;
	vm3 =	vlt.s32 v14, v6;
	(xrf0) =	vadd.scan.msk.s32 $0xffff, v9  }
.Ltmp22:
0x3f9: {  	v9 =	vadd.s32 v9, v11;
	(xrf0) =	vadd.scan.msk.s32 $0xffff, v8;
	v8 =	vsel vm2, v10, v19;
	v10 =	vbroadcast v16, $0xF;
	(pc) =	sbr.rel @p0 .LBB2_39-.Ltmp22, $4  }
0x3fa: {  	v14 =	vsel vm3, $0xFFFFFFFF, v17;
	v11 =	vadd.s32 v9, v15;
	(xrf0) =	vadd.scan.msk.s32 $0xffff, v9;
	vm2 =	vgt.s32 v8, v18  }
0x3fb: {  	v15 =	vperm.xlane v22, v4;
	(xrf0) =	vadd.scan.msk.s32 $0xffff, v12;
	v12 =	vsel vm2, v8, v18;
	v10 =	vadd.s32 v10, v7  }
0x3fc: {  	s1 =	sadd.s32 $0xFFFFFFC0, s1;
	v7 =	vadd.s32 v11, v22;
	v8, _, _ =	vpop (xrf0);
	(xrf0) =	vadd.scan.msk.s32 $0xffff, v11;
	vm2 =	vgt.s32 v12, v14;
	vm3 =	vlt.s32 v10, v6  }
0x3fd: {  	s5 =	sadd.s32 $0xFFFFFFD0, s1;
	s4 =	sadd.s32 $0xFFFFFFC0, s4;
	v9, _, _ =	vpop (xrf0);
	(xrf0) =	vadd.scan.msk.s32 $0xffff, v15;
	v10 =	vsel vm2, v12, v14;
	v11 =	vsel vm3, $0xFFFFFFFF, v13  }
0x3fe: {  	v7, _, _ =	vpop (xrf0)  }
0x3ff: {  	vm2 =	vgt.s32 v10, v11;
	v8 =	vbroadcast v8, $0xF;
	v9 =	vperm.xlane v9, v4;
	v12, _, _ =	vpop (xrf0)  }
0x400: {  	v7 =	vbroadcast v7, $0xF;
	v10 =	vsel vm2, v10, v11;
	v11 =	vperm.xlane v12, v4  }
0x401: {  	v12, _, _ =	vpop (xrf0)  }
0x402: {  	v13 =	vor.u32 s1, v3;
	v8 =	vadd.s32 v8, v9;
	v14, _, _ =	vpop (xrf0);
	v7 =	vadd.s32 v7, v11  }
0x403: {  	s2 =	sadd.s32 $0xFFFFFFF0, s1;
	v12 =	vbroadcast v12, $0xF;
	vm2 =	vlt.s32 v8, v6;
	v9 =	vperm.xlane v14, v4  }
0x404: {  	v8 =	vor.u32 s2, v3;
	v13 =	vsel vm2, $0xFFFFFFFF, v13;
	vm3 =	vlt.s32 v7, v6;
	v11, _, _ =	vpop (xrf0)  }
0x405: {  	vm2 =	vgt.s32 v10, v13;
	v9 =	vadd.s32 v12, v9;
	v8 =	vsel vm3, $0xFFFFFFFF, v8;
	v7, _, _ =	vpop (xrf0)  }
0x406: {  	s23 =	sadd.s32 $0xFFFFFFE0, s1;
	v10 =	vsel vm2, v10, v13;
	v11 =	vbroadcast v11, $0xF;
	v7 =	vperm.xlane v7, v4  }
0x407: {  	v12 =	vor.u32 s23, v3;
	vm2 =	vlt.s32 v9, v6;
	vm3 =	vgt.s32 v10, v8  }
0x408: {  	v9 =	vsel vm2, $0xFFFFFFFF, v12;
	v8 =	vsel vm3, v10, v8;
	v7 =	vadd.s32 v11, v7  }
0x409: {  	v10 =	vor.u32 s5, v3;
	vm2 =	vgt.s32 v8, v9;
	vm3 =	vlt.s32 v7, v6  }
0x40a: {  	v6 =	vsel vm2, v8, v9;
	v7 =	vsel vm3, $0xFFFFFFFF, v10  }
0x40b: {  	vm2 =	vgt.s32 v6, v7  }
0x40c: {  	v6 =	vsel vm2, v6, v7  }
0x40d: {  	v6 =	vxor.u32 $0x80000000, v6  }
0x40e: {  	(xrf0) =	vmax.scan.msk.u32 $0xffff, v6;
	_ =	sdelay $0x5  }
0x40f: {  	v6, _, _ =	vpop (xrf0)  }
0x410: {  	(v2sf) =	vpush v6, $0xF;
	_ =	sdelay $0xc  }
0x411: {  	s28 =	simm.s32 $0x18020  }
0x412: {  	v6 =	vld [tilespmem:s28+$0xFFFFFFE0]  }
0x413: {  	s8 =	simm.s32 $0x10;
	s6 =	simm.s32 $0x30;
	v15 =	vld [tilespmem:s28+$0x10];
	s1 =	spop (v2sf)  }
0x414: {  	s7 =	simm.s32 $0x0;
	v16 =	vor.u32 s6, v3;
	v13 =	vor.u32 s8, v3;
	v11 =	vld [tilespmem:s28+$0xFFFFFFF0];
	s4 =	sxor.u32 $0x80000000, s1  }
0x415: {  	s20 =	simm.s32 $0x18060;
	s22 =	simm.s32 $0x60;
	v14 =	vld [tilespmem:s28+$0x0];
	s23 =	simm.s32 $0x70;
	v12 =	vimm.s32 $0x0;
	v8 =	vor.u32 s7, v3;
	v7 =	vmov s4  }
0x416: {  	s16 =	simm.s32 $0x20;
	v18 =	vld [tilespmem:s20+$0xFFFFFFE0];
	v9 =	vor.u32 s23, v3;
	v10 =	vor.u32 s22, v3;
	vm2 =	vgt.s32 v8, v7  }
0x417: {  	s21 =	simm.s32 $0x50;
	v8 =	vor.u32 s16, v3;
	vm4 =	vgt.s32 v16, v7;
	v17 =	vnsel vm2, $0x0, v6  }
0x418: {  	s28 =	simm.s32 $0x40;
	v6 =	vor.u32 s21, v3;
	vm2 =	vgt.s32 v13, v7;
	vm3 =	vgt.s32 v8, v7;
	v8 =	vld [tilespmem:s20+$0x10]  }
0x419: {  	v13 =	vor.u32 s28, v3;
	v12 =	vadd.s32 v12, v17;
	v16 =	vnsel vm2, $0x0, v11  }
0x41a: {  	vm2 =	vgt.s32 v13, v7;
	v11 =	vld [tilespmem:s20+$0xFFFFFFF0];
	v14 =	vnsel vm3, $0x0, v14;
	v16 =	vadd.s32 v16, v12  }
0x41b: {  	s2 =	simm.s32 $0x4;
	s5 =	simm.s32 $0x180A0;
	s4 =	simm.s32 $0x80;
	v15 =	vnsel vm4, $0x0, v15;
	v13 =	vnsel vm2, $0x0, v18;
	v12 =	vld [tilespmem:s20+$0x0];
	v14 =	vadd.s32 v14, v16  }
.LBB2_41:
0x41c: {  	s6 =	sadd.s32 $0x10, s4;
	s2 =	sadd.s32 $0x4, s2  }
0x41d: {  	v16 =	vld [tilespmem:s5+$0xFFFFFFE0];
	s7 =	sadd.s32 $0x20, s4;
	s16 =	sadd.s32 $0x30, s4;
	v14 =	vadd.s32 v15, v14;
	v15 =	vmov v8;
	p0 =	slt.u32 s2, $0xC  }
.Ltmp23:
0x41e: {  	v17 =	vor.u32 s6, v3;
	v18 =	vor.u32 s7, v3;
	v8 =	vld [tilespmem:s5+$0x10];
	v19 =	vor.u32 s16, v3;
	(pc) =	sbr.rel @p0 .LBB2_41-.Ltmp23, $4  }
0x41f: {  	vm2 =	vgt.s32 v6, v7;
	vm3 =	vgt.s32 v10, v7;
	vm4 =	vgt.s32 v9, v7;
	v6 =	vmovc v17  }
0x420: {  	v13 =	vadd.s32 v14, v13;
	v17 =	vor.u32 s4, v3;
	v10 =	vmovc v18;
	v9 =	vmovc v19;
	v14 =	vnsel vm2, $0x0, v11  }
0x421: {  	vm2 =	vgt.s32 v17, v7;
	v11 =	vld [tilespmem:s5+$0xFFFFFFF0];
	v14 =	vadd.s32 v14, v13;
	v17 =	vnsel vm3, $0x0, v12  }
0x422: {  	v15 =	vnsel vm4, $0x0, v15;
	s4 =	sadd.s32 $0x40, s4;
	v13 =	vnsel vm2, $0x0, v16;
	v12 =	vld [tilespmem:s5+$0x0];
	s5 =	sadd.s32 $0x40, s5;
	v14 =	vadd.s32 v17, v14  }
0x423: {  	_ =	sdelay $0x1  }
0x424: {  	v14 =	vadd.s32 v15, v14;
	vm2 =	vgt.s32 v6, v7  }
0x425: {  	vm3 =	vgt.s32 v10, v7;
	v6 =	vadd.s32 v14, v13;
	v62 =	vnsel vm2, $0x0, v11  }
0x426: {  	vm2 =	vgt.s32 v9, v7;
	v6 =	vadd.s32 v62, v6;
	v63 =	vnsel vm3, $0x0, v12  }
0x427: {  	v8 =	vnsel vm2, $0x0, v8;
	v6 =	vadd.s32 v63, v6  }
0x428: {  	v6 =	vadd.s32 v8, v6  }
0x429: {  	(xrf0) =	vadd.scan.msk.s32 $0xffff, v6;
	_ =	sdelay $0x5  }
0x42a: {  	v6, _, _ =	vpop (xrf0)  }
0x42b: {  	(v2sf) =	vpush v6, $0xF;
	_ =	sdelay $0x9  }
0x42c: {  	p0 =	slt.s32 s14, $0x1  }
.Ltmp24:
0x42d: {  	_ = 	snop;
	(pc) =	sbr.rel @p0 .LBB2_50-.Ltmp24, $2  }
0x42e: {  	_ =	sdelay $0x2  }
0x42f: {  	v6 =	vimm.s32 $0x0;
	s2 =	spop (v2sf)  }
0x430: {  	p1 =	sne.s32 s14, $0x1  }
.Ltmp25:
0x431: {  	_ = 	snop;
	(pc) =	sbr.rel @!p1 .LBB2_44-.Ltmp25, $3  }
0x432: {  	_ =	sdelay $0x1  }
0x433: {  	s6 =	simm.s32 $0x8000;
	s4 =	simm.s32 $0x10000  }
0x434: {  	s5 =	simm.s32 $0x0;
	p0 =	por $0x0, $0x0;
	v8 =	vld [tilespmem:s6+$0x0];
	s6 =	sadd.s32 $0xFFFFFFFF, s14  }
0x435: {  	_ =	sdelay $0x3  }
0x436: {  	v9 =	vshrl.u32 v8, $0xD  }
0x437: {  	v10 =	vor.u32 s5, v3;
	v9 =	vand.u32 $0xFF, v9  }
0x438: {  	vm2 =	vlt.s32 v10, v5;
	vm3 =	veq.s32 v9, v7  }
0x439: {  	vm2 =	vmand vm2, vm3  }
0x43a: {  	v9 =	vsel vm2, $0x1, v0  }
0x43b: {  	(xrf0) =	vadd.scan.msk.s32 $0xffff, v9;
	_ =	sdelay $0x4  }
0x43c: {  	v9 =	vsel vm2, $0xFFFFFFFF, v0  }
0x43d: {  	v9 =	vadd.s32 v9, v6;
	v10, _, _ =	vpop (xrf0)  }
0x43e: {  	v9 =	vadd.s32 v10, v9  }
0x43f: {  	v9 =	vnsel vm2, $0x0, v9  }
0x440: {  	v11 =	vld [tilespmem:s4+$0x0];
	_ =	sdelay $0x1  }
0x441: {  	p1 =	sne.s32 s6, $0x1  }
.Ltmp26:
0x442: {  	_ = 	snop;
	(pc) =	sbr.rel @!p1 .LBB2_46-.Ltmp26, $4  }
0x443: {  	v10 =	vmpcnt.ones.xlane vm2;
	[tilespmem:v9+s25+$0x0] =	vst.idx.msk vm2, v8  }
0x444: {  	s7 =	simm.s32 $0x8010;
	[tilespmem:v9+s26+$0x0] =	vst.idx.msk vm2, v11  }
0x445: {  	s16 =	sadd.s32 $0xFFFFFFFF, s6;
	v10 =	vadd.s32 v6, v10;
	v8 =	vld [tilespmem:s7+$0x0]  }
0x446: {  	p0 =	por $0x1, $0x1;
	s14 =	simm.s32 $0x0;
	s6 =	simm.s32 $0x10000;
	v9 =	vmov v10  }
.LBB2_47:
0x447: {  	p1 =	sne.s32 s16, $0x1;
	_ =	sdelay $0x2  }
0x448: {  	s14 =	sadd.s32 $0x10, s14;
	v6 =	vshrl.u32 v8, $0xD  }
0x449: {  	v11 =	vor.u32 s14, v3;
	v6 =	vand.u32 $0xFF, v6  }
0x44a: {  	vm2 =	vlt.s32 v11, v5;
	vm3 =	veq.s32 v6, v7  }
0x44b: {  	vm2 =	vmand vm2, vm3  }
0x44c: {  	v6 =	vsel vm2, $0x1, v0;
	v11 =	vmpcnt.ones.xlane vm2  }
0x44d: {  	(xrf0) =	vadd.scan.msk.s32 $0xffff, v6  }
0x44e: {  	v10 =	vadd.s32 v10, v11;
	_ =	sdelay $0x3  }
0x44f: {  	v6 =	vsel vm2, $0xFFFFFFFF, v0  }
0x450: {  	v6 =	vadd.s32 v6, v9;
	v9 =	vmov v10;
	v11, _, _ =	vpop (xrf0)  }
0x451: {  	v6 =	vadd.s32 v11, v6  }
0x452: {  	s6 =	sadd.s32 $0x10, s6;
	v6 =	vnsel vm2, $0x0, v6  }
0x453: {  	v11 =	vld [tilespmem:s6+$0x0];
	_ =	sdelay $0x2  }
.Ltmp27:
0x454: {  	(pc) =	sbr.rel @p1 .LBB2_47-.Ltmp27, $4  }
0x455: {  	[tilespmem:v6+s25+$0x0] =	vst.idx.msk vm2, v8  }
0x456: {  	s7 =	sadd.s32 $0x10, s7;
	[tilespmem:v6+s26+$0x0] =	vst.idx.msk vm2, v11  }
0x457: {  	v8 =	vld [tilespmem:s7+$0x0]  }
0x458: {  	s16 =	sadd.s32 $0xFFFFFFFF, s16  }
0x459: {  	v6 =	vmov v10  }
.LBB2_49:
0x45a: {  	_ = 	snop  }
0x45b: {  	s7 =	sadd.s32 @p0 $0x10, s14  }
0x45c: {  	s5 =	smov.u32 @p0 s7;
	v10 =	vshrl.u32 v8, $0xD  }
0x45d: {  	v11 =	vor.u32 s5, v3;
	v10 =	vand.u32 $0xFF, v10  }
0x45e: {  	vm2 =	vlt.s32 v11, v5;
	vm3 =	veq.s32 v10, v7  }
0x45f: {  	vm2 =	vmand vm2, vm3  }
0x460: {  	v5 =	vsel vm2, $0x1, v0  }
0x461: {  	(xrf0) =	vadd.scan.msk.s32 $0xffff, v5;
	_ =	sdelay $0x4  }
0x462: {  	v5 =	vsel vm2, $0xFFFFFFFF, v0  }
0x463: {  	v5 =	vadd.s32 v5, v9;
	v7, _, _ =	vpop (xrf0)  }
0x464: {  	s5 =	sadd.s32 @p0 $0x10, s6;
	v5 =	vadd.s32 v7, v5  }
0x465: {  	s4 =	smov.u32 @p0 s5;
	v5 =	vnsel vm2, $0x0, v5  }
0x466: {  	v7 =	vld [tilespmem:s4+$0x0];
	_ =	sdelay $0x2  }
0x467: {  	v63 =	vmpcnt.ones.xlane vm2  }
0x468: {  	[tilespmem:v5+s25+$0x0] =	vst.idx.msk vm2, v8  }
0x469: {  	v6 =	vadd.s32 v6, v63;
	[tilespmem:v5+s26+$0x0] =	vst.idx.msk vm2, v7  }
.LBB2_50:
0x46a: {  	s4 =	simm.s32 $0x18020  }
0x46b: {  	[tilespmem:s4+$0xFFFFFFE0] =	vst v0  }
0x46c: {  	[tilespmem:s4+$0x10] =	vst v0  }
0x46d: {  	s5 =	simm.s32 $0x0;
	[tilespmem:s4+$0x0] =	vst v0  }
.LBB2_51:
0x46e: {  	s5 =	sadd.s32 $0x4, s5  }
0x46f: {  	[tilespmem:s4+$0xFFFFFFF0] =	vst v0;
	s4 =	sadd.s32 $0x40, s4;
	p0 =	slt.u32 s5, $0xC  }
.Ltmp28:
0x470: {  	[tilespmem:s4+$0xFFFFFFE0] =	vst v0;
	(pc) =	sbr.rel @p0 .LBB2_51-.Ltmp28, $3  }
0x471: {  	_ =	sdelay $0x1  }
0x472: {  	[tilespmem:s4+$0x10] =	vst v0  }
0x473: {  	[tilespmem:s4+$0x0] =	vst v0  }
0x474: {  	v5 =	vxor.u32 $0x80000000, v6  }
0x475: {  	(xrf0) =	vmax.scan.msk.u32 $0xffff, v5;
	_ =	sdelay $0x5  }
0x476: {  	v5, _, _ =	vpop (xrf0)  }
0x477: {  	(v2sf) =	vpush v5, $0xF;
	_ =	sdelay $0xe  }
0x478: {  	s23 =	spop (v2sf)  }
0x479: {  	[tilespmem:s4+$0xFFFFFFF0] =	vst v0;
	s4 =	sadd.s32 $0x8000000F, s23  }
0x47a: {  	s5 =	sand.u32 $0xF, s4  }
0x47b: {  	s28 =	sshra.s32 s4, $0x1F;
	p1 =	slt.s32 s4, $0x1;
	p0 =	sne.s32 s5, $0x0  }
0x47c: {  	s5 =	sshrl.u32 s28, $0x1C;
	p0 =	por !p1, !p0  }
0x47d: {  	s4 =	sadd.s32 s5, s4;
	s5 =	simm.s32 $0x1;
	p0 =	por !p0, !p0  }
0x47e: {  	s4 =	sshra.s32 s4, $0x4;
	s5 =	simm.s32 @!p0 $0x0  }
0x47f: {  	s14 =	ssub.s32 s4, s5  }
0x480: {  	p0 =	sgt.s32 s14, $0x0  }
.Ltmp29:
0x481: {  	_ = 	snop;
	(pc) =	sbr.rel @!p0 .LBB2_59-.Ltmp29, $1  }
0x482: {  	_ =	sdelay $0x3  }
0x483: {  	p1 =	seq.s32 s14, $0x1  }
.Ltmp30:
0x484: {  	_ = 	snop;
	(pc) =	sbr.rel @p1 .LBB2_54-.Ltmp30, $3  }
0x485: {  	_ =	sdelay $0x1  }
0x486: {  	s5 =	simm.s32 $0x8000  }
0x487: {  	s4 =	simm.s32 $0x0;
	p0 =	por $0x0, $0x0;
	v5 =	vld [tilespmem:s5+$0x0];
	s5 =	sadd.s32 $0xFFFFFFFF, s14  }
0x488: {  	_ =	sdelay $0x2  }
0x489: {  	v7 =	vor.u32 s4, v3  }
0x48a: {  	vm2 =	vlt.s32 v7, v6;
	v5 =	vshrl.u32 v5, $0x5  }
0x48b: {  	v5 =	vand.u32 $0xFF, v5  }
0x48c: {  	p1 =	seq.s32 s5, $0x1  }
.Ltmp31:
0x48d: {  	_ = 	snop;
	(pc) =	sbr.rel @p1 .LBB2_56-.Ltmp31, $3  }
0x48e: {  	_ =	sdelay $0x1  }
0x48f: {  	s6 =	simm.s32 $0x8010;
	[tilespmem:v5+s17+$0x0] =	vst.idx.add.s32.msk vm2, v2  }
0x490: {  	s7 =	sadd.s32 $0xFFFFFFFF, s5;
	p0 =	por $0x1, $0x1;
	s5 =	simm.s32 $0x0;
	v5 =	vld [tilespmem:s6+$0x0]  }
.LBB2_57:
0x491: {  	p1 =	seq.s32 s7, $0x1;
	_ =	sdelay $0x1  }
0x492: {  	s5 =	sadd.s32 $0x10, s5  }
0x493: {  	v7 =	vor.u32 s5, v3  }
0x494: {  	vm2 =	vlt.s32 v7, v6;
	v5 =	vshrl.u32 v5, $0x5  }
0x495: {  	v5 =	vand.u32 $0xFF, v5;
	_ =	sdelay $0x1  }
.Ltmp32:
0x496: {  	(pc) =	sbr.rel @!p1 .LBB2_57-.Ltmp32, $3  }
0x497: {  	_ =	sdelay $0x1  }
0x498: {  	s6 =	sadd.s32 $0x10, s6;
	[tilespmem:v5+s17+$0x0] =	vst.idx.add.s32.msk vm2, v2  }
0x499: {  	s7 =	sadd.s32 $0xFFFFFFFF, s7;
	v5 =	vld [tilespmem:s6+$0x0]  }
.LBB2_58:
0x49a: {  	_ = 	snop  }
0x49b: {  	s5 =	sadd.s32 @p0 $0x10, s5  }
0x49c: {  	s4 =	smov.u32 @p0 s5  }
0x49d: {  	v7 =	vor.u32 s4, v3  }
0x49e: {  	vm2 =	vlt.s32 v7, v6;
	v5 =	vshrl.u32 v5, $0x5  }
0x49f: {  	v5 =	vand.u32 $0xFF, v5;
	_ =	sdelay $0x4  }
0x4a0: {  	[tilespmem:v5+s17+$0x0] =	vst.idx.add.s32.msk vm2, v2  }
.LBB2_59:
0x4a1: {  	s4 =	simm.s32 $0x180F0  }
0x4a2: {  	v9 =	vld [tilespmem:s4+$0x0];
	_ =	sdelay $0x1  }
0x4a3: {  	v10 =	vld [tilespmem:s4+$0xFFFFFFF0];
	_ =	sdelay $0x1  }
0x4a4: {  	v11 =	vld [tilespmem:s4+$0xFFFFFFE0]  }
0x4a5: {  	v8 =	vimm.s32 $0x0;
	v12 =	vperm.xlane v9, v4  }
0x4a6: {  	v13 =	vld [tilespmem:s4+$0xFFFFFFD0];
	(xrf0) =	vadd.scan.msk.s32 $0xffff, v8  }
0x4a7: {  	v8 =	vadd.s32 v8, v9;
	v9 =	vperm.xlane v10, v4;
	(xrf0) =	vadd.scan.msk.s32 $0xffff, v12  }
0x4a8: {  	(xrf0) =	vadd.scan.msk.s32 $0xffff, v8  }
0x4a9: {  	s23 =	simm.s32 $0x180B0;
	v53 =	vperm.xlane v11, v4;
	v8 =	vadd.s32 v8, v10;
	(xrf0) =	vadd.scan.msk.s32 $0xffff, v9  }
0x4aa: {  	v21 =	vld [tilespmem:s23+$0xFFFFFFD0];
	(xrf0) =	vadd.scan.msk.s32 $0xffff, v8  }
0x4ab: {  	v9 =	vperm.xlane v13, v4;
	v8 =	vadd.s32 v8, v11;
	(xrf0) =	vadd.scan.msk.s32 $0xffff, v53  }
0x4ac: {  	s0 =	ssub.s32 s0, s2;
	v10, _, _ =	vpop (xrf0);
	(xrf0) =	vadd.scan.msk.s32 $0xffff, v8  }
0x4ad: {  	v7 =	vimm.s32 $0xFFFFFFFF;
	s5 =	simm.s32 $0xD0;
	v5 =	vmov s0;
	v11, _, _ =	vpop (xrf0);
	(xrf0) =	vadd.scan.msk.s32 $0xffff, v9;
	v9 =	vld [tilespmem:s23+$0x0]  }
0x4ae: {  	s22 =	simm.s32 $0xF0;
	s6 =	simm.s32 $0xE0;
	v55 =	vld [tilespmem:s23+$0xFFFFFFE0];
	v16 =	vor.u32 s5, v3;
	v10 =	vbroadcast v10, $0xF;
	v54, _, _ =	vpop (xrf0);
	v11 =	vperm.xlane v11, v4  }
0x4af: {  	v15 =	vld [tilespmem:s23+$0xFFFFFFF0];
	v18 =	vor.u32 s22, v3;
	v19 =	vor.u32 s6, v3;
	v62 =	vperm.xlane v21, v4;
	v14, _, _ =	vpop (xrf0)  }
0x4b0: {  	v12 =	vbroadcast v54, $0xF;
	v14 =	vperm.xlane v14, v4;
	v17, _, _ =	vpop (xrf0);
	v10 =	vadd.s32 v10, v11  }
0x4b1: {  	v8 =	vadd.s32 v8, v13;
	v17 =	vbroadcast v17, $0xF;
	v20, _, _ =	vpop (xrf0);
	vm2 =	vlt.s32 v10, v5  }
0x4b2: {  	v11 =	vadd.s32 v12, v14;
	v56 =	vperm.xlane v20, v4;
	v57, _, _ =	vpop (xrf0);
	v58 =	vperm.xlane v9, v4  }
0x4b3: {  	(xrf0) =	vadd.scan.msk.s32 $0xffff, v8;
	v9 =	vadd.s32 v8, v9;
	vm3 =	vlt.s32 v11, v5;
	v10, _, _ =	vpop (xrf0);
	v11 =	vperm.xlane v55, v4  }
0x4b4: {  	v18 =	vsel vm2, $0xFFFFFFFF, v18;
	v8 =	vperm.xlane v10, v4;
	v10 =	vperm.xlane v15, v4;
	(xrf0) =	vadd.scan.msk.s32 $0xffff, v58  }
0x4b5: {  	vm2 =	vgt.s32 v7, v18;
	v12 =	vadd.s32 v17, v56;
	v59 =	vsel vm3, $0xFFFFFFFF, v19;
	(xrf0) =	vadd.scan.msk.s32 $0xffff, v9  }
0x4b6: {  	v7 =	vsel vm2, v7, v18;
	v9 =	vadd.s32 v9, v15;
	(xrf0) =	vadd.scan.msk.s32 $0xffff, v10;
	v10 =	vbroadcast v57, $0xF  }
0x4b7: {  	vm3 =	vlt.s32 v12, v5;
	vm2 =	vgt.s32 v7, v59;
	v60 =	vadd.s32 v9, v55;
	(xrf0) =	vadd.scan.msk.s32 $0xffff, v9  }
0x4b8: {  	s28 =	simm.s32 $0xC0;
	v61 =	vsel vm3, $0xFFFFFFFF, v16;
	(xrf0) =	vadd.scan.msk.s32 $0xffff, v11;
	v11 =	vsel vm2, v7, v59;
	v7 =	vadd.s32 v10, v8  }
0x4b9: {  	s2 =	simm.s32 $0xB0;
	v63 =	vor.u32 s28, v3;
	v8, _, _ =	vpop (xrf0);
	(xrf0) =	vadd.scan.msk.s32 $0xffff, v60;
	vm2 =	vgt.s32 v11, v61;
	vm3 =	vlt.s32 v7, v5  }
0x4ba: {  	s4 =	simm.s32 $0x4;
	s6 =	simm.s32 $0x80;
	s5 =	simm.s32 $0x18070;
	v7 =	vadd.s32 v60, v21;
	v9, _, _ =	vpop (xrf0);
	(xrf0) =	vadd.scan.msk.s32 $0xffff, v62;
	v10 =	vsel vm2, v11, v61;
	v11 =	vsel vm3, $0xFFFFFFFF, v63  }
.LBB2_60:
0x4bb: {  	v12 =	vld [tilespmem:s5+$0x0];
	s4 =	sadd.s32 $0x4, s4;
	v13 =	vor.u32 s6, v3;
	v14, _, _ =	vpop (xrf0);
	vm2 =	vgt.s32 v10, v11  }
0x4bc: {  	v8 =	vbroadcast v8, $0xF;
	s6 =	sadd.s32 $0xFFFFFFE0, s2;
	v15 =	vld [tilespmem:s5+$0xFFFFFFE0];
	p0 =	slt.u32 s4, $0xC;
	v14 =	vbroadcast v14, $0xF;
	v16, _, _ =	vpop (xrf0);
	v10 =	vsel vm2, v10, v11  }
0x4bd: {  	v9 =	vperm.xlane v9, v4;
	s7 =	sadd.s32 $0xFFFFFFF0, s2;
	v17 =	vor.u32 s6, v3;
	v11 =	vld [tilespmem:s5+$0xFFFFFFF0];
	v22 =	vperm.xlane v16, v4;
	v18, _, _ =	vpop (xrf0)  }
0x4be: {  	v19 =	vor.u32 s2, v3;
	v20 =	vor.u32 s7, v3;
	v18 =	vbroadcast v18, $0xF;
	v21, _, _ =	vpop (xrf0)  }
0x4bf: {  	v23 =	vadd.s32 v8, v9;
	v9 =	vadd.s32 v14, v22;
	v14 =	vperm.xlane v21, v4;
	v16, _, _ =	vpop (xrf0)  }
0x4c0: {  	vm2 =	vlt.s32 v23, v5;
	v21 =	vperm.xlane v12, v4;
	vm3 =	vlt.s32 v9, v5;
	v8, _, _ =	vpop (xrf0)  }
0x4c1: {  	v9 =	vadd.s32 v7, v12;
	v12 =	vperm.xlane v15, v4;
	v22 =	vld [tilespmem:s5+$0xFFFFFFD0];
	(xrf0) =	vadd.scan.msk.s32 $0xffff, v7;
	v7 =	vperm.xlane v8, v4  }
0x4c2: {  	v19 =	vsel vm2, $0xFFFFFFFF, v19;
	v14 =	vadd.s32 v18, v14;
	v8 =	vperm.xlane v11, v4;
	(xrf0) =	vadd.scan.msk.s32 $0xffff, v21  }
0x4c3: {  	vm2 =	vgt.s32 v10, v19;
	v18 =	vsel vm3, $0xFFFFFFFF, v20;
	vm3 =	vlt.s32 v14, v5;
	(xrf0) =	vadd.scan.msk.s32 $0xffff, v9  }
.Ltmp33:
0x4c4: {  	v9 =	vadd.s32 v9, v11;
	(xrf0) =	vadd.scan.msk.s32 $0xffff, v8;
	v8 =	vsel vm2, v10, v19;
	v10 =	vbroadcast v16, $0xF;
	(pc) =	sbr.rel @p0 .LBB2_60-.Ltmp33, $4  }
0x4c5: {  	v14 =	vsel vm3, $0xFFFFFFFF, v17;
	v11 =	vadd.s32 v9, v15;
	(xrf0) =	vadd.scan.msk.s32 $0xffff, v9;
	vm2 =	vgt.s32 v8, v18  }
0x4c6: {  	v15 =	vperm.xlane v22, v4;
	(xrf0) =	vadd.scan.msk.s32 $0xffff, v12;
	v12 =	vsel vm2, v8, v18;
	v10 =	vadd.s32 v10, v7  }
0x4c7: {  	s2 =	sadd.s32 $0xFFFFFFC0, s2;
	v7 =	vadd.s32 v11, v22;
	v8, _, _ =	vpop (xrf0);
	(xrf0) =	vadd.scan.msk.s32 $0xffff, v11;
	vm2 =	vgt.s32 v12, v14;
	vm3 =	vlt.s32 v10, v5  }
0x4c8: {  	s6 =	sadd.s32 $0xFFFFFFD0, s2;
	s5 =	sadd.s32 $0xFFFFFFC0, s5;
	v9, _, _ =	vpop (xrf0);
	(xrf0) =	vadd.scan.msk.s32 $0xffff, v15;
	v10 =	vsel vm2, v12, v14;
	v11 =	vsel vm3, $0xFFFFFFFF, v13  }
0x4c9: {  	v7, _, _ =	vpop (xrf0)  }
0x4ca: {  	vm2 =	vgt.s32 v10, v11;
	v8 =	vbroadcast v8, $0xF;
	v9 =	vperm.xlane v9, v4;
	v12, _, _ =	vpop (xrf0)  }
0x4cb: {  	v7 =	vbroadcast v7, $0xF;
	v10 =	vsel vm2, v10, v11;
	v11 =	vperm.xlane v12, v4  }
0x4cc: {  	v12, _, _ =	vpop (xrf0)  }
0x4cd: {  	v13 =	vor.u32 s2, v3;
	v8 =	vadd.s32 v8, v9;
	v14, _, _ =	vpop (xrf0);
	v7 =	vadd.s32 v7, v11  }
0x4ce: {  	s4 =	sadd.s32 $0xFFFFFFF0, s2;
	v12 =	vbroadcast v12, $0xF;
	vm2 =	vlt.s32 v8, v5;
	v9 =	vperm.xlane v14, v4  }
0x4cf: {  	v8 =	vor.u32 s4, v3;
	v13 =	vsel vm2, $0xFFFFFFFF, v13;
	vm3 =	vlt.s32 v7, v5;
	v11, _, _ =	vpop (xrf0)  }
0x4d0: {  	vm2 =	vgt.s32 v10, v13;
	v9 =	vadd.s32 v12, v9;
	v8 =	vsel vm3, $0xFFFFFFFF, v8;
	v7, _, _ =	vpop (xrf0)  }
0x4d1: {  	s22 =	sadd.s32 $0xFFFFFFE0, s2;
	v10 =	vsel vm2, v10, v13;
	v11 =	vbroadcast v11, $0xF;
	v7 =	vperm.xlane v7, v4  }
0x4d2: {  	v12 =	vor.u32 s22, v3;
	vm2 =	vlt.s32 v9, v5;
	vm3 =	vgt.s32 v10, v8  }
0x4d3: {  	v9 =	vsel vm2, $0xFFFFFFFF, v12;
	v8 =	vsel vm3, v10, v8;
	v7 =	vadd.s32 v11, v7  }
0x4d4: {  	v10 =	vor.u32 s6, v3;
	vm2 =	vgt.s32 v8, v9;
	vm3 =	vlt.s32 v7, v5  }
0x4d5: {  	v5 =	vsel vm2, v8, v9;
	v7 =	vsel vm3, $0xFFFFFFFF, v10  }
0x4d6: {  	vm2 =	vgt.s32 v5, v7  }
0x4d7: {  	v5 =	vsel vm2, v5, v7  }
0x4d8: {  	v5 =	vxor.u32 $0x80000000, v5  }
0x4d9: {  	(xrf0) =	vmax.scan.msk.u32 $0xffff, v5;
	_ =	sdelay $0x5  }
0x4da: {  	v5, _, _ =	vpop (xrf0)  }
0x4db: {  	(v2sf) =	vpush v5, $0xF;
	_ =	sdelay $0xc  }
0x4dc: {  	s23 =	simm.s32 $0x18020  }
0x4dd: {  	v5 =	vld [tilespmem:s23+$0xFFFFFFE0]  }
0x4de: {  	s8 =	simm.s32 $0x30;
	v15 =	vld [tilespmem:s23+$0x10];
	s16 =	spop (v2sf)  }
0x4df: {  	s5 =	simm.s32 $0x0;
	v16 =	vor.u32 s8, v3;
	s6 =	simm.s32 $0x10;
	v12 =	vimm.s32 $0x0;
	v11 =	vld [tilespmem:s23+$0xFFFFFFF0];
	s28 =	sxor.u32 $0x80000000, s16  }
0x4e0: {  	s20 =	simm.s32 $0x18060;
	v14 =	vld [tilespmem:s23+$0x0];
	s22 =	simm.s32 $0x60;
	v13 =	vor.u32 s6, v3;
	v8 =	vor.u32 s5, v3;
	s23 =	simm.s32 $0x70;
	v7 =	vmov s28  }
0x4e1: {  	s7 =	simm.s32 $0x20;
	v18 =	vld [tilespmem:s20+$0xFFFFFFE0];
	v10 =	vor.u32 s22, v3;
	v9 =	vor.u32 s23, v3;
	vm2 =	vgt.s32 v8, v7  }
0x4e2: {  	s21 =	simm.s32 $0x50;
	v8 =	vor.u32 s7, v3;
	vm4 =	vgt.s32 v16, v7;
	v17 =	vnsel vm2, $0x0, v5  }
0x4e3: {  	s28 =	simm.s32 $0x40;
	v5 =	vor.u32 s21, v3;
	vm2 =	vgt.s32 v13, v7;
	vm3 =	vgt.s32 v8, v7;
	v8 =	vld [tilespmem:s20+$0x10]  }
0x4e4: {  	v13 =	vor.u32 s28, v3;
	v12 =	vadd.s32 v12, v17;
	v16 =	vnsel vm2, $0x0, v11  }
0x4e5: {  	vm2 =	vgt.s32 v13, v7;
	v11 =	vld [tilespmem:s20+$0xFFFFFFF0];
	v14 =	vnsel vm3, $0x0, v14;
	v16 =	vadd.s32 v16, v12  }
0x4e6: {  	s2 =	simm.s32 $0x4;
	s4 =	simm.s32 $0x80;
	s5 =	simm.s32 $0x180A0;
	v15 =	vnsel vm4, $0x0, v15;
	v13 =	vnsel vm2, $0x0, v18;
	v12 =	vld [tilespmem:s20+$0x0];
	v14 =	vadd.s32 v14, v16  }
.LBB2_62:
0x4e7: {  	s6 =	sadd.s32 $0x10, s4;
	s2 =	sadd.s32 $0x4, s2  }
0x4e8: {  	v16 =	vld [tilespmem:s5+$0xFFFFFFE0];
	s7 =	sadd.s32 $0x20, s4;
	s20 =	sadd.s32 $0x30, s4;
	v14 =	vadd.s32 v15, v14;
	v15 =	vmov v8;
	p0 =	slt.u32 s2, $0xC  }
.Ltmp34:
0x4e9: {  	v17 =	vor.u32 s6, v3;
	v18 =	vor.u32 s7, v3;
	v8 =	vld [tilespmem:s5+$0x10];
	v19 =	vor.u32 s20, v3;
	(pc) =	sbr.rel @p0 .LBB2_62-.Ltmp34, $4  }
0x4ea: {  	vm2 =	vgt.s32 v5, v7;
	vm3 =	vgt.s32 v10, v7;
	vm4 =	vgt.s32 v9, v7;
	v5 =	vmovc v17  }
0x4eb: {  	v13 =	vadd.s32 v14, v13;
	v17 =	vor.u32 s4, v3;
	v10 =	vmovc v18;
	v9 =	vmovc v19;
	v14 =	vnsel vm2, $0x0, v11  }
0x4ec: {  	vm2 =	vgt.s32 v17, v7;
	v11 =	vld [tilespmem:s5+$0xFFFFFFF0];
	v14 =	vadd.s32 v14, v13;
	v17 =	vnsel vm3, $0x0, v12  }
0x4ed: {  	v15 =	vnsel vm4, $0x0, v15;
	s4 =	sadd.s32 $0x40, s4;
	v13 =	vnsel vm2, $0x0, v16;
	v12 =	vld [tilespmem:s5+$0x0];
	s5 =	sadd.s32 $0x40, s5;
	v14 =	vadd.s32 v17, v14  }
0x4ee: {  	_ =	sdelay $0x1  }
0x4ef: {  	v14 =	vadd.s32 v15, v14;
	vm2 =	vgt.s32 v5, v7  }
0x4f0: {  	vm3 =	vgt.s32 v10, v7;
	v5 =	vadd.s32 v14, v13;
	v62 =	vnsel vm2, $0x0, v11  }
0x4f1: {  	vm2 =	vgt.s32 v9, v7;
	v5 =	vadd.s32 v62, v5;
	v63 =	vnsel vm3, $0x0, v12  }
0x4f2: {  	v8 =	vnsel vm2, $0x0, v8;
	v5 =	vadd.s32 v63, v5  }
0x4f3: {  	v5 =	vadd.s32 v8, v5  }
0x4f4: {  	(xrf0) =	vadd.scan.msk.s32 $0xffff, v5;
	_ =	sdelay $0x5  }
0x4f5: {  	v5, _, _ =	vpop (xrf0)  }
0x4f6: {  	(v2sf) =	vpush v5, $0xF;
	_ =	sdelay $0x9  }
0x4f7: {  	p0 =	slt.s32 s14, $0x1  }
.Ltmp35:
0x4f8: {  	_ = 	snop;
	(pc) =	sbr.rel @p0 .LBB2_71-.Ltmp35, $2  }
0x4f9: {  	_ =	sdelay $0x2  }
0x4fa: {  	v5 =	vimm.s32 $0x0;
	s2 =	spop (v2sf)  }
0x4fb: {  	p1 =	sne.s32 s14, $0x1  }
.Ltmp36:
0x4fc: {  	_ = 	snop;
	(pc) =	sbr.rel @!p1 .LBB2_65-.Ltmp36, $3  }
0x4fd: {  	_ =	sdelay $0x1  }
0x4fe: {  	s6 =	simm.s32 $0x8000;
	s4 =	simm.s32 $0x10000  }
0x4ff: {  	s5 =	simm.s32 $0x0;
	p0 =	por $0x0, $0x0;
	v8 =	vld [tilespmem:s6+$0x0];
	s6 =	sadd.s32 $0xFFFFFFFF, s14  }
0x500: {  	_ =	sdelay $0x3  }
0x501: {  	v9 =	vshrl.u32 v8, $0x5  }
0x502: {  	v10 =	vor.u32 s5, v3;
	v9 =	vand.u32 $0xFF, v9  }
0x503: {  	vm2 =	vlt.s32 v10, v6;
	vm3 =	veq.s32 v9, v7  }
0x504: {  	vm2 =	vmand vm2, vm3  }
0x505: {  	v9 =	vsel vm2, $0x1, v0  }
0x506: {  	(xrf0) =	vadd.scan.msk.s32 $0xffff, v9;
	_ =	sdelay $0x4  }
0x507: {  	v9 =	vsel vm2, $0xFFFFFFFF, v0  }
0x508: {  	v9 =	vadd.s32 v9, v5;
	v10, _, _ =	vpop (xrf0)  }
0x509: {  	v9 =	vadd.s32 v10, v9  }
0x50a: {  	v9 =	vnsel vm2, $0x0, v9  }
0x50b: {  	v11 =	vld [tilespmem:s4+$0x0];
	_ =	sdelay $0x1  }
0x50c: {  	p1 =	sne.s32 s6, $0x1  }
.Ltmp37:
0x50d: {  	_ = 	snop;
	(pc) =	sbr.rel @!p1 .LBB2_67-.Ltmp37, $4  }
0x50e: {  	v10 =	vmpcnt.ones.xlane vm2;
	[tilespmem:v9+s25+$0x0] =	vst.idx.msk vm2, v8  }
0x50f: {  	s7 =	simm.s32 $0x8010;
	[tilespmem:v9+s26+$0x0] =	vst.idx.msk vm2, v11  }
0x510: {  	s20 =	sadd.s32 $0xFFFFFFFF, s6;
	v10 =	vadd.s32 v5, v10;
	v8 =	vld [tilespmem:s7+$0x0]  }
0x511: {  	p0 =	por $0x1, $0x1;
	s14 =	simm.s32 $0x0;
	s6 =	simm.s32 $0x10000;
	v9 =	vmov v10  }
.LBB2_68:
0x512: {  	p1 =	sne.s32 s20, $0x1;
	_ =	sdelay $0x2  }
0x513: {  	s14 =	sadd.s32 $0x10, s14;
	v5 =	vshrl.u32 v8, $0x5  }
0x514: {  	v11 =	vor.u32 s14, v3;
	v5 =	vand.u32 $0xFF, v5  }
0x515: {  	vm2 =	vlt.s32 v11, v6;
	vm3 =	veq.s32 v5, v7  }
0x516: {  	vm2 =	vmand vm2, vm3  }
0x517: {  	v5 =	vsel vm2, $0x1, v0;
	v11 =	vmpcnt.ones.xlane vm2  }
0x518: {  	(xrf0) =	vadd.scan.msk.s32 $0xffff, v5  }
0x519: {  	v10 =	vadd.s32 v10, v11;
	_ =	sdelay $0x3  }
0x51a: {  	v5 =	vsel vm2, $0xFFFFFFFF, v0  }
0x51b: {  	v5 =	vadd.s32 v5, v9;
	v9 =	vmov v10;
	v11, _, _ =	vpop (xrf0)  }
0x51c: {  	v5 =	vadd.s32 v11, v5  }
0x51d: {  	s6 =	sadd.s32 $0x10, s6;
	v5 =	vnsel vm2, $0x0, v5  }
0x51e: {  	v11 =	vld [tilespmem:s6+$0x0];
	_ =	sdelay $0x2  }
.Ltmp38:
0x51f: {  	(pc) =	sbr.rel @p1 .LBB2_68-.Ltmp38, $4  }
0x520: {  	[tilespmem:v5+s25+$0x0] =	vst.idx.msk vm2, v8  }
0x521: {  	s7 =	sadd.s32 $0x10, s7;
	[tilespmem:v5+s26+$0x0] =	vst.idx.msk vm2, v11  }
0x522: {  	v8 =	vld [tilespmem:s7+$0x0]  }
0x523: {  	s20 =	sadd.s32 $0xFFFFFFFF, s20  }
0x524: {  	v5 =	vmov v10  }
.LBB2_70:
0x525: {  	_ = 	snop  }
0x526: {  	s7 =	sadd.s32 @p0 $0x10, s14  }
0x527: {  	s5 =	smov.u32 @p0 s7;
	v10 =	vshrl.u32 v8, $0x5  }
0x528: {  	v11 =	vor.u32 s5, v3;
	v10 =	vand.u32 $0xFF, v10  }
0x529: {  	vm2 =	vlt.s32 v11, v6;
	vm3 =	veq.s32 v10, v7  }
0x52a: {  	vm2 =	vmand vm2, vm3  }
0x52b: {  	v6 =	vsel vm2, $0x1, v0  }
0x52c: {  	(xrf0) =	vadd.scan.msk.s32 $0xffff, v6;
	_ =	sdelay $0x4  }
0x52d: {  	v6 =	vsel vm2, $0xFFFFFFFF, v0  }
0x52e: {  	v6 =	vadd.s32 v6, v9;
	v7, _, _ =	vpop (xrf0)  }
0x52f: {  	s5 =	sadd.s32 @p0 $0x10, s6;
	v6 =	vadd.s32 v7, v6  }
0x530: {  	s4 =	smov.u32 @p0 s5;
	v6 =	vnsel vm2, $0x0, v6  }
0x531: {  	v7 =	vld [tilespmem:s4+$0x0];
	_ =	sdelay $0x2  }
0x532: {  	v63 =	vmpcnt.ones.xlane vm2  }
0x533: {  	[tilespmem:v6+s25+$0x0] =	vst.idx.msk vm2, v8  }
0x534: {  	v5 =	vadd.s32 v5, v63;
	[tilespmem:v6+s26+$0x0] =	vst.idx.msk vm2, v7  }
.LBB2_71:
0x535: {  	v6 =	vxor.u32 $0x80000000, v5  }
0x536: {  	(xrf0) =	vmax.scan.msk.u32 $0xffff, v6;
	_ =	sdelay $0x5  }
0x537: {  	v6, _, _ =	vpop (xrf0)  }
0x538: {  	(v2sf) =	vpush v6, $0xF;
	_ =	sdelay $0xe  }
0x539: {  	s4 =	spop (v2sf)  }
0x53a: {  	s4 =	sadd.s32 $0x8000000F, s4  }
0x53b: {  	s5 =	sand.u32 $0xF, s4  }
0x53c: {  	s28 =	sshra.s32 s4, $0x1F;
	p1 =	slt.s32 s4, $0x1;
	p0 =	sne.s32 s5, $0x0  }
0x53d: {  	s5 =	sshrl.u32 s28, $0x1C;
	p0 =	por !p1, !p0  }
0x53e: {  	s4 =	sadd.s32 s5, s4;
	s5 =	simm.s32 $0x1;
	p0 =	por !p0, !p0  }
0x53f: {  	s4 =	sshra.s32 s4, $0x4;
	s5 =	simm.s32 @!p0 $0x0  }
0x540: {  	s4 =	ssub.s32 s4, s5  }
0x541: {  	p0 =	slt.s32 s4, $0x1  }
.Ltmp39:
0x542: {  	_ = 	snop;
	(pc) =	sbr.rel @p0 .LBB2_78-.Ltmp39, $3  }
0x543: {  	_ =	sdelay $0x1  }
0x544: {  	[tilespmem:$0x18000] =	vst v0  }
0x545: {  	[tilespmem:$0x18010] =	vst v0  }
0x546: {  	p2 =	sne.s32 s4, $0x1  }
.Ltmp40:
0x547: {  	_ = 	snop;
	(pc) =	sbr.rel @!p2 .LBB2_73-.Ltmp40, $3  }
0x548: {  	_ =	sdelay $0x1  }
0x549: {  	s6 =	simm.s32 $0x8000  }
0x54a: {  	s5 =	simm.s32 $0x0;
	p1 =	por $0x0, $0x0;
	v6 =	vld [tilespmem:s6+$0x0];
	s6 =	sadd.s32 $0xFFFFFFFF, s4  }
0x54b: {  	_ =	sdelay $0x1  }
0x54c: {  	v7 =	vor.u32 s5, v3  }
0x54d: {  	vm2 =	vlt.s32 v7, v5  }
0x54e: {  	v6 =	vand.u32 $0x1F, v6  }
0x54f: {  	p2 =	sne.s32 s6, $0x1  }
.Ltmp41:
0x550: {  	_ = 	snop;
	(pc) =	sbr.rel @!p2 .LBB2_75-.Ltmp41, $3  }
0x551: {  	_ =	sdelay $0x1  }
0x552: {  	s7 =	simm.s32 $0x8010;
	[tilespmem:v6+s17+$0x0] =	vst.idx.add.s32.msk vm2, v2  }
0x553: {  	s14 =	sadd.s32 $0xFFFFFFFF, s6;
	p1 =	por $0x1, $0x1;
	s6 =	simm.s32 $0x0;
	v6 =	vld [tilespmem:s7+$0x0]  }
.LBB2_76:
0x554: {  	p2 =	sne.s32 s14, $0x1  }
0x555: {  	s6 =	sadd.s32 $0x10, s6  }
0x556: {  	v7 =	vor.u32 s6, v3  }
0x557: {  	vm2 =	vlt.s32 v7, v5  }
0x558: {  	v6 =	vand.u32 $0x1F, v6;
	_ =	sdelay $0x1  }
.Ltmp42:
0x559: {  	(pc) =	sbr.rel @p2 .LBB2_76-.Ltmp42, $3  }
0x55a: {  	_ =	sdelay $0x1  }
0x55b: {  	s7 =	sadd.s32 $0x10, s7;
	[tilespmem:v6+s17+$0x0] =	vst.idx.add.s32.msk vm2, v2  }
0x55c: {  	s14 =	sadd.s32 $0xFFFFFFFF, s14;
	v6 =	vld [tilespmem:s7+$0x0]  }
.LBB2_77:
0x55d: {  	s6 =	sadd.s32 @p1 $0x10, s6  }
0x55e: {  	s5 =	smov.u32 @p1 s6  }
0x55f: {  	v7 =	vor.u32 s5, v3  }
0x560: {  	vm2 =	vlt.s32 v7, v5  }
0x561: {  	v6 =	vand.u32 $0x1F, v6;
	_ =	sdelay $0x4  }
0x562: {  	[tilespmem:v6+s17+$0x0] =	vst.idx.add.s32.msk vm2, v2  }
.LBB2_78:
0x563: {  	v6 =	vld [tilespmem:$0x18010];
	_ =	sdelay $0x1  }
0x564: {  	v7 =	vld [tilespmem:$0x18000];
	_ =	sdelay $0x2  }
0x565: {  	v8 =	vperm.xlane v6, v4;
	_ =	sdelay $0x1  }
0x566: {  	(xrf0) =	vadd.scan.msk.s32 $0xffff, v8;
	v8 =	vperm.xlane v7, v4  }
0x567: {  	(xrf0) =	vadd.scan.msk.s32 $0xffff, v6  }
0x568: {  	(xrf0) =	vadd.scan.msk.s32 $0xffff, v8;
	_ =	sdelay $0x3  }
0x569: {  	v8, _, _ =	vpop (xrf0)  }
0x56a: {  	v9, _, _ =	vpop (xrf0)  }
0x56b: {  	v10, _, _ =	vpop (xrf0)  }
0x56c: {  	v9 =	vbroadcast v9, $0xF;
	v10 =	vperm.xlane v10, v4  }
0x56d: {  	v4 =	vperm.xlane v8, v4  }
0x56e: {  	s0 =	ssub.s32 s0, s2;
	v8 =	vadd.s32 v9, v10  }
0x56f: {  	v4 =	vadd.s32 v1, v4;
	vm2 =	vlt.s32 v8, s0;
	v8 =	vor.u32 $0x80000000, v3  }
0x570: {  	vm3 =	vlt.s32 v4, s0;
	v4 =	vsel vm2, $0x7FFFFFFF, v8;
	v8 =	vor.u32 $0x80000010, v3  }
0x571: {  	v4 =	vsel vm3, v4, v8  }
0x572: {  	(xrf0) =	vmax.scan.msk.u32 $0xffff, v4;
	_ =	sdelay $0x5  }
0x573: {  	v4, _, _ =	vpop (xrf0)  }
0x574: {  	(v2sf) =	vpush v4, $0xF;
	_ =	sdelay $0xd  }
.Ltmp43:
0x575: {  	s31 =	sshll.u32 s31, $0x15;
	s1 =	sshll.u32 s1, $0xD;
	(pc) =	sbr.rel @p0 .LBB2_79-.Ltmp43, $4  }
0x576: {  	s6 =	sshll.u32 s16, $0x5;
	s1 =	sadd.s32 s31, s1;
	s5 =	spop (v2sf)  }
0x577: {  	s1 =	sadd.s32 s6, s1;
	s2 =	sxor.u32 $0x80000000, s5  }
0x578: {  	s1 =	sadd.s32 s2, s1  }
0x579: {  	s1 =	sadd.s32 $0x80000000, s1  }
0x57a: {  	v4 =	vmov s2;
	v8 =	vor.u32 $0x10, v3  }
0x57b: {  	vm2 =	vlt.s32 v4, v8;
	vm3 =	vlt.s32 v4, v3  }
0x57c: {  	v4 =	vnsel vm3, $0x0, v7;
	v6 =	vnsel vm2, $0x0, v6  }
0x57d: {  	v4 =	vadd.s32 v6, v4  }
0x57e: {  	(xrf0) =	vadd.scan.msk.s32 $0xffff, v4;
	_ =	sdelay $0x5  }
0x57f: {  	v4, _, _ =	vpop (xrf0)  }
0x580: {  	(v2sf) =	vpush v4, $0xF;
	_ =	sdelay $0xb  }
0x581: {  	p5 =	sne.s32 s4, $0x1  }
.Ltmp44:
0x582: {  	_ = 	snop;
	(pc) =	sbr.rel @!p5 .LBB2_81-.Ltmp44, $4  }
0x583: {  	_ = 	snop  }
0x584: {  	s28 =	spop (v2sf)  }
0x585: {  	s31 =	simm.s32 $0x7FFFFFFF;
	s6 =	simm.s32 $0x8000;
	s5 =	ssub.s32 s0, s28  }
0x586: {  	s14 =	simm.s32 $0x10000;
	s2 =	sadd.s32 $0xFFFFFFFF, s4;
	v7 =	vld [tilespmem:s6+$0x0];
	v6 =	vmov s1;
	s0 =	simm.s32 $0x0;
	v4 =	vmov s5  }
0x587: {  	p5 =	sne.s32 s2, $0x1  }
.Ltmp45:
0x588: {  	_ = 	snop;
	(pc) =	sbr.rel @!p5 .LBB2_83-.Ltmp45, $4  }
0x589: {  	_ = 	snop  }
0x58a: {  	v8 =	vor.u32 s0, v3  }
0x58b: {  	s4 =	simm.s32 $0x8010;
	vm2 =	vlt.s32 v8, v5;
	vm3 =	veq.s32 v7, v6  }
0x58c: {  	s2 =	sadd.s32 $0xFFFFFFFF, s2;
	v7 =	vld [tilespmem:s4+$0x0];
	vm3 =	vmand vm2, vm3  }
0x58d: {  	p5 =	sne.s32 s2, $0x1  }
.Ltmp46:
0x58e: {  	_ = 	snop;
	(pc) =	sbr.rel @!p5 .LBB2_85-.Ltmp46, $4  }
0x58f: {  	s16 =	simm.s32 $0x10  }
0x590: {  	v8 =	vsel vm3, $0x1, v0;
	v9 =	vor.u32 s16, v3  }
0x591: {  	vm2 =	vmmov vm3;
	s4 =	simm.s32 $0x8020;
	vm3 =	vlt.s32 v9, v5;
	vm4 =	veq.s32 v7, v6  }
0x592: {  	s2 =	sadd.s32 $0xFFFFFFFF, s2;
	(xrf0) =	vadd.scan.msk.s32 $0xffff, v8;
	v7 =	vld [tilespmem:s4+$0x0];
	vm3 =	vmand vm3, vm4  }
0x593: {  	_ = 	snop  }
0x594: {  	s16 =	simm.s32 $0x20;
	p5 =	sne.s32 s2, $0x1  }
.Ltmp47:
0x595: {  	v9 =	vor.u32 s16, v3;
	(pc) =	sbr.rel @!p5 .LBB2_87-.Ltmp47, $4  }
0x596: {  	_ = 	snop  }
0x597: {  	v8 =	vsel vm3, $0x1, v0;
	vm4 =	vmmov vm2  }
0x598: {  	vm2 =	vmmov vm3;
	s4 =	simm.s32 $0x8030;
	vm5 =	vlt.s32 v9, v5;
	vm3 =	veq.s32 v7, v6;
	v9, _, _ =	vpop (xrf0)  }
0x599: {  	s2 =	sadd.s32 $0xFFFFFFFF, s2;
	vm4 =	vmmov vm4;
	v7 =	vld [tilespmem:s4+$0x0];
	(xrf0) =	vadd.scan.msk.s32 $0xffff, v8;
	vm3 =	vmand vm5, vm3;
	(v2sf) =	vpush v9, $0xF  }
0x59a: {  	_ = 	snop  }
0x59b: {  	p5 =	sne.s32 s2, $0x1  }
.Ltmp48:
0x59c: {  	_ = 	snop;
	(pc) =	sbr.rel @!p5 .LBB2_89-.Ltmp48, $4  }
0x59d: {  	s16 =	simm.s32 $0x30;
	v11 =	vsel vm3, $0x1, v0  }
0x59e: {  	vm5 =	vmmov vm2;
	vm2 =	vmmov vm3;
	v8 =	vor.u32 s16, v3  }
0x59f: {  	s4 =	simm.s32 $0x8040;
	v14 =	vld [tilespmem:s14+$0x0];
	vm7 =	vmmov vm4;
	vm6 =	vlt.s32 v8, v5;
	vm3 =	veq.s32 v7, v6;
	v10, _, _ =	vpop (xrf0)  }
0x5a0: {  	s2 =	sadd.s32 $0xFFFFFFFF, s2;
	vm4 =	vmmov vm5;
	v7 =	vld [tilespmem:s4+$0x0];
	(xrf0) =	vadd.scan.msk.s32 $0xffff, v11;
	vm3 =	vmand vm6, vm3;
	(v2sf) =	vpush v10, $0xF  }
0x5a1: {  	_ =	sdelay $0x1  }
0x5a2: {  	p5 =	sne.s32 s2, $0x1  }
.Ltmp49:
0x5a3: {  	v8 =	vsel vm3, $0x1, v0;
	vm5 =	vmmov vm2;
	v9 =	vadd.s32 s0, v9;
	s16 =	simm.s32 $0x40;
	(pc) =	sbr.rel @!p5 .LBB2_91-.Ltmp49, $4  }
0x5a4: {  	vm2 =	vmmov vm3;
	vm3 =	veq.s32 v9, v4;
	v9 =	vor.u32 s16, v3  }
0x5a5: {  	s22 =	simm.s32 $0x10010;
	vm3 =	vmand vm7, vm3;
	vm6 =	vlt.s32 v9, v5;
	v11 =	vxor.u32 $0x80000000, v14  }
0x5a6: {  	s5 =	simm.s32 $0x8050;
	(xrf0) =	vadd.scan.msk.s32 $0xffff, v8;
	vm7 =	vmmov vm4;
	v14 =	vld [tilespmem:s22+$0x0];
	vm8 =	veq.s32 v7, v6;
	v9 =	vnsel vm3, $0xFFFFFFFF, v11;
	v8, _, _ =	vpop (xrf0)  }
0x5a7: {  	s4 =	sadd.s32 $0xFFFFFFFF, s2;
	vm4 =	vmmov vm5;
	v7 =	vld [tilespmem:s5+$0x0];
	vm3 =	vmand vm6, vm8;
	(xrf0) =	vmin.scan.msk.u32 $0xffff, v9;
	(v2sf) =	vpush v8, $0xF;
	s2 =	spop (v2sf)  }
0x5a8: {  	_ = 	snop  }
0x5a9: {  	s20 =	sadd.s32 $0x0, s2;
	p5 =	sne.s32 s4, $0x1  }
.Ltmp50:
0x5aa: {  	v9 =	vsel vm3, $0x1, v0;
	vm6 =	vmmov vm2;
	v10 =	vadd.s32 s20, v10;
	(pc) =	sbr.rel @!p5 .LBB2_93-.Ltmp50, $4  }
0x5ab: {  	s16 =	simm.s32 $0x50;
	vm2 =	vmmov vm3;
	vm3 =	veq.s32 v10, v4;
	v11 =	vxor.u32 $0x80000000, v14  }
0x5ac: {  	s22 =	simm.s32 $0x10020;
	vm5 =	vmmov vm4;
	v10 =	vor.u32 s16, v3;
	vm3 =	vmand vm7, vm3  }
0x5ad: {  	s5 =	simm.s32 $0x8060;
	(xrf0) =	vadd.scan.msk.s32 $0xffff, v9;
	v12 =	vld [tilespmem:s22+$0x0];
	vm7 =	vlt.s32 v10, v5;
	v13, _, _ =	vpop (xrf0);
	vm8 =	veq.s32 v7, v6;
	v9 =	vnsel vm3, $0xFFFFFFFF, v11  }
0x5ae: {  	s4 =	sadd.s32 $0xFFFFFFFF, s4;
	vm4 =	vmmov vm6;
	v7 =	vld [tilespmem:s5+$0x0];
	(v2sf) =	vpush v13, $0xF;
	vm3 =	vmand vm7, vm8;
	(xrf0) =	vmin.scan.msk.u32 $0xffff, v9;
	s23 =	spop (v2sf);
	v11, _, _ =	vpop (xrf0)  }
0x5af: {  	_ =	sdelay $0x1  }
0x5b0: {  	v9 =	vsel vm3, $0x1, v0;
	s20 =	sadd.s32 s20, s23;
	p5 =	sne.s32 s4, $0x1  }
.Ltmp51:
0x5b1: {  	(v2sf) =	vpush v11, $0xF;
	vm6 =	vmmov vm2;
	v14 =	vadd.s32 s20, v8;
	(pc) =	sbr.rel @!p5 .LBB2_95-.Ltmp51, $4  }
0x5b2: {  	vm2 =	vmmov vm3;
	s16 =	simm.s32 $0x60;
	vm3 =	veq.s32 v14, v4;
	v15 =	vxor.u32 $0x80000000, v12  }
0x5b3: {  	s22 =	simm.s32 $0x10030;
	vm9 =	vmmov vm4;
	v14 =	vor.u32 s16, v3;
	vm3 =	vmand vm5, vm3  }
0x5b4: {  	s5 =	simm.s32 $0x8070;
	v16 =	vld [tilespmem:s22+$0x0];
	vm7 =	vlt.s32 v14, v5;
	v10, _, _ =	vpop (xrf0);
	(xrf0) =	vadd.scan.msk.s32 $0xffff, v9;
	vm8 =	veq.s32 v7, v6;
	v9 =	vnsel vm3, $0xFFFFFFFF, v15  }
0x5b5: {  	s4 =	sadd.s32 $0xFFFFFFFF, s4;
	p0 =	por $0x1, $0x1;
	v7 =	vld [tilespmem:s5+$0x0];
	(v2sf) =	vpush v10, $0xF;
	vm3 =	vmand vm7, vm8;
	(xrf0) =	vmin.scan.msk.u32 $0xffff, v9;
	vm8 =	vmmov vm6;
	v15, _, _ =	vpop (xrf0);
	s28 =	spop (v2sf)  }
0x5b6: {  	s5 =	simm.s32 @!p0 $0x0  }
0x5b7: {  	s5 =	simm.s32 @p0 $0x1;
	p0 =	por $0x1, $0x1  }
0x5b8: {  	[smem:$0x7F6] =	sst s5;
	s5 =	simm.s32 @!p0 $0x0  }
0x5b9: {  	s5 =	simm.s32 @p0 $0x1;
	p0 =	por $0x1, $0x1  }
0x5ba: {  	(v2sf) =	vpush v15, $0xF;
	[smem:$0x7F7] =	sst s5;
	s5 =	simm.s32 @!p0 $0x0  }
0x5bb: {  	p1 =	por $0x1, $0x1;
	v17, _, _ =	vpop (xrf0);
	s5 =	simm.s32 @p0 $0x1  }
0x5bc: {  	(v2sf) =	vpush v17, $0xF;
	[smem:$0x7F8] =	sst s5;
	s5 =	simm.s32 @!p1 $0x0  }
0x5bd: {  	p2 =	por $0x1, $0x1;
	s5 =	simm.s32 @p1 $0x1  }
0x5be: {  	p3 =	por $0x1, $0x1;
	[smem:$0x7F9] =	sst s5;
	s5 =	simm.s32 @!p2 $0x0  }
0x5bf: {  	s20 =	sadd.s32 s20, s28;
	p5 =	sne.s32 s4, $0x1;
	s5 =	simm.s32 @p2 $0x1  }
.Ltmp52:
0x5c0: {  	v9 =	vsel vm3, $0x1, v0;
	v14 =	vadd.s32 s20, v13;
	[smem:$0x7FA] =	sst s5;
	s5 =	simm.s32 @!p3 $0x0;
	(pc) =	sbr.rel @!p5 .LBB2_97-.Ltmp52, $4  }
0x5c1: {  	p4 =	por $0x1, $0x1;
	vm2 =	vmmov vm2;
	vm6 =	vmmov vm3;
	s16 =	simm.s32 $0x70;
	vm3 =	veq.s32 v14, v4;
	s5 =	simm.s32 @p3 $0x1  }
0x5c2: {  	s22 =	simm.s32 $0x10040;
	v14 =	vor.u32 s16, v3;
	vm3 =	vmand vm9, vm3;
	v18 =	vxor.u32 $0x80000000, v16;
	[smem:$0x7FB] =	sst s5;
	s5 =	simm.s32 @!p4 $0x0  }
0x5c3: {  	s21 =	simm.s32 $0x8080;
	s4 =	sadd.s32 $0xFFFFFFFF, s4;
	v21 =	vld [tilespmem:s22+$0x0];
	vm4 =	vlt.s32 v14, v5;
	(xrf0) =	vadd.scan.msk.s32 $0xffff, v9;
	vm7 =	veq.s32 v7, v6;
	v9 =	vnsel vm3, $0xFFFFFFFF, v18;
	s5 =	simm.s32 @p4 $0x1  }
0x5c4: {  	vm11 =	vmmov vm8;
	vm10 =	vmmov vm2;
	v7 =	vld [tilespmem:s21+$0x0];
	vm3 =	vmand vm4, vm7;
	(xrf0) =	vmin.scan.msk.u32 $0xffff, v9;
	v20, _, _ =	vpop (xrf0);
	p1 =	por $0x1, $0x1;
	[smem:$0x7FD] =	sst s5;
	s5 =	spop (v2sf)  }
0x5c5: {  	_ =	sdelay $0x3  }
0x5c6: {  	(v2sf) =	vpush v20, $0xF;
	v9, _, _ =	vpop (xrf0)  }
0x5c7: {  	(v2sf) =	vpush v9, $0xF  }
0x5c8: {  	s20 =	sadd.s32 s20, s5  }
0x5c9: {  	v18 =	vadd.s32 s20, v10  }
0x5ca: {  	v14 =	vsel vm3, $0x1, v0;
	p5 =	sne.s32 s4, $0x1;
	vm2 =	vmmov vm3;
	s16 =	simm.s32 $0x80;
	vm3 =	veq.s32 v18, v4  }
.Ltmp53:
0x5cb: {  	v18 =	vor.u32 s16, v3;
	vm3 =	vmand vm11, vm3;
	v19 =	vxor.u32 $0x80000000, v21;
	(pc) =	sbr.rel @!p5 .LBB2_99-.Ltmp53, $4  }
0x5cc: {  	s6 =	sadd.s32 $0xFFFFFFFF, s4;
	s22 =	simm.s32 $0x10050;
	p0 =	por $0x1, $0x1;
	vm7 =	vlt.s32 v18, v5;
	(xrf0) =	vadd.scan.msk.s32 $0xffff, v14;
	v18 =	vnsel vm3, $0xFFFFFFFF, v19  }
0x5cd: {  	vm4 =	vmmov vm6;
	s24 =	spop (v2sf);
	s7 =	simm.s32 $0x8090;
	s4 =	simm.s32 @!p0 $0x0  }
0x5ce: {  	s8 =	sxor.u32 $0x80000000, s24;
	s21 =	spop (v2sf);
	vm4 =	vmmov vm4;
	s4 =	simm.s32 @p0 $0x1;
	vm12 =	veq.s32 v7, v6;
	v14 =	vld [tilespmem:s22+$0x0]  }
0x5cf: {  	p6 =	sgt.s32 s8, $0x7FFFFFFF;
	[smem:$0x7FC] =	sst s4;
	s4 =	simm.s32 $0x7FFFFFFF;
	v7 =	vld [tilespmem:s7+$0x0];
	vm3 =	vmand vm7, vm12;
	(xrf0) =	vmin.scan.msk.u32 $0xffff, v18;
	vm7 =	vmmov vm10;
	v19 =	vmov v17;
	v18, _, _ =	vpop (xrf0)  }
.LBB2_100:
0x5d0: {  	s24 =	smov.u32 s4;
	s4 =	smov.u32 s8  }
0x5d1: {  	p5 =	sne.s32 s6, $0x1;
	v22 =	vsel vm3, $0x1, v0;
	s20 =	sadd.s32 s20, s21;
	vm12 =	vmmov vm2;
	(v2sf) =	vpush v18, $0xF;
	s4 =	smov.u32 @p6 s24  }
.Ltmp54:
0x5d2: {  	s6 =	sadd.s32 $0xFFFFFFFF, s6;
	vm2 =	vmmov vm3;
	v18 =	vadd.s32 s20, v19;
	v19 =	vmov v9;
	(xrf0) =	vadd.scan.msk.s32 $0xffff, v22;
	v9, _, _ =	vpop (xrf0);
	(pc) =	sbr.rel @p5 .LBB2_100-.Ltmp54, $4  }
0x5d3: {  	s16 =	sadd.s32 $0x10, s16;
	vm3 =	veq.s32 v18, v4;
	(v2sf) =	vpush v9, $0xF  }
0x5d4: {  	s22 =	sadd.s32 $0x10, s22;
	v23 =	vor.u32 s16, v3;
	vm3 =	vmand vm7, vm3;
	v22 =	vxor.u32 $0x80000000, v14;
	s8 =	spop (v2sf)  }
0x5d5: {  	s7 =	sadd.s32 $0x10, s7;
	vm7 =	vlt.s32 v23, v5;
	vm13 =	veq.s32 v7, v6;
	v22 =	vnsel vm3, $0xFFFFFFFF, v22;
	v14 =	vld [tilespmem:s22+$0x0];
	s8 =	sxor.u32 $0x80000000, s8  }
0x5d6: {  	vm3 =	vmand vm7, vm13;
	vm7 =	vmmov vm4;
	vm4 =	vmmov vm12;
	v7 =	vld [tilespmem:s7+$0x0];
	s21 =	spop (v2sf);
	(xrf0) =	vmin.scan.msk.u32 $0xffff, v22;
	v18, _, _ =	vpop (xrf0);
	p6 =	slt.s32 s4, s8  }
0x5d7: {  	s24 =	simm.s32 $0x0  }
.LBB2_102:
0x5d8: {  	s7 =	sld [smem:$0x7FD];
	_ =	sdelay $0x1  }
0x5d9: {  	s6 =	sld [smem:$0x7F7]  }
0x5da: {  	p0 =	seq.s32 s7, $0x1;
	s7 =	sld [smem:$0x7F8];
	_ =	sdelay $0x1  }
0x5db: {  	p5 =	seq.s32 s6, $0x1;
	s6 =	simm.s32 @!p0 $0x0  }
0x5dc: {  	(v2sf) =	vpush @p0 v18, $0xF;
	s6 =	simm.s32 @p0 $0x1;
	p0 =	seq.s32 s7, $0x1;
	s7 =	sld [smem:$0x7FB]  }
0x5dd: {  	_ =	sdelay $0x1  }
0x5de: {  	[smem:$0x7FD] =	sst s6;
	p4 =	seq.s32 s7, $0x1  }
0x5df: {  	s6 =	sadd.s32 @p4 s20, s21;
	s21 =	sld [smem:$0x7FA];
	_ =	sdelay $0x2  }
0x5e0: {  	s7 =	simm.s32 $0x0;
	p2 =	seq.s32 s21, $0x1  }
0x5e1: {  	s7 =	smov.u32 @p4 s6;
	s6 =	sadd.s32 @p2 $0x10, s22;
	s22 =	simm.s32 @!p4 $0x0  }
0x5e2: {  	s22 =	simm.s32 @p4 $0x1  }
0x5e3: {  	[smem:$0x7FB] =	sst s22  }
0x5e4: {  	s22 =	sld [smem:$0x7F9];
	_ =	sdelay $0x1  }
0x5e5: {  	v22 =	vsel @p5 vm3, $0x1, v0;
	s21 =	spop @p1 (v2sf)  }
0x5e6: {  	p3 =	por p1, p1;
	p1 =	seq.s32 s22, $0x1;
	s22 =	spop @p2 (v2sf)  }
0x5e7: {  	v18, _, _ =	vpop @p0 (xrf0);
	s5 =	smov.u32 @p2 s22;
	s22 =	sld [smem:$0x7FC]  }
0x5e8: {  	(xrf0) =	vadd.scan.msk.s32 @p5 $0xffff, v22;
	vm12 =	vmmov @p0 vm2;
	v22, _, _ =	vpop @p4 (xrf0);
	v19 =	vadd.s32 @p2 s7, v19  }
0x5e9: {  	(v2sf) =	vpush @p0 v18, $0xF;
	s20 =	simm.s32 $0x10000;
	vm2 =	veq.s32 @p2 v19, v4;
	v19 =	vpsel p4, v22, v20  }
0x5ea: {  	s20 =	smov.u32 @p2 s6;
	s6 =	sadd.s32 @p5 $0x10, s16;
	(v2sf) =	vpush @p4 v19, $0xF;
	p4 =	seq.s32 s22, $0x1  }
0x5eb: {  	s16 =	simm.s32 $0x0;
	s5 =	sadd.s32 @p2 s7, s5;
	p6 =	por !p6, !p4  }
0x5ec: {  	s7 =	simm.s32 $0x7FFFFFFF;
	s4 =	smov.u32 @p6 s8;
	s8 =	sxor.u32 @p3 $0x80000000, s21  }
0x5ed: {  	v20 =	vld @p1 [tilespmem:s20+$0x0];
	s21 =	sld [smem:$0x7F6];
	s7 =	smov.u32 @p4 s4;
	p4 =	por p3, p3  }
0x5ee: {  	vm15 =	veq.s32 v7, v6;
	s16 =	smov.u32 @p5 s6;
	s6 =	simm.s32 $0x0;
	p6 =	slt.s32 @p4 s7, s8  }
0x5ef: {  	v14 =	vxor.u32 @p2 $0x80000000, v14;
	vm2 =	vmand @p2 vm7, vm2;
	v60 =	vor.u32 s16, v3;
	v19, _, _ =	vpop @p5 (xrf0);
	s6 =	smov.u32 @p2 s5;
	s5 =	simm.s32 $0x10000;
	p6 =	por @!p4 p0, p0  }
0x5f0: {  	v14 =	vnsel @p2 vm2, $0xFFFFFFFF, v14;
	vm2 =	vlt.s32 v60, v5;
	(v2sf) =	vpush @p5 v19, $0xF;
	s22 =	sld [smem:$0x7FD];
	p3 =	seq.s32 s21, $0x1;
	p6 =	por !p6, !p4  }
0x5f1: {  	vm2 =	vmand vm2, vm15;
	v5 =	vpsel p1, v9, v10;
	s4 =	sadd.s32 @p1 $0x10, s20;
	s16 =	spop @p3 (v2sf);
	s20 =	simm.s32 @!p6 $0x0  }
0x5f2: {  	(xrf0) =	vmin.scan.msk.u32 @p2 $0xffff, v14;
	vm4 =	vmmov @p1 vm4;
	v5 =	vadd.s32 @p1 s6, v5;
	v6 =	vpsel p1, v20, v21;
	s5 =	smov.u32 @p1 s4;
	s4 =	spop @p1 (v2sf);
	s20 =	simm.s32 @p6 $0x1  }
0x5f3: {  	vm11 =	vmmov @p1 vm4;
	vm4 =	veq.s32 @p1 v5, v4;
	v6 =	vxor.u32 @p1 $0x80000000, v6;
	s28 =	smov.u32 @p1 s4;
	[smem:$0x7F5] =	sst s20  }
0x5f4: {  	v5 =	vsel vm2, $0x1, v0;
	vm4 =	vmand @p1 vm11, vm4;
	v7 =	vld @p0 [tilespmem:s5+$0x0];
	s6 =	sadd.s32 @p1 s6, s28;
	s28 =	sld [smem:$0x7F5]  }
0x5f5: {  	vm7 =	vmmov @p0 vm12;
	v9 =	vpsel p0, v18, v17;
	(xrf0) =	vadd.scan.msk.s32 $0xffff, v5;
	v5 =	vnsel @p1 vm4, $0xFFFFFFFF, v6;
	s5 =	sadd.s32 @p0 $0x10, s5;
	p6 =	seq.s32 s22, $0x1  }
0x5f6: {  	vm3 =	vmmov @p5 vm3;
	vm10 =	vmmov @p0 vm7;
	v6 =	vmov @p0 v9;
	s4 =	smov.u32 @p4 s8;
	s8 =	simm.s32 $0x0;
	s20 =	spop @p6 (v2sf)  }
0x5f7: {  	vm6 =	vmmov @p5 vm3;
	vm4 =	vmmov @p0 vm10;
	v6 =	vpsel p0, v6, v13;
	s8 =	smov.u32 @p1 s6;
	s6 =	simm.s32 $0x10000;
	p6 =	seq.s32 s28, $0x1  }
0x5f8: {  	vm3 =	vmmov @p5 vm6;
	(xrf0) =	vmin.scan.msk.u32 @p1 $0xffff, v5;
	vm9 =	vmmov @p0 vm4;
	v5, _, _ =	vpop @p2 (xrf0);
	v6 =	vadd.s32 @p0 s8, v6;
	s6 =	smov.u32 @p0 s5;
	s7 =	smov.u32 @p6 s4;
	s4 =	simm.s32 $0x7FFFFFFF  }
0x5f9: {  	v5 =	vpsel p2, v5, v15;
	v7 =	vpsel p0, v7, v16;
	s5 =	spop @p0 (v2sf);
	vm4 =	veq.s32 @p0 v6, v4;
	s4 =	smov.u32 @p4 s7;
	s7 =	sxor.u32 @p3 $0x80000000, s16  }
0x5fa: {  	s21 =	sld [smem:$0x7FB];
	(v2sf) =	vpush @p2 v5, $0xF;
	v5 =	vxor.u32 @p0 $0x80000000, v7;
	v6 =	vld @p5 [tilespmem:s6+$0x0];
	s23 =	smov.u32 @p0 s5;
	vm4 =	vmand @p0 vm9, vm4;
	p6 =	slt.s32 @p3 s4, s7  }
0x5fb: {  	vm3 =	vmmov @p5 vm3;
	s5 =	sadd.s32 @p0 s8, s23;
	s8 =	simm.s32 $0x0;
	v5 =	vnsel @p0 vm4, $0xFFFFFFFF, v5;
	p6 =	por @!p3 p0, p0  }
0x5fc: {  	vm8 =	vmmov @p5 vm3;
	v61 =	vpsel p5, v19, v10;
	s8 =	smov.u32 @p0 s5;
	s5 =	smov.u32 @p3 s7;
	p6 =	por !p6, !p3  }
0x5fd: {  	vm3 =	vmmov @p5 vm8;
	v8 =	vpsel p5, v61, v8;
	v62, _, _ =	vpop (xrf0);
	s4 =	smov.u32 @p6 s5;
	p6 =	seq.s32 s21, $0x1  }
0x5fe: {  	vm5 =	vmmov @p5 vm3;
	s22 =	sld [smem:$0x7FD];
	(v2sf) =	vpush v62, $0xF;
	(xrf0) =	vmin.scan.msk.u32 @p0 $0xffff, v5;
	v8 =	vadd.s32 @p5 s8, v8;
	v5, _, _ =	vpop @p1 (xrf0);
	s5 =	sadd.s32 @p5 $0x10, s6;
	s6 =	spop @p6 (v2sf)  }
0x5ff: {  	vm3 =	veq.s32 @p5 v8, v4;
	v6 =	vpsel p5, v6, v12;
	v5 =	vpsel p1, v5, v11;
	s14 =	smov.u32 @p5 s5;
	s5 =	spop @p5 (v2sf)  }
0x600: {  	vm3 =	vmand @p5 vm5, vm3;
	(v2sf) =	vpush @p1 v5, $0xF;
	v5 =	vxor.u32 @p5 $0x80000000, v6;
	v63 =	vld [tilespmem:s14+$0x0];
	s2 =	smov.u32 @p5 s5  }
0x601: {  	vm2 =	vmmov vm2;
	p4 =	seq.s32 s22, $0x1;
	s7 =	simm.s32 $0x7FFFFFFF;
	v5 =	vnsel @p5 vm3, $0xFFFFFFFF, v5;
	s2 =	sadd.s32 @p5 s8, s2  }
0x602: {  	vm2 =	vmmov vm2;
	s16 =	sxor.u32 @p4 $0x80000000, s20;
	s7 =	smov.u32 @p3 s4;
	s0 =	smov.u32 @p5 s2  }
0x603: {  	vm2 =	vmmov vm2;
	s23 =	sld [smem:$0x7FB];
	p6 =	slt.s32 @p4 s7, s16;
	(xrf0) =	vmin.scan.msk.u32 @p5 $0xffff, v5;
	v7 =	vadd.s32 s0, v62  }
0x604: {  	vm2 =	vmmov vm2;
	p6 =	por @!p4 p0, p0;
	v5, _, _ =	vpop @p0 (xrf0);
	vm3 =	veq.s32 v7, v4  }
0x605: {  	p6 =	por !p6, !p4;
	s2 =	smov.u32 @p4 s16;
	v5 =	vpsel p0, v5, v0;
	v4 =	vxor.u32 $0x80000000, v63;
	vm2 =	vmand vm2, vm3  }
0x606: {  	p3 =	seq.s32 s23, $0x1;
	s7 =	smov.u32 @p6 s2;
	s0 =	simm.s32 $0x7FFFFFFF;
	(v2sf) =	vpush @p0 v5, $0xF;
	v4 =	vnsel vm2, $0xFFFFFFFF, v4  }
0x607: {  	s2 =	sxor.u32 @p3 $0x80000000, s6;
	s0 =	smov.u32 @p4 s7  }
0x608: {  	p4 =	slt.s32 @p3 s0, s2  }
0x609: {  	p4 =	por @!p3 p0, p0;
	(xrf0) =	vmin.scan.msk.u32 $0xffff, v4;
	v4, _, _ =	vpop @p5 (xrf0)  }
0x60a: {  	s2 =	smov.u32 @p3 s2;
	p4 =	por !p4, !p3;
	v4 =	vpsel p5, v4, v0  }
0x60b: {  	s4 =	simm.s32 $0x7FFFFFFF;
	s0 =	smov.u32 @p4 s2;
	s2 =	spop @p2 (v2sf);
	(v2sf) =	vpush @p5 v4, $0xF  }
0x60c: {  	s2 =	sxor.u32 @p2 $0x80000000, s2;
	s4 =	smov.u32 @p3 s0  }
0x60d: {  	p4 =	slt.s32 @p2 s4, s2  }
0x60e: {  	s0 =	spop (v2sf);
	p4 =	por @!p2 p0, p0  }
0x60f: {  	s0 =	smov.u32 @p2 s2;
	p4 =	por !p4, !p2;
	v4, _, _ =	vpop (xrf0)  }
0x610: {  	s2 =	simm.s32 $0x7FFFFFFF;
	s4 =	smov.u32 @p4 s0;
	s0 =	spop @p1 (v2sf);
	(v2sf) =	vpush v4, $0xF  }
0x611: {  	s0 =	sxor.u32 @p1 $0x80000000, s0;
	s2 =	smov.u32 @p2 s4  }
0x612: {  	p3 =	slt.s32 @p1 s2, s0  }
0x613: {  	p3 =	por @!p1 p0, p0  }
0x614: {  	s0 =	smov.u32 @p1 s0;
	p3 =	por !p3, !p1  }
0x615: {  	s4 =	simm.s32 $0x7FFFFFFF;
	s2 =	smov.u32 @p3 s0;
	s0 =	spop @p0 (v2sf)  }
0x616: {  	s4 =	smov.u32 @p1 s2;
	s0 =	sxor.u32 @p0 $0x80000000, s0  }
0x617: {  	p2 =	slt.s32 @p0 s4, s0  }
0x618: {  	p2 =	por @!p0 p0, p0  }
0x619: {  	s0 =	smov.u32 @p0 s0;
	p2 =	por !p2, !p0  }
0x61a: {  	s2 =	simm.s32 $0x7FFFFFFF;
	s4 =	smov.u32 @p2 s0;
	s0 =	spop @p5 (v2sf)  }
0x61b: {  	s2 =	smov.u32 @p0 s4;
	s0 =	sxor.u32 @p5 $0x80000000, s0  }
0x61c: {  	p1 =	slt.s32 @p5 s2, s0  }
0x61d: {  	p1 =	por @!p5 p0, p0  }
.Ltmp55:
0x61e: {  	s0 =	smov.u32 @p5 s0;
	p1 =	por !p1, !p5;
	(pc) =	sbr.rel .LBB2_103-.Ltmp55, $4  }
0x61f: {  	s28 =	spop (v2sf);
	s2 =	smov.u32 @p1 s0  }
0x620: {  	s0 =	sxor.u32 $0x80000000, s28;
	s31 =	smov.u32 @p5 s2  }
0x621: {  	p0 =	slt.s32 s31, s0  }
0x622: {  	s0 =	smov.u32 @p0 s31  }
.LBB2_24:
.Ltmp56:
0x623: {  	(pc) =	sbr.rel .LBB2_29-.Ltmp56, $2  }
0x624: {  	_ =	sdelay $0x2  }
0x625: {  	s2 =	simm.s32 $0x70  }
.LBB2_26:
.Ltmp57:
0x626: {  	(pc) =	sbr.rel .LBB2_29-.Ltmp57, $2  }
0x627: {  	_ =	sdelay $0x2  }
0x628: {  	v19 =	vmovc v5;
	v5 =	vmovc v16;
	s2 =	simm.s32 $0x70;
	v18 =	vmov v13;
	v17 =	vmov v14;
	v16 =	vmov v15  }
.LBB2_33:
.Ltmp58:
0x629: {  	(pc) =	sbr.rel .LBB2_37-.Ltmp58, $2  }
0x62a: {  	_ =	sdelay $0x2  }
0x62b: {  	s2 =	simm.s32 $0x0  }
.LBB2_44:
.Ltmp59:
0x62c: {  	(pc) =	sbr.rel .LBB2_49-.Ltmp59, $2  }
0x62d: {  	_ =	sdelay $0x2  }
0x62e: {  	s14 =	simm.s32 $0x0;
	v9 =	vimm.s32 $0x0;
	s6 =	simm.s32 $0x10000  }
.LBB2_54:
.Ltmp60:
0x62f: {  	(pc) =	sbr.rel .LBB2_58-.Ltmp60, $2  }
0x630: {  	_ =	sdelay $0x2  }
0x631: {  	s5 =	simm.s32 $0x0  }
.LBB2_65:
.Ltmp61:
0x632: {  	(pc) =	sbr.rel .LBB2_70-.Ltmp61, $2  }
0x633: {  	_ =	sdelay $0x2  }
0x634: {  	s14 =	simm.s32 $0x0;
	v9 =	vimm.s32 $0x0;
	s6 =	simm.s32 $0x10000  }
.LBB2_73:
.Ltmp62:
0x635: {  	(pc) =	sbr.rel .LBB2_77-.Ltmp62, $2  }
0x636: {  	_ =	sdelay $0x2  }
0x637: {  	s6 =	simm.s32 $0x0  }
.LBB2_81:
0x638: {  	p0 =	por $0x0, $0x0  }
0x639: {  	s2 =	simm.s32 @!p0 $0x0  }
0x63a: {  	s2 =	simm.s32 @p0 $0x1;
	p0 =	por $0x0, $0x0  }
0x63b: {  	[smem:$0x7F6] =	sst s2;
	s2 =	simm.s32 @!p0 $0x0  }
0x63c: {  	s2 =	simm.s32 @p0 $0x1;
	p0 =	por $0x0, $0x0  }
0x63d: {  	[smem:$0x7F7] =	sst s2;
	s2 =	simm.s32 @!p0 $0x0  }
0x63e: {  	p1 =	por $0x0, $0x0;
	s2 =	simm.s32 @p0 $0x1  }
0x63f: {  	[smem:$0x7F8] =	sst s2;
	s2 =	simm.s32 @!p1 $0x0  }
0x640: {  	p2 =	por $0x0, $0x0;
	s2 =	simm.s32 @p1 $0x1  }
0x641: {  	[smem:$0x7F9] =	sst s2;
	s2 =	simm.s32 @!p2 $0x0  }
0x642: {  	p3 =	por $0x0, $0x0;
	s2 =	simm.s32 @p2 $0x1  }
0x643: {  	[smem:$0x7FA] =	sst s2;
	s2 =	simm.s32 @!p3 $0x0  }
0x644: {  	p0 =	por $0x0, $0x0;
	s2 =	simm.s32 @p3 $0x1  }
.Ltmp63:
0x645: {  	[smem:$0x7FB] =	sst s2;
	s2 =	simm.s32 @!p0 $0x0;
	(pc) =	sbr.rel .LBB2_102-.Ltmp63, $4  }
0x646: {  	p4 =	por $0x0, $0x0;
	s2 =	simm.s32 @p0 $0x1  }
0x647: {  	s20 =	simm.s32 $0x0;
	[smem:$0x7FC] =	sst s2;
	s2 =	simm.s32 @!p4 $0x0  }
0x648: {  	s4 =	simm.s32 $0x7FFFFFFF;
	s16 =	simm.s32 $0x0;
	s2 =	simm.s32 @p4 $0x1  }
0x649: {  	s22 =	simm.s32 $0x10000;
	p1 =	por $0x0, $0x0;
	[smem:$0x7FD] =	sst s2  }
.LBB2_35:
.Ltmp64:
0x64a: {  	(pc) =	sbr.rel .LBB2_37-.Ltmp64, $2  }
0x64b: {  	_ =	sdelay $0x2  }
0x64c: {  	s2 =	simm.s32 $0x0  }
.LBB2_46:
.Ltmp65:
0x64d: {  	(pc) =	sbr.rel .LBB2_49-.Ltmp65, $2  }
0x64e: {  	_ =	sdelay $0x2  }
0x64f: {  	s14 =	simm.s32 $0x0;
	v6 =	vmov v10;
	v9 =	vmov v10;
	s6 =	simm.s32 $0x10000  }
.LBB2_56:
.Ltmp66:
0x650: {  	(pc) =	sbr.rel .LBB2_58-.Ltmp66, $2  }
0x651: {  	_ =	sdelay $0x2  }
0x652: {  	s5 =	simm.s32 $0x0  }
.LBB2_67:
.Ltmp67:
0x653: {  	(pc) =	sbr.rel .LBB2_70-.Ltmp67, $2  }
0x654: {  	_ =	sdelay $0x2  }
0x655: {  	s14 =	simm.s32 $0x0;
	v5 =	vmov v10;
	v9 =	vmov v10;
	s6 =	simm.s32 $0x10000  }
.LBB2_75:
.Ltmp68:
0x656: {  	(pc) =	sbr.rel .LBB2_77-.Ltmp68, $2  }
0x657: {  	_ =	sdelay $0x2  }
0x658: {  	s6 =	simm.s32 $0x0  }
.LBB2_83:
0x659: {  	p0 =	por $0x0, $0x0  }
0x65a: {  	s2 =	simm.s32 @!p0 $0x0  }
0x65b: {  	s2 =	simm.s32 @p0 $0x1;
	p0 =	por $0x1, $0x1  }
0x65c: {  	[smem:$0x7F6] =	sst s2;
	s2 =	simm.s32 @!p0 $0x0  }
0x65d: {  	s2 =	simm.s32 @p0 $0x1;
	p0 =	por $0x0, $0x0  }
0x65e: {  	[smem:$0x7F7] =	sst s2;
	s2 =	simm.s32 @!p0 $0x0  }
0x65f: {  	p1 =	por $0x0, $0x0;
	s2 =	simm.s32 @p0 $0x1  }
0x660: {  	[smem:$0x7F8] =	sst s2;
	s2 =	simm.s32 @!p1 $0x0  }
0x661: {  	p2 =	por $0x0, $0x0;
	s2 =	simm.s32 @p1 $0x1  }
0x662: {  	[smem:$0x7F9] =	sst s2;
	s2 =	simm.s32 @!p2 $0x0  }
0x663: {  	p3 =	por $0x0, $0x0;
	s2 =	simm.s32 @p2 $0x1  }
0x664: {  	[smem:$0x7FA] =	sst s2;
	s2 =	simm.s32 @!p3 $0x0  }
0x665: {  	p0 =	por $0x0, $0x0;
	s2 =	simm.s32 @p3 $0x1  }
.Ltmp69:
0x666: {  	[smem:$0x7FB] =	sst s2;
	s2 =	simm.s32 @!p0 $0x0;
	(pc) =	sbr.rel .LBB2_102-.Ltmp69, $4  }
0x667: {  	p4 =	por $0x0, $0x0;
	s2 =	simm.s32 @p0 $0x1  }
0x668: {  	s20 =	simm.s32 $0x0;
	[smem:$0x7FC] =	sst s2;
	s2 =	simm.s32 @!p4 $0x0  }
0x669: {  	s4 =	simm.s32 $0x7FFFFFFF;
	s16 =	simm.s32 $0x0;
	s2 =	simm.s32 @p4 $0x1  }
0x66a: {  	s22 =	simm.s32 $0x10000;
	p1 =	por $0x0, $0x0;
	[smem:$0x7FD] =	sst s2  }
.LBB2_85:
0x66b: {  	p0 =	por $0x0, $0x0  }
0x66c: {  	s2 =	simm.s32 @!p0 $0x0  }
0x66d: {  	s2 =	simm.s32 @p0 $0x1;
	p0 =	por $0x1, $0x1  }
0x66e: {  	[smem:$0x7F6] =	sst s2;
	s2 =	simm.s32 @!p0 $0x0  }
0x66f: {  	s2 =	simm.s32 @p0 $0x1;
	p0 =	por $0x1, $0x1  }
0x670: {  	[smem:$0x7F7] =	sst s2;
	s2 =	simm.s32 @!p0 $0x0  }
0x671: {  	p1 =	por $0x0, $0x0;
	s2 =	simm.s32 @p0 $0x1  }
0x672: {  	[smem:$0x7F8] =	sst s2;
	s2 =	simm.s32 @!p1 $0x0  }
0x673: {  	p2 =	por $0x0, $0x0;
	s2 =	simm.s32 @p1 $0x1  }
0x674: {  	[smem:$0x7F9] =	sst s2;
	s2 =	simm.s32 @!p2 $0x0  }
0x675: {  	p3 =	por $0x0, $0x0;
	s2 =	simm.s32 @p2 $0x1  }
0x676: {  	[smem:$0x7FA] =	sst s2;
	s2 =	simm.s32 @!p3 $0x0  }
0x677: {  	p0 =	por $0x0, $0x0;
	s2 =	simm.s32 @p3 $0x1  }
.Ltmp70:
0x678: {  	[smem:$0x7FB] =	sst s2;
	s2 =	simm.s32 @!p0 $0x0;
	(pc) =	sbr.rel .LBB2_102-.Ltmp70, $4  }
0x679: {  	p4 =	por $0x0, $0x0;
	s2 =	simm.s32 @p0 $0x1  }
0x67a: {  	[smem:$0x7FC] =	sst s2;
	s2 =	simm.s32 @!p4 $0x0  }
0x67b: {  	s20 =	simm.s32 $0x0;
	s4 =	simm.s32 $0x7FFFFFFF;
	s2 =	simm.s32 @p4 $0x1  }
0x67c: {  	s22 =	simm.s32 $0x10000;
	p1 =	por $0x0, $0x0;
	[smem:$0x7FD] =	sst s2  }
.LBB2_87:
0x67d: {  	p0 =	por $0x0, $0x0  }
0x67e: {  	s2 =	simm.s32 @!p0 $0x0  }
0x67f: {  	s2 =	simm.s32 @p0 $0x1;
	p0 =	por $0x1, $0x1  }
0x680: {  	[smem:$0x7F6] =	sst s2;
	s2 =	simm.s32 @!p0 $0x0  }
0x681: {  	s2 =	simm.s32 @p0 $0x1;
	p0 =	por $0x1, $0x1  }
0x682: {  	[smem:$0x7F7] =	sst s2;
	s2 =	simm.s32 @!p0 $0x0  }
0x683: {  	p1 =	por $0x1, $0x1;
	s2 =	simm.s32 @p0 $0x1  }
0x684: {  	[smem:$0x7F8] =	sst s2;
	s2 =	simm.s32 @!p1 $0x0  }
0x685: {  	p2 =	por $0x0, $0x0;
	s2 =	simm.s32 @p1 $0x1  }
0x686: {  	[smem:$0x7F9] =	sst s2;
	s2 =	simm.s32 @!p2 $0x0  }
0x687: {  	p3 =	por $0x0, $0x0;
	s2 =	simm.s32 @p2 $0x1  }
0x688: {  	[smem:$0x7FA] =	sst s2;
	s2 =	simm.s32 @!p3 $0x0  }
0x689: {  	p0 =	por $0x0, $0x0;
	s2 =	simm.s32 @p3 $0x1  }
.Ltmp71:
0x68a: {  	[smem:$0x7FB] =	sst s2;
	s2 =	simm.s32 @!p0 $0x0;
	(pc) =	sbr.rel .LBB2_102-.Ltmp71, $4  }
0x68b: {  	p4 =	por $0x0, $0x0;
	s2 =	simm.s32 @p0 $0x1  }
0x68c: {  	[smem:$0x7FC] =	sst s2;
	s2 =	simm.s32 @!p4 $0x0  }
0x68d: {  	s20 =	simm.s32 $0x0;
	s4 =	simm.s32 $0x7FFFFFFF;
	s2 =	simm.s32 @p4 $0x1  }
0x68e: {  	s22 =	simm.s32 $0x10000;
	p1 =	por $0x0, $0x0;
	[smem:$0x7FD] =	sst s2  }
.LBB2_89:
0x68f: {  	p0 =	por $0x0, $0x0  }
0x690: {  	s2 =	simm.s32 @!p0 $0x0  }
0x691: {  	s2 =	simm.s32 @p0 $0x1;
	p0 =	por $0x1, $0x1  }
0x692: {  	[smem:$0x7F6] =	sst s2;
	s2 =	simm.s32 @!p0 $0x0  }
0x693: {  	s2 =	simm.s32 @p0 $0x1;
	p0 =	por $0x1, $0x1  }
0x694: {  	[smem:$0x7F7] =	sst s2;
	s2 =	simm.s32 @!p0 $0x0  }
0x695: {  	p1 =	por $0x1, $0x1;
	s2 =	simm.s32 @p0 $0x1  }
0x696: {  	[smem:$0x7F8] =	sst s2;
	s2 =	simm.s32 @!p1 $0x0  }
0x697: {  	p2 =	por $0x1, $0x1;
	s2 =	simm.s32 @p1 $0x1  }
0x698: {  	[smem:$0x7F9] =	sst s2;
	s2 =	simm.s32 @!p2 $0x0  }
0x699: {  	p3 =	por $0x0, $0x0;
	s2 =	simm.s32 @p2 $0x1  }
0x69a: {  	[smem:$0x7FA] =	sst s2;
	s2 =	simm.s32 @!p3 $0x0  }
0x69b: {  	p0 =	por $0x0, $0x0;
	s2 =	simm.s32 @p3 $0x1  }
.Ltmp72:
0x69c: {  	[smem:$0x7FB] =	sst s2;
	s2 =	simm.s32 @!p0 $0x0;
	(pc) =	sbr.rel .LBB2_102-.Ltmp72, $4  }
0x69d: {  	p4 =	por $0x0, $0x0;
	s2 =	simm.s32 @p0 $0x1  }
0x69e: {  	[smem:$0x7FC] =	sst s2;
	s2 =	simm.s32 @!p4 $0x0  }
0x69f: {  	s20 =	simm.s32 $0x0;
	s4 =	simm.s32 $0x7FFFFFFF;
	s2 =	simm.s32 @p4 $0x1  }
0x6a0: {  	v19 =	vmov v9;
	v9 =	vmov v10;
	s22 =	simm.s32 $0x10000;
	p1 =	por $0x0, $0x0;
	[smem:$0x7FD] =	sst s2  }
.LBB2_91:
0x6a1: {  	p0 =	por $0x0, $0x0  }
0x6a2: {  	s4 =	simm.s32 @!p0 $0x0  }
0x6a3: {  	s4 =	simm.s32 @p0 $0x1;
	p0 =	por $0x1, $0x1  }
0x6a4: {  	[smem:$0x7F6] =	sst s4;
	s4 =	simm.s32 @!p0 $0x0  }
0x6a5: {  	s4 =	simm.s32 @p0 $0x1;
	p0 =	por $0x1, $0x1  }
0x6a6: {  	[smem:$0x7F7] =	sst s4;
	s4 =	simm.s32 @!p0 $0x0  }
0x6a7: {  	p1 =	por $0x1, $0x1;
	s4 =	simm.s32 @p0 $0x1  }
0x6a8: {  	[smem:$0x7F8] =	sst s4;
	s4 =	simm.s32 @!p1 $0x0  }
0x6a9: {  	p2 =	por $0x1, $0x1;
	s4 =	simm.s32 @p1 $0x1  }
0x6aa: {  	[smem:$0x7F9] =	sst s4;
	s4 =	simm.s32 @!p2 $0x0  }
0x6ab: {  	p3 =	por $0x1, $0x1;
	s4 =	simm.s32 @p2 $0x1  }
0x6ac: {  	[smem:$0x7FA] =	sst s4;
	s4 =	simm.s32 @!p3 $0x0  }
0x6ad: {  	p0 =	por $0x0, $0x0;
	s4 =	simm.s32 @p3 $0x1  }
.Ltmp73:
0x6ae: {  	[smem:$0x7FB] =	sst s4;
	s4 =	simm.s32 @!p0 $0x0;
	(pc) =	sbr.rel .LBB2_102-.Ltmp73, $4  }
0x6af: {  	p4 =	por $0x0, $0x0;
	s4 =	simm.s32 @p0 $0x1  }
0x6b0: {  	[smem:$0x7FC] =	sst s4;
	s4 =	simm.s32 @!p4 $0x0  }
0x6b1: {  	s21 =	smov.u32 s2;
	s20 =	simm.s32 $0x0;
	s4 =	simm.s32 @p4 $0x1  }
0x6b2: {  	v9 =	vmov v8;
	v19 =	vmov v10;
	p1 =	por $0x0, $0x0;
	[smem:$0x7FD] =	sst s4;
	s4 =	simm.s32 $0x7FFFFFFF  }
.LBB2_93:
0x6b3: {  	p0 =	por $0x0, $0x0  }
0x6b4: {  	s4 =	simm.s32 @!p0 $0x0  }
0x6b5: {  	s4 =	simm.s32 @p0 $0x1;
	p0 =	por $0x1, $0x1  }
0x6b6: {  	[smem:$0x7F6] =	sst s4;
	s4 =	simm.s32 @!p0 $0x0  }
0x6b7: {  	s4 =	simm.s32 @p0 $0x1;
	p0 =	por $0x1, $0x1  }
0x6b8: {  	[smem:$0x7F7] =	sst s4;
	s4 =	simm.s32 @!p0 $0x0  }
0x6b9: {  	p1 =	por $0x1, $0x1;
	s4 =	simm.s32 @p0 $0x1  }
0x6ba: {  	[smem:$0x7F8] =	sst s4;
	s4 =	simm.s32 @!p1 $0x0  }
0x6bb: {  	p2 =	por $0x1, $0x1;
	s4 =	simm.s32 @p1 $0x1  }
0x6bc: {  	[smem:$0x7F9] =	sst s4;
	s4 =	simm.s32 @!p2 $0x0  }
0x6bd: {  	p3 =	por $0x1, $0x1;
	s4 =	simm.s32 @p2 $0x1  }
0x6be: {  	[smem:$0x7FA] =	sst s4;
	s4 =	simm.s32 @!p3 $0x0  }
0x6bf: {  	p0 =	por $0x0, $0x0;
	s4 =	simm.s32 @p3 $0x1  }
.Ltmp74:
0x6c0: {  	[smem:$0x7FB] =	sst s4;
	s4 =	simm.s32 @!p0 $0x0;
	(pc) =	sbr.rel .LBB2_102-.Ltmp74, $4  }
0x6c1: {  	p4 =	por $0x1, $0x1;
	s4 =	simm.s32 @p0 $0x1  }
0x6c2: {  	[smem:$0x7FC] =	sst s4;
	s4 =	simm.s32 @!p4 $0x0  }
0x6c3: {  	s21 =	smov.u32 s23;
	s4 =	simm.s32 @p4 $0x1  }
0x6c4: {  	v9 =	vmovc v13;
	v18 =	vmovc v11;
	v19 =	vmov v8;
	vm7 =	vmmov vm5;
	v14 =	vmov v12;
	p1 =	por $0x0, $0x0;
	[smem:$0x7FD] =	sst s4;
	s4 =	simm.s32 $0x7FFFFFFF  }
.LBB2_95:
0x6c5: {  	s4 =	simm.s32 @!p0 $0x0  }
0x6c6: {  	s4 =	simm.s32 @p0 $0x1;
	p0 =	por $0x1, $0x1  }
0x6c7: {  	[smem:$0x7F6] =	sst s4;
	s4 =	simm.s32 @!p0 $0x0  }
0x6c8: {  	s4 =	simm.s32 @p0 $0x1;
	p0 =	por $0x1, $0x1  }
0x6c9: {  	[smem:$0x7F7] =	sst s4;
	s4 =	simm.s32 @!p0 $0x0  }
0x6ca: {  	p1 =	por $0x1, $0x1;
	s4 =	simm.s32 @p0 $0x1  }
0x6cb: {  	[smem:$0x7F8] =	sst s4;
	s4 =	simm.s32 @!p1 $0x0  }
0x6cc: {  	p2 =	por $0x1, $0x1;
	s4 =	simm.s32 @p1 $0x1  }
0x6cd: {  	[smem:$0x7F9] =	sst s4;
	s4 =	simm.s32 @!p2 $0x0  }
0x6ce: {  	p3 =	por $0x1, $0x1;
	p0 =	por $0x0, $0x0;
	s4 =	simm.s32 @p2 $0x1  }
.Ltmp75:
0x6cf: {  	[smem:$0x7FA] =	sst s4;
	s4 =	simm.s32 @!p3 $0x0;
	(pc) =	sbr.rel .LBB2_102-.Ltmp75, $4  }
0x6d0: {  	p4 =	por $0x1, $0x1;
	s6 =	simm.s32 @!p0 $0x0;
	s4 =	simm.s32 @p3 $0x1  }
0x6d1: {  	s6 =	simm.s32 @p0 $0x1;
	[smem:$0x7FB] =	sst s4;
	s4 =	simm.s32 @!p4 $0x0  }
0x6d2: {  	s21 =	smov.u32 s28;
	v18 =	vmov v15;
	[smem:$0x7FC] =	sst s6;
	s4 =	simm.s32 @p4 $0x1  }
0x6d3: {  	v19 =	vmovc v13;
	v9 =	vmovc v10;
	vm7 =	vmmov vm9;
	vm4 =	vmmov vm8;
	v14 =	vmov v16;
	p1 =	por $0x0, $0x0;
	[smem:$0x7FD] =	sst s4;
	s4 =	simm.s32 $0x7FFFFFFF  }
.LBB2_97:
.Ltmp76:
0x6d4: {  	(pc) =	sbr.rel .LBB2_102-.Ltmp76, $4  }
0x6d5: {  	p0 =	por $0x0, $0x0  }
0x6d6: {  	s6 =	simm.s32 @!p0 $0x0  }
0x6d7: {  	v18 =	vmov v20;
	vm2 =	vmmov vm6;
	s6 =	simm.s32 @p0 $0x1  }
0x6d8: {  	s21 =	smov.u32 s5;
	s4 =	simm.s32 $0x7FFFFFFF;
	v19 =	vmovc v10;
	v9 =	vmovc v17;
	vm7 =	vmmov vm11;
	vm4 =	vmmov vm10;
	v14 =	vmov v21;
	[smem:$0x7FC] =	sst s6  }
.LBB2_99:
.Ltmp77:
0x6d9: {  	(pc) =	sbr.rel .LBB2_102-.Ltmp77, $2  }
0x6da: {  	_ =	sdelay $0x2  }
0x6db: {  	s4 =	simm.s32 $0x7FFFFFFF;
	v19 =	vmov v17;
	s24 =	simm.s32 $0x0  }
.LBB2_104:
0x6dc: {  	_ =	sfence.sel $0x180000  }
0x6dd: {  	[bflag:$0x0] =	sbarrier.arrive $0xFFFF  }
0x6de: {  	_ =	strace $0x90000047  }
0x6df: {  	s0 =	stileid.u32;
	[bflag:$0x2] =	sbarrier.arrive $0xFFFF  }
0x6e0: {  	p0 =	sne.s32 s0, $0x0;
	s0 =	rddreg [dreg:$0x2]  }
0x6e1: {  	s0 =	sadd.s32 @!p0 $0x100000, s0  }
0x6e2: {  	[sflag:s0] =	ssyncadd.tile.s32 @!p0 $0x1;
	_ =	shalt  }
.Lfunc_end2:
_tile_overlayer_lowered:
.L_overlay_start_2:
0x6e3: {  	(tag) =	ssettag $0x2  }
0x6e4: {  	s0 =	rddreg [dreg:$0x0];
	s2 =	stileid.u32  }
0x6e5: {  	s1 =	rddreg [dreg:$0x1];
	p0 =	sne.s32 s2, $0x0  }
0x6e6: {  	s3 =	rddreg [dreg:$0x2];
	[bflag:$0x3] =	sbarrier.arrive $0xFFFF;
	s2 =	simm.s32 @!p0 $0x1C03  }
0x6e7: {  	[timem:s3], [sflag:s2] =	dma.local @!p0 [hbm:s0], s1  }
0x6e8: {  	s0 =	simm.s32 @!p0 $0x3  }
0x6e9: {  	_ =	swait.ge @!p0 [sflag:s0], s1  }
0x6ea: {  	s1 =	ssub.s32 @!p0 $0x0, s1;
	[sflag:s0] =	ssyncset.done @!p0 $0x0  }
0x6eb: {  	[sflag:s0] =	ssyncadd.s32 @!p0 s1  }
0x6ec: {  	[bflag:$0x3] =	sbarrier.arrive $0xFFFF  }
0x6ed: {  	_ =	shalt  }

</sc_bundles>
